<compile_context>
chip_gen: v7x
topology: tpu7x:2x2x1
jax: 0.10.2.dev20260603
libtpu: 0.0.44.dev20260713+nightly
codegen_flags: <defaults>
</compile_context>

<pallas_src>
import jax
import jax.numpy as jnp
from jax import lax
from jax.experimental import pallas as pl
from jax.experimental.pallas import tpu as pltpu
from jax.experimental.pallas import tpu_sc as plsc

_N = 10000
_E = 320000
_ND = 128
_ED = 16
_H = 64
_W = 128

_CW = 80
_G = 5
_GE = _G * _CW
_EPT = _E // 32
_EPS = _E // 16
_NHALF = 5000
_NACC = 5008

_BE = 2560
_BN = 2000

_f32 = jnp.float32


def _mesh():
    return plsc.VectorSubcoreMesh(core_axis_name="c", subcore_axis_name="s")


def _pad_rows(w):
    return jnp.concatenate([w, jnp.zeros_like(w)], axis=0)


def _dup_cols(w):
    return jnp.concatenate([w, w], axis=1)


def _gather_body(h_hbm, s_hbm, d_hbm, hsd_hbm,
                 idxs, idxd, rows_s, rows_d, sem_s, sem_d):
    cid = lax.axis_index("c")
    sid = lax.axis_index("s")
    wid = sid * 2 + cid

    def step(i, carry):
        ebase = wid * _EPT + i * _GE
        pltpu.sync_copy(s_hbm.at[pl.ds(ebase, _GE)], idxs)
        pltpu.sync_copy(d_hbm.at[pl.ds(ebase, _GE)], idxd)
        cps = [pltpu.async_copy(h_hbm.at[idxs.at[pl.ds(j * _CW, _CW)]],
                                rows_s.at[pl.ds(j * _CW, _CW)], sem_s)
               for j in range(_G)]
        cpd = [pltpu.async_copy(h_hbm.at[idxd.at[pl.ds(j * _CW, _CW)]],
                                rows_d.at[pl.ds(j * _CW, _CW)], sem_d)
               for j in range(_G)]
        for c in cps:
            c.wait()
        for c in cpd:
            c.wait()

        def splice(r, carry2):
            for c in range(4):
                o = _H + c * 16
                rows_s[r, pl.ds(o, 16)] = rows_d[r, pl.ds(o, 16)]
            return carry2

        lax.fori_loop(0, _GE, splice, 0)
        pltpu.sync_copy(rows_s, hsd_hbm.at[pl.ds(ebase, _GE)])
        return carry

    lax.fori_loop(0, _EPT // _GE, step, 0)


def _gather2(h, src, dst):
    f = pl.kernel(
        _gather_body,
        out_type=jax.ShapeDtypeStruct((_E, _W), _f32),
        mesh=_mesh(),
        compiler_params=pltpu.CompilerParams(use_tc_tiling_on_sc=True),
        scratch_types=[
            pltpu.VMEM((_GE,), jnp.int32),
            pltpu.VMEM((_GE,), jnp.int32),
            pltpu.VMEM((_GE, _W), _f32),
            pltpu.VMEM((_GE, _W), _f32),
            pltpu.SemaphoreType.DMA,
            pltpu.SemaphoreType.DMA,
        ],
    )
    return f(h, src, dst)


def _scatter_body(e_hbm, d_hbm, z_hbm, agg_hbm,
                  acc, idxd, rows, c0, c1, c2, c3, c4, sem):
    cid = lax.axis_index("c")
    sid = lax.axis_index("s")
    cbase = cid * _NHALF
    chunks = (c0, c1, c2, c3, c4)

    @pl.when(sid == 0)
    def _():
        pltpu.sync_copy(z_hbm, acc)

    plsc.subcore_barrier()

    def step(i, carry):
        ebase = sid * _EPS + i * _GE
        pltpu.sync_copy(d_hbm.at[pl.ds(ebase, _GE)], idxd)
        pltpu.sync_copy(e_hbm.at[pl.ds(ebase, _GE)], rows)
        for j in range(_G):
            for v in range(_CW // 16):
                o = j * _CW + v * 16
                t = idxd[pl.ds(o, 16)] - cbase
                oob = (t < 0) | (t >= _NHALF)
                chunks[j][pl.ds(v * 16, 16)] = jnp.where(oob, _NHALF, t)
        cps = [pltpu.async_copy(rows.at[pl.ds(j * _CW, _CW)],
                                acc.at[chunks[j]], sem, add=True)
               for j in range(_G)]
        for c in cps:
            c.wait()
        return carry

    lax.fori_loop(0, _EPS // _GE, step, 0)
    plsc.subcore_barrier()

    @pl.when(sid == 0)
    def _():
        pltpu.sync_copy(acc.at[pl.ds(0, _NHALF)],
                        agg_hbm.at[pl.ds(cbase, _NHALF)])


def _scatter(e, dst, zeros):
    f = pl.kernel(
        _scatter_body,
        out_type=jax.ShapeDtypeStruct((_N, _W), _f32),
        mesh=_mesh(),
        compiler_params=pltpu.CompilerParams(use_tc_tiling_on_sc=True),
        scratch_types=[
            pltpu.VMEM_SHARED((_NACC, _W), _f32),
            pltpu.VMEM((_GE,), jnp.int32),
            pltpu.VMEM((_GE, _W), _f32),
            pltpu.VMEM((_CW,), jnp.int32),
            pltpu.VMEM((_CW,), jnp.int32),
            pltpu.VMEM((_CW,), jnp.int32),
            pltpu.VMEM((_CW,), jnp.int32),
            pltpu.VMEM((_CW,), jnp.int32),
            pltpu.SemaphoreType.DMA,
        ],
    )
    return f(e, dst, zeros)


def _dot(a, b):
    return jnp.dot(a, b, preferred_element_type=_f32)


def _node_enc_body(x_ref, w1, b1, w2, b2, o_ref):
    u = jnp.maximum(_dot(x_ref[...], w1[...]) + b1[...], 0.0)
    o_ref[...] = _dot(u, w2[...]) + b2[...]


def _node_enc(x, p):
    (W1, b1), (W2, b2) = p
    grid = _N // _BN
    cst = lambda i: (0, 0)
    return pl.pallas_call(
        _node_enc_body,
        grid=(grid,),
        in_specs=[pl.BlockSpec((_BN, _ND), lambda i: (i, 0)),
                  pl.BlockSpec((_ND, _H), cst),
                  pl.BlockSpec((1, _H), cst),
                  pl.BlockSpec((_H, _W), cst),
                  pl.BlockSpec((1, _W), cst)],
        out_specs=pl.BlockSpec((_BN, _W), lambda i: (i, 0)),
        out_shape=jax.ShapeDtypeStruct((_N, _W), _f32),
    )(x, W1, b1.reshape(1, -1), _dup_cols(W2), _dup_cols(b2.reshape(1, -1)))


def _edge_round1_body(eaT_ref, hsd_ref, e1, be1, e2, be2,
                      w1, b1, w2, b2, o_ref):
    ea = eaT_ref[...].T
    e0 = jnp.maximum(_dot(ea, e1[...]) + be1[...], 0.0)
    e0 = _dot(e0, e2[...]) + be2[...]
    u = _dot(jnp.concatenate([hsd_ref[...], e0], axis=1), w1[...])
    u = jnp.maximum(u + b1[...], 0.0)
    o_ref[...] = _dot(u, w2[...]) + b2[...]


def _edge_round1(edge_attr, hsd, enc_p, upd_p):
    (E1, be1), (E2, be2) = enc_p
    (W1, b1), (W2, b2) = upd_p
    grid = _E // _BE
    cst = lambda i: (0, 0)
    return pl.pallas_call(
        _edge_round1_body,
        grid=(grid,),
        in_specs=[pl.BlockSpec((_ED, _BE), lambda i: (0, i)),
                  pl.BlockSpec((_BE, _W), lambda i: (i, 0)),
                  pl.BlockSpec((_ED, _H), cst),
                  pl.BlockSpec((1, _H), cst),
                  pl.BlockSpec((_H, _H), cst),
                  pl.BlockSpec((1, _H), cst),
                  pl.BlockSpec((3 * _H, _W), cst),
                  pl.BlockSpec((1, _W), cst),
                  pl.BlockSpec((_W, _W), cst),
                  pl.BlockSpec((1, _W), cst)],
        out_specs=pl.BlockSpec((_BE, _W), lambda i: (i, 0)),
        out_shape=jax.ShapeDtypeStruct((_E, _W), _f32),
    )(edge_attr, hsd, E1, be1.reshape(1, -1), E2, be2.reshape(1, -1),
      W1, b1.reshape(1, -1), _dup_cols(W2), _dup_cols(b2.reshape(1, -1)))


def _edge_upd_body(e_ref, hsd_ref, w1, b1, w2, b2, o_ref):
    ein = jnp.concatenate([hsd_ref[...], e_ref[:, :_H]], axis=1)
    u = _dot(ein, w1[...])
    u = jnp.maximum(u + b1[...], 0.0)
    o_ref[...] = _dot(u, w2[...]) + b2[...]


def _edge_upd(e, hsd, upd_p):
    (W1, b1), (W2, b2) = upd_p
    grid = _E // _BE
    cst = lambda i: (0, 0)
    return pl.pallas_call(
        _edge_upd_body,
        grid=(grid,),
        in_specs=[pl.BlockSpec((_BE, _W), lambda i: (i, 0)),
                  pl.BlockSpec((_BE, _W), lambda i: (i, 0)),
                  pl.BlockSpec((3 * _H, _W), cst),
                  pl.BlockSpec((1, _W), cst),
                  pl.BlockSpec((_W, _W), cst),
                  pl.BlockSpec((1, _W), cst)],
        out_specs=pl.BlockSpec((_BE, _W), lambda i: (i, 0)),
        out_shape=jax.ShapeDtypeStruct((_E, _W), _f32),
    )(e, hsd, W1, b1.reshape(1, -1),
      _dup_cols(W2), _dup_cols(b2.reshape(1, -1)))


def _node_upd_body(h_ref, a_ref, v1, b1, v2, b2, o_ref):
    hin = jnp.concatenate([h_ref[:, :_H], a_ref[:, :_H]], axis=1)
    u = _dot(hin, v1[...])
    u = jnp.maximum(u + b1[...], 0.0)
    o_ref[...] = _dot(u, v2[...]) + b2[...]


def _node_upd(h, agg, upd_p):
    (V1, b1), (V2, b2) = upd_p
    grid = _N // _BN
    cst = lambda i: (0, 0)
    return pl.pallas_call(
        _node_upd_body,
        grid=(grid,),
        in_specs=[pl.BlockSpec((_BN, _W), lambda i: (i, 0)),
                  pl.BlockSpec((_BN, _W), lambda i: (i, 0)),
                  pl.BlockSpec((_W, _W), cst),
                  pl.BlockSpec((1, _W), cst),
                  pl.BlockSpec((_W, _W), cst),
                  pl.BlockSpec((1, _W), cst)],
        out_specs=pl.BlockSpec((_BN, _W), lambda i: (i, 0)),
        out_shape=jax.ShapeDtypeStruct((_N, _W), _f32),
    )(h, agg, V1, b1.reshape(1, -1),
      _dup_cols(V2), _dup_cols(b2.reshape(1, -1)))


def _head_body(e_ref, hsd_ref, w1, b1, w2, b2, w3, b3, o_ref):
    ein = jnp.concatenate([hsd_ref[...], e_ref[:, :_H]], axis=1)
    u = _dot(ein, w1[...])
    u = jnp.maximum(u + b1[...], 0.0)
    u = jnp.maximum(_dot(u, w2[...]) + b2[...], 0.0)
    o_ref[...] = _dot(u, w3[...]) + b3[...]


def _head(e, hsd, head_p):
    (W1, b1), (W2, b2), (W3, b3) = head_p
    grid = _E // _BE
    cst = lambda i: (0, 0)
    out = pl.pallas_call(
        _head_body,
        grid=(grid,),
        in_specs=[pl.BlockSpec((_BE, _W), lambda i: (i, 0)),
                  pl.BlockSpec((_BE, _W), lambda i: (i, 0)),
                  pl.BlockSpec((3 * _H, _W), cst),
                  pl.BlockSpec((1, _W), cst),
                  pl.BlockSpec((_W, _H), cst),
                  pl.BlockSpec((1, _H), cst),
                  pl.BlockSpec((_H, 1), cst),
                  pl.BlockSpec((1, 1), cst)],
        out_specs=pl.BlockSpec((_BE, 1), lambda i: (i, 0)),
        out_shape=jax.ShapeDtypeStruct((_E, 1), _f32),
    )(e, hsd, W1, b1.reshape(1, -1),
      W2, b2.reshape(1, -1), W3, b3.reshape(1, 1))
    return out.reshape(_E)


def kernel(x, edge_attr, params, edge_index):
    src = edge_index[0]
    dst = edge_index[1]
    zeros = jnp.zeros((_NACC, _W), _f32)

    h = _node_enc(x, params['node_enc'])

    hsd = _gather2(h, src, dst)
    e = _edge_round1(edge_attr.T, hsd, params['edge_enc'],
                     params['edge_upd'][0])
    agg = _scatter(e, dst, zeros)
    h = _node_upd(h, agg, params['node_upd'][0])

    for k in (1, 2):
        hsd = _gather2(h, src, dst)
        e = _edge_upd(e, hsd, params['edge_upd'][k])
        agg = _scatter(e, dst, zeros)
        h = _node_upd(h, agg, params['node_upd'][k])

    hsd = _gather2(h, src, dst)
    return _head(e, hsd, params['edge_head'])

# --- scband reference (transcript-rebuilt; emitter-appended) ---
"""Pipeline reference for scband-simple-edge-net-1331439861969 (READ-ONLY COPY).

The authoritative reference and input builder live on the scoring server;
editing this copy changes nothing except your own understanding.
"""

import jax, jax.numpy as jnp
import numpy as np

N = 10000
E = 320000
ND = 128
ED = 16
H = 64
N_MP = 3


def _linear(key, din, dout):
    k1, k2 = jax.random.split(key)
    s = 1.0 / np.sqrt(din)
    W = jax.random.uniform(k1, (din, dout), minval=-s, maxval=s, dtype=jnp.float32)
    b = jax.random.uniform(k2, (dout,), minval=-s, maxval=s, dtype=jnp.float32)
    return (W, b)


def _mlp_params(key, dims):
    keys = jax.random.split(key, len(dims) - 1)
    return [_linear(keys[i], dims[i], dims[i + 1]) for i in range(len(dims) - 1)]


def _mlp(params, x):
    n = len(params)
    for i, (W, b) in enumerate(params):
        x = x @ W + b
        if i < n - 1:
            x = jax.nn.relu(x)
    return x


def setup_inputs(seed: int = 0):
    key = jax.random.key(seed)
    ks = jax.random.split(key, 12)
    x = jax.random.normal(ks[0], (N, ND), dtype=jnp.float32)
    edge_index = jax.random.randint(ks[1], (2, E), 0, N, dtype=jnp.int32)
    edge_attr = jax.random.normal(ks[2], (E, ED), dtype=jnp.float32)
    params = {
        'node_enc': _mlp_params(ks[3], [ND, H, H]),
        'edge_enc': _mlp_params(ks[4], [ED, H, H]),
        'edge_upd': [_mlp_params(ks[5 + i], [3 * H, 2 * H, H]) for i in range(N_MP)],
        'node_upd': [_mlp_params(ks[8 + i], [2 * H, 2 * H, H]) for i in range(N_MP)],
        'edge_head': _mlp_params(ks[11], [3 * H, 2 * H, H, 1]),
    }
    return {'x': x, 'edge_attr': edge_attr, 'params': params, 'edge_index': edge_index}


def reference(x, edge_attr, params, edge_index):
    h = _mlp(params['node_enc'], x)
    e = _mlp(params['edge_enc'], edge_attr)
    src = edge_index[0]
    dst = edge_index[1]
    for k in range(N_MP):
        e_in = jnp.concatenate([h[src], h[dst], e], axis=1)
        e = _mlp(params['edge_upd'][k], e_in)
        agg = jax.ops.segment_sum(e, dst, num_segments=h.shape[0])
        h_in = jnp.concatenate([h, agg], axis=1)
        h = _mlp(params['node_upd'][k], h_in)
    edge_repr = jnp.concatenate([h[src], h[dst], e], axis=1)
    edge_logits = _mlp(params['edge_head'], edge_repr).squeeze(-1)
    return edge_logits

if __name__ == "__main__":
    import jax
    _d = setup_inputs()
    print(jax.jit(kernel)(*tuple(_d.values())))

</pallas_src>

<mosaic_0001>
#map = affine_map<(d0, d1) -> (0, 0)>
#map1 = affine_map<(d0, d1) -> (0)>
module attributes {stable_mosaic.version = 14 : i64} {
  func.func @_scatter_body(%arg0: i32, %arg1: i32, %arg2: memref<320000x128xf32, #tpu.memory_space<hbm>>, %arg3: memref<320000xi32, #tpu.memory_space<hbm>>, %arg4: memref<5008x128xf32, #tpu.memory_space<hbm>>, %arg5: memref<10000x128xf32, #tpu.memory_space<hbm>>, %arg6: memref<5008x128xf32, #tpu.memory_space<vmem_shared>>, %arg7: memref<400xi32, #tpu.memory_space<vmem>>, %arg8: memref<400x128xf32, #tpu.memory_space<vmem>>, %arg9: memref<80xi32, #tpu.memory_space<vmem>>, %arg10: memref<80xi32, #tpu.memory_space<vmem>>, %arg11: memref<80xi32, #tpu.memory_space<vmem>>, %arg12: memref<80xi32, #tpu.memory_space<vmem>>, %arg13: memref<80xi32, #tpu.memory_space<vmem>>, %arg14: memref<!tpu.dma_semaphore, #tpu.memory_space<semaphore_mem>>) attributes {dimension_semantics = [#tpu.dimension_semantics<core_parallel>, #tpu.dimension_semantics<subcore_parallel>], iteration_bounds = array<i64: 2, 16>, scalar_prefetch = 0 : i64, scratch_operands = 9 : i64, tpu.core_type = #tpu.core_type<sc_vector_subcore>, window_params = [{transform_indices = #map}, {transform_indices = #map1}, {transform_indices = #map}, {transform_indices = #map}]} {
    %mul3A = arith.constant 5000 : i32
    %mul3A_0 = arith.muli %arg0, %mul3A : i32
    %eq3A = arith.constant 0 : i32
    %eq3A_1 = arith.cmpi eq, %arg1, %eq3A : i32
    %convert_element_type3A = arith.extui %eq3A_1 : i1 to i32
    %cond3A = arith.constant 0 : i32
    %cond3A_2 = arith.cmpi ne, %convert_element_type3A, %cond3A : i32
    scf.if %cond3A_2 {
      "tpu.region"() ({
        %run_scoped3A = tpu.sem_alloc : memref<!tpu.dma_semaphore, #tpu.memory_space<semaphore_mem>>
        tpu.enqueue_dma source(%arg4 : memref<5008x128xf32, #tpu.memory_space<hbm>>) target(%arg6 : memref<5008x128xf32, #tpu.memory_space<vmem_shared>>) target_semaphore(%run_scoped3A : memref<!tpu.dma_semaphore, #tpu.memory_space<semaphore_mem>>)
        tpu.wait_dma2 semaphore(%run_scoped3A : memref<!tpu.dma_semaphore, #tpu.memory_space<semaphore_mem>>) src(%arg4 : memref<5008x128xf32, #tpu.memory_space<hbm>>) dst(%arg6 : memref<5008x128xf32, #tpu.memory_space<vmem_shared>>)
        tpu.yield
      }) : () -> ()
    } else {
    }
    %barrier3A = arith.constant 0 : index
    tpu.barrier barrier_id(%barrier3A)
    %scan3A = arith.constant 0 : i32
    %scan3A_3 = arith.constant 0 : i32
    %scan3A_4 = arith.constant 50 : i32
    %scan3A_5 = arith.addi %scan3A_3, %scan3A_4 : i32
    %scan3A_6 = arith.constant 1 : i32
    scf.for %scan3A_14 = %scan3A_3 to %scan3A_5 step %scan3A_6  : i32 {
      %mul3A_15 = arith.constant 20000 : i32
      %mul3A_16 = arith.muli %arg1, %mul3A_15 : i32
      %mul3A_17 = arith.constant 400 : i32
      %mul3A_18 = arith.muli %scan3A_14, %mul3A_17 : i32
      %add3A = arith.addi %mul3A_16, %mul3A_18 : i32
      "tpu.region"() ({
        %run_scoped3A = tpu.sem_alloc : memref<!tpu.dma_semaphore, #tpu.memory_space<semaphore_mem>>
        %dma_start3A_543 = tpu.memref_slice %arg3[%add3A] : memref<320000xi32, #tpu.memory_space<hbm>> -> memref<400xi32, #tpu.memory_space<hbm>>
        %dma_start3A_544 = tpu.memref_slice %arg3[%add3A] : memref<320000xi32, #tpu.memory_space<hbm>> -> memref<400xi32, #tpu.memory_space<hbm>>
        tpu.enqueue_dma source(%dma_start3A_544 : memref<400xi32, #tpu.memory_space<hbm>>) target(%arg7 : memref<400xi32, #tpu.memory_space<vmem>>) target_semaphore(%run_scoped3A : memref<!tpu.dma_semaphore, #tpu.memory_space<semaphore_mem>>)
        %dma_wait3A_545 = tpu.memref_slice %arg3[%add3A] : memref<320000xi32, #tpu.memory_space<hbm>> -> memref<400xi32, #tpu.memory_space<hbm>>
        %dma_wait3A_546 = tpu.memref_slice %arg3[%add3A] : memref<320000xi32, #tpu.memory_space<hbm>> -> memref<400xi32, #tpu.memory_space<hbm>>
        tpu.wait_dma2 semaphore(%run_scoped3A : memref<!tpu.dma_semaphore, #tpu.memory_space<semaphore_mem>>) src(%dma_wait3A_546 : memref<400xi32, #tpu.memory_space<hbm>>) dst(%arg7 : memref<400xi32, #tpu.memory_space<vmem>>)
        tpu.yield
      }) : () -> ()
      "tpu.region"() ({
        %run_scoped3A = tpu.sem_alloc : memref<!tpu.dma_semaphore, #tpu.memory_space<semaphore_mem>>
        %dma_start3A_543 = arith.constant 0 : i32
        %dma_start3A_544 = tpu.memref_slice %arg2[%add3A, %dma_start3A_543] : memref<320000x128xf32, #tpu.memory_space<hbm>> -> memref<400x128xf32, #tpu.memory_space<hbm>>
        %dma_start3A_545 = arith.constant 0 : i32
        %dma_start3A_546 = tpu.memref_slice %arg2[%add3A, %dma_start3A_545] : memref<320000x128xf32, #tpu.memory_space<hbm>> -> memref<400x128xf32, #tpu.memory_space<hbm>>
        tpu.enqueue_dma source(%dma_start3A_546 : memref<400x128xf32, #tpu.memory_space<hbm>>) target(%arg8 : memref<400x128xf32, #tpu.memory_space<vmem>>) target_semaphore(%run_scoped3A : memref<!tpu.dma_semaphore, #tpu.memory_space<semaphore_mem>>)
        %dma_wait3A_547 = arith.constant 0 : i32
        %dma_wait3A_548 = tpu.memref_slice %arg2[%add3A, %dma_wait3A_547] : memref<320000x128xf32, #tpu.memory_space<hbm>> -> memref<400x128xf32, #tpu.memory_space<hbm>>
        %dma_wait3A_549 = arith.constant 0 : i32
        %dma_wait3A_550 = tpu.memref_slice %arg2[%add3A, %dma_wait3A_549] : memref<320000x128xf32, #tpu.memory_space<hbm>> -> memref<400x128xf32, #tpu.memory_space<hbm>>
        tpu.wait_dma2 semaphore(%run_scoped3A : memref<!tpu.dma_semaphore, #tpu.memory_space<semaphore_mem>>) src(%dma_wait3A_550 : memref<400x128xf32, #tpu.memory_space<hbm>>) dst(%arg8 : memref<400x128xf32, #tpu.memory_space<vmem>>)
        tpu.yield
      }) : () -> ()
      %get3A = arith.constant 0 : index
      %get3A_19 = tpu.vector_load %arg7[%get3A] {strides = array<i32>} : memref<400xi32, #tpu.memory_space<vmem>>, vector<16xi32>,
      %get3A_20 = vector.shape_cast %get3A_19 : vector<16xi32> to vector<16xi32>
      %sub3A = vector.broadcast %mul3A_0 : i32 to vector<16xi32>
      %sub3A_21 = arith.subi %get3A_20, %sub3A : vector<16xi32>
      %lt3A = arith.constant 0 : i32
      %lt3A_22 = vector.broadcast %lt3A : i32 to vector<16xi32>
      %lt3A_23 = arith.cmpi slt, %sub3A_21, %lt3A_22 : vector<16xi32>
      %ge3A = arith.constant 5000 : i32
      %ge3A_24 = vector.broadcast %ge3A : i32 to vector<16xi32>
      %ge3A_25 = arith.cmpi sge, %sub3A_21, %ge3A_24 : vector<16xi32>
      %or3A = arith.ori %lt3A_23, %ge3A_25 : vector<16xi1>
      %jit3A = arith.constant 5000 : i32
      %broadcast_in_dim3A = vector.broadcast %jit3A : i32 to vector<16xi32>
      %select_n3A = arith.select %or3A, %broadcast_in_dim3A, %sub3A_21 : vector<16xi1>, vector<16xi32>
      %swap3A = arith.constant 0 : index
      %swap3A_26 = tpu.vector_load %arg9[%swap3A] {strides = array<i32>} : memref<80xi32, #tpu.memory_space<vmem>>, vector<16xi32>,
      %swap3A_27 = vector.shape_cast %swap3A_26 : vector<16xi32> to vector<16xi32>
      %swap3A_28 = vector.shape_cast %select_n3A : vector<16xi32> to vector<16xi32>
      tpu.vector_store %arg9[%swap3A], %swap3A_28 {strides = array<i32>} : memref<80xi32, #tpu.memory_space<vmem>>, vector<16xi32>,
      %get3A_29 = arith.constant 16 : index
      %get3A_30 = tpu.vector_load %arg7[%get3A_29] {strides = array<i32>} : memref<400xi32, #tpu.memory_space<vmem>>, vector<16xi32>,
      %get3A_31 = vector.shape_cast %get3A_30 : vector<16xi32> to vector<16xi32>
      %sub3A_32 = vector.broadcast %mul3A_0 : i32 to vector<16xi32>
      %sub3A_33 = arith.subi %get3A_31, %sub3A_32 : vector<16xi32>
      %lt3A_34 = arith.constant 0 : i32
      %lt3A_35 = vector.broadcast %lt3A_34 : i32 to vector<16xi32>
      %lt3A_36 = arith.cmpi slt, %sub3A_33, %lt3A_35 : vector<16xi32>
      %ge3A_37 = arith.constant 5000 : i32
      %ge3A_38 = vector.broadcast %ge3A_37 : i32 to vector<16xi32>
      %ge3A_39 = arith.cmpi sge, %sub3A_33, %ge3A_38 : vector<16xi32>
      %or3A_40 = arith.ori %lt3A_36, %ge3A_39 : vector<16xi1>
      %jit3A_41 = arith.constant 5000 : i32
      %broadcast_in_dim3A_42 = vector.broadcast %jit3A_41 : i32 to vector<16xi32>
      %select_n3A_43 = arith.select %or3A_40, %broadcast_in_dim3A_42, %sub3A_33 : vector<16xi1>, vector<16xi32>
      %swap3A_44 = arith.constant 16 : index
      %swap3A_45 = tpu.vector_load %arg9[%swap3A_44] {strides = array<i32>} : memref<80xi32, #tpu.memory_space<vmem>>, vector<16xi32>,
      %swap3A_46 = vector.shape_cast %swap3A_45 : vector<16xi32> to vector<16xi32>
      %swap3A_47 = vector.shape_cast %select_n3A_43 : vector<16xi32> to vector<16xi32>
      tpu.vector_store %arg9[%swap3A_44], %swap3A_47 {strides = array<i32>} : memref<80xi32, #tpu.memory_space<vmem>>, vector<16xi32>,
      %get3A_48 = arith.constant 32 : index
      %get3A_49 = tpu.vector_load %arg7[%get3A_48] {strides = array<i32>} : memref<400xi32, #tpu.memory_space<vmem>>, vector<16xi32>,
      %get3A_50 = vector.shape_cast %get3A_49 : vector<16xi32> to vector<16xi32>
      %sub3A_51 = vector.broadcast %mul3A_0 : i32 to vector<16xi32>
      %sub3A_52 = arith.subi %get3A_50, %sub3A_51 : vector<16xi32>
      %lt3A_53 = arith.constant 0 : i32
      %lt3A_54 = vector.broadcast %lt3A_53 : i32 to vector<16xi32>
      %lt3A_55 = arith.cmpi slt, %sub3A_52, %lt3A_54 : vector<16xi32>
      %ge3A_56 = arith.constant 5000 : i32
      %ge3A_57 = vector.broadcast %ge3A_56 : i32 to vector<16xi32>
      %ge3A_58 = arith.cmpi sge, %sub3A_52, %ge3A_57 : vector<16xi32>
      %or3A_59 = arith.ori %lt3A_55, %ge3A_58 : vector<16xi1>
      %jit3A_60 = arith.constant 5000 : i32
      %broadcast_in_dim3A_61 = vector.broadcast %jit3A_60 : i32 to vector<16xi32>
      %select_n3A_62 = arith.select %or3A_59, %broadcast_in_dim3A_61, %sub3A_52 : vector<16xi1>, vector<16xi32>
      %swap3A_63 = arith.constant 32 : index
      %swap3A_64 = tpu.vector_load %arg9[%swap3A_63] {strides = array<i32>} : memref<80xi32, #tpu.memory_space<vmem>>, vector<16xi32>,
      %swap3A_65 = vector.shape_cast %swap3A_64 : vector<16xi32> to vector<16xi32>
      %swap3A_66 = vector.shape_cast %select_n3A_62 : vector<16xi32> to vector<16xi32>
      tpu.vector_store %arg9[%swap3A_63], %swap3A_66 {strides = array<i32>} : memref<80xi32, #tpu.memory_space<vmem>>, vector<16xi32>,
      %get3A_67 = arith.constant 48 : index
      %get3A_68 = tpu.vector_load %arg7[%get3A_67] {strides = array<i32>} : memref<400xi32, #tpu.memory_space<vmem>>, vector<16xi32>,
      %get3A_69 = vector.shape_cast %get3A_68 : vector<16xi32> to vector<16xi32>
      %sub3A_70 = vector.broadcast %mul3A_0 : i32 to vector<16xi32>
      %sub3A_71 = arith.subi %get3A_69, %sub3A_70 : vector<16xi32>
      %lt3A_72 = arith.constant 0 : i32
      %lt3A_73 = vector.broadcast %lt3A_72 : i32 to vector<16xi32>
      %lt3A_74 = arith.cmpi slt, %sub3A_71, %lt3A_73 : vector<16xi32>
      %ge3A_75 = arith.constant 5000 : i32
      %ge3A_76 = vector.broadcast %ge3A_75 : i32 to vector<16xi32>
      %ge3A_77 = arith.cmpi sge, %sub3A_71, %ge3A_76 : vector<16xi32>
      %or3A_78 = arith.ori %lt3A_74, %ge3A_77 : vector<16xi1>
      %jit3A_79 = arith.constant 5000 : i32
      %broadcast_in_dim3A_80 = vector.broadcast %jit3A_79 : i32 to vector<16xi32>
      %select_n3A_81 = arith.select %or3A_78, %broadcast_in_dim3A_80, %sub3A_71 : vector<16xi1>, vector<16xi32>
      %swap3A_82 = arith.constant 48 : index
      %swap3A_83 = tpu.vector_load %arg9[%swap3A_82] {strides = array<i32>} : memref<80xi32, #tpu.memory_space<vmem>>, vector<16xi32>,
      %swap3A_84 = vector.shape_cast %swap3A_83 : vector<16xi32> to vector<16xi32>
      %swap3A_85 = vector.shape_cast %select_n3A_81 : vector<16xi32> to vector<16xi32>
      tpu.vector_store %arg9[%swap3A_82], %swap3A_85 {strides = array<i32>} : memref<80xi32, #tpu.memory_space<vmem>>, vector<16xi32>,
      %get3A_86 = arith.constant 64 : index
      %get3A_87 = tpu.vector_load %arg7[%get3A_86] {strides = array<i32>} : memref<400xi32, #tpu.memory_space<vmem>>, vector<16xi32>,
      %get3A_88 = vector.shape_cast %get3A_87 : vector<16xi32> to vector<16xi32>
      %sub3A_89 = vector.broadcast %mul3A_0 : i32 to vector<16xi32>
      %sub3A_90 = arith.subi %get3A_88, %sub3A_89 : vector<16xi32>
      %lt3A_91 = arith.constant 0 : i32
      %lt3A_92 = vector.broadcast %lt3A_91 : i32 to vector<16xi32>
      %lt3A_93 = arith.cmpi slt, %sub3A_90, %lt3A_92 : vector<16xi32>
      %ge3A_94 = arith.constant 5000 : i32
      %ge3A_95 = vector.broadcast %ge3A_94 : i32 to vector<16xi32>
      %ge3A_96 = arith.cmpi sge, %sub3A_90, %ge3A_95 : vector<16xi32>
      %or3A_97 = arith.ori %lt3A_93, %ge3A_96 : vector<16xi1>
      %jit3A_98 = arith.constant 5000 : i32
      %broadcast_in_dim3A_99 = vector.broadcast %jit3A_98 : i32 to vector<16xi32>
      %select_n3A_100 = arith.select %or3A_97, %broadcast_in_dim3A_99, %sub3A_90 : vector<16xi1>, vector<16xi32>
      %swap3A_101 = arith.constant 64 : index
      %swap3A_102 = tpu.vector_load %arg9[%swap3A_101] {strides = array<i32>} : memref<80xi32, #tpu.memory_space<vmem>>, vector<16xi32>,
      %swap3A_103 = vector.shape_cast %swap3A_102 : vector<16xi32> to vector<16xi32>
      %swap3A_104 = vector.shape_cast %select_n3A_100 : vector<16xi32> to vector<16xi32>
      tpu.vector_store %arg9[%swap3A_101], %swap3A_104 {strides = array<i32>} : memref<80xi32, #tpu.memory_space<vmem>>, vector<16xi32>,
      %get3A_105 = arith.constant 80 : index
      %get3A_106 = tpu.vector_load %arg7[%get3A_105] {strides = array<i32>} : memref<400xi32, #tpu.memory_space<vmem>>, vector<16xi32>,
      %get3A_107 = vector.shape_cast %get3A_106 : vector<16xi32> to vector<16xi32>
      %sub3A_108 = vector.broadcast %mul3A_0 : i32 to vector<16xi32>
      %sub3A_109 = arith.subi %get3A_107, %sub3A_108 : vector<16xi32>
      %lt3A_110 = arith.constant 0 : i32
      %lt3A_111 = vector.broadcast %lt3A_110 : i32 to vector<16xi32>
      %lt3A_112 = arith.cmpi slt, %sub3A_109, %lt3A_111 : vector<16xi32>
      %ge3A_113 = arith.constant 5000 : i32
      %ge3A_114 = vector.broadcast %ge3A_113 : i32 to vector<16xi32>
      %ge3A_115 = arith.cmpi sge, %sub3A_109, %ge3A_114 : vector<16xi32>
      %or3A_116 = arith.ori %lt3A_112, %ge3A_115 : vector<16xi1>
      %jit3A_117 = arith.constant 5000 : i32
      %broadcast_in_dim3A_118 = vector.broadcast %jit3A_117 : i32 to vector<16xi32>
      %select_n3A_119 = arith.select %or3A_116, %broadcast_in_dim3A_118, %sub3A_109 : vector<16xi1>, vector<16xi32>
      %swap3A_120 = arith.constant 0 : index
      %swap3A_121 = tpu.vector_load %arg10[%swap3A_120] {strides = array<i32>} : memref<80xi32, #tpu.memory_space<vmem>>, vector<16xi32>,
      %swap3A_122 = vector.shape_cast %swap3A_121 : vector<16xi32> to vector<16xi32>
      %swap3A_123 = vector.shape_cast %select_n3A_119 : vector<16xi32> to vector<16xi32>
      tpu.vector_store %arg10[%swap3A_120], %swap3A_123 {strides = array<i32>} : memref<80xi32, #tpu.memory_space<vmem>>, vector<16xi32>,
      %get3A_124 = arith.constant 96 : index
      %get3A_125 = tpu.vector_load %arg7[%get3A_124] {strides = array<i32>} : memref<400xi32, #tpu.memory_space<vmem>>, vector<16xi32>,
      %get3A_126 = vector.shape_cast %get3A_125 : vector<16xi32> to vector<16xi32>
      %sub3A_127 = vector.broadcast %mul3A_0 : i32 to vector<16xi32>
      %sub3A_128 = arith.subi %get3A_126, %sub3A_127 : vector<16xi32>
      %lt3A_129 = arith.constant 0 : i32
      %lt3A_130 = vector.broadcast %lt3A_129 : i32 to vector<16xi32>
      %lt3A_131 = arith.cmpi slt, %sub3A_128, %lt3A_130 : vector<16xi32>
      %ge3A_132 = arith.constant 5000 : i32
      %ge3A_133 = vector.broadcast %ge3A_132 : i32 to vector<16xi32>
      %ge3A_134 = arith.cmpi sge, %sub3A_128, %ge3A_133 : vector<16xi32>
      %or3A_135 = arith.ori %lt3A_131, %ge3A_134 : vector<16xi1>
      %jit3A_136 = arith.constant 5000 : i32
      %broadcast_in_dim3A_137 = vector.broadcast %jit3A_136 : i32 to vector<16xi32>
      %select_n3A_138 = arith.select %or3A_135, %broadcast_in_dim3A_137, %sub3A_128 : vector<16xi1>, vector<16xi32>
      %swap3A_139 = arith.constant 16 : index
      %swap3A_140 = tpu.vector_load %arg10[%swap3A_139] {strides = array<i32>} : memref<80xi32, #tpu.memory_space<vmem>>, vector<16xi32>,
      %swap3A_141 = vector.shape_cast %swap3A_140 : vector<16xi32> to vector<16xi32>
      %swap3A_142 = vector.shape_cast %select_n3A_138 : vector<16xi32> to vector<16xi32>
      tpu.vector_store %arg10[%swap3A_139], %swap3A_142 {strides = array<i32>} : memref<80xi32, #tpu.memory_space<vmem>>, vector<16xi32>,
      %get3A_143 = arith.constant 112 : index
      %get3A_144 = tpu.vector_load %arg7[%get3A_143] {strides = array<i32>} : memref<400xi32, #tpu.memory_space<vmem>>, vector<16xi32>,
      %get3A_145 = vector.shape_cast %get3A_144 : vector<16xi32> to vector<16xi32>
      %sub3A_146 = vector.broadcast %mul3A_0 : i32 to vector<16xi32>
      %sub3A_147 = arith.subi %get3A_145, %sub3A_146 : vector<16xi32>
      %lt3A_148 = arith.constant 0 : i32
      %lt3A_149 = vector.broadcast %lt3A_148 : i32 to vector<16xi32>
      %lt3A_150 = arith.cmpi slt, %sub3A_147, %lt3A_149 : vector<16xi32>
      %ge3A_151 = arith.constant 5000 : i32
      %ge3A_152 = vector.broadcast %ge3A_151 : i32 to vector<16xi32>
      %ge3A_153 = arith.cmpi sge, %sub3A_147, %ge3A_152 : vector<16xi32>
      %or3A_154 = arith.ori %lt3A_150, %ge3A_153 : vector<16xi1>
      %jit3A_155 = arith.constant 5000 : i32
      %broadcast_in_dim3A_156 = vector.broadcast %jit3A_155 : i32 to vector<16xi32>
      %select_n3A_157 = arith.select %or3A_154, %broadcast_in_dim3A_156, %sub3A_147 : vector<16xi1>, vector<16xi32>
      %swap3A_158 = arith.constant 32 : index
      %swap3A_159 = tpu.vector_load %arg10[%swap3A_158] {strides = array<i32>} : memref<80xi32, #tpu.memory_space<vmem>>, vector<16xi32>,
      %swap3A_160 = vector.shape_cast %swap3A_159 : vector<16xi32> to vector<16xi32>
      %swap3A_161 = vector.shape_cast %select_n3A_157 : vector<16xi32> to vector<16xi32>
      tpu.vector_store %arg10[%swap3A_158], %swap3A_161 {strides = array<i32>} : memref<80xi32, #tpu.memory_space<vmem>>, vector<16xi32>,
      %get3A_162 = arith.constant 128 : index
      %get3A_163 = tpu.vector_load %arg7[%get3A_162] {strides = array<i32>} : memref<400xi32, #tpu.memory_space<vmem>>, vector<16xi32>,
      %get3A_164 = vector.shape_cast %get3A_163 : vector<16xi32> to vector<16xi32>
      %sub3A_165 = vector.broadcast %mul3A_0 : i32 to vector<16xi32>
      %sub3A_166 = arith.subi %get3A_164, %sub3A_165 : vector<16xi32>
      %lt3A_167 = arith.constant 0 : i32
      %lt3A_168 = vector.broadcast %lt3A_167 : i32 to vector<16xi32>
      %lt3A_169 = arith.cmpi slt, %sub3A_166, %lt3A_168 : vector<16xi32>
      %ge3A_170 = arith.constant 5000 : i32
      %ge3A_171 = vector.broadcast %ge3A_170 : i32 to vector<16xi32>
      %ge3A_172 = arith.cmpi sge, %sub3A_166, %ge3A_171 : vector<16xi32>
      %or3A_173 = arith.ori %lt3A_169, %ge3A_172 : vector<16xi1>
      %jit3A_174 = arith.constant 5000 : i32
      %broadcast_in_dim3A_175 = vector.broadcast %jit3A_174 : i32 to vector<16xi32>
      %select_n3A_176 = arith.select %or3A_173, %broadcast_in_dim3A_175, %sub3A_166 : vector<16xi1>, vector<16xi32>
      %swap3A_177 = arith.constant 48 : index
      %swap3A_178 = tpu.vector_load %arg10[%swap3A_177] {strides = array<i32>} : memref<80xi32, #tpu.memory_space<vmem>>, vector<16xi32>,
      %swap3A_179 = vector.shape_cast %swap3A_178 : vector<16xi32> to vector<16xi32>
      %swap3A_180 = vector.shape_cast %select_n3A_176 : vector<16xi32> to vector<16xi32>
      tpu.vector_store %arg10[%swap3A_177], %swap3A_180 {strides = array<i32>} : memref<80xi32, #tpu.memory_space<vmem>>, vector<16xi32>,
      %get3A_181 = arith.constant 144 : index
      %get3A_182 = tpu.vector_load %arg7[%get3A_181] {strides = array<i32>} : memref<400xi32, #tpu.memory_space<vmem>>, vector<16xi32>,
      %get3A_183 = vector.shape_cast %get3A_182 : vector<16xi32> to vector<16xi32>
      %sub3A_184 = vector.broadcast %mul3A_0 : i32 to vector<16xi32>
      %sub3A_185 = arith.subi %get3A_183, %sub3A_184 : vector<16xi32>
      %lt3A_186 = arith.constant 0 : i32
      %lt3A_187 = vector.broadcast %lt3A_186 : i32 to vector<16xi32>
      %lt3A_188 = arith.cmpi slt, %sub3A_185, %lt3A_187 : vector<16xi32>
      %ge3A_189 = arith.constant 5000 : i32
      %ge3A_190 = vector.broadcast %ge3A_189 : i32 to vector<16xi32>
      %ge3A_191 = arith.cmpi sge, %sub3A_185, %ge3A_190 : vector<16xi32>
      %or3A_192 = arith.ori %lt3A_188, %ge3A_191 : vector<16xi1>
      %jit3A_193 = arith.constant 5000 : i32
      %broadcast_in_dim3A_194 = vector.broadcast %jit3A_193 : i32 to vector<16xi32>
      %select_n3A_195 = arith.select %or3A_192, %broadcast_in_dim3A_194, %sub3A_185 : vector<16xi1>, vector<16xi32>
      %swap3A_196 = arith.constant 64 : index
      %swap3A_197 = tpu.vector_load %arg10[%swap3A_196] {strides = array<i32>} : memref<80xi32, #tpu.memory_space<vmem>>, vector<16xi32>,
      %swap3A_198 = vector.shape_cast %swap3A_197 : vector<16xi32> to vector<16xi32>
      %swap3A_199 = vector.shape_cast %select_n3A_195 : vector<16xi32> to vector<16xi32>
      tpu.vector_store %arg10[%swap3A_196], %swap3A_199 {strides = array<i32>} : memref<80xi32, #tpu.memory_space<vmem>>, vector<16xi32>,
      %get3A_200 = arith.constant 160 : index
      %get3A_201 = tpu.vector_load %arg7[%get3A_200] {strides = array<i32>} : memref<400xi32, #tpu.memory_space<vmem>>, vector<16xi32>,
      %get3A_202 = vector.shape_cast %get3A_201 : vector<16xi32> to vector<16xi32>
      %sub3A_203 = vector.broadcast %mul3A_0 : i32 to vector<16xi32>
      %sub3A_204 = arith.subi %get3A_202, %sub3A_203 : vector<16xi32>
      %lt3A_205 = arith.constant 0 : i32
      %lt3A_206 = vector.broadcast %lt3A_205 : i32 to vector<16xi32>
      %lt3A_207 = arith.cmpi slt, %sub3A_204, %lt3A_206 : vector<16xi32>
      %ge3A_208 = arith.constant 5000 : i32
      %ge3A_209 = vector.broadcast %ge3A_208 : i32 to vector<16xi32>
      %ge3A_210 = arith.cmpi sge, %sub3A_204, %ge3A_209 : vector<16xi32>
      %or3A_211 = arith.ori %lt3A_207, %ge3A_210 : vector<16xi1>
      %jit3A_212 = arith.constant 5000 : i32
      %broadcast_in_dim3A_213 = vector.broadcast %jit3A_212 : i32 to vector<16xi32>
      %select_n3A_214 = arith.select %or3A_211, %broadcast_in_dim3A_213, %sub3A_204 : vector<16xi1>, vector<16xi32>
      %swap3A_215 = arith.constant 0 : index
      %swap3A_216 = tpu.vector_load %arg11[%swap3A_215] {strides = array<i32>} : memref<80xi32, #tpu.memory_space<vmem>>, vector<16xi32>,
      %swap3A_217 = vector.shape_cast %swap3A_216 : vector<16xi32> to vector<16xi32>
      %swap3A_218 = vector.shape_cast %select_n3A_214 : vector<16xi32> to vector<16xi32>
      tpu.vector_store %arg11[%swap3A_215], %swap3A_218 {strides = array<i32>} : memref<80xi32, #tpu.memory_space<vmem>>, vector<16xi32>,
      %get3A_219 = arith.constant 176 : index
      %get3A_220 = tpu.vector_load %arg7[%get3A_219] {strides = array<i32>} : memref<400xi32, #tpu.memory_space<vmem>>, vector<16xi32>,
      %get3A_221 = vector.shape_cast %get3A_220 : vector<16xi32> to vector<16xi32>
      %sub3A_222 = vector.broadcast %mul3A_0 : i32 to vector<16xi32>
      %sub3A_223 = arith.subi %get3A_221, %sub3A_222 : vector<16xi32>
      %lt3A_224 = arith.constant 0 : i32
      %lt3A_225 = vector.broadcast %lt3A_224 : i32 to vector<16xi32>
      %lt3A_226 = arith.cmpi slt, %sub3A_223, %lt3A_225 : vector<16xi32>
      %ge3A_227 = arith.constant 5000 : i32
      %ge3A_228 = vector.broadcast %ge3A_227 : i32 to vector<16xi32>
      %ge3A_229 = arith.cmpi sge, %sub3A_223, %ge3A_228 : vector<16xi32>
      %or3A_230 = arith.ori %lt3A_226, %ge3A_229 : vector<16xi1>
      %jit3A_231 = arith.constant 5000 : i32
      %broadcast_in_dim3A_232 = vector.broadcast %jit3A_231 : i32 to vector<16xi32>
      %select_n3A_233 = arith.select %or3A_230, %broadcast_in_dim3A_232, %sub3A_223 : vector<16xi1>, vector<16xi32>
      %swap3A_234 = arith.constant 16 : index
      %swap3A_235 = tpu.vector_load %arg11[%swap3A_234] {strides = array<i32>} : memref<80xi32, #tpu.memory_space<vmem>>, vector<16xi32>,
      %swap3A_236 = vector.shape_cast %swap3A_235 : vector<16xi32> to vector<16xi32>
      %swap3A_237 = vector.shape_cast %select_n3A_233 : vector<16xi32> to vector<16xi32>
      tpu.vector_store %arg11[%swap3A_234], %swap3A_237 {strides = array<i32>} : memref<80xi32, #tpu.memory_space<vmem>>, vector<16xi32>,
      %get3A_238 = arith.constant 192 : index
      %get3A_239 = tpu.vector_load %arg7[%get3A_238] {strides = array<i32>} : memref<400xi32, #tpu.memory_space<vmem>>, vector<16xi32>,
      %get3A_240 = vector.shape_cast %get3A_239 : vector<16xi32> to vector<16xi32>
      %sub3A_241 = vector.broadcast %mul3A_0 : i32 to vector<16xi32>
      %sub3A_242 = arith.subi %get3A_240, %sub3A_241 : vector<16xi32>
      %lt3A_243 = arith.constant 0 : i32
      %lt3A_244 = vector.broadcast %lt3A_243 : i32 to vector<16xi32>
      %lt3A_245 = arith.cmpi slt, %sub3A_242, %lt3A_244 : vector<16xi32>
      %ge3A_246 = arith.constant 5000 : i32
      %ge3A_247 = vector.broadcast %ge3A_246 : i32 to vector<16xi32>
      %ge3A_248 = arith.cmpi sge, %sub3A_242, %ge3A_247 : vector<16xi32>
      %or3A_249 = arith.ori %lt3A_245, %ge3A_248 : vector<16xi1>
      %jit3A_250 = arith.constant 5000 : i32
      %broadcast_in_dim3A_251 = vector.broadcast %jit3A_250 : i32 to vector<16xi32>
      %select_n3A_252 = arith.select %or3A_249, %broadcast_in_dim3A_251, %sub3A_242 : vector<16xi1>, vector<16xi32>
      %swap3A_253 = arith.constant 32 : index
      %swap3A_254 = tpu.vector_load %arg11[%swap3A_253] {strides = array<i32>} : memref<80xi32, #tpu.memory_space<vmem>>, vector<16xi32>,
      %swap3A_255 = vector.shape_cast %swap3A_254 : vector<16xi32> to vector<16xi32>
      %swap3A_256 = vector.shape_cast %select_n3A_252 : vector<16xi32> to vector<16xi32>
      tpu.vector_store %arg11[%swap3A_253], %swap3A_256 {strides = array<i32>} : memref<80xi32, #tpu.memory_space<vmem>>, vector<16xi32>,
      %get3A_257 = arith.constant 208 : index
      %get3A_258 = tpu.vector_load %arg7[%get3A_257] {strides = array<i32>} : memref<400xi32, #tpu.memory_space<vmem>>, vector<16xi32>,
      %get3A_259 = vector.shape_cast %get3A_258 : vector<16xi32> to vector<16xi32>
      %sub3A_260 = vector.broadcast %mul3A_0 : i32 to vector<16xi32>
      %sub3A_261 = arith.subi %get3A_259, %sub3A_260 : vector<16xi32>
      %lt3A_262 = arith.constant 0 : i32
      %lt3A_263 = vector.broadcast %lt3A_262 : i32 to vector<16xi32>
      %lt3A_264 = arith.cmpi slt, %sub3A_261, %lt3A_263 : vector<16xi32>
      %ge3A_265 = arith.constant 5000 : i32
      %ge3A_266 = vector.broadcast %ge3A_265 : i32 to vector<16xi32>
      %ge3A_267 = arith.cmpi sge, %sub3A_261, %ge3A_266 : vector<16xi32>
      %or3A_268 = arith.ori %lt3A_264, %ge3A_267 : vector<16xi1>
      %jit3A_269 = arith.constant 5000 : i32
      %broadcast_in_dim3A_270 = vector.broadcast %jit3A_269 : i32 to vector<16xi32>
      %select_n3A_271 = arith.select %or3A_268, %broadcast_in_dim3A_270, %sub3A_261 : vector<16xi1>, vector<16xi32>
      %swap3A_272 = arith.constant 48 : index
      %swap3A_273 = tpu.vector_load %arg11[%swap3A_272] {strides = array<i32>} : memref<80xi32, #tpu.memory_space<vmem>>, vector<16xi32>,
      %swap3A_274 = vector.shape_cast %swap3A_273 : vector<16xi32> to vector<16xi32>
      %swap3A_275 = vector.shape_cast %select_n3A_271 : vector<16xi32> to vector<16xi32>
      tpu.vector_store %arg11[%swap3A_272], %swap3A_275 {strides = array<i32>} : memref<80xi32, #tpu.memory_space<vmem>>, vector<16xi32>,
      %get3A_276 = arith.constant 224 : index
      %get3A_277 = tpu.vector_load %arg7[%get3A_276] {strides = array<i32>} : memref<400xi32, #tpu.memory_space<vmem>>, vector<16xi32>,
      %get3A_278 = vector.shape_cast %get3A_277 : vector<16xi32> to vector<16xi32>
      %sub3A_279 = vector.broadcast %mul3A_0 : i32 to vector<16xi32>
      %sub3A_280 = arith.subi %get3A_278, %sub3A_279 : vector<16xi32>
      %lt3A_281 = arith.constant 0 : i32
      %lt3A_282 = vector.broadcast %lt3A_281 : i32 to vector<16xi32>
      %lt3A_283 = arith.cmpi slt, %sub3A_280, %lt3A_282 : vector<16xi32>
      %ge3A_284 = arith.constant 5000 : i32
      %ge3A_285 = vector.broadcast %ge3A_284 : i32 to vector<16xi32>
      %ge3A_286 = arith.cmpi sge, %sub3A_280, %ge3A_285 : vector<16xi32>
      %or3A_287 = arith.ori %lt3A_283, %ge3A_286 : vector<16xi1>
      %jit3A_288 = arith.constant 5000 : i32
      %broadcast_in_dim3A_289 = vector.broadcast %jit3A_288 : i32 to vector<16xi32>
      %select_n3A_290 = arith.select %or3A_287, %broadcast_in_dim3A_289, %sub3A_280 : vector<16xi1>, vector<16xi32>
      %swap3A_291 = arith.constant 64 : index
      %swap3A_292 = tpu.vector_load %arg11[%swap3A_291] {strides = array<i32>} : memref<80xi32, #tpu.memory_space<vmem>>, vector<16xi32>,
      %swap3A_293 = vector.shape_cast %swap3A_292 : vector<16xi32> to vector<16xi32>
      %swap3A_294 = vector.shape_cast %select_n3A_290 : vector<16xi32> to vector<16xi32>
      tpu.vector_store %arg11[%swap3A_291], %swap3A_294 {strides = array<i32>} : memref<80xi32, #tpu.memory_space<vmem>>, vector<16xi32>,
      %get3A_295 = arith.constant 240 : index
      %get3A_296 = tpu.vector_load %arg7[%get3A_295] {strides = array<i32>} : memref<400xi32, #tpu.memory_space<vmem>>, vector<16xi32>,
      %get3A_297 = vector.shape_cast %get3A_296 : vector<16xi32> to vector<16xi32>
      %sub3A_298 = vector.broadcast %mul3A_0 : i32 to vector<16xi32>
      %sub3A_299 = arith.subi %get3A_297, %sub3A_298 : vector<16xi32>
      %lt3A_300 = arith.constant 0 : i32
      %lt3A_301 = vector.broadcast %lt3A_300 : i32 to vector<16xi32>
      %lt3A_302 = arith.cmpi slt, %sub3A_299, %lt3A_301 : vector<16xi32>
      %ge3A_303 = arith.constant 5000 : i32
      %ge3A_304 = vector.broadcast %ge3A_303 : i32 to vector<16xi32>
      %ge3A_305 = arith.cmpi sge, %sub3A_299, %ge3A_304 : vector<16xi32>
      %or3A_306 = arith.ori %lt3A_302, %ge3A_305 : vector<16xi1>
      %jit3A_307 = arith.constant 5000 : i32
      %broadcast_in_dim3A_308 = vector.broadcast %jit3A_307 : i32 to vector<16xi32>
      %select_n3A_309 = arith.select %or3A_306, %broadcast_in_dim3A_308, %sub3A_299 : vector<16xi1>, vector<16xi32>
      %swap3A_310 = arith.constant 0 : index
      %swap3A_311 = tpu.vector_load %arg12[%swap3A_310] {strides = array<i32>} : memref<80xi32, #tpu.memory_space<vmem>>, vector<16xi32>,
      %swap3A_312 = vector.shape_cast %swap3A_311 : vector<16xi32> to vector<16xi32>
      %swap3A_313 = vector.shape_cast %select_n3A_309 : vector<16xi32> to vector<16xi32>
      tpu.vector_store %arg12[%swap3A_310], %swap3A_313 {strides = array<i32>} : memref<80xi32, #tpu.memory_space<vmem>>, vector<16xi32>,
      %get3A_314 = arith.constant 256 : index
      %get3A_315 = tpu.vector_load %arg7[%get3A_314] {strides = array<i32>} : memref<400xi32, #tpu.memory_space<vmem>>, vector<16xi32>,
      %get3A_316 = vector.shape_cast %get3A_315 : vector<16xi32> to vector<16xi32>
      %sub3A_317 = vector.broadcast %mul3A_0 : i32 to vector<16xi32>
      %sub3A_318 = arith.subi %get3A_316, %sub3A_317 : vector<16xi32>
      %lt3A_319 = arith.constant 0 : i32
      %lt3A_320 = vector.broadcast %lt3A_319 : i32 to vector<16xi32>
      %lt3A_321 = arith.cmpi slt, %sub3A_318, %lt3A_320 : vector<16xi32>
      %ge3A_322 = arith.constant 5000 : i32
      %ge3A_323 = vector.broadcast %ge3A_322 : i32 to vector<16xi32>
      %ge3A_324 = arith.cmpi sge, %sub3A_318, %ge3A_323 : vector<16xi32>
      %or3A_325 = arith.ori %lt3A_321, %ge3A_324 : vector<16xi1>
      %jit3A_326 = arith.constant 5000 : i32
      %broadcast_in_dim3A_327 = vector.broadcast %jit3A_326 : i32 to vector<16xi32>
      %select_n3A_328 = arith.select %or3A_325, %broadcast_in_dim3A_327, %sub3A_318 : vector<16xi1>, vector<16xi32>
      %swap3A_329 = arith.constant 16 : index
      %swap3A_330 = tpu.vector_load %arg12[%swap3A_329] {strides = array<i32>} : memref<80xi32, #tpu.memory_space<vmem>>, vector<16xi32>,
      %swap3A_331 = vector.shape_cast %swap3A_330 : vector<16xi32> to vector<16xi32>
      %swap3A_332 = vector.shape_cast %select_n3A_328 : vector<16xi32> to vector<16xi32>
      tpu.vector_store %arg12[%swap3A_329], %swap3A_332 {strides = array<i32>} : memref<80xi32, #tpu.memory_space<vmem>>, vector<16xi32>,
      %get3A_333 = arith.constant 272 : index
      %get3A_334 = tpu.vector_load %arg7[%get3A_333] {strides = array<i32>} : memref<400xi32, #tpu.memory_space<vmem>>, vector<16xi32>,
      %get3A_335 = vector.shape_cast %get3A_334 : vector<16xi32> to vector<16xi32>
      %sub3A_336 = vector.broadcast %mul3A_0 : i32 to vector<16xi32>
      %sub3A_337 = arith.subi %get3A_335, %sub3A_336 : vector<16xi32>
      %lt3A_338 = arith.constant 0 : i32
      %lt3A_339 = vector.broadcast %lt3A_338 : i32 to vector<16xi32>
      %lt3A_340 = arith.cmpi slt, %sub3A_337, %lt3A_339 : vector<16xi32>
      %ge3A_341 = arith.constant 5000 : i32
      %ge3A_342 = vector.broadcast %ge3A_341 : i32 to vector<16xi32>
      %ge3A_343 = arith.cmpi sge, %sub3A_337, %ge3A_342 : vector<16xi32>
      %or3A_344 = arith.ori %lt3A_340, %ge3A_343 : vector<16xi1>
      %jit3A_345 = arith.constant 5000 : i32
      %broadcast_in_dim3A_346 = vector.broadcast %jit3A_345 : i32 to vector<16xi32>
      %select_n3A_347 = arith.select %or3A_344, %broadcast_in_dim3A_346, %sub3A_337 : vector<16xi1>, vector<16xi32>
      %swap3A_348 = arith.constant 32 : index
      %swap3A_349 = tpu.vector_load %arg12[%swap3A_348] {strides = array<i32>} : memref<80xi32, #tpu.memory_space<vmem>>, vector<16xi32>,
      %swap3A_350 = vector.shape_cast %swap3A_349 : vector<16xi32> to vector<16xi32>
      %swap3A_351 = vector.shape_cast %select_n3A_347 : vector<16xi32> to vector<16xi32>
      tpu.vector_store %arg12[%swap3A_348], %swap3A_351 {strides = array<i32>} : memref<80xi32, #tpu.memory_space<vmem>>, vector<16xi32>,
      %get3A_352 = arith.constant 288 : index
      %get3A_353 = tpu.vector_load %arg7[%get3A_352] {strides = array<i32>} : memref<400xi32, #tpu.memory_space<vmem>>, vector<16xi32>,
      %get3A_354 = vector.shape_cast %get3A_353 : vector<16xi32> to vector<16xi32>
      %sub3A_355 = vector.broadcast %mul3A_0 : i32 to vector<16xi32>
      %sub3A_356 = arith.subi %get3A_354, %sub3A_355 : vector<16xi32>
      %lt3A_357 = arith.constant 0 : i32
      %lt3A_358 = vector.broadcast %lt3A_357 : i32 to vector<16xi32>
      %lt3A_359 = arith.cmpi slt, %sub3A_356, %lt3A_358 : vector<16xi32>
      %ge3A_360 = arith.constant 5000 : i32
      %ge3A_361 = vector.broadcast %ge3A_360 : i32 to vector<16xi32>
      %ge3A_362 = arith.cmpi sge, %sub3A_356, %ge3A_361 : vector<16xi32>
      %or3A_363 = arith.ori %lt3A_359, %ge3A_362 : vector<16xi1>
      %jit3A_364 = arith.constant 5000 : i32
      %broadcast_in_dim3A_365 = vector.broadcast %jit3A_364 : i32 to vector<16xi32>
      %select_n3A_366 = arith.select %or3A_363, %broadcast_in_dim3A_365, %sub3A_356 : vector<16xi1>, vector<16xi32>
      %swap3A_367 = arith.constant 48 : index
      %swap3A_368 = tpu.vector_load %arg12[%swap3A_367] {strides = array<i32>} : memref<80xi32, #tpu.memory_space<vmem>>, vector<16xi32>,
      %swap3A_369 = vector.shape_cast %swap3A_368 : vector<16xi32> to vector<16xi32>
      %swap3A_370 = vector.shape_cast %select_n3A_366 : vector<16xi32> to vector<16xi32>
      tpu.vector_store %arg12[%swap3A_367], %swap3A_370 {strides = array<i32>} : memref<80xi32, #tpu.memory_space<vmem>>, vector<16xi32>,
      %get3A_371 = arith.constant 304 : index
      %get3A_372 = tpu.vector_load %arg7[%get3A_371] {strides = array<i32>} : memref<400xi32, #tpu.memory_space<vmem>>, vector<16xi32>,
      %get3A_373 = vector.shape_cast %get3A_372 : vector<16xi32> to vector<16xi32>
      %sub3A_374 = vector.broadcast %mul3A_0 : i32 to vector<16xi32>
      %sub3A_375 = arith.subi %get3A_373, %sub3A_374 : vector<16xi32>
      %lt3A_376 = arith.constant 0 : i32
      %lt3A_377 = vector.broadcast %lt3A_376 : i32 to vector<16xi32>
      %lt3A_378 = arith.cmpi slt, %sub3A_375, %lt3A_377 : vector<16xi32>
      %ge3A_379 = arith.constant 5000 : i32
      %ge3A_380 = vector.broadcast %ge3A_379 : i32 to vector<16xi32>
      %ge3A_381 = arith.cmpi sge, %sub3A_375, %ge3A_380 : vector<16xi32>
      %or3A_382 = arith.ori %lt3A_378, %ge3A_381 : vector<16xi1>
      %jit3A_383 = arith.constant 5000 : i32
      %broadcast_in_dim3A_384 = vector.broadcast %jit3A_383 : i32 to vector<16xi32>
      %select_n3A_385 = arith.select %or3A_382, %broadcast_in_dim3A_384, %sub3A_375 : vector<16xi1>, vector<16xi32>
      %swap3A_386 = arith.constant 64 : index
      %swap3A_387 = tpu.vector_load %arg12[%swap3A_386] {strides = array<i32>} : memref<80xi32, #tpu.memory_space<vmem>>, vector<16xi32>,
      %swap3A_388 = vector.shape_cast %swap3A_387 : vector<16xi32> to vector<16xi32>
      %swap3A_389 = vector.shape_cast %select_n3A_385 : vector<16xi32> to vector<16xi32>
      tpu.vector_store %arg12[%swap3A_386], %swap3A_389 {strides = array<i32>} : memref<80xi32, #tpu.memory_space<vmem>>, vector<16xi32>,
      %get3A_390 = arith.constant 320 : index
      %get3A_391 = tpu.vector_load %arg7[%get3A_390] {strides = array<i32>} : memref<400xi32, #tpu.memory_space<vmem>>, vector<16xi32>,
      %get3A_392 = vector.shape_cast %get3A_391 : vector<16xi32> to vector<16xi32>
      %sub3A_393 = vector.broadcast %mul3A_0 : i32 to vector<16xi32>
      %sub3A_394 = arith.subi %get3A_392, %sub3A_393 : vector<16xi32>
      %lt3A_395 = arith.constant 0 : i32
      %lt3A_396 = vector.broadcast %lt3A_395 : i32 to vector<16xi32>
      %lt3A_397 = arith.cmpi slt, %sub3A_394, %lt3A_396 : vector<16xi32>
      %ge3A_398 = arith.constant 5000 : i32
      %ge3A_399 = vector.broadcast %ge3A_398 : i32 to vector<16xi32>
      %ge3A_400 = arith.cmpi sge, %sub3A_394, %ge3A_399 : vector<16xi32>
      %or3A_401 = arith.ori %lt3A_397, %ge3A_400 : vector<16xi1>
      %jit3A_402 = arith.constant 5000 : i32
      %broadcast_in_dim3A_403 = vector.broadcast %jit3A_402 : i32 to vector<16xi32>
      %select_n3A_404 = arith.select %or3A_401, %broadcast_in_dim3A_403, %sub3A_394 : vector<16xi1>, vector<16xi32>
      %swap3A_405 = arith.constant 0 : index
      %swap3A_406 = tpu.vector_load %arg13[%swap3A_405] {strides = array<i32>} : memref<80xi32, #tpu.memory_space<vmem>>, vector<16xi32>,
      %swap3A_407 = vector.shape_cast %swap3A_406 : vector<16xi32> to vector<16xi32>
      %swap3A_408 = vector.shape_cast %select_n3A_404 : vector<16xi32> to vector<16xi32>
      tpu.vector_store %arg13[%swap3A_405], %swap3A_408 {strides = array<i32>} : memref<80xi32, #tpu.memory_space<vmem>>, vector<16xi32>,
      %get3A_409 = arith.constant 336 : index
      %get3A_410 = tpu.vector_load %arg7[%get3A_409] {strides = array<i32>} : memref<400xi32, #tpu.memory_space<vmem>>, vector<16xi32>,
      %get3A_411 = vector.shape_cast %get3A_410 : vector<16xi32> to vector<16xi32>
      %sub3A_412 = vector.broadcast %mul3A_0 : i32 to vector<16xi32>
      %sub3A_413 = arith.subi %get3A_411, %sub3A_412 : vector<16xi32>
      %lt3A_414 = arith.constant 0 : i32
      %lt3A_415 = vector.broadcast %lt3A_414 : i32 to vector<16xi32>
      %lt3A_416 = arith.cmpi slt, %sub3A_413, %lt3A_415 : vector<16xi32>
      %ge3A_417 = arith.constant 5000 : i32
      %ge3A_418 = vector.broadcast %ge3A_417 : i32 to vector<16xi32>
      %ge3A_419 = arith.cmpi sge, %sub3A_413, %ge3A_418 : vector<16xi32>
      %or3A_420 = arith.ori %lt3A_416, %ge3A_419 : vector<16xi1>
      %jit3A_421 = arith.constant 5000 : i32
      %broadcast_in_dim3A_422 = vector.broadcast %jit3A_421 : i32 to vector<16xi32>
      %select_n3A_423 = arith.select %or3A_420, %broadcast_in_dim3A_422, %sub3A_413 : vector<16xi1>, vector<16xi32>
      %swap3A_424 = arith.constant 16 : index
      %swap3A_425 = tpu.vector_load %arg13[%swap3A_424] {strides = array<i32>} : memref<80xi32, #tpu.memory_space<vmem>>, vector<16xi32>,
      %swap3A_426 = vector.shape_cast %swap3A_425 : vector<16xi32> to vector<16xi32>
      %swap3A_427 = vector.shape_cast %select_n3A_423 : vector<16xi32> to vector<16xi32>
      tpu.vector_store %arg13[%swap3A_424], %swap3A_427 {strides = array<i32>} : memref<80xi32, #tpu.memory_space<vmem>>, vector<16xi32>,
      %get3A_428 = arith.constant 352 : index
      %get3A_429 = tpu.vector_load %arg7[%get3A_428] {strides = array<i32>} : memref<400xi32, #tpu.memory_space<vmem>>, vector<16xi32>,
      %get3A_430 = vector.shape_cast %get3A_429 : vector<16xi32> to vector<16xi32>
      %sub3A_431 = vector.broadcast %mul3A_0 : i32 to vector<16xi32>
      %sub3A_432 = arith.subi %get3A_430, %sub3A_431 : vector<16xi32>
      %lt3A_433 = arith.constant 0 : i32
      %lt3A_434 = vector.broadcast %lt3A_433 : i32 to vector<16xi32>
      %lt3A_435 = arith.cmpi slt, %sub3A_432, %lt3A_434 : vector<16xi32>
      %ge3A_436 = arith.constant 5000 : i32
      %ge3A_437 = vector.broadcast %ge3A_436 : i32 to vector<16xi32>
      %ge3A_438 = arith.cmpi sge, %sub3A_432, %ge3A_437 : vector<16xi32>
      %or3A_439 = arith.ori %lt3A_435, %ge3A_438 : vector<16xi1>
      %jit3A_440 = arith.constant 5000 : i32
      %broadcast_in_dim3A_441 = vector.broadcast %jit3A_440 : i32 to vector<16xi32>
      %select_n3A_442 = arith.select %or3A_439, %broadcast_in_dim3A_441, %sub3A_432 : vector<16xi1>, vector<16xi32>
      %swap3A_443 = arith.constant 32 : index
      %swap3A_444 = tpu.vector_load %arg13[%swap3A_443] {strides = array<i32>} : memref<80xi32, #tpu.memory_space<vmem>>, vector<16xi32>,
      %swap3A_445 = vector.shape_cast %swap3A_444 : vector<16xi32> to vector<16xi32>
      %swap3A_446 = vector.shape_cast %select_n3A_442 : vector<16xi32> to vector<16xi32>
      tpu.vector_store %arg13[%swap3A_443], %swap3A_446 {strides = array<i32>} : memref<80xi32, #tpu.memory_space<vmem>>, vector<16xi32>,
      %get3A_447 = arith.constant 368 : index
      %get3A_448 = tpu.vector_load %arg7[%get3A_447] {strides = array<i32>} : memref<400xi32, #tpu.memory_space<vmem>>, vector<16xi32>,
      %get3A_449 = vector.shape_cast %get3A_448 : vector<16xi32> to vector<16xi32>
      %sub3A_450 = vector.broadcast %mul3A_0 : i32 to vector<16xi32>
      %sub3A_451 = arith.subi %get3A_449, %sub3A_450 : vector<16xi32>
      %lt3A_452 = arith.constant 0 : i32
      %lt3A_453 = vector.broadcast %lt3A_452 : i32 to vector<16xi32>
      %lt3A_454 = arith.cmpi slt, %sub3A_451, %lt3A_453 : vector<16xi32>
      %ge3A_455 = arith.constant 5000 : i32
      %ge3A_456 = vector.broadcast %ge3A_455 : i32 to vector<16xi32>
      %ge3A_457 = arith.cmpi sge, %sub3A_451, %ge3A_456 : vector<16xi32>
      %or3A_458 = arith.ori %lt3A_454, %ge3A_457 : vector<16xi1>
      %jit3A_459 = arith.constant 5000 : i32
      %broadcast_in_dim3A_460 = vector.broadcast %jit3A_459 : i32 to vector<16xi32>
      %select_n3A_461 = arith.select %or3A_458, %broadcast_in_dim3A_460, %sub3A_451 : vector<16xi1>, vector<16xi32>
      %swap3A_462 = arith.constant 48 : index
      %swap3A_463 = tpu.vector_load %arg13[%swap3A_462] {strides = array<i32>} : memref<80xi32, #tpu.memory_space<vmem>>, vector<16xi32>,
      %swap3A_464 = vector.shape_cast %swap3A_463 : vector<16xi32> to vector<16xi32>
      %swap3A_465 = vector.shape_cast %select_n3A_461 : vector<16xi32> to vector<16xi32>
      tpu.vector_store %arg13[%swap3A_462], %swap3A_465 {strides = array<i32>} : memref<80xi32, #tpu.memory_space<vmem>>, vector<16xi32>,
      %get3A_466 = arith.constant 384 : index
      %get3A_467 = tpu.vector_load %arg7[%get3A_466] {strides = array<i32>} : memref<400xi32, #tpu.memory_space<vmem>>, vector<16xi32>,
      %get3A_468 = vector.shape_cast %get3A_467 : vector<16xi32> to vector<16xi32>
      %sub3A_469 = vector.broadcast %mul3A_0 : i32 to vector<16xi32>
      %sub3A_470 = arith.subi %get3A_468, %sub3A_469 : vector<16xi32>
      %lt3A_471 = arith.constant 0 : i32
      %lt3A_472 = vector.broadcast %lt3A_471 : i32 to vector<16xi32>
      %lt3A_473 = arith.cmpi slt, %sub3A_470, %lt3A_472 : vector<16xi32>
      %ge3A_474 = arith.constant 5000 : i32
      %ge3A_475 = vector.broadcast %ge3A_474 : i32 to vector<16xi32>
      %ge3A_476 = arith.cmpi sge, %sub3A_470, %ge3A_475 : vector<16xi32>
      %or3A_477 = arith.ori %lt3A_473, %ge3A_476 : vector<16xi1>
      %jit3A_478 = arith.constant 5000 : i32
      %broadcast_in_dim3A_479 = vector.broadcast %jit3A_478 : i32 to vector<16xi32>
      %select_n3A_480 = arith.select %or3A_477, %broadcast_in_dim3A_479, %sub3A_470 : vector<16xi1>, vector<16xi32>
      %swap3A_481 = arith.constant 64 : index
      %swap3A_482 = tpu.vector_load %arg13[%swap3A_481] {strides = array<i32>} : memref<80xi32, #tpu.memory_space<vmem>>, vector<16xi32>,
      %swap3A_483 = vector.shape_cast %swap3A_482 : vector<16xi32> to vector<16xi32>
      %swap3A_484 = vector.shape_cast %select_n3A_480 : vector<16xi32> to vector<16xi32>
      tpu.vector_store %arg13[%swap3A_481], %swap3A_484 {strides = array<i32>} : memref<80xi32, #tpu.memory_space<vmem>>, vector<16xi32>,
      %dma_start3A = arith.constant 0 : i32
      %dma_start3A_485 = arith.constant 0 : i32
      %dma_start3A_486 = tpu.memref_slice %arg8[%dma_start3A, %dma_start3A_485] : memref<400x128xf32, #tpu.memory_space<vmem>> -> memref<80x128xf32, #tpu.memory_space<vmem>>
      %dma_start3A_487 = arith.constant 0 : i32
      %dma_start3A_488 = arith.constant 0 : i32
      %dma_start3A_489 = tpu.memref_slice %arg6[%dma_start3A_487, %dma_start3A_488] : memref<5008x128xf32, #tpu.memory_space<vmem_shared>> -> memref<5008x128xf32, #tpu.memory_space<vmem_shared>>
      tpu.enqueue_indirect_dma source(%dma_start3A_486 : memref<80x128xf32, #tpu.memory_space<vmem>>) target(%dma_start3A_489 : memref<5008x128xf32, #tpu.memory_space<vmem_shared>>) offsets(%arg9 : memref<80xi32, #tpu.memory_space<vmem>>) semaphore(%arg14 : memref<!tpu.dma_semaphore, #tpu.memory_space<semaphore_mem>>) {add = true}
      %dma_start3A_490 = arith.constant 80 : i32
      %dma_start3A_491 = arith.constant 0 : i32
      %dma_start3A_492 = tpu.memref_slice %arg8[%dma_start3A_490, %dma_start3A_491] : memref<400x128xf32, #tpu.memory_space<vmem>> -> memref<80x128xf32, #tpu.memory_space<vmem>>
      %dma_start3A_493 = arith.constant 0 : i32
      %dma_start3A_494 = arith.constant 0 : i32
      %dma_start3A_495 = tpu.memref_slice %arg6[%dma_start3A_493, %dma_start3A_494] : memref<5008x128xf32, #tpu.memory_space<vmem_shared>> -> memref<5008x128xf32, #tpu.memory_space<vmem_shared>>
      tpu.enqueue_indirect_dma source(%dma_start3A_492 : memref<80x128xf32, #tpu.memory_space<vmem>>) target(%dma_start3A_495 : memref<5008x128xf32, #tpu.memory_space<vmem_shared>>) offsets(%arg10 : memref<80xi32, #tpu.memory_space<vmem>>) semaphore(%arg14 : memref<!tpu.dma_semaphore, #tpu.memory_space<semaphore_mem>>) {add = true}
      %dma_start3A_496 = arith.constant 160 : i32
      %dma_start3A_497 = arith.constant 0 : i32
      %dma_start3A_498 = tpu.memref_slice %arg8[%dma_start3A_496, %dma_start3A_497] : memref<400x128xf32, #tpu.memory_space<vmem>> -> memref<80x128xf32, #tpu.memory_space<vmem>>
      %dma_start3A_499 = arith.constant 0 : i32
      %dma_start3A_500 = arith.constant 0 : i32
      %dma_start3A_501 = tpu.memref_slice %arg6[%dma_start3A_499, %dma_start3A_500] : memref<5008x128xf32, #tpu.memory_space<vmem_shared>> -> memref<5008x128xf32, #tpu.memory_space<vmem_shared>>
      tpu.enqueue_indirect_dma source(%dma_start3A_498 : memref<80x128xf32, #tpu.memory_space<vmem>>) target(%dma_start3A_501 : memref<5008x128xf32, #tpu.memory_space<vmem_shared>>) offsets(%arg11 : memref<80xi32, #tpu.memory_space<vmem>>) semaphore(%arg14 : memref<!tpu.dma_semaphore, #tpu.memory_space<semaphore_mem>>) {add = true}
      %dma_start3A_502 = arith.constant 240 : i32
      %dma_start3A_503 = arith.constant 0 : i32
      %dma_start3A_504 = tpu.memref_slice %arg8[%dma_start3A_502, %dma_start3A_503] : memref<400x128xf32, #tpu.memory_space<vmem>> -> memref<80x128xf32, #tpu.memory_space<vmem>>
      %dma_start3A_505 = arith.constant 0 : i32
      %dma_start3A_506 = arith.constant 0 : i32
      %dma_start3A_507 = tpu.memref_slice %arg6[%dma_start3A_505, %dma_start3A_506] : memref<5008x128xf32, #tpu.memory_space<vmem_shared>> -> memref<5008x128xf32, #tpu.memory_space<vmem_shared>>
      tpu.enqueue_indirect_dma source(%dma_start3A_504 : memref<80x128xf32, #tpu.memory_space<vmem>>) target(%dma_start3A_507 : memref<5008x128xf32, #tpu.memory_space<vmem_shared>>) offsets(%arg12 : memref<80xi32, #tpu.memory_space<vmem>>) semaphore(%arg14 : memref<!tpu.dma_semaphore, #tpu.memory_space<semaphore_mem>>) {add = true}
      %dma_start3A_508 = arith.constant 320 : i32
      %dma_start3A_509 = arith.constant 0 : i32
      %dma_start3A_510 = tpu.memref_slice %arg8[%dma_start3A_508, %dma_start3A_509] : memref<400x128xf32, #tpu.memory_space<vmem>> -> memref<80x128xf32, #tpu.memory_space<vmem>>
      %dma_start3A_511 = arith.constant 0 : i32
      %dma_start3A_512 = arith.constant 0 : i32
      %dma_start3A_513 = tpu.memref_slice %arg6[%dma_start3A_511, %dma_start3A_512] : memref<5008x128xf32, #tpu.memory_space<vmem_shared>> -> memref<5008x128xf32, #tpu.memory_space<vmem_shared>>
      tpu.enqueue_indirect_dma source(%dma_start3A_510 : memref<80x128xf32, #tpu.memory_space<vmem>>) target(%dma_start3A_513 : memref<5008x128xf32, #tpu.memory_space<vmem_shared>>) offsets(%arg13 : memref<80xi32, #tpu.memory_space<vmem>>) semaphore(%arg14 : memref<!tpu.dma_semaphore, #tpu.memory_space<semaphore_mem>>) {add = true}
      %dma_wait3A = arith.constant 0 : i32
      %dma_wait3A_514 = arith.constant 0 : i32
      %dma_wait3A_515 = tpu.memref_slice %arg8[%dma_wait3A, %dma_wait3A_514] : memref<400x128xf32, #tpu.memory_space<vmem>> -> memref<80x128xf32, #tpu.memory_space<vmem>>
      %dma_wait3A_516 = arith.constant 0 : i32
      %dma_wait3A_517 = arith.constant 0 : i32
      %dma_wait3A_518 = tpu.memref_slice %arg6[%dma_wait3A_516, %dma_wait3A_517] : memref<5008x128xf32, #tpu.memory_space<vmem_shared>> -> memref<5008x128xf32, #tpu.memory_space<vmem_shared>>
      tpu.wait_indirect_dma semaphore(%arg14 : memref<!tpu.dma_semaphore, #tpu.memory_space<semaphore_mem>>) src(%dma_wait3A_515 : memref<80x128xf32, #tpu.memory_space<vmem>>) dst(%dma_wait3A_518 : memref<5008x128xf32, #tpu.memory_space<vmem_shared>>)
      %dma_wait3A_519 = arith.constant 80 : i32
      %dma_wait3A_520 = arith.constant 0 : i32
      %dma_wait3A_521 = tpu.memref_slice %arg8[%dma_wait3A_519, %dma_wait3A_520] : memref<400x128xf32, #tpu.memory_space<vmem>> -> memref<80x128xf32, #tpu.memory_space<vmem>>
      %dma_wait3A_522 = arith.constant 0 : i32
      %dma_wait3A_523 = arith.constant 0 : i32
      %dma_wait3A_524 = tpu.memref_slice %arg6[%dma_wait3A_522, %dma_wait3A_523] : memref<5008x128xf32, #tpu.memory_space<vmem_shared>> -> memref<5008x128xf32, #tpu.memory_space<vmem_shared>>
      tpu.wait_indirect_dma semaphore(%arg14 : memref<!tpu.dma_semaphore, #tpu.memory_space<semaphore_mem>>) src(%dma_wait3A_521 : memref<80x128xf32, #tpu.memory_space<vmem>>) dst(%dma_wait3A_524 : memref<5008x128xf32, #tpu.memory_space<vmem_shared>>)
      %dma_wait3A_525 = arith.constant 160 : i32
      %dma_wait3A_526 = arith.constant 0 : i32
      %dma_wait3A_527 = tpu.memref_slice %arg8[%dma_wait3A_525, %dma_wait3A_526] : memref<400x128xf32, #tpu.memory_space<vmem>> -> memref<80x128xf32, #tpu.memory_space<vmem>>
      %dma_wait3A_528 = arith.constant 0 : i32
      %dma_wait3A_529 = arith.constant 0 : i32
      %dma_wait3A_530 = tpu.memref_slice %arg6[%dma_wait3A_528, %dma_wait3A_529] : memref<5008x128xf32, #tpu.memory_space<vmem_shared>> -> memref<5008x128xf32, #tpu.memory_space<vmem_shared>>
      tpu.wait_indirect_dma semaphore(%arg14 : memref<!tpu.dma_semaphore, #tpu.memory_space<semaphore_mem>>) src(%dma_wait3A_527 : memref<80x128xf32, #tpu.memory_space<vmem>>) dst(%dma_wait3A_530 : memref<5008x128xf32, #tpu.memory_space<vmem_shared>>)
      %dma_wait3A_531 = arith.constant 240 : i32
      %dma_wait3A_532 = arith.constant 0 : i32
      %dma_wait3A_533 = tpu.memref_slice %arg8[%dma_wait3A_531, %dma_wait3A_532] : memref<400x128xf32, #tpu.memory_space<vmem>> -> memref<80x128xf32, #tpu.memory_space<vmem>>
      %dma_wait3A_534 = arith.constant 0 : i32
      %dma_wait3A_535 = arith.constant 0 : i32
      %dma_wait3A_536 = tpu.memref_slice %arg6[%dma_wait3A_534, %dma_wait3A_535] : memref<5008x128xf32, #tpu.memory_space<vmem_shared>> -> memref<5008x128xf32, #tpu.memory_space<vmem_shared>>
      tpu.wait_indirect_dma semaphore(%arg14 : memref<!tpu.dma_semaphore, #tpu.memory_space<semaphore_mem>>) src(%dma_wait3A_533 : memref<80x128xf32, #tpu.memory_space<vmem>>) dst(%dma_wait3A_536 : memref<5008x128xf32, #tpu.memory_space<vmem_shared>>)
      %dma_wait3A_537 = arith.constant 320 : i32
      %dma_wait3A_538 = arith.constant 0 : i32
      %dma_wait3A_539 = tpu.memref_slice %arg8[%dma_wait3A_537, %dma_wait3A_538] : memref<400x128xf32, #tpu.memory_space<vmem>> -> memref<80x128xf32, #tpu.memory_space<vmem>>
      %dma_wait3A_540 = arith.constant 0 : i32
      %dma_wait3A_541 = arith.constant 0 : i32
      %dma_wait3A_542 = tpu.memref_slice %arg6[%dma_wait3A_540, %dma_wait3A_541] : memref<5008x128xf32, #tpu.memory_space<vmem_shared>> -> memref<5008x128xf32, #tpu.memory_space<vmem_shared>>
      tpu.wait_indirect_dma semaphore(%arg14 : memref<!tpu.dma_semaphore, #tpu.memory_space<semaphore_mem>>) src(%dma_wait3A_539 : memref<80x128xf32, #tpu.memory_space<vmem>>) dst(%dma_wait3A_542 : memref<5008x128xf32, #tpu.memory_space<vmem_shared>>)
    }
    %scan3A_7 = arith.constant 50 : i32
    %barrier3A_8 = arith.constant 0 : index
    tpu.barrier barrier_id(%barrier3A_8)
    %eq3A_9 = arith.constant 0 : i32
    %eq3A_10 = arith.cmpi eq, %arg1, %eq3A_9 : i32
    %convert_element_type3A_11 = arith.extui %eq3A_10 : i1 to i32
    %cond3A_12 = arith.constant 0 : i32
    %cond3A_13 = arith.cmpi ne, %convert_element_type3A_11, %cond3A_12 : i32
    scf.if %cond3A_13 {
      "tpu.region"() ({
        %run_scoped3A = tpu.sem_alloc : memref<!tpu.dma_semaphore, #tpu.memory_space<semaphore_mem>>
        %dma_start3A = arith.constant 0 : i32
        %dma_start3A_14 = tpu.memref_slice %arg5[%mul3A_0, %dma_start3A] : memref<10000x128xf32, #tpu.memory_space<hbm>> -> memref<5000x128xf32, #tpu.memory_space<hbm>>
        %dma_start3A_15 = arith.constant 0 : i32
        %dma_start3A_16 = arith.constant 0 : i32
        %dma_start3A_17 = tpu.memref_slice %arg6[%dma_start3A_15, %dma_start3A_16] : memref<5008x128xf32, #tpu.memory_space<vmem_shared>> -> memref<5000x128xf32, #tpu.memory_space<vmem_shared>>
        tpu.enqueue_dma source(%dma_start3A_17 : memref<5000x128xf32, #tpu.memory_space<vmem_shared>>) target(%dma_start3A_14 : memref<5000x128xf32, #tpu.memory_space<hbm>>) target_semaphore(%run_scoped3A : memref<!tpu.dma_semaphore, #tpu.memory_space<semaphore_mem>>)
        %dma_wait3A = arith.constant 0 : i32
        %dma_wait3A_18 = tpu.memref_slice %arg5[%mul3A_0, %dma_wait3A] : memref<10000x128xf32, #tpu.memory_space<hbm>> -> memref<5000x128xf32, #tpu.memory_space<hbm>>
        %dma_wait3A_19 = arith.constant 0 : i32
        %dma_wait3A_20 = arith.constant 0 : i32
        %dma_wait3A_21 = tpu.memref_slice %arg6[%dma_wait3A_19, %dma_wait3A_20] : memref<5008x128xf32, #tpu.memory_space<vmem_shared>> -> memref<5000x128xf32, #tpu.memory_space<vmem_shared>>
        tpu.wait_dma2 semaphore(%run_scoped3A : memref<!tpu.dma_semaphore, #tpu.memory_space<semaphore_mem>>) src(%dma_wait3A_21 : memref<5000x128xf32, #tpu.memory_space<vmem_shared>>) dst(%dma_wait3A_18 : memref<5000x128xf32, #tpu.memory_space<hbm>>)
        tpu.yield
      }) : () -> ()
    } else {
    }
    return
  }
}

#map = affine_map<(d0, d1) -> (0, 0)>
#map1 = affine_map<(d0, d1) -> (0)>
module attributes {stable_mosaic.version = 14 : i64} {
  func.func @_gather_body(%arg0: i32, %arg1: i32, %arg2: memref<10000x128xf32, #tpu.memory_space<hbm>>, %arg3: memref<320000xi32, #tpu.memory_space<hbm>>, %arg4: memref<320000xi32, #tpu.memory_space<hbm>>, %arg5: memref<320000x128xf32, #tpu.memory_space<hbm>>, %arg6: memref<400xi32, #tpu.memory_space<vmem>>, %arg7: memref<400xi32, #tpu.memory_space<vmem>>, %arg8: memref<400x128xf32, #tpu.memory_space<vmem>>, %arg9: memref<400x128xf32, #tpu.memory_space<vmem>>, %arg10: memref<!tpu.dma_semaphore, #tpu.memory_space<semaphore_mem>>, %arg11: memref<!tpu.dma_semaphore, #tpu.memory_space<semaphore_mem>>) attributes {dimension_semantics = [#tpu.dimension_semantics<core_parallel>, #tpu.dimension_semantics<subcore_parallel>], iteration_bounds = array<i64: 2, 16>, scalar_prefetch = 0 : i64, scratch_operands = 6 : i64, tpu.core_type = #tpu.core_type<sc_vector_subcore>, window_params = [{transform_indices = #map}, {transform_indices = #map1}, {transform_indices = #map1}, {transform_indices = #map}]} {
    %mul3A = arith.constant 2 : i32
    %mul3A_0 = arith.muli %arg1, %mul3A : i32
    %add3A = arith.addi %mul3A_0, %arg0 : i32
    %scan3A = arith.constant 0 : i32
    %scan3A_1 = arith.constant 0 : i32
    %scan3A_2 = arith.constant 25 : i32
    %scan3A_3 = arith.addi %scan3A_1, %scan3A_2 : i32
    %scan3A_4 = arith.constant 1 : i32
    scf.for %scan3A_6 = %scan3A_1 to %scan3A_3 step %scan3A_4  : i32 {
      %mul3A_7 = arith.constant 10000 : i32
      %mul3A_8 = arith.muli %add3A, %mul3A_7 : i32
      %mul3A_9 = arith.constant 400 : i32
      %mul3A_10 = arith.muli %scan3A_6, %mul3A_9 : i32
      %add3A_11 = arith.addi %mul3A_8, %mul3A_10 : i32
      "tpu.region"() ({
        %run_scoped3A = tpu.sem_alloc : memref<!tpu.dma_semaphore, #tpu.memory_space<semaphore_mem>>
        %dma_start3A_176 = tpu.memref_slice %arg3[%add3A_11] : memref<320000xi32, #tpu.memory_space<hbm>> -> memref<400xi32, #tpu.memory_space<hbm>>
        %dma_start3A_177 = tpu.memref_slice %arg3[%add3A_11] : memref<320000xi32, #tpu.memory_space<hbm>> -> memref<400xi32, #tpu.memory_space<hbm>>
        tpu.enqueue_dma source(%dma_start3A_177 : memref<400xi32, #tpu.memory_space<hbm>>) target(%arg6 : memref<400xi32, #tpu.memory_space<vmem>>) target_semaphore(%run_scoped3A : memref<!tpu.dma_semaphore, #tpu.memory_space<semaphore_mem>>)
        %dma_wait3A_178 = tpu.memref_slice %arg3[%add3A_11] : memref<320000xi32, #tpu.memory_space<hbm>> -> memref<400xi32, #tpu.memory_space<hbm>>
        %dma_wait3A_179 = tpu.memref_slice %arg3[%add3A_11] : memref<320000xi32, #tpu.memory_space<hbm>> -> memref<400xi32, #tpu.memory_space<hbm>>
        tpu.wait_dma2 semaphore(%run_scoped3A : memref<!tpu.dma_semaphore, #tpu.memory_space<semaphore_mem>>) src(%dma_wait3A_179 : memref<400xi32, #tpu.memory_space<hbm>>) dst(%arg6 : memref<400xi32, #tpu.memory_space<vmem>>)
        tpu.yield
      }) : () -> ()
      "tpu.region"() ({
        %run_scoped3A = tpu.sem_alloc : memref<!tpu.dma_semaphore, #tpu.memory_space<semaphore_mem>>
        %dma_start3A_176 = tpu.memref_slice %arg4[%add3A_11] : memref<320000xi32, #tpu.memory_space<hbm>> -> memref<400xi32, #tpu.memory_space<hbm>>
        %dma_start3A_177 = tpu.memref_slice %arg4[%add3A_11] : memref<320000xi32, #tpu.memory_space<hbm>> -> memref<400xi32, #tpu.memory_space<hbm>>
        tpu.enqueue_dma source(%dma_start3A_177 : memref<400xi32, #tpu.memory_space<hbm>>) target(%arg7 : memref<400xi32, #tpu.memory_space<vmem>>) target_semaphore(%run_scoped3A : memref<!tpu.dma_semaphore, #tpu.memory_space<semaphore_mem>>)
        %dma_wait3A_178 = tpu.memref_slice %arg4[%add3A_11] : memref<320000xi32, #tpu.memory_space<hbm>> -> memref<400xi32, #tpu.memory_space<hbm>>
        %dma_wait3A_179 = tpu.memref_slice %arg4[%add3A_11] : memref<320000xi32, #tpu.memory_space<hbm>> -> memref<400xi32, #tpu.memory_space<hbm>>
        tpu.wait_dma2 semaphore(%run_scoped3A : memref<!tpu.dma_semaphore, #tpu.memory_space<semaphore_mem>>) src(%dma_wait3A_179 : memref<400xi32, #tpu.memory_space<hbm>>) dst(%arg7 : memref<400xi32, #tpu.memory_space<vmem>>)
        tpu.yield
      }) : () -> ()
      %dma_start3A = arith.constant 0 : i32
      %dma_start3A_12 = arith.constant 0 : i32
      %dma_start3A_13 = tpu.memref_slice %arg8[%dma_start3A, %dma_start3A_12] : memref<400x128xf32, #tpu.memory_space<vmem>> -> memref<80x128xf32, #tpu.memory_space<vmem>>
      %dma_start3A_14 = arith.constant 0 : i32
      %dma_start3A_15 = tpu.memref_slice %arg6[%dma_start3A_14] : memref<400xi32, #tpu.memory_space<vmem>> -> memref<80xi32, #tpu.memory_space<vmem>>
      %dma_start3A_16 = arith.constant 0 : i32
      %dma_start3A_17 = arith.constant 0 : i32
      %dma_start3A_18 = tpu.memref_slice %arg2[%dma_start3A_16, %dma_start3A_17] : memref<10000x128xf32, #tpu.memory_space<hbm>> -> memref<10000x128xf32, #tpu.memory_space<hbm>>
      tpu.enqueue_indirect_dma source(%dma_start3A_18 : memref<10000x128xf32, #tpu.memory_space<hbm>>) target(%dma_start3A_13 : memref<80x128xf32, #tpu.memory_space<vmem>>) offsets(%dma_start3A_15 : memref<80xi32, #tpu.memory_space<vmem>>) semaphore(%arg10 : memref<!tpu.dma_semaphore, #tpu.memory_space<semaphore_mem>>)
      %dma_start3A_19 = arith.constant 80 : i32
      %dma_start3A_20 = arith.constant 0 : i32
      %dma_start3A_21 = tpu.memref_slice %arg8[%dma_start3A_19, %dma_start3A_20] : memref<400x128xf32, #tpu.memory_space<vmem>> -> memref<80x128xf32, #tpu.memory_space<vmem>>
      %dma_start3A_22 = arith.constant 80 : i32
      %dma_start3A_23 = tpu.memref_slice %arg6[%dma_start3A_22] : memref<400xi32, #tpu.memory_space<vmem>> -> memref<80xi32, #tpu.memory_space<vmem>>
      %dma_start3A_24 = arith.constant 0 : i32
      %dma_start3A_25 = arith.constant 0 : i32
      %dma_start3A_26 = tpu.memref_slice %arg2[%dma_start3A_24, %dma_start3A_25] : memref<10000x128xf32, #tpu.memory_space<hbm>> -> memref<10000x128xf32, #tpu.memory_space<hbm>>
      tpu.enqueue_indirect_dma source(%dma_start3A_26 : memref<10000x128xf32, #tpu.memory_space<hbm>>) target(%dma_start3A_21 : memref<80x128xf32, #tpu.memory_space<vmem>>) offsets(%dma_start3A_23 : memref<80xi32, #tpu.memory_space<vmem>>) semaphore(%arg10 : memref<!tpu.dma_semaphore, #tpu.memory_space<semaphore_mem>>)
      %dma_start3A_27 = arith.constant 160 : i32
      %dma_start3A_28 = arith.constant 0 : i32
      %dma_start3A_29 = tpu.memref_slice %arg8[%dma_start3A_27, %dma_start3A_28] : memref<400x128xf32, #tpu.memory_space<vmem>> -> memref<80x128xf32, #tpu.memory_space<vmem>>
      %dma_start3A_30 = arith.constant 160 : i32
      %dma_start3A_31 = tpu.memref_slice %arg6[%dma_start3A_30] : memref<400xi32, #tpu.memory_space<vmem>> -> memref<80xi32, #tpu.memory_space<vmem>>
      %dma_start3A_32 = arith.constant 0 : i32
      %dma_start3A_33 = arith.constant 0 : i32
      %dma_start3A_34 = tpu.memref_slice %arg2[%dma_start3A_32, %dma_start3A_33] : memref<10000x128xf32, #tpu.memory_space<hbm>> -> memref<10000x128xf32, #tpu.memory_space<hbm>>
      tpu.enqueue_indirect_dma source(%dma_start3A_34 : memref<10000x128xf32, #tpu.memory_space<hbm>>) target(%dma_start3A_29 : memref<80x128xf32, #tpu.memory_space<vmem>>) offsets(%dma_start3A_31 : memref<80xi32, #tpu.memory_space<vmem>>) semaphore(%arg10 : memref<!tpu.dma_semaphore, #tpu.memory_space<semaphore_mem>>)
      %dma_start3A_35 = arith.constant 240 : i32
      %dma_start3A_36 = arith.constant 0 : i32
      %dma_start3A_37 = tpu.memref_slice %arg8[%dma_start3A_35, %dma_start3A_36] : memref<400x128xf32, #tpu.memory_space<vmem>> -> memref<80x128xf32, #tpu.memory_space<vmem>>
      %dma_start3A_38 = arith.constant 240 : i32
      %dma_start3A_39 = tpu.memref_slice %arg6[%dma_start3A_38] : memref<400xi32, #tpu.memory_space<vmem>> -> memref<80xi32, #tpu.memory_space<vmem>>
      %dma_start3A_40 = arith.constant 0 : i32
      %dma_start3A_41 = arith.constant 0 : i32
      %dma_start3A_42 = tpu.memref_slice %arg2[%dma_start3A_40, %dma_start3A_41] : memref<10000x128xf32, #tpu.memory_space<hbm>> -> memref<10000x128xf32, #tpu.memory_space<hbm>>
      tpu.enqueue_indirect_dma source(%dma_start3A_42 : memref<10000x128xf32, #tpu.memory_space<hbm>>) target(%dma_start3A_37 : memref<80x128xf32, #tpu.memory_space<vmem>>) offsets(%dma_start3A_39 : memref<80xi32, #tpu.memory_space<vmem>>) semaphore(%arg10 : memref<!tpu.dma_semaphore, #tpu.memory_space<semaphore_mem>>)
      %dma_start3A_43 = arith.constant 320 : i32
      %dma_start3A_44 = arith.constant 0 : i32
      %dma_start3A_45 = tpu.memref_slice %arg8[%dma_start3A_43, %dma_start3A_44] : memref<400x128xf32, #tpu.memory_space<vmem>> -> memref<80x128xf32, #tpu.memory_space<vmem>>
      %dma_start3A_46 = arith.constant 320 : i32
      %dma_start3A_47 = tpu.memref_slice %arg6[%dma_start3A_46] : memref<400xi32, #tpu.memory_space<vmem>> -> memref<80xi32, #tpu.memory_space<vmem>>
      %dma_start3A_48 = arith.constant 0 : i32
      %dma_start3A_49 = arith.constant 0 : i32
      %dma_start3A_50 = tpu.memref_slice %arg2[%dma_start3A_48, %dma_start3A_49] : memref<10000x128xf32, #tpu.memory_space<hbm>> -> memref<10000x128xf32, #tpu.memory_space<hbm>>
      tpu.enqueue_indirect_dma source(%dma_start3A_50 : memref<10000x128xf32, #tpu.memory_space<hbm>>) target(%dma_start3A_45 : memref<80x128xf32, #tpu.memory_space<vmem>>) offsets(%dma_start3A_47 : memref<80xi32, #tpu.memory_space<vmem>>) semaphore(%arg10 : memref<!tpu.dma_semaphore, #tpu.memory_space<semaphore_mem>>)
      %dma_start3A_51 = arith.constant 0 : i32
      %dma_start3A_52 = arith.constant 0 : i32
      %dma_start3A_53 = tpu.memref_slice %arg9[%dma_start3A_51, %dma_start3A_52] : memref<400x128xf32, #tpu.memory_space<vmem>> -> memref<80x128xf32, #tpu.memory_space<vmem>>
      %dma_start3A_54 = arith.constant 0 : i32
      %dma_start3A_55 = tpu.memref_slice %arg7[%dma_start3A_54] : memref<400xi32, #tpu.memory_space<vmem>> -> memref<80xi32, #tpu.memory_space<vmem>>
      %dma_start3A_56 = arith.constant 0 : i32
      %dma_start3A_57 = arith.constant 0 : i32
      %dma_start3A_58 = tpu.memref_slice %arg2[%dma_start3A_56, %dma_start3A_57] : memref<10000x128xf32, #tpu.memory_space<hbm>> -> memref<10000x128xf32, #tpu.memory_space<hbm>>
      tpu.enqueue_indirect_dma source(%dma_start3A_58 : memref<10000x128xf32, #tpu.memory_space<hbm>>) target(%dma_start3A_53 : memref<80x128xf32, #tpu.memory_space<vmem>>) offsets(%dma_start3A_55 : memref<80xi32, #tpu.memory_space<vmem>>) semaphore(%arg11 : memref<!tpu.dma_semaphore, #tpu.memory_space<semaphore_mem>>)
      %dma_start3A_59 = arith.constant 80 : i32
      %dma_start3A_60 = arith.constant 0 : i32
      %dma_start3A_61 = tpu.memref_slice %arg9[%dma_start3A_59, %dma_start3A_60] : memref<400x128xf32, #tpu.memory_space<vmem>> -> memref<80x128xf32, #tpu.memory_space<vmem>>
      %dma_start3A_62 = arith.constant 80 : i32
      %dma_start3A_63 = tpu.memref_slice %arg7[%dma_start3A_62] : memref<400xi32, #tpu.memory_space<vmem>> -> memref<80xi32, #tpu.memory_space<vmem>>
      %dma_start3A_64 = arith.constant 0 : i32
      %dma_start3A_65 = arith.constant 0 : i32
      %dma_start3A_66 = tpu.memref_slice %arg2[%dma_start3A_64, %dma_start3A_65] : memref<10000x128xf32, #tpu.memory_space<hbm>> -> memref<10000x128xf32, #tpu.memory_space<hbm>>
      tpu.enqueue_indirect_dma source(%dma_start3A_66 : memref<10000x128xf32, #tpu.memory_space<hbm>>) target(%dma_start3A_61 : memref<80x128xf32, #tpu.memory_space<vmem>>) offsets(%dma_start3A_63 : memref<80xi32, #tpu.memory_space<vmem>>) semaphore(%arg11 : memref<!tpu.dma_semaphore, #tpu.memory_space<semaphore_mem>>)
      %dma_start3A_67 = arith.constant 160 : i32
      %dma_start3A_68 = arith.constant 0 : i32
      %dma_start3A_69 = tpu.memref_slice %arg9[%dma_start3A_67, %dma_start3A_68] : memref<400x128xf32, #tpu.memory_space<vmem>> -> memref<80x128xf32, #tpu.memory_space<vmem>>
      %dma_start3A_70 = arith.constant 160 : i32
      %dma_start3A_71 = tpu.memref_slice %arg7[%dma_start3A_70] : memref<400xi32, #tpu.memory_space<vmem>> -> memref<80xi32, #tpu.memory_space<vmem>>
      %dma_start3A_72 = arith.constant 0 : i32
      %dma_start3A_73 = arith.constant 0 : i32
      %dma_start3A_74 = tpu.memref_slice %arg2[%dma_start3A_72, %dma_start3A_73] : memref<10000x128xf32, #tpu.memory_space<hbm>> -> memref<10000x128xf32, #tpu.memory_space<hbm>>
      tpu.enqueue_indirect_dma source(%dma_start3A_74 : memref<10000x128xf32, #tpu.memory_space<hbm>>) target(%dma_start3A_69 : memref<80x128xf32, #tpu.memory_space<vmem>>) offsets(%dma_start3A_71 : memref<80xi32, #tpu.memory_space<vmem>>) semaphore(%arg11 : memref<!tpu.dma_semaphore, #tpu.memory_space<semaphore_mem>>)
      %dma_start3A_75 = arith.constant 240 : i32
      %dma_start3A_76 = arith.constant 0 : i32
      %dma_start3A_77 = tpu.memref_slice %arg9[%dma_start3A_75, %dma_start3A_76] : memref<400x128xf32, #tpu.memory_space<vmem>> -> memref<80x128xf32, #tpu.memory_space<vmem>>
      %dma_start3A_78 = arith.constant 240 : i32
      %dma_start3A_79 = tpu.memref_slice %arg7[%dma_start3A_78] : memref<400xi32, #tpu.memory_space<vmem>> -> memref<80xi32, #tpu.memory_space<vmem>>
      %dma_start3A_80 = arith.constant 0 : i32
      %dma_start3A_81 = arith.constant 0 : i32
      %dma_start3A_82 = tpu.memref_slice %arg2[%dma_start3A_80, %dma_start3A_81] : memref<10000x128xf32, #tpu.memory_space<hbm>> -> memref<10000x128xf32, #tpu.memory_space<hbm>>
      tpu.enqueue_indirect_dma source(%dma_start3A_82 : memref<10000x128xf32, #tpu.memory_space<hbm>>) target(%dma_start3A_77 : memref<80x128xf32, #tpu.memory_space<vmem>>) offsets(%dma_start3A_79 : memref<80xi32, #tpu.memory_space<vmem>>) semaphore(%arg11 : memref<!tpu.dma_semaphore, #tpu.memory_space<semaphore_mem>>)
      %dma_start3A_83 = arith.constant 320 : i32
      %dma_start3A_84 = arith.constant 0 : i32
      %dma_start3A_85 = tpu.memref_slice %arg9[%dma_start3A_83, %dma_start3A_84] : memref<400x128xf32, #tpu.memory_space<vmem>> -> memref<80x128xf32, #tpu.memory_space<vmem>>
      %dma_start3A_86 = arith.constant 320 : i32
      %dma_start3A_87 = tpu.memref_slice %arg7[%dma_start3A_86] : memref<400xi32, #tpu.memory_space<vmem>> -> memref<80xi32, #tpu.memory_space<vmem>>
      %dma_start3A_88 = arith.constant 0 : i32
      %dma_start3A_89 = arith.constant 0 : i32
      %dma_start3A_90 = tpu.memref_slice %arg2[%dma_start3A_88, %dma_start3A_89] : memref<10000x128xf32, #tpu.memory_space<hbm>> -> memref<10000x128xf32, #tpu.memory_space<hbm>>
      tpu.enqueue_indirect_dma source(%dma_start3A_90 : memref<10000x128xf32, #tpu.memory_space<hbm>>) target(%dma_start3A_85 : memref<80x128xf32, #tpu.memory_space<vmem>>) offsets(%dma_start3A_87 : memref<80xi32, #tpu.memory_space<vmem>>) semaphore(%arg11 : memref<!tpu.dma_semaphore, #tpu.memory_space<semaphore_mem>>)
      %dma_wait3A = arith.constant 0 : i32
      %dma_wait3A_91 = arith.constant 0 : i32
      %dma_wait3A_92 = tpu.memref_slice %arg8[%dma_wait3A, %dma_wait3A_91] : memref<400x128xf32, #tpu.memory_space<vmem>> -> memref<80x128xf32, #tpu.memory_space<vmem>>
      %dma_wait3A_93 = arith.constant 0 : i32
      %dma_wait3A_94 = tpu.memref_slice %arg6[%dma_wait3A_93] : memref<400xi32, #tpu.memory_space<vmem>> -> memref<80xi32, #tpu.memory_space<vmem>>
      %dma_wait3A_95 = arith.constant 0 : i32
      %dma_wait3A_96 = arith.constant 0 : i32
      %dma_wait3A_97 = tpu.memref_slice %arg2[%dma_wait3A_95, %dma_wait3A_96] : memref<10000x128xf32, #tpu.memory_space<hbm>> -> memref<10000x128xf32, #tpu.memory_space<hbm>>
      tpu.wait_indirect_dma semaphore(%arg10 : memref<!tpu.dma_semaphore, #tpu.memory_space<semaphore_mem>>) src(%dma_wait3A_97 : memref<10000x128xf32, #tpu.memory_space<hbm>>) dst(%dma_wait3A_92 : memref<80x128xf32, #tpu.memory_space<vmem>>)
      %dma_wait3A_98 = arith.constant 80 : i32
      %dma_wait3A_99 = arith.constant 0 : i32
      %dma_wait3A_100 = tpu.memref_slice %arg8[%dma_wait3A_98, %dma_wait3A_99] : memref<400x128xf32, #tpu.memory_space<vmem>> -> memref<80x128xf32, #tpu.memory_space<vmem>>
      %dma_wait3A_101 = arith.constant 80 : i32
      %dma_wait3A_102 = tpu.memref_slice %arg6[%dma_wait3A_101] : memref<400xi32, #tpu.memory_space<vmem>> -> memref<80xi32, #tpu.memory_space<vmem>>
      %dma_wait3A_103 = arith.constant 0 : i32
      %dma_wait3A_104 = arith.constant 0 : i32
      %dma_wait3A_105 = tpu.memref_slice %arg2[%dma_wait3A_103, %dma_wait3A_104] : memref<10000x128xf32, #tpu.memory_space<hbm>> -> memref<10000x128xf32, #tpu.memory_space<hbm>>
      tpu.wait_indirect_dma semaphore(%arg10 : memref<!tpu.dma_semaphore, #tpu.memory_space<semaphore_mem>>) src(%dma_wait3A_105 : memref<10000x128xf32, #tpu.memory_space<hbm>>) dst(%dma_wait3A_100 : memref<80x128xf32, #tpu.memory_space<vmem>>)
      %dma_wait3A_106 = arith.constant 160 : i32
      %dma_wait3A_107 = arith.constant 0 : i32
      %dma_wait3A_108 = tpu.memref_slice %arg8[%dma_wait3A_106, %dma_wait3A_107] : memref<400x128xf32, #tpu.memory_space<vmem>> -> memref<80x128xf32, #tpu.memory_space<vmem>>
      %dma_wait3A_109 = arith.constant 160 : i32
      %dma_wait3A_110 = tpu.memref_slice %arg6[%dma_wait3A_109] : memref<400xi32, #tpu.memory_space<vmem>> -> memref<80xi32, #tpu.memory_space<vmem>>
      %dma_wait3A_111 = arith.constant 0 : i32
      %dma_wait3A_112 = arith.constant 0 : i32
      %dma_wait3A_113 = tpu.memref_slice %arg2[%dma_wait3A_111, %dma_wait3A_112] : memref<10000x128xf32, #tpu.memory_space<hbm>> -> memref<10000x128xf32, #tpu.memory_space<hbm>>
      tpu.wait_indirect_dma semaphore(%arg10 : memref<!tpu.dma_semaphore, #tpu.memory_space<semaphore_mem>>) src(%dma_wait3A_113 : memref<10000x128xf32, #tpu.memory_space<hbm>>) dst(%dma_wait3A_108 : memref<80x128xf32, #tpu.memory_space<vmem>>)
      %dma_wait3A_114 = arith.constant 240 : i32
      %dma_wait3A_115 = arith.constant 0 : i32
      %dma_wait3A_116 = tpu.memref_slice %arg8[%dma_wait3A_114, %dma_wait3A_115] : memref<400x128xf32, #tpu.memory_space<vmem>> -> memref<80x128xf32, #tpu.memory_space<vmem>>
      %dma_wait3A_117 = arith.constant 240 : i32
      %dma_wait3A_118 = tpu.memref_slice %arg6[%dma_wait3A_117] : memref<400xi32, #tpu.memory_space<vmem>> -> memref<80xi32, #tpu.memory_space<vmem>>
      %dma_wait3A_119 = arith.constant 0 : i32
      %dma_wait3A_120 = arith.constant 0 : i32
      %dma_wait3A_121 = tpu.memref_slice %arg2[%dma_wait3A_119, %dma_wait3A_120] : memref<10000x128xf32, #tpu.memory_space<hbm>> -> memref<10000x128xf32, #tpu.memory_space<hbm>>
      tpu.wait_indirect_dma semaphore(%arg10 : memref<!tpu.dma_semaphore, #tpu.memory_space<semaphore_mem>>) src(%dma_wait3A_121 : memref<10000x128xf32, #tpu.memory_space<hbm>>) dst(%dma_wait3A_116 : memref<80x128xf32, #tpu.memory_space<vmem>>)
      %dma_wait3A_122 = arith.constant 320 : i32
      %dma_wait3A_123 = arith.constant 0 : i32
      %dma_wait3A_124 = tpu.memref_slice %arg8[%dma_wait3A_122, %dma_wait3A_123] : memref<400x128xf32, #tpu.memory_space<vmem>> -> memref<80x128xf32, #tpu.memory_space<vmem>>
      %dma_wait3A_125 = arith.constant 320 : i32
      %dma_wait3A_126 = tpu.memref_slice %arg6[%dma_wait3A_125] : memref<400xi32, #tpu.memory_space<vmem>> -> memref<80xi32, #tpu.memory_space<vmem>>
      %dma_wait3A_127 = arith.constant 0 : i32
      %dma_wait3A_128 = arith.constant 0 : i32
      %dma_wait3A_129 = tpu.memref_slice %arg2[%dma_wait3A_127, %dma_wait3A_128] : memref<10000x128xf32, #tpu.memory_space<hbm>> -> memref<10000x128xf32, #tpu.memory_space<hbm>>
      tpu.wait_indirect_dma semaphore(%arg10 : memref<!tpu.dma_semaphore, #tpu.memory_space<semaphore_mem>>) src(%dma_wait3A_129 : memref<10000x128xf32, #tpu.memory_space<hbm>>) dst(%dma_wait3A_124 : memref<80x128xf32, #tpu.memory_space<vmem>>)
      %dma_wait3A_130 = arith.constant 0 : i32
      %dma_wait3A_131 = arith.constant 0 : i32
      %dma_wait3A_132 = tpu.memref_slice %arg9[%dma_wait3A_130, %dma_wait3A_131] : memref<400x128xf32, #tpu.memory_space<vmem>> -> memref<80x128xf32, #tpu.memory_space<vmem>>
      %dma_wait3A_133 = arith.constant 0 : i32
      %dma_wait3A_134 = tpu.memref_slice %arg7[%dma_wait3A_133] : memref<400xi32, #tpu.memory_space<vmem>> -> memref<80xi32, #tpu.memory_space<vmem>>
      %dma_wait3A_135 = arith.constant 0 : i32
      %dma_wait3A_136 = arith.constant 0 : i32
      %dma_wait3A_137 = tpu.memref_slice %arg2[%dma_wait3A_135, %dma_wait3A_136] : memref<10000x128xf32, #tpu.memory_space<hbm>> -> memref<10000x128xf32, #tpu.memory_space<hbm>>
      tpu.wait_indirect_dma semaphore(%arg11 : memref<!tpu.dma_semaphore, #tpu.memory_space<semaphore_mem>>) src(%dma_wait3A_137 : memref<10000x128xf32, #tpu.memory_space<hbm>>) dst(%dma_wait3A_132 : memref<80x128xf32, #tpu.memory_space<vmem>>)
      %dma_wait3A_138 = arith.constant 80 : i32
      %dma_wait3A_139 = arith.constant 0 : i32
      %dma_wait3A_140 = tpu.memref_slice %arg9[%dma_wait3A_138, %dma_wait3A_139] : memref<400x128xf32, #tpu.memory_space<vmem>> -> memref<80x128xf32, #tpu.memory_space<vmem>>
      %dma_wait3A_141 = arith.constant 80 : i32
      %dma_wait3A_142 = tpu.memref_slice %arg7[%dma_wait3A_141] : memref<400xi32, #tpu.memory_space<vmem>> -> memref<80xi32, #tpu.memory_space<vmem>>
      %dma_wait3A_143 = arith.constant 0 : i32
      %dma_wait3A_144 = arith.constant 0 : i32
      %dma_wait3A_145 = tpu.memref_slice %arg2[%dma_wait3A_143, %dma_wait3A_144] : memref<10000x128xf32, #tpu.memory_space<hbm>> -> memref<10000x128xf32, #tpu.memory_space<hbm>>
      tpu.wait_indirect_dma semaphore(%arg11 : memref<!tpu.dma_semaphore, #tpu.memory_space<semaphore_mem>>) src(%dma_wait3A_145 : memref<10000x128xf32, #tpu.memory_space<hbm>>) dst(%dma_wait3A_140 : memref<80x128xf32, #tpu.memory_space<vmem>>)
      %dma_wait3A_146 = arith.constant 160 : i32
      %dma_wait3A_147 = arith.constant 0 : i32
      %dma_wait3A_148 = tpu.memref_slice %arg9[%dma_wait3A_146, %dma_wait3A_147] : memref<400x128xf32, #tpu.memory_space<vmem>> -> memref<80x128xf32, #tpu.memory_space<vmem>>
      %dma_wait3A_149 = arith.constant 160 : i32
      %dma_wait3A_150 = tpu.memref_slice %arg7[%dma_wait3A_149] : memref<400xi32, #tpu.memory_space<vmem>> -> memref<80xi32, #tpu.memory_space<vmem>>
      %dma_wait3A_151 = arith.constant 0 : i32
      %dma_wait3A_152 = arith.constant 0 : i32
      %dma_wait3A_153 = tpu.memref_slice %arg2[%dma_wait3A_151, %dma_wait3A_152] : memref<10000x128xf32, #tpu.memory_space<hbm>> -> memref<10000x128xf32, #tpu.memory_space<hbm>>
      tpu.wait_indirect_dma semaphore(%arg11 : memref<!tpu.dma_semaphore, #tpu.memory_space<semaphore_mem>>) src(%dma_wait3A_153 : memref<10000x128xf32, #tpu.memory_space<hbm>>) dst(%dma_wait3A_148 : memref<80x128xf32, #tpu.memory_space<vmem>>)
      %dma_wait3A_154 = arith.constant 240 : i32
      %dma_wait3A_155 = arith.constant 0 : i32
      %dma_wait3A_156 = tpu.memref_slice %arg9[%dma_wait3A_154, %dma_wait3A_155] : memref<400x128xf32, #tpu.memory_space<vmem>> -> memref<80x128xf32, #tpu.memory_space<vmem>>
      %dma_wait3A_157 = arith.constant 240 : i32
      %dma_wait3A_158 = tpu.memref_slice %arg7[%dma_wait3A_157] : memref<400xi32, #tpu.memory_space<vmem>> -> memref<80xi32, #tpu.memory_space<vmem>>
      %dma_wait3A_159 = arith.constant 0 : i32
      %dma_wait3A_160 = arith.constant 0 : i32
      %dma_wait3A_161 = tpu.memref_slice %arg2[%dma_wait3A_159, %dma_wait3A_160] : memref<10000x128xf32, #tpu.memory_space<hbm>> -> memref<10000x128xf32, #tpu.memory_space<hbm>>
      tpu.wait_indirect_dma semaphore(%arg11 : memref<!tpu.dma_semaphore, #tpu.memory_space<semaphore_mem>>) src(%dma_wait3A_161 : memref<10000x128xf32, #tpu.memory_space<hbm>>) dst(%dma_wait3A_156 : memref<80x128xf32, #tpu.memory_space<vmem>>)
      %dma_wait3A_162 = arith.constant 320 : i32
      %dma_wait3A_163 = arith.constant 0 : i32
      %dma_wait3A_164 = tpu.memref_slice %arg9[%dma_wait3A_162, %dma_wait3A_163] : memref<400x128xf32, #tpu.memory_space<vmem>> -> memref<80x128xf32, #tpu.memory_space<vmem>>
      %dma_wait3A_165 = arith.constant 320 : i32
      %dma_wait3A_166 = tpu.memref_slice %arg7[%dma_wait3A_165] : memref<400xi32, #tpu.memory_space<vmem>> -> memref<80xi32, #tpu.memory_space<vmem>>
      %dma_wait3A_167 = arith.constant 0 : i32
      %dma_wait3A_168 = arith.constant 0 : i32
      %dma_wait3A_169 = tpu.memref_slice %arg2[%dma_wait3A_167, %dma_wait3A_168] : memref<10000x128xf32, #tpu.memory_space<hbm>> -> memref<10000x128xf32, #tpu.memory_space<hbm>>
      tpu.wait_indirect_dma semaphore(%arg11 : memref<!tpu.dma_semaphore, #tpu.memory_space<semaphore_mem>>) src(%dma_wait3A_169 : memref<10000x128xf32, #tpu.memory_space<hbm>>) dst(%dma_wait3A_164 : memref<80x128xf32, #tpu.memory_space<vmem>>)
      %scan3A_170 = arith.constant 0 : i32
      %scan3A_171 = arith.constant 0 : i32
      %scan3A_172 = arith.constant 400 : i32
      %scan3A_173 = arith.addi %scan3A_171, %scan3A_172 : i32
      %scan3A_174 = arith.constant 1 : i32
      scf.for %scan3A_176 = %scan3A_171 to %scan3A_173 step %scan3A_174  : i32 {
        %get3A = arith.index_cast %scan3A_176 : i32 to index
        %get3A_177 = arith.constant 64 : index
        %get3A_178 = tpu.vector_load %arg9[%get3A, %get3A_177] {strides = array<i32>} : memref<400x128xf32, #tpu.memory_space<vmem>>, vector<1x16xf32>,
        %get3A_179 = vector.shape_cast %get3A_178 : vector<1x16xf32> to vector<16xf32>
        %swap3A = arith.index_cast %scan3A_176 : i32 to index
        %swap3A_180 = arith.constant 64 : index
        %swap3A_181 = tpu.vector_load %arg8[%swap3A, %swap3A_180] {strides = array<i32>} : memref<400x128xf32, #tpu.memory_space<vmem>>, vector<1x16xf32>,
        %swap3A_182 = vector.shape_cast %swap3A_181 : vector<1x16xf32> to vector<16xf32>
        %swap3A_183 = vector.shape_cast %get3A_179 : vector<16xf32> to vector<1x16xf32>
        tpu.vector_store %arg8[%swap3A, %swap3A_180], %swap3A_183 {strides = array<i32>} : memref<400x128xf32, #tpu.memory_space<vmem>>, vector<1x16xf32>,
        %get3A_184 = arith.index_cast %scan3A_176 : i32 to index
        %get3A_185 = arith.constant 80 : index
        %get3A_186 = tpu.vector_load %arg9[%get3A_184, %get3A_185] {strides = array<i32>} : memref<400x128xf32, #tpu.memory_space<vmem>>, vector<1x16xf32>,
        %get3A_187 = vector.shape_cast %get3A_186 : vector<1x16xf32> to vector<16xf32>
        %swap3A_188 = arith.index_cast %scan3A_176 : i32 to index
        %swap3A_189 = arith.constant 80 : index
        %swap3A_190 = tpu.vector_load %arg8[%swap3A_188, %swap3A_189] {strides = array<i32>} : memref<400x128xf32, #tpu.memory_space<vmem>>, vector<1x16xf32>,
        %swap3A_191 = vector.shape_cast %swap3A_190 : vector<1x16xf32> to vector<16xf32>
        %swap3A_192 = vector.shape_cast %get3A_187 : vector<16xf32> to vector<1x16xf32>
        tpu.vector_store %arg8[%swap3A_188, %swap3A_189], %swap3A_192 {strides = array<i32>} : memref<400x128xf32, #tpu.memory_space<vmem>>, vector<1x16xf32>,
        %get3A_193 = arith.index_cast %scan3A_176 : i32 to index
        %get3A_194 = arith.constant 96 : index
        %get3A_195 = tpu.vector_load %arg9[%get3A_193, %get3A_194] {strides = array<i32>} : memref<400x128xf32, #tpu.memory_space<vmem>>, vector<1x16xf32>,
        %get3A_196 = vector.shape_cast %get3A_195 : vector<1x16xf32> to vector<16xf32>
        %swap3A_197 = arith.index_cast %scan3A_176 : i32 to index
        %swap3A_198 = arith.constant 96 : index
        %swap3A_199 = tpu.vector_load %arg8[%swap3A_197, %swap3A_198] {strides = array<i32>} : memref<400x128xf32, #tpu.memory_space<vmem>>, vector<1x16xf32>,
        %swap3A_200 = vector.shape_cast %swap3A_199 : vector<1x16xf32> to vector<16xf32>
        %swap3A_201 = vector.shape_cast %get3A_196 : vector<16xf32> to vector<1x16xf32>
        tpu.vector_store %arg8[%swap3A_197, %swap3A_198], %swap3A_201 {strides = array<i32>} : memref<400x128xf32, #tpu.memory_space<vmem>>, vector<1x16xf32>,
        %get3A_202 = arith.index_cast %scan3A_176 : i32 to index
        %get3A_203 = arith.constant 112 : index
        %get3A_204 = tpu.vector_load %arg9[%get3A_202, %get3A_203] {strides = array<i32>} : memref<400x128xf32, #tpu.memory_space<vmem>>, vector<1x16xf32>,
        %get3A_205 = vector.shape_cast %get3A_204 : vector<1x16xf32> to vector<16xf32>
        %swap3A_206 = arith.index_cast %scan3A_176 : i32 to index
        %swap3A_207 = arith.constant 112 : index
        %swap3A_208 = tpu.vector_load %arg8[%swap3A_206, %swap3A_207] {strides = array<i32>} : memref<400x128xf32, #tpu.memory_space<vmem>>, vector<1x16xf32>,
        %swap3A_209 = vector.shape_cast %swap3A_208 : vector<1x16xf32> to vector<16xf32>
        %swap3A_210 = vector.shape_cast %get3A_205 : vector<16xf32> to vector<1x16xf32>
        tpu.vector_store %arg8[%swap3A_206, %swap3A_207], %swap3A_210 {strides = array<i32>} : memref<400x128xf32, #tpu.memory_space<vmem>>, vector<1x16xf32>,
      }
      %scan3A_175 = arith.constant 400 : i32
      "tpu.region"() ({
        %run_scoped3A = tpu.sem_alloc : memref<!tpu.dma_semaphore, #tpu.memory_space<semaphore_mem>>
        %dma_start3A_176 = arith.constant 0 : i32
        %dma_start3A_177 = tpu.memref_slice %arg5[%add3A_11, %dma_start3A_176] : memref<320000x128xf32, #tpu.memory_space<hbm>> -> memref<400x128xf32, #tpu.memory_space<hbm>>
        %dma_start3A_178 = arith.constant 0 : i32
        %dma_start3A_179 = tpu.memref_slice %arg5[%add3A_11, %dma_start3A_178] : memref<320000x128xf32, #tpu.memory_space<hbm>> -> memref<400x128xf32, #tpu.memory_space<hbm>>
        tpu.enqueue_dma source(%arg8 : memref<400x128xf32, #tpu.memory_space<vmem>>) target(%dma_start3A_179 : memref<400x128xf32, #tpu.memory_space<hbm>>) target_semaphore(%run_scoped3A : memref<!tpu.dma_semaphore, #tpu.memory_space<semaphore_mem>>)
        %dma_wait3A_180 = arith.constant 0 : i32
        %dma_wait3A_181 = tpu.memref_slice %arg5[%add3A_11, %dma_wait3A_180] : memref<320000x128xf32, #tpu.memory_space<hbm>> -> memref<400x128xf32, #tpu.memory_space<hbm>>
        %dma_wait3A_182 = arith.constant 0 : i32
        %dma_wait3A_183 = tpu.memref_slice %arg5[%add3A_11, %dma_wait3A_182] : memref<320000x128xf32, #tpu.memory_space<hbm>> -> memref<400x128xf32, #tpu.memory_space<hbm>>
        tpu.wait_dma2 semaphore(%run_scoped3A : memref<!tpu.dma_semaphore, #tpu.memory_space<semaphore_mem>>) src(%arg8 : memref<400x128xf32, #tpu.memory_space<vmem>>) dst(%dma_wait3A_183 : memref<400x128xf32, #tpu.memory_space<hbm>>)
        tpu.yield
      }) : () -> ()
    }
    %scan3A_5 = arith.constant 25 : i32
    return
  }
}

#map = affine_map<(d0, d1) -> (0, 0)>
#map1 = affine_map<(d0, d1) -> (0)>
module attributes {stable_mosaic.version = 14 : i64} {
  func.func @_scatter_body(%arg0: i32, %arg1: i32, %arg2: memref<320000x128xf32, #tpu.memory_space<hbm>>, %arg3: memref<320000xi32, #tpu.memory_space<hbm>>, %arg4: memref<5008x128xf32, #tpu.memory_space<hbm>>, %arg5: memref<10000x128xf32, #tpu.memory_space<hbm>>, %arg6: memref<5008x128xf32, #tpu.memory_space<vmem_shared>>, %arg7: memref<400xi32, #tpu.memory_space<vmem>>, %arg8: memref<400x128xf32, #tpu.memory_space<vmem>>, %arg9: memref<80xi32, #tpu.memory_space<vmem>>, %arg10: memref<80xi32, #tpu.memory_space<vmem>>, %arg11: memref<80xi32, #tpu.memory_space<vmem>>, %arg12: memref<80xi32, #tpu.memory_space<vmem>>, %arg13: memref<80xi32, #tpu.memory_space<vmem>>, %arg14: memref<!tpu.dma_semaphore, #tpu.memory_space<semaphore_mem>>) attributes {dimension_semantics = [#tpu.dimension_semantics<core_parallel>, #tpu.dimension_semantics<subcore_parallel>], iteration_bounds = array<i64: 2, 16>, scalar_prefetch = 0 : i64, scratch_operands = 9 : i64, tpu.core_type = #tpu.core_type<sc_vector_subcore>, window_params = [{transform_indices = #map}, {transform_indices = #map1}, {transform_indices = #map}, {transform_indices = #map}]} {
    %mul3A = arith.constant 5000 : i32
    %mul3A_0 = arith.muli %arg0, %mul3A : i32
    %eq3A = arith.constant 0 : i32
    %eq3A_1 = arith.cmpi eq, %arg1, %eq3A : i32
    %convert_element_type3A = arith.extui %eq3A_1 : i1 to i32
    %cond3A = arith.constant 0 : i32
    %cond3A_2 = arith.cmpi ne, %convert_element_type3A, %cond3A : i32
    scf.if %cond3A_2 {
      "tpu.region"() ({
        %run_scoped3A = tpu.sem_alloc : memref<!tpu.dma_semaphore, #tpu.memory_space<semaphore_mem>>
        tpu.enqueue_dma source(%arg4 : memref<5008x128xf32, #tpu.memory_space<hbm>>) target(%arg6 : memref<5008x128xf32, #tpu.memory_space<vmem_shared>>) target_semaphore(%run_scoped3A : memref<!tpu.dma_semaphore, #tpu.memory_space<semaphore_mem>>)
        tpu.wait_dma2 semaphore(%run_scoped3A : memref<!tpu.dma_semaphore, #tpu.memory_space<semaphore_mem>>) src(%arg4 : memref<5008x128xf32, #tpu.memory_space<hbm>>) dst(%arg6 : memref<5008x128xf32, #tpu.memory_space<vmem_shared>>)
        tpu.yield
      }) : () -> ()
    } else {
    }
    %barrier3A = arith.constant 0 : index
    tpu.barrier barrier_id(%barrier3A)
    %scan3A = arith.constant 0 : i32
    %scan3A_3 = arith.constant 0 : i32
    %scan3A_4 = arith.constant 50 : i32
    %scan3A_5 = arith.addi %scan3A_3, %scan3A_4 : i32
    %scan3A_6 = arith.constant 1 : i32
    scf.for %scan3A_14 = %scan3A_3 to %scan3A_5 step %scan3A_6  : i32 {
      %mul3A_15 = arith.constant 20000 : i32
      %mul3A_16 = arith.muli %arg1, %mul3A_15 : i32
      %mul3A_17 = arith.constant 400 : i32
      %mul3A_18 = arith.muli %scan3A_14, %mul3A_17 : i32
      %add3A = arith.addi %mul3A_16, %mul3A_18 : i32
      "tpu.region"() ({
        %run_scoped3A = tpu.sem_alloc : memref<!tpu.dma_semaphore, #tpu.memory_space<semaphore_mem>>
        %dma_start3A_543 = tpu.memref_slice %arg3[%add3A] : memref<320000xi32, #tpu.memory_space<hbm>> -> memref<400xi32, #tpu.memory_space<hbm>>
        %dma_start3A_544 = tpu.memref_slice %arg3[%add3A] : memref<320000xi32, #tpu.memory_space<hbm>> -> memref<400xi32, #tpu.memory_space<hbm>>
        tpu.enqueue_dma source(%dma_start3A_544 : memref<400xi32, #tpu.memory_space<hbm>>) target(%arg7 : memref<400xi32, #tpu.memory_space<vmem>>) target_semaphore(%run_scoped3A : memref<!tpu.dma_semaphore, #tpu.memory_space<semaphore_mem>>)
        %dma_wait3A_545 = tpu.memref_slice %arg3[%add3A] : memref<320000xi32, #tpu.memory_space<hbm>> -> memref<400xi32, #tpu.memory_space<hbm>>
        %dma_wait3A_546 = tpu.memref_slice %arg3[%add3A] : memref<320000xi32, #tpu.memory_space<hbm>> -> memref<400xi32, #tpu.memory_space<hbm>>
        tpu.wait_dma2 semaphore(%run_scoped3A : memref<!tpu.dma_semaphore, #tpu.memory_space<semaphore_mem>>) src(%dma_wait3A_546 : memref<400xi32, #tpu.memory_space<hbm>>) dst(%arg7 : memref<400xi32, #tpu.memory_space<vmem>>)
        tpu.yield
      }) : () -> ()
      "tpu.region"() ({
        %run_scoped3A = tpu.sem_alloc : memref<!tpu.dma_semaphore, #tpu.memory_space<semaphore_mem>>
        %dma_start3A_543 = arith.constant 0 : i32
        %dma_start3A_544 = tpu.memref_slice %arg2[%add3A, %dma_start3A_543] : memref<320000x128xf32, #tpu.memory_space<hbm>> -> memref<400x128xf32, #tpu.memory_space<hbm>>
        %dma_start3A_545 = arith.constant 0 : i32
        %dma_start3A_546 = tpu.memref_slice %arg2[%add3A, %dma_start3A_545] : memref<320000x128xf32, #tpu.memory_space<hbm>> -> memref<400x128xf32, #tpu.memory_space<hbm>>
        tpu.enqueue_dma source(%dma_start3A_546 : memref<400x128xf32, #tpu.memory_space<hbm>>) target(%arg8 : memref<400x128xf32, #tpu.memory_space<vmem>>) target_semaphore(%run_scoped3A : memref<!tpu.dma_semaphore, #tpu.memory_space<semaphore_mem>>)
        %dma_wait3A_547 = arith.constant 0 : i32
        %dma_wait3A_548 = tpu.memref_slice %arg2[%add3A, %dma_wait3A_547] : memref<320000x128xf32, #tpu.memory_space<hbm>> -> memref<400x128xf32, #tpu.memory_space<hbm>>
        %dma_wait3A_549 = arith.constant 0 : i32
        %dma_wait3A_550 = tpu.memref_slice %arg2[%add3A, %dma_wait3A_549] : memref<320000x128xf32, #tpu.memory_space<hbm>> -> memref<400x128xf32, #tpu.memory_space<hbm>>
        tpu.wait_dma2 semaphore(%run_scoped3A : memref<!tpu.dma_semaphore, #tpu.memory_space<semaphore_mem>>) src(%dma_wait3A_550 : memref<400x128xf32, #tpu.memory_space<hbm>>) dst(%arg8 : memref<400x128xf32, #tpu.memory_space<vmem>>)
        tpu.yield
      }) : () -> ()
      %get3A = arith.constant 0 : index
      %get3A_19 = tpu.vector_load %arg7[%get3A] {strides = array<i32>} : memref<400xi32, #tpu.memory_space<vmem>>, vector<16xi32>,
      %get3A_20 = vector.shape_cast %get3A_19 : vector<16xi32> to vector<16xi32>
      %sub3A = vector.broadcast %mul3A_0 : i32 to vector<16xi32>
      %sub3A_21 = arith.subi %get3A_20, %sub3A : vector<16xi32>
      %lt3A = arith.constant 0 : i32
      %lt3A_22 = vector.broadcast %lt3A : i32 to vector<16xi32>
      %lt3A_23 = arith.cmpi slt, %sub3A_21, %lt3A_22 : vector<16xi32>
      %ge3A = arith.constant 5000 : i32
      %ge3A_24 = vector.broadcast %ge3A : i32 to vector<16xi32>
      %ge3A_25 = arith.cmpi sge, %sub3A_21, %ge3A_24 : vector<16xi32>
      %or3A = arith.ori %lt3A_23, %ge3A_25 : vector<16xi1>
      %jit3A = arith.constant 5000 : i32
      %broadcast_in_dim3A = vector.broadcast %jit3A : i32 to vector<16xi32>
      %select_n3A = arith.select %or3A, %broadcast_in_dim3A, %sub3A_21 : vector<16xi1>, vector<16xi32>
      %swap3A = arith.constant 0 : index
      %swap3A_26 = tpu.vector_load %arg9[%swap3A] {strides = array<i32>} : memref<80xi32, #tpu.memory_space<vmem>>, vector<16xi32>,
      %swap3A_27 = vector.shape_cast %swap3A_26 : vector<16xi32> to vector<16xi32>
      %swap3A_28 = vector.shape_cast %select_n3A : vector<16xi32> to vector<16xi32>
      tpu.vector_store %arg9[%swap3A], %swap3A_28 {strides = array<i32>} : memref<80xi32, #tpu.memory_space<vmem>>, vector<16xi32>,
      %get3A_29 = arith.constant 16 : index
      %get3A_30 = tpu.vector_load %arg7[%get3A_29] {strides = array<i32>} : memref<400xi32, #tpu.memory_space<vmem>>, vector<16xi32>,
      %get3A_31 = vector.shape_cast %get3A_30 : vector<16xi32> to vector<16xi32>
      %sub3A_32 = vector.broadcast %mul3A_0 : i32 to vector<16xi32>
      %sub3A_33 = arith.subi %get3A_31, %sub3A_32 : vector<16xi32>
      %lt3A_34 = arith.constant 0 : i32
      %lt3A_35 = vector.broadcast %lt3A_34 : i32 to vector<16xi32>
      %lt3A_36 = arith.cmpi slt, %sub3A_33, %lt3A_35 : vector<16xi32>
      %ge3A_37 = arith.constant 5000 : i32
      %ge3A_38 = vector.broadcast %ge3A_37 : i32 to vector<16xi32>
      %ge3A_39 = arith.cmpi sge, %sub3A_33, %ge3A_38 : vector<16xi32>
      %or3A_40 = arith.ori %lt3A_36, %ge3A_39 : vector<16xi1>
      %jit3A_41 = arith.constant 5000 : i32
      %broadcast_in_dim3A_42 = vector.broadcast %jit3A_41 : i32 to vector<16xi32>
      %select_n3A_43 = arith.select %or3A_40, %broadcast_in_dim3A_42, %sub3A_33 : vector<16xi1>, vector<16xi32>
      %swap3A_44 = arith.constant 16 : index
      %swap3A_45 = tpu.vector_load %arg9[%swap3A_44] {strides = array<i32>} : memref<80xi32, #tpu.memory_space<vmem>>, vector<16xi32>,
      %swap3A_46 = vector.shape_cast %swap3A_45 : vector<16xi32> to vector<16xi32>
      %swap3A_47 = vector.shape_cast %select_n3A_43 : vector<16xi32> to vector<16xi32>
      tpu.vector_store %arg9[%swap3A_44], %swap3A_47 {strides = array<i32>} : memref<80xi32, #tpu.memory_space<vmem>>, vector<16xi32>,
      %get3A_48 = arith.constant 32 : index
      %get3A_49 = tpu.vector_load %arg7[%get3A_48] {strides = array<i32>} : memref<400xi32, #tpu.memory_space<vmem>>, vector<16xi32>,
      %get3A_50 = vector.shape_cast %get3A_49 : vector<16xi32> to vector<16xi32>
      %sub3A_51 = vector.broadcast %mul3A_0 : i32 to vector<16xi32>
      %sub3A_52 = arith.subi %get3A_50, %sub3A_51 : vector<16xi32>
      %lt3A_53 = arith.constant 0 : i32
      %lt3A_54 = vector.broadcast %lt3A_53 : i32 to vector<16xi32>
      %lt3A_55 = arith.cmpi slt, %sub3A_52, %lt3A_54 : vector<16xi32>
      %ge3A_56 = arith.constant 5000 : i32
      %ge3A_57 = vector.broadcast %ge3A_56 : i32 to vector<16xi32>
      %ge3A_58 = arith.cmpi sge, %sub3A_52, %ge3A_57 : vector<16xi32>
      %or3A_59 = arith.ori %lt3A_55, %ge3A_58 : vector<16xi1>
      %jit3A_60 = arith.constant 5000 : i32
      %broadcast_in_dim3A_61 = vector.broadcast %jit3A_60 : i32 to vector<16xi32>
      %select_n3A_62 = arith.select %or3A_59, %broadcast_in_dim3A_61, %sub3A_52 : vector<16xi1>, vector<16xi32>
      %swap3A_63 = arith.constant 32 : index
      %swap3A_64 = tpu.vector_load %arg9[%swap3A_63] {strides = array<i32>} : memref<80xi32, #tpu.memory_space<vmem>>, vector<16xi32>,
      %swap3A_65 = vector.shape_cast %swap3A_64 : vector<16xi32> to vector<16xi32>
      %swap3A_66 = vector.shape_cast %select_n3A_62 : vector<16xi32> to vector<16xi32>
      tpu.vector_store %arg9[%swap3A_63], %swap3A_66 {strides = array<i32>} : memref<80xi32, #tpu.memory_space<vmem>>, vector<16xi32>,
      %get3A_67 = arith.constant 48 : index
      %get3A_68 = tpu.vector_load %arg7[%get3A_67] {strides = array<i32>} : memref<400xi32, #tpu.memory_space<vmem>>, vector<16xi32>,
      %get3A_69 = vector.shape_cast %get3A_68 : vector<16xi32> to vector<16xi32>
      %sub3A_70 = vector.broadcast %mul3A_0 : i32 to vector<16xi32>
      %sub3A_71 = arith.subi %get3A_69, %sub3A_70 : vector<16xi32>
      %lt3A_72 = arith.constant 0 : i32
      %lt3A_73 = vector.broadcast %lt3A_72 : i32 to vector<16xi32>
      %lt3A_74 = arith.cmpi slt, %sub3A_71, %lt3A_73 : vector<16xi32>
      %ge3A_75 = arith.constant 5000 : i32
      %ge3A_76 = vector.broadcast %ge3A_75 : i32 to vector<16xi32>
      %ge3A_77 = arith.cmpi sge, %sub3A_71, %ge3A_76 : vector<16xi32>
      %or3A_78 = arith.ori %lt3A_74, %ge3A_77 : vector<16xi1>
      %jit3A_79 = arith.constant 5000 : i32
      %broadcast_in_dim3A_80 = vector.broadcast %jit3A_79 : i32 to vector<16xi32>
      %select_n3A_81 = arith.select %or3A_78, %broadcast_in_dim3A_80, %sub3A_71 : vector<16xi1>, vector<16xi32>
      %swap3A_82 = arith.constant 48 : index
      %swap3A_83 = tpu.vector_load %arg9[%swap3A_82] {strides = array<i32>} : memref<80xi32, #tpu.memory_space<vmem>>, vector<16xi32>,
      %swap3A_84 = vector.shape_cast %swap3A_83 : vector<16xi32> to vector<16xi32>
      %swap3A_85 = vector.shape_cast %select_n3A_81 : vector<16xi32> to vector<16xi32>
      tpu.vector_store %arg9[%swap3A_82], %swap3A_85 {strides = array<i32>} : memref<80xi32, #tpu.memory_space<vmem>>, vector<16xi32>,
      %get3A_86 = arith.constant 64 : index
      %get3A_87 = tpu.vector_load %arg7[%get3A_86] {strides = array<i32>} : memref<400xi32, #tpu.memory_space<vmem>>, vector<16xi32>,
      %get3A_88 = vector.shape_cast %get3A_87 : vector<16xi32> to vector<16xi32>
      %sub3A_89 = vector.broadcast %mul3A_0 : i32 to vector<16xi32>
      %sub3A_90 = arith.subi %get3A_88, %sub3A_89 : vector<16xi32>
      %lt3A_91 = arith.constant 0 : i32
      %lt3A_92 = vector.broadcast %lt3A_91 : i32 to vector<16xi32>
      %lt3A_93 = arith.cmpi slt, %sub3A_90, %lt3A_92 : vector<16xi32>
      %ge3A_94 = arith.constant 5000 : i32
      %ge3A_95 = vector.broadcast %ge3A_94 : i32 to vector<16xi32>
      %ge3A_96 = arith.cmpi sge, %sub3A_90, %ge3A_95 : vector<16xi32>
      %or3A_97 = arith.ori %lt3A_93, %ge3A_96 : vector<16xi1>
      %jit3A_98 = arith.constant 5000 : i32
      %broadcast_in_dim3A_99 = vector.broadcast %jit3A_98 : i32 to vector<16xi32>
      %select_n3A_100 = arith.select %or3A_97, %broadcast_in_dim3A_99, %sub3A_90 : vector<16xi1>, vector<16xi32>
      %swap3A_101 = arith.constant 64 : index
      %swap3A_102 = tpu.vector_load %arg9[%swap3A_101] {strides = array<i32>} : memref<80xi32, #tpu.memory_space<vmem>>, vector<16xi32>,
      %swap3A_103 = vector.shape_cast %swap3A_102 : vector<16xi32> to vector<16xi32>
      %swap3A_104 = vector.shape_cast %select_n3A_100 : vector<16xi32> to vector<16xi32>
      tpu.vector_store %arg9[%swap3A_101], %swap3A_104 {strides = array<i32>} : memref<80xi32, #tpu.memory_space<vmem>>, vector<16xi32>,
      %get3A_105 = arith.constant 80 : index
      %get3A_106 = tpu.vector_load %arg7[%get3A_105] {strides = array<i32>} : memref<400xi32, #tpu.memory_space<vmem>>, vector<16xi32>,
      %get3A_107 = vector.shape_cast %get3A_106 : vector<16xi32> to vector<16xi32>
      %sub3A_108 = vector.broadcast %mul3A_0 : i32 to vector<16xi32>
      %sub3A_109 = arith.subi %get3A_107, %sub3A_108 : vector<16xi32>
      %lt3A_110 = arith.constant 0 : i32
      %lt3A_111 = vector.broadcast %lt3A_110 : i32 to vector<16xi32>
      %lt3A_112 = arith.cmpi slt, %sub3A_109, %lt3A_111 : vector<16xi32>
      %ge3A_113 = arith.constant 5000 : i32
      %ge3A_114 = vector.broadcast %ge3A_113 : i32 to vector<16xi32>
      %ge3A_115 = arith.cmpi sge, %sub3A_109, %ge3A_114 : vector<16xi32>
      %or3A_116 = arith.ori %lt3A_112, %ge3A_115 : vector<16xi1>
      %jit3A_117 = arith.constant 5000 : i32
      %broadcast_in_dim3A_118 = vector.broadcast %jit3A_117 : i32 to vector<16xi32>
      %select_n3A_119 = arith.select %or3A_116, %broadcast_in_dim3A_118, %sub3A_109 : vector<16xi1>, vector<16xi32>
      %swap3A_120 = arith.constant 0 : index
      %swap3A_121 = tpu.vector_load %arg10[%swap3A_120] {strides = array<i32>} : memref<80xi32, #tpu.memory_space<vmem>>, vector<16xi32>,
      %swap3A_122 = vector.shape_cast %swap3A_121 : vector<16xi32> to vector<16xi32>
      %swap3A_123 = vector.shape_cast %select_n3A_119 : vector<16xi32> to vector<16xi32>
      tpu.vector_store %arg10[%swap3A_120], %swap3A_123 {strides = array<i32>} : memref<80xi32, #tpu.memory_space<vmem>>, vector<16xi32>,
      %get3A_124 = arith.constant 96 : index
      %get3A_125 = tpu.vector_load %arg7[%get3A_124] {strides = array<i32>} : memref<400xi32, #tpu.memory_space<vmem>>, vector<16xi32>,
      %get3A_126 = vector.shape_cast %get3A_125 : vector<16xi32> to vector<16xi32>
      %sub3A_127 = vector.broadcast %mul3A_0 : i32 to vector<16xi32>
      %sub3A_128 = arith.subi %get3A_126, %sub3A_127 : vector<16xi32>
      %lt3A_129 = arith.constant 0 : i32
      %lt3A_130 = vector.broadcast %lt3A_129 : i32 to vector<16xi32>
      %lt3A_131 = arith.cmpi slt, %sub3A_128, %lt3A_130 : vector<16xi32>
      %ge3A_132 = arith.constant 5000 : i32
      %ge3A_133 = vector.broadcast %ge3A_132 : i32 to vector<16xi32>
      %ge3A_134 = arith.cmpi sge, %sub3A_128, %ge3A_133 : vector<16xi32>
      %or3A_135 = arith.ori %lt3A_131, %ge3A_134 : vector<16xi1>
      %jit3A_136 = arith.constant 5000 : i32
      %broadcast_in_dim3A_137 = vector.broadcast %jit3A_136 : i32 to vector<16xi32>
      %select_n3A_138 = arith.select %or3A_135, %broadcast_in_dim3A_137, %sub3A_128 : vector<16xi1>, vector<16xi32>
      %swap3A_139 = arith.constant 16 : index
      %swap3A_140 = tpu.vector_load %arg10[%swap3A_139] {strides = array<i32>} : memref<80xi32, #tpu.memory_space<vmem>>, vector<16xi32>,
      %swap3A_141 = vector.shape_cast %swap3A_140 : vector<16xi32> to vector<16xi32>
      %swap3A_142 = vector.shape_cast %select_n3A_138 : vector<16xi32> to vector<16xi32>
      tpu.vector_store %arg10[%swap3A_139], %swap3A_142 {strides = array<i32>} : memref<80xi32, #tpu.memory_space<vmem>>, vector<16xi32>,
      %get3A_143 = arith.constant 112 : index
      %get3A_144 = tpu.vector_load %arg7[%get3A_143] {strides = array<i32>} : memref<400xi32, #tpu.memory_space<vmem>>, vector<16xi32>,
      %get3A_145 = vector.shape_cast %get3A_144 : vector<16xi32> to vector<16xi32>
      %sub3A_146 = vector.broadcast %mul3A_0 : i32 to vector<16xi32>
      %sub3A_147 = arith.subi %get3A_145, %sub3A_146 : vector<16xi32>
      %lt3A_148 = arith.constant 0 : i32
      %lt3A_149 = vector.broadcast %lt3A_148 : i32 to vector<16xi32>
      %lt3A_150 = arith.cmpi slt, %sub3A_147, %lt3A_149 : vector<16xi32>
      %ge3A_151 = arith.constant 5000 : i32
      %ge3A_152 = vector.broadcast %ge3A_151 : i32 to vector<16xi32>
      %ge3A_153 = arith.cmpi sge, %sub3A_147, %ge3A_152 : vector<16xi32>
      %or3A_154 = arith.ori %lt3A_150, %ge3A_153 : vector<16xi1>
      %jit3A_155 = arith.constant 5000 : i32
      %broadcast_in_dim3A_156 = vector.broadcast %jit3A_155 : i32 to vector<16xi32>
      %select_n3A_157 = arith.select %or3A_154, %broadcast_in_dim3A_156, %sub3A_147 : vector<16xi1>, vector<16xi32>
      %swap3A_158 = arith.constant 32 : index
      %swap3A_159 = tpu.vector_load %arg10[%swap3A_158] {strides = array<i32>} : memref<80xi32, #tpu.memory_space<vmem>>, vector<16xi32>,
      %swap3A_160 = vector.shape_cast %swap3A_159 : vector<16xi32> to vector<16xi32>
      %swap3A_161 = vector.shape_cast %select_n3A_157 : vector<16xi32> to vector<16xi32>
      tpu.vector_store %arg10[%swap3A_158], %swap3A_161 {strides = array<i32>} : memref<80xi32, #tpu.memory_space<vmem>>, vector<16xi32>,
      %get3A_162 = arith.constant 128 : index
      %get3A_163 = tpu.vector_load %arg7[%get3A_162] {strides = array<i32>} : memref<400xi32, #tpu.memory_space<vmem>>, vector<16xi32>,
      %get3A_164 = vector.shape_cast %get3A_163 : vector<16xi32> to vector<16xi32>
      %sub3A_165 = vector.broadcast %mul3A_0 : i32 to vector<16xi32>
      %sub3A_166 = arith.subi %get3A_164, %sub3A_165 : vector<16xi32>
      %lt3A_167 = arith.constant 0 : i32
      %lt3A_168 = vector.broadcast %lt3A_167 : i32 to vector<16xi32>
      %lt3A_169 = arith.cmpi slt, %sub3A_166, %lt3A_168 : vector<16xi32>
      %ge3A_170 = arith.constant 5000 : i32
      %ge3A_171 = vector.broadcast %ge3A_170 : i32 to vector<16xi32>
      %ge3A_172 = arith.cmpi sge, %sub3A_166, %ge3A_171 : vector<16xi32>
      %or3A_173 = arith.ori %lt3A_169, %ge3A_172 : vector<16xi1>
      %jit3A_174 = arith.constant 5000 : i32
      %broadcast_in_dim3A_175 = vector.broadcast %jit3A_174 : i32 to vector<16xi32>
      %select_n3A_176 = arith.select %or3A_173, %broadcast_in_dim3A_175, %sub3A_166 : vector<16xi1>, vector<16xi32>
      %swap3A_177 = arith.constant 48 : index
      %swap3A_178 = tpu.vector_load %arg10[%swap3A_177] {strides = array<i32>} : memref<80xi32, #tpu.memory_space<vmem>>, vector<16xi32>,
      %swap3A_179 = vector.shape_cast %swap3A_178 : vector<16xi32> to vector<16xi32>
      %swap3A_180 = vector.shape_cast %select_n3A_176 : vector<16xi32> to vector<16xi32>
      tpu.vector_store %arg10[%swap3A_177], %swap3A_180 {strides = array<i32>} : memref<80xi32, #tpu.memory_space<vmem>>, vector<16xi32>,
      %get3A_181 = arith.constant 144 : index
      %get3A_182 = tpu.vector_load %arg7[%get3A_181] {strides = array<i32>} : memref<400xi32, #tpu.memory_space<vmem>>, vector<16xi32>,
      %get3A_183 = vector.shape_cast %get3A_182 : vector<16xi32> to vector<16xi32>
      %sub3A_184 = vector.broadcast %mul3A_0 : i32 to vector<16xi32>
      %sub3A_185 = arith.subi %get3A_183, %sub3A_184 : vector<16xi32>
      %lt3A_186 = arith.constant 0 : i32
      %lt3A_187 = vector.broadcast %lt3A_186 : i32 to vector<16xi32>
      %lt3A_188 = arith.cmpi slt, %sub3A_185, %lt3A_187 : vector<16xi32>
      %ge3A_189 = arith.constant 5000 : i32
      %ge3A_190 = vector.broadcast %ge3A_189 : i32 to vector<16xi32>
      %ge3A_191 = arith.cmpi sge, %sub3A_185, %ge3A_190 : vector<16xi32>
      %or3A_192 = arith.ori %lt3A_188, %ge3A_191 : vector<16xi1>
      %jit3A_193 = arith.constant 5000 : i32
      %broadcast_in_dim3A_194 = vector.broadcast %jit3A_193 : i32 to vector<16xi32>
      %select_n3A_195 = arith.select %or3A_192, %broadcast_in_dim3A_194, %sub3A_185 : vector<16xi1>, vector<16xi32>
      %swap3A_196 = arith.constant 64 : index
      %swap3A_197 = tpu.vector_load %arg10[%swap3A_196] {strides = array<i32>} : memref<80xi32, #tpu.memory_space<vmem>>, vector<16xi32>,
      %swap3A_198 = vector.shape_cast %swap3A_197 : vector<16xi32> to vector<16xi32>
      %swap3A_199 = vector.shape_cast %select_n3A_195 : vector<16xi32> to vector<16xi32>
      tpu.vector_store %arg10[%swap3A_196], %swap3A_199 {strides = array<i32>} : memref<80xi32, #tpu.memory_space<vmem>>, vector<16xi32>,
      %get3A_200 = arith.constant 160 : index
      %get3A_201 = tpu.vector_load %arg7[%get3A_200] {strides = array<i32>} : memref<400xi32, #tpu.memory_space<vmem>>, vector<16xi32>,
      %get3A_202 = vector.shape_cast %get3A_201 : vector<16xi32> to vector<16xi32>
      %sub3A_203 = vector.broadcast %mul3A_0 : i32 to vector<16xi32>
      %sub3A_204 = arith.subi %get3A_202, %sub3A_203 : vector<16xi32>
      %lt3A_205 = arith.constant 0 : i32
      %lt3A_206 = vector.broadcast %lt3A_205 : i32 to vector<16xi32>
      %lt3A_207 = arith.cmpi slt, %sub3A_204, %lt3A_206 : vector<16xi32>
      %ge3A_208 = arith.constant 5000 : i32
      %ge3A_209 = vector.broadcast %ge3A_208 : i32 to vector<16xi32>
      %ge3A_210 = arith.cmpi sge, %sub3A_204, %ge3A_209 : vector<16xi32>
      %or3A_211 = arith.ori %lt3A_207, %ge3A_210 : vector<16xi1>
      %jit3A_212 = arith.constant 5000 : i32
      %broadcast_in_dim3A_213 = vector.broadcast %jit3A_212 : i32 to vector<16xi32>
      %select_n3A_214 = arith.select %or3A_211, %broadcast_in_dim3A_213, %sub3A_204 : vector<16xi1>, vector<16xi32>
      %swap3A_215 = arith.constant 0 : index
      %swap3A_216 = tpu.vector_load %arg11[%swap3A_215] {strides = array<i32>} : memref<80xi32, #tpu.memory_space<vmem>>, vector<16xi32>,
      %swap3A_217 = vector.shape_cast %swap3A_216 : vector<16xi32> to vector<16xi32>
      %swap3A_218 = vector.shape_cast %select_n3A_214 : vector<16xi32> to vector<16xi32>
      tpu.vector_store %arg11[%swap3A_215], %swap3A_218 {strides = array<i32>} : memref<80xi32, #tpu.memory_space<vmem>>, vector<16xi32>,
      %get3A_219 = arith.constant 176 : index
      %get3A_220 = tpu.vector_load %arg7[%get3A_219] {strides = array<i32>} : memref<400xi32, #tpu.memory_space<vmem>>, vector<16xi32>,
      %get3A_221 = vector.shape_cast %get3A_220 : vector<16xi32> to vector<16xi32>
      %sub3A_222 = vector.broadcast %mul3A_0 : i32 to vector<16xi32>
      %sub3A_223 = arith.subi %get3A_221, %sub3A_222 : vector<16xi32>
      %lt3A_224 = arith.constant 0 : i32
      %lt3A_225 = vector.broadcast %lt3A_224 : i32 to vector<16xi32>
      %lt3A_226 = arith.cmpi slt, %sub3A_223, %lt3A_225 : vector<16xi32>
      %ge3A_227 = arith.constant 5000 : i32
      %ge3A_228 = vector.broadcast %ge3A_227 : i32 to vector<16xi32>
      %ge3A_229 = arith.cmpi sge, %sub3A_223, %ge3A_228 : vector<16xi32>
      %or3A_230 = arith.ori %lt3A_226, %ge3A_229 : vector<16xi1>
      %jit3A_231 = arith.constant 5000 : i32
      %broadcast_in_dim3A_232 = vector.broadcast %jit3A_231 : i32 to vector<16xi32>
      %select_n3A_233 = arith.select %or3A_230, %broadcast_in_dim3A_232, %sub3A_223 : vector<16xi1>, vector<16xi32>
      %swap3A_234 = arith.constant 16 : index
      %swap3A_235 = tpu.vector_load %arg11[%swap3A_234] {strides = array<i32>} : memref<80xi32, #tpu.memory_space<vmem>>, vector<16xi32>,
      %swap3A_236 = vector.shape_cast %swap3A_235 : vector<16xi32> to vector<16xi32>
      %swap3A_237 = vector.shape_cast %select_n3A_233 : vector<16xi32> to vector<16xi32>
      tpu.vector_store %arg11[%swap3A_234], %swap3A_237 {strides = array<i32>} : memref<80xi32, #tpu.memory_space<vmem>>, vector<16xi32>,
      %get3A_238 = arith.constant 192 : index
      %get3A_239 = tpu.vector_load %arg7[%get3A_238] {strides = array<i32>} : memref<400xi32, #tpu.memory_space<vmem>>, vector<16xi32>,
      %get3A_240 = vector.shape_cast %get3A_239 : vector<16xi32> to vector<16xi32>
      %sub3A_241 = vector.broadcast %mul3A_0 : i32 to vector<16xi32>
      %sub3A_242 = arith.subi %get3A_240, %sub3A_241 : vector<16xi32>
      %lt3A_243 = arith.constant 0 : i32
      %lt3A_244 = vector.broadcast %lt3A_243 : i32 to vector<16xi32>
      %lt3A_245 = arith.cmpi slt, %sub3A_242, %lt3A_244 : vector<16xi32>
      %ge3A_246 = arith.constant 5000 : i32
      %ge3A_247 = vector.broadcast %ge3A_246 : i32 to vector<16xi32>
      %ge3A_248 = arith.cmpi sge, %sub3A_242, %ge3A_247 : vector<16xi32>
      %or3A_249 = arith.ori %lt3A_245, %ge3A_248 : vector<16xi1>
      %jit3A_250 = arith.constant 5000 : i32
      %broadcast_in_dim3A_251 = vector.broadcast %jit3A_250 : i32 to vector<16xi32>
      %select_n3A_252 = arith.select %or3A_249, %broadcast_in_dim3A_251, %sub3A_242 : vector<16xi1>, vector<16xi32>
      %swap3A_253 = arith.constant 32 : index
      %swap3A_254 = tpu.vector_load %arg11[%swap3A_253] {strides = array<i32>} : memref<80xi32, #tpu.memory_space<vmem>>, vector<16xi32>,
      %swap3A_255 = vector.shape_cast %swap3A_254 : vector<16xi32> to vector<16xi32>
      %swap3A_256 = vector.shape_cast %select_n3A_252 : vector<16xi32> to vector<16xi32>
      tpu.vector_store %arg11[%swap3A_253], %swap3A_256 {strides = array<i32>} : memref<80xi32, #tpu.memory_space<vmem>>, vector<16xi32>,
      %get3A_257 = arith.constant 208 : index
      %get3A_258 = tpu.vector_load %arg7[%get3A_257] {strides = array<i32>} : memref<400xi32, #tpu.memory_space<vmem>>, vector<16xi32>,
      %get3A_259 = vector.shape_cast %get3A_258 : vector<16xi32> to vector<16xi32>
      %sub3A_260 = vector.broadcast %mul3A_0 : i32 to vector<16xi32>
      %sub3A_261 = arith.subi %get3A_259, %sub3A_260 : vector<16xi32>
      %lt3A_262 = arith.constant 0 : i32
      %lt3A_263 = vector.broadcast %lt3A_262 : i32 to vector<16xi32>
      %lt3A_264 = arith.cmpi slt, %sub3A_261, %lt3A_263 : vector<16xi32>
      %ge3A_265 = arith.constant 5000 : i32
      %ge3A_266 = vector.broadcast %ge3A_265 : i32 to vector<16xi32>
      %ge3A_267 = arith.cmpi sge, %sub3A_261, %ge3A_266 : vector<16xi32>
      %or3A_268 = arith.ori %lt3A_264, %ge3A_267 : vector<16xi1>
      %jit3A_269 = arith.constant 5000 : i32
      %broadcast_in_dim3A_270 = vector.broadcast %jit3A_269 : i32 to vector<16xi32>
      %select_n3A_271 = arith.select %or3A_268, %broadcast_in_dim3A_270, %sub3A_261 : vector<16xi1>, vector<16xi32>
      %swap3A_272 = arith.constant 48 : index
      %swap3A_273 = tpu.vector_load %arg11[%swap3A_272] {strides = array<i32>} : memref<80xi32, #tpu.memory_space<vmem>>, vector<16xi32>,
      %swap3A_274 = vector.shape_cast %swap3A_273 : vector<16xi32> to vector<16xi32>
      %swap3A_275 = vector.shape_cast %select_n3A_271 : vector<16xi32> to vector<16xi32>
      tpu.vector_store %arg11[%swap3A_272], %swap3A_275 {strides = array<i32>} : memref<80xi32, #tpu.memory_space<vmem>>, vector<16xi32>,
      %get3A_276 = arith.constant 224 : index
      %get3A_277 = tpu.vector_load %arg7[%get3A_276] {strides = array<i32>} : memref<400xi32, #tpu.memory_space<vmem>>, vector<16xi32>,
      %get3A_278 = vector.shape_cast %get3A_277 : vector<16xi32> to vector<16xi32>
      %sub3A_279 = vector.broadcast %mul3A_0 : i32 to vector<16xi32>
      %sub3A_280 = arith.subi %get3A_278, %sub3A_279 : vector<16xi32>
      %lt3A_281 = arith.constant 0 : i32
      %lt3A_282 = vector.broadcast %lt3A_281 : i32 to vector<16xi32>
      %lt3A_283 = arith.cmpi slt, %sub3A_280, %lt3A_282 : vector<16xi32>
      %ge3A_284 = arith.constant 5000 : i32
      %ge3A_285 = vector.broadcast %ge3A_284 : i32 to vector<16xi32>
      %ge3A_286 = arith.cmpi sge, %sub3A_280, %ge3A_285 : vector<16xi32>
      %or3A_287 = arith.ori %lt3A_283, %ge3A_286 : vector<16xi1>
      %jit3A_288 = arith.constant 5000 : i32
      %broadcast_in_dim3A_289 = vector.broadcast %jit3A_288 : i32 to vector<16xi32>
      %select_n3A_290 = arith.select %or3A_287, %broadcast_in_dim3A_289, %sub3A_280 : vector<16xi1>, vector<16xi32>
      %swap3A_291 = arith.constant 64 : index
      %swap3A_292 = tpu.vector_load %arg11[%swap3A_291] {strides = array<i32>} : memref<80xi32, #tpu.memory_space<vmem>>, vector<16xi32>,
      %swap3A_293 = vector.shape_cast %swap3A_292 : vector<16xi32> to vector<16xi32>
      %swap3A_294 = vector.shape_cast %select_n3A_290 : vector<16xi32> to vector<16xi32>
      tpu.vector_store %arg11[%swap3A_291], %swap3A_294 {strides = array<i32>} : memref<80xi32, #tpu.memory_space<vmem>>, vector<16xi32>,
      %get3A_295 = arith.constant 240 : index
      %get3A_296 = tpu.vector_load %arg7[%get3A_295] {strides = array<i32>} : memref<400xi32, #tpu.memory_space<vmem>>, vector<16xi32>,
      %get3A_297 = vector.shape_cast %get3A_296 : vector<16xi32> to vector<16xi32>
      %sub3A_298 = vector.broadcast %mul3A_0 : i32 to vector<16xi32>
      %sub3A_299 = arith.subi %get3A_297, %sub3A_298 : vector<16xi32>
      %lt3A_300 = arith.constant 0 : i32
      %lt3A_301 = vector.broadcast %lt3A_300 : i32 to vector<16xi32>
      %lt3A_302 = arith.cmpi slt, %sub3A_299, %lt3A_301 : vector<16xi32>
      %ge3A_303 = arith.constant 5000 : i32
      %ge3A_304 = vector.broadcast %ge3A_303 : i32 to vector<16xi32>
      %ge3A_305 = arith.cmpi sge, %sub3A_299, %ge3A_304 : vector<16xi32>
      %or3A_306 = arith.ori %lt3A_302, %ge3A_305 : vector<16xi1>
      %jit3A_307 = arith.constant 5000 : i32
      %broadcast_in_dim3A_308 = vector.broadcast %jit3A_307 : i32 to vector<16xi32>
      %select_n3A_309 = arith.select %or3A_306, %broadcast_in_dim3A_308, %sub3A_299 : vector<16xi1>, vector<16xi32>
      %swap3A_310 = arith.constant 0 : index
      %swap3A_311 = tpu.vector_load %arg12[%swap3A_310] {strides = array<i32>} : memref<80xi32, #tpu.memory_space<vmem>>, vector<16xi32>,
      %swap3A_312 = vector.shape_cast %swap3A_311 : vector<16xi32> to vector<16xi32>
      %swap3A_313 = vector.shape_cast %select_n3A_309 : vector<16xi32> to vector<16xi32>
      tpu.vector_store %arg12[%swap3A_310], %swap3A_313 {strides = array<i32>} : memref<80xi32, #tpu.memory_space<vmem>>, vector<16xi32>,
      %get3A_314 = arith.constant 256 : index
      %get3A_315 = tpu.vector_load %arg7[%get3A_314] {strides = array<i32>} : memref<400xi32, #tpu.memory_space<vmem>>, vector<16xi32>,
      %get3A_316 = vector.shape_cast %get3A_315 : vector<16xi32> to vector<16xi32>
      %sub3A_317 = vector.broadcast %mul3A_0 : i32 to vector<16xi32>
      %sub3A_318 = arith.subi %get3A_316, %sub3A_317 : vector<16xi32>
      %lt3A_319 = arith.constant 0 : i32
      %lt3A_320 = vector.broadcast %lt3A_319 : i32 to vector<16xi32>
      %lt3A_321 = arith.cmpi slt, %sub3A_318, %lt3A_320 : vector<16xi32>
      %ge3A_322 = arith.constant 5000 : i32
      %ge3A_323 = vector.broadcast %ge3A_322 : i32 to vector<16xi32>
      %ge3A_324 = arith.cmpi sge, %sub3A_318, %ge3A_323 : vector<16xi32>
      %or3A_325 = arith.ori %lt3A_321, %ge3A_324 : vector<16xi1>
      %jit3A_326 = arith.constant 5000 : i32
      %broadcast_in_dim3A_327 = vector.broadcast %jit3A_326 : i32 to vector<16xi32>
      %select_n3A_328 = arith.select %or3A_325, %broadcast_in_dim3A_327, %sub3A_318 : vector<16xi1>, vector<16xi32>
      %swap3A_329 = arith.constant 16 : index
      %swap3A_330 = tpu.vector_load %arg12[%swap3A_329] {strides = array<i32>} : memref<80xi32, #tpu.memory_space<vmem>>, vector<16xi32>,
      %swap3A_331 = vector.shape_cast %swap3A_330 : vector<16xi32> to vector<16xi32>
      %swap3A_332 = vector.shape_cast %select_n3A_328 : vector<16xi32> to vector<16xi32>
      tpu.vector_store %arg12[%swap3A_329], %swap3A_332 {strides = array<i32>} : memref<80xi32, #tpu.memory_space<vmem>>, vector<16xi32>,
      %get3A_333 = arith.constant 272 : index
      %get3A_334 = tpu.vector_load %arg7[%get3A_333] {strides = array<i32>} : memref<400xi32, #tpu.memory_space<vmem>>, vector<16xi32>,
      %get3A_335 = vector.shape_cast %get3A_334 : vector<16xi32> to vector<16xi32>
      %sub3A_336 = vector.broadcast %mul3A_0 : i32 to vector<16xi32>
      %sub3A_337 = arith.subi %get3A_335, %sub3A_336 : vector<16xi32>
      %lt3A_338 = arith.constant 0 : i32
      %lt3A_339 = vector.broadcast %lt3A_338 : i32 to vector<16xi32>
      %lt3A_340 = arith.cmpi slt, %sub3A_337, %lt3A_339 : vector<16xi32>
      %ge3A_341 = arith.constant 5000 : i32
      %ge3A_342 = vector.broadcast %ge3A_341 : i32 to vector<16xi32>
      %ge3A_343 = arith.cmpi sge, %sub3A_337, %ge3A_342 : vector<16xi32>
      %or3A_344 = arith.ori %lt3A_340, %ge3A_343 : vector<16xi1>
      %jit3A_345 = arith.constant 5000 : i32
      %broadcast_in_dim3A_346 = vector.broadcast %jit3A_345 : i32 to vector<16xi32>
      %select_n3A_347 = arith.select %or3A_344, %broadcast_in_dim3A_346, %sub3A_337 : vector<16xi1>, vector<16xi32>
      %swap3A_348 = arith.constant 32 : index
      %swap3A_349 = tpu.vector_load %arg12[%swap3A_348] {strides = array<i32>} : memref<80xi32, #tpu.memory_space<vmem>>, vector<16xi32>,
      %swap3A_350 = vector.shape_cast %swap3A_349 : vector<16xi32> to vector<16xi32>
      %swap3A_351 = vector.shape_cast %select_n3A_347 : vector<16xi32> to vector<16xi32>
      tpu.vector_store %arg12[%swap3A_348], %swap3A_351 {strides = array<i32>} : memref<80xi32, #tpu.memory_space<vmem>>, vector<16xi32>,
      %get3A_352 = arith.constant 288 : index
      %get3A_353 = tpu.vector_load %arg7[%get3A_352] {strides = array<i32>} : memref<400xi32, #tpu.memory_space<vmem>>, vector<16xi32>,
      %get3A_354 = vector.shape_cast %get3A_353 : vector<16xi32> to vector<16xi32>
      %sub3A_355 = vector.broadcast %mul3A_0 : i32 to vector<16xi32>
      %sub3A_356 = arith.subi %get3A_354, %sub3A_355 : vector<16xi32>
      %lt3A_357 = arith.constant 0 : i32
      %lt3A_358 = vector.broadcast %lt3A_357 : i32 to vector<16xi32>
      %lt3A_359 = arith.cmpi slt, %sub3A_356, %lt3A_358 : vector<16xi32>
      %ge3A_360 = arith.constant 5000 : i32
      %ge3A_361 = vector.broadcast %ge3A_360 : i32 to vector<16xi32>
      %ge3A_362 = arith.cmpi sge, %sub3A_356, %ge3A_361 : vector<16xi32>
      %or3A_363 = arith.ori %lt3A_359, %ge3A_362 : vector<16xi1>
      %jit3A_364 = arith.constant 5000 : i32
      %broadcast_in_dim3A_365 = vector.broadcast %jit3A_364 : i32 to vector<16xi32>
      %select_n3A_366 = arith.select %or3A_363, %broadcast_in_dim3A_365, %sub3A_356 : vector<16xi1>, vector<16xi32>
      %swap3A_367 = arith.constant 48 : index
      %swap3A_368 = tpu.vector_load %arg12[%swap3A_367] {strides = array<i32>} : memref<80xi32, #tpu.memory_space<vmem>>, vector<16xi32>,
      %swap3A_369 = vector.shape_cast %swap3A_368 : vector<16xi32> to vector<16xi32>
      %swap3A_370 = vector.shape_cast %select_n3A_366 : vector<16xi32> to vector<16xi32>
      tpu.vector_store %arg12[%swap3A_367], %swap3A_370 {strides = array<i32>} : memref<80xi32, #tpu.memory_space<vmem>>, vector<16xi32>,
      %get3A_371 = arith.constant 304 : index
      %get3A_372 = tpu.vector_load %arg7[%get3A_371] {strides = array<i32>} : memref<400xi32, #tpu.memory_space<vmem>>, vector<16xi32>,
      %get3A_373 = vector.shape_cast %get3A_372 : vector<16xi32> to vector<16xi32>
      %sub3A_374 = vector.broadcast %mul3A_0 : i32 to vector<16xi32>
      %sub3A_375 = arith.subi %get3A_373, %sub3A_374 : vector<16xi32>
      %lt3A_376 = arith.constant 0 : i32
      %lt3A_377 = vector.broadcast %lt3A_376 : i32 to vector<16xi32>
      %lt3A_378 = arith.cmpi slt, %sub3A_375, %lt3A_377 : vector<16xi32>
      %ge3A_379 = arith.constant 5000 : i32
      %ge3A_380 = vector.broadcast %ge3A_379 : i32 to vector<16xi32>
      %ge3A_381 = arith.cmpi sge, %sub3A_375, %ge3A_380 : vector<16xi32>
      %or3A_382 = arith.ori %lt3A_378, %ge3A_381 : vector<16xi1>
      %jit3A_383 = arith.constant 5000 : i32
      %broadcast_in_dim3A_384 = vector.broadcast %jit3A_383 : i32 to vector<16xi32>
      %select_n3A_385 = arith.select %or3A_382, %broadcast_in_dim3A_384, %sub3A_375 : vector<16xi1>, vector<16xi32>
      %swap3A_386 = arith.constant 64 : index
      %swap3A_387 = tpu.vector_load %arg12[%swap3A_386] {strides = array<i32>} : memref<80xi32, #tpu.memory_space<vmem>>, vector<16xi32>,
      %swap3A_388 = vector.shape_cast %swap3A_387 : vector<16xi32> to vector<16xi32>
      %swap3A_389 = vector.shape_cast %select_n3A_385 : vector<16xi32> to vector<16xi32>
      tpu.vector_store %arg12[%swap3A_386], %swap3A_389 {strides = array<i32>} : memref<80xi32, #tpu.memory_space<vmem>>, vector<16xi32>,
      %get3A_390 = arith.constant 320 : index
      %get3A_391 = tpu.vector_load %arg7[%get3A_390] {strides = array<i32>} : memref<400xi32, #tpu.memory_space<vmem>>, vector<16xi32>,
      %get3A_392 = vector.shape_cast %get3A_391 : vector<16xi32> to vector<16xi32>
      %sub3A_393 = vector.broadcast %mul3A_0 : i32 to vector<16xi32>
      %sub3A_394 = arith.subi %get3A_392, %sub3A_393 : vector<16xi32>
      %lt3A_395 = arith.constant 0 : i32
      %lt3A_396 = vector.broadcast %lt3A_395 : i32 to vector<16xi32>
      %lt3A_397 = arith.cmpi slt, %sub3A_394, %lt3A_396 : vector<16xi32>
      %ge3A_398 = arith.constant 5000 : i32
      %ge3A_399 = vector.broadcast %ge3A_398 : i32 to vector<16xi32>
      %ge3A_400 = arith.cmpi sge, %sub3A_394, %ge3A_399 : vector<16xi32>
      %or3A_401 = arith.ori %lt3A_397, %ge3A_400 : vector<16xi1>
      %jit3A_402 = arith.constant 5000 : i32
      %broadcast_in_dim3A_403 = vector.broadcast %jit3A_402 : i32 to vector<16xi32>
      %select_n3A_404 = arith.select %or3A_401, %broadcast_in_dim3A_403, %sub3A_394 : vector<16xi1>, vector<16xi32>
      %swap3A_405 = arith.constant 0 : index
      %swap3A_406 = tpu.vector_load %arg13[%swap3A_405] {strides = array<i32>} : memref<80xi32, #tpu.memory_space<vmem>>, vector<16xi32>,
      %swap3A_407 = vector.shape_cast %swap3A_406 : vector<16xi32> to vector<16xi32>
      %swap3A_408 = vector.shape_cast %select_n3A_404 : vector<16xi32> to vector<16xi32>
      tpu.vector_store %arg13[%swap3A_405], %swap3A_408 {strides = array<i32>} : memref<80xi32, #tpu.memory_space<vmem>>, vector<16xi32>,
      %get3A_409 = arith.constant 336 : index
      %get3A_410 = tpu.vector_load %arg7[%get3A_409] {strides = array<i32>} : memref<400xi32, #tpu.memory_space<vmem>>, vector<16xi32>,
      %get3A_411 = vector.shape_cast %get3A_410 : vector<16xi32> to vector<16xi32>
      %sub3A_412 = vector.broadcast %mul3A_0 : i32 to vector<16xi32>
      %sub3A_413 = arith.subi %get3A_411, %sub3A_412 : vector<16xi32>
      %lt3A_414 = arith.constant 0 : i32
      %lt3A_415 = vector.broadcast %lt3A_414 : i32 to vector<16xi32>
      %lt3A_416 = arith.cmpi slt, %sub3A_413, %lt3A_415 : vector<16xi32>
      %ge3A_417 = arith.constant 5000 : i32
      %ge3A_418 = vector.broadcast %ge3A_417 : i32 to vector<16xi32>
      %ge3A_419 = arith.cmpi sge, %sub3A_413, %ge3A_418 : vector<16xi32>
      %or3A_420 = arith.ori %lt3A_416, %ge3A_419 : vector<16xi1>
      %jit3A_421 = arith.constant 5000 : i32
      %broadcast_in_dim3A_422 = vector.broadcast %jit3A_421 : i32 to vector<16xi32>
      %select_n3A_423 = arith.select %or3A_420, %broadcast_in_dim3A_422, %sub3A_413 : vector<16xi1>, vector<16xi32>
      %swap3A_424 = arith.constant 16 : index
      %swap3A_425 = tpu.vector_load %arg13[%swap3A_424] {strides = array<i32>} : memref<80xi32, #tpu.memory_space<vmem>>, vector<16xi32>,
      %swap3A_426 = vector.shape_cast %swap3A_425 : vector<16xi32> to vector<16xi32>
      %swap3A_427 = vector.shape_cast %select_n3A_423 : vector<16xi32> to vector<16xi32>
      tpu.vector_store %arg13[%swap3A_424], %swap3A_427 {strides = array<i32>} : memref<80xi32, #tpu.memory_space<vmem>>, vector<16xi32>,
      %get3A_428 = arith.constant 352 : index
      %get3A_429 = tpu.vector_load %arg7[%get3A_428] {strides = array<i32>} : memref<400xi32, #tpu.memory_space<vmem>>, vector<16xi32>,
      %get3A_430 = vector.shape_cast %get3A_429 : vector<16xi32> to vector<16xi32>
      %sub3A_431 = vector.broadcast %mul3A_0 : i32 to vector<16xi32>
      %sub3A_432 = arith.subi %get3A_430, %sub3A_431 : vector<16xi32>
      %lt3A_433 = arith.constant 0 : i32
      %lt3A_434 = vector.broadcast %lt3A_433 : i32 to vector<16xi32>
      %lt3A_435 = arith.cmpi slt, %sub3A_432, %lt3A_434 : vector<16xi32>
      %ge3A_436 = arith.constant 5000 : i32
      %ge3A_437 = vector.broadcast %ge3A_436 : i32 to vector<16xi32>
      %ge3A_438 = arith.cmpi sge, %sub3A_432, %ge3A_437 : vector<16xi32>
      %or3A_439 = arith.ori %lt3A_435, %ge3A_438 : vector<16xi1>
      %jit3A_440 = arith.constant 5000 : i32
      %broadcast_in_dim3A_441 = vector.broadcast %jit3A_440 : i32 to vector<16xi32>
      %select_n3A_442 = arith.select %or3A_439, %broadcast_in_dim3A_441, %sub3A_432 : vector<16xi1>, vector<16xi32>
      %swap3A_443 = arith.constant 32 : index
      %swap3A_444 = tpu.vector_load %arg13[%swap3A_443] {strides = array<i32>} : memref<80xi32, #tpu.memory_space<vmem>>, vector<16xi32>,
      %swap3A_445 = vector.shape_cast %swap3A_444 : vector<16xi32> to vector<16xi32>
      %swap3A_446 = vector.shape_cast %select_n3A_442 : vector<16xi32> to vector<16xi32>
      tpu.vector_store %arg13[%swap3A_443], %swap3A_446 {strides = array<i32>} : memref<80xi32, #tpu.memory_space<vmem>>, vector<16xi32>,
      %get3A_447 = arith.constant 368 : index
      %get3A_448 = tpu.vector_load %arg7[%get3A_447] {strides = array<i32>} : memref<400xi32, #tpu.memory_space<vmem>>, vector<16xi32>,
      %get3A_449 = vector.shape_cast %get3A_448 : vector<16xi32> to vector<16xi32>
      %sub3A_450 = vector.broadcast %mul3A_0 : i32 to vector<16xi32>
      %sub3A_451 = arith.subi %get3A_449, %sub3A_450 : vector<16xi32>
      %lt3A_452 = arith.constant 0 : i32
      %lt3A_453 = vector.broadcast %lt3A_452 : i32 to vector<16xi32>
      %lt3A_454 = arith.cmpi slt, %sub3A_451, %lt3A_453 : vector<16xi32>
      %ge3A_455 = arith.constant 5000 : i32
      %ge3A_456 = vector.broadcast %ge3A_455 : i32 to vector<16xi32>
      %ge3A_457 = arith.cmpi sge, %sub3A_451, %ge3A_456 : vector<16xi32>
      %or3A_458 = arith.ori %lt3A_454, %ge3A_457 : vector<16xi1>
      %jit3A_459 = arith.constant 5000 : i32
      %broadcast_in_dim3A_460 = vector.broadcast %jit3A_459 : i32 to vector<16xi32>
      %select_n3A_461 = arith.select %or3A_458, %broadcast_in_dim3A_460, %sub3A_451 : vector<16xi1>, vector<16xi32>
      %swap3A_462 = arith.constant 48 : index
      %swap3A_463 = tpu.vector_load %arg13[%swap3A_462] {strides = array<i32>} : memref<80xi32, #tpu.memory_space<vmem>>, vector<16xi32>,
      %swap3A_464 = vector.shape_cast %swap3A_463 : vector<16xi32> to vector<16xi32>
      %swap3A_465 = vector.shape_cast %select_n3A_461 : vector<16xi32> to vector<16xi32>
      tpu.vector_store %arg13[%swap3A_462], %swap3A_465 {strides = array<i32>} : memref<80xi32, #tpu.memory_space<vmem>>, vector<16xi32>,
      %get3A_466 = arith.constant 384 : index
      %get3A_467 = tpu.vector_load %arg7[%get3A_466] {strides = array<i32>} : memref<400xi32, #tpu.memory_space<vmem>>, vector<16xi32>,
      %get3A_468 = vector.shape_cast %get3A_467 : vector<16xi32> to vector<16xi32>
      %sub3A_469 = vector.broadcast %mul3A_0 : i32 to vector<16xi32>
      %sub3A_470 = arith.subi %get3A_468, %sub3A_469 : vector<16xi32>
      %lt3A_471 = arith.constant 0 : i32
      %lt3A_472 = vector.broadcast %lt3A_471 : i32 to vector<16xi32>
      %lt3A_473 = arith.cmpi slt, %sub3A_470, %lt3A_472 : vector<16xi32>
      %ge3A_474 = arith.constant 5000 : i32
      %ge3A_475 = vector.broadcast %ge3A_474 : i32 to vector<16xi32>
      %ge3A_476 = arith.cmpi sge, %sub3A_470, %ge3A_475 : vector<16xi32>
      %or3A_477 = arith.ori %lt3A_473, %ge3A_476 : vector<16xi1>
      %jit3A_478 = arith.constant 5000 : i32
      %broadcast_in_dim3A_479 = vector.broadcast %jit3A_478 : i32 to vector<16xi32>
      %select_n3A_480 = arith.select %or3A_477, %broadcast_in_dim3A_479, %sub3A_470 : vector<16xi1>, vector<16xi32>
      %swap3A_481 = arith.constant 64 : index
      %swap3A_482 = tpu.vector_load %arg13[%swap3A_481] {strides = array<i32>} : memref<80xi32, #tpu.memory_space<vmem>>, vector<16xi32>,
      %swap3A_483 = vector.shape_cast %swap3A_482 : vector<16xi32> to vector<16xi32>
      %swap3A_484 = vector.shape_cast %select_n3A_480 : vector<16xi32> to vector<16xi32>
      tpu.vector_store %arg13[%swap3A_481], %swap3A_484 {strides = array<i32>} : memref<80xi32, #tpu.memory_space<vmem>>, vector<16xi32>,
      %dma_start3A = arith.constant 0 : i32
      %dma_start3A_485 = arith.constant 0 : i32
      %dma_start3A_486 = tpu.memref_slice %arg8[%dma_start3A, %dma_start3A_485] : memref<400x128xf32, #tpu.memory_space<vmem>> -> memref<80x128xf32, #tpu.memory_space<vmem>>
      %dma_start3A_487 = arith.constant 0 : i32
      %dma_start3A_488 = arith.constant 0 : i32
      %dma_start3A_489 = tpu.memref_slice %arg6[%dma_start3A_487, %dma_start3A_488] : memref<5008x128xf32, #tpu.memory_space<vmem_shared>> -> memref<5008x128xf32, #tpu.memory_space<vmem_shared>>
      tpu.enqueue_indirect_dma source(%dma_start3A_486 : memref<80x128xf32, #tpu.memory_space<vmem>>) target(%dma_start3A_489 : memref<5008x128xf32, #tpu.memory_space<vmem_shared>>) offsets(%arg9 : memref<80xi32, #tpu.memory_space<vmem>>) semaphore(%arg14 : memref<!tpu.dma_semaphore, #tpu.memory_space<semaphore_mem>>) {add = true}
      %dma_start3A_490 = arith.constant 80 : i32
      %dma_start3A_491 = arith.constant 0 : i32
      %dma_start3A_492 = tpu.memref_slice %arg8[%dma_start3A_490, %dma_start3A_491] : memref<400x128xf32, #tpu.memory_space<vmem>> -> memref<80x128xf32, #tpu.memory_space<vmem>>
      %dma_start3A_493 = arith.constant 0 : i32
      %dma_start3A_494 = arith.constant 0 : i32
      %dma_start3A_495 = tpu.memref_slice %arg6[%dma_start3A_493, %dma_start3A_494] : memref<5008x128xf32, #tpu.memory_space<vmem_shared>> -> memref<5008x128xf32, #tpu.memory_space<vmem_shared>>
      tpu.enqueue_indirect_dma source(%dma_start3A_492 : memref<80x128xf32, #tpu.memory_space<vmem>>) target(%dma_start3A_495 : memref<5008x128xf32, #tpu.memory_space<vmem_shared>>) offsets(%arg10 : memref<80xi32, #tpu.memory_space<vmem>>) semaphore(%arg14 : memref<!tpu.dma_semaphore, #tpu.memory_space<semaphore_mem>>) {add = true}
      %dma_start3A_496 = arith.constant 160 : i32
      %dma_start3A_497 = arith.constant 0 : i32
      %dma_start3A_498 = tpu.memref_slice %arg8[%dma_start3A_496, %dma_start3A_497] : memref<400x128xf32, #tpu.memory_space<vmem>> -> memref<80x128xf32, #tpu.memory_space<vmem>>
      %dma_start3A_499 = arith.constant 0 : i32
      %dma_start3A_500 = arith.constant 0 : i32
      %dma_start3A_501 = tpu.memref_slice %arg6[%dma_start3A_499, %dma_start3A_500] : memref<5008x128xf32, #tpu.memory_space<vmem_shared>> -> memref<5008x128xf32, #tpu.memory_space<vmem_shared>>
      tpu.enqueue_indirect_dma source(%dma_start3A_498 : memref<80x128xf32, #tpu.memory_space<vmem>>) target(%dma_start3A_501 : memref<5008x128xf32, #tpu.memory_space<vmem_shared>>) offsets(%arg11 : memref<80xi32, #tpu.memory_space<vmem>>) semaphore(%arg14 : memref<!tpu.dma_semaphore, #tpu.memory_space<semaphore_mem>>) {add = true}
      %dma_start3A_502 = arith.constant 240 : i32
      %dma_start3A_503 = arith.constant 0 : i32
      %dma_start3A_504 = tpu.memref_slice %arg8[%dma_start3A_502, %dma_start3A_503] : memref<400x128xf32, #tpu.memory_space<vmem>> -> memref<80x128xf32, #tpu.memory_space<vmem>>
      %dma_start3A_505 = arith.constant 0 : i32
      %dma_start3A_506 = arith.constant 0 : i32
      %dma_start3A_507 = tpu.memref_slice %arg6[%dma_start3A_505, %dma_start3A_506] : memref<5008x128xf32, #tpu.memory_space<vmem_shared>> -> memref<5008x128xf32, #tpu.memory_space<vmem_shared>>
      tpu.enqueue_indirect_dma source(%dma_start3A_504 : memref<80x128xf32, #tpu.memory_space<vmem>>) target(%dma_start3A_507 : memref<5008x128xf32, #tpu.memory_space<vmem_shared>>) offsets(%arg12 : memref<80xi32, #tpu.memory_space<vmem>>) semaphore(%arg14 : memref<!tpu.dma_semaphore, #tpu.memory_space<semaphore_mem>>) {add = true}
      %dma_start3A_508 = arith.constant 320 : i32
      %dma_start3A_509 = arith.constant 0 : i32
      %dma_start3A_510 = tpu.memref_slice %arg8[%dma_start3A_508, %dma_start3A_509] : memref<400x128xf32, #tpu.memory_space<vmem>> -> memref<80x128xf32, #tpu.memory_space<vmem>>
      %dma_start3A_511 = arith.constant 0 : i32
      %dma_start3A_512 = arith.constant 0 : i32
      %dma_start3A_513 = tpu.memref_slice %arg6[%dma_start3A_511, %dma_start3A_512] : memref<5008x128xf32, #tpu.memory_space<vmem_shared>> -> memref<5008x128xf32, #tpu.memory_space<vmem_shared>>
      tpu.enqueue_indirect_dma source(%dma_start3A_510 : memref<80x128xf32, #tpu.memory_space<vmem>>) target(%dma_start3A_513 : memref<5008x128xf32, #tpu.memory_space<vmem_shared>>) offsets(%arg13 : memref<80xi32, #tpu.memory_space<vmem>>) semaphore(%arg14 : memref<!tpu.dma_semaphore, #tpu.memory_space<semaphore_mem>>) {add = true}
      %dma_wait3A = arith.constant 0 : i32
      %dma_wait3A_514 = arith.constant 0 : i32
      %dma_wait3A_515 = tpu.memref_slice %arg8[%dma_wait3A, %dma_wait3A_514] : memref<400x128xf32, #tpu.memory_space<vmem>> -> memref<80x128xf32, #tpu.memory_space<vmem>>
      %dma_wait3A_516 = arith.constant 0 : i32
      %dma_wait3A_517 = arith.constant 0 : i32
      %dma_wait3A_518 = tpu.memref_slice %arg6[%dma_wait3A_516, %dma_wait3A_517] : memref<5008x128xf32, #tpu.memory_space<vmem_shared>> -> memref<5008x128xf32, #tpu.memory_space<vmem_shared>>
      tpu.wait_indirect_dma semaphore(%arg14 : memref<!tpu.dma_semaphore, #tpu.memory_space<semaphore_mem>>) src(%dma_wait3A_515 : memref<80x128xf32, #tpu.memory_space<vmem>>) dst(%dma_wait3A_518 : memref<5008x128xf32, #tpu.memory_space<vmem_shared>>)
      %dma_wait3A_519 = arith.constant 80 : i32
      %dma_wait3A_520 = arith.constant 0 : i32
      %dma_wait3A_521 = tpu.memref_slice %arg8[%dma_wait3A_519, %dma_wait3A_520] : memref<400x128xf32, #tpu.memory_space<vmem>> -> memref<80x128xf32, #tpu.memory_space<vmem>>
      %dma_wait3A_522 = arith.constant 0 : i32
      %dma_wait3A_523 = arith.constant 0 : i32
      %dma_wait3A_524 = tpu.memref_slice %arg6[%dma_wait3A_522, %dma_wait3A_523] : memref<5008x128xf32, #tpu.memory_space<vmem_shared>> -> memref<5008x128xf32, #tpu.memory_space<vmem_shared>>
      tpu.wait_indirect_dma semaphore(%arg14 : memref<!tpu.dma_semaphore, #tpu.memory_space<semaphore_mem>>) src(%dma_wait3A_521 : memref<80x128xf32, #tpu.memory_space<vmem>>) dst(%dma_wait3A_524 : memref<5008x128xf32, #tpu.memory_space<vmem_shared>>)
      %dma_wait3A_525 = arith.constant 160 : i32
      %dma_wait3A_526 = arith.constant 0 : i32
      %dma_wait3A_527 = tpu.memref_slice %arg8[%dma_wait3A_525, %dma_wait3A_526] : memref<400x128xf32, #tpu.memory_space<vmem>> -> memref<80x128xf32, #tpu.memory_space<vmem>>
      %dma_wait3A_528 = arith.constant 0 : i32
      %dma_wait3A_529 = arith.constant 0 : i32
      %dma_wait3A_530 = tpu.memref_slice %arg6[%dma_wait3A_528, %dma_wait3A_529] : memref<5008x128xf32, #tpu.memory_space<vmem_shared>> -> memref<5008x128xf32, #tpu.memory_space<vmem_shared>>
      tpu.wait_indirect_dma semaphore(%arg14 : memref<!tpu.dma_semaphore, #tpu.memory_space<semaphore_mem>>) src(%dma_wait3A_527 : memref<80x128xf32, #tpu.memory_space<vmem>>) dst(%dma_wait3A_530 : memref<5008x128xf32, #tpu.memory_space<vmem_shared>>)
      %dma_wait3A_531 = arith.constant 240 : i32
      %dma_wait3A_532 = arith.constant 0 : i32
      %dma_wait3A_533 = tpu.memref_slice %arg8[%dma_wait3A_531, %dma_wait3A_532] : memref<400x128xf32, #tpu.memory_space<vmem>> -> memref<80x128xf32, #tpu.memory_space<vmem>>
      %dma_wait3A_534 = arith.constant 0 : i32
      %dma_wait3A_535 = arith.constant 0 : i32
      %dma_wait3A_536 = tpu.memref_slice %arg6[%dma_wait3A_534, %dma_wait3A_535] : memref<5008x128xf32, #tpu.memory_space<vmem_shared>> -> memref<5008x128xf32, #tpu.memory_space<vmem_shared>>
      tpu.wait_indirect_dma semaphore(%arg14 : memref<!tpu.dma_semaphore, #tpu.memory_space<semaphore_mem>>) src(%dma_wait3A_533 : memref<80x128xf32, #tpu.memory_space<vmem>>) dst(%dma_wait3A_536 : memref<5008x128xf32, #tpu.memory_space<vmem_shared>>)
      %dma_wait3A_537 = arith.constant 320 : i32
      %dma_wait3A_538 = arith.constant 0 : i32
      %dma_wait3A_539 = tpu.memref_slice %arg8[%dma_wait3A_537, %dma_wait3A_538] : memref<400x128xf32, #tpu.memory_space<vmem>> -> memref<80x128xf32, #tpu.memory_space<vmem>>
      %dma_wait3A_540 = arith.constant 0 : i32
      %dma_wait3A_541 = arith.constant 0 : i32
      %dma_wait3A_542 = tpu.memref_slice %arg6[%dma_wait3A_540, %dma_wait3A_541] : memref<5008x128xf32, #tpu.memory_space<vmem_shared>> -> memref<5008x128xf32, #tpu.memory_space<vmem_shared>>
      tpu.wait_indirect_dma semaphore(%arg14 : memref<!tpu.dma_semaphore, #tpu.memory_space<semaphore_mem>>) src(%dma_wait3A_539 : memref<80x128xf32, #tpu.memory_space<vmem>>) dst(%dma_wait3A_542 : memref<5008x128xf32, #tpu.memory_space<vmem_shared>>)
    }
    %scan3A_7 = arith.constant 50 : i32
    %barrier3A_8 = arith.constant 0 : index
    tpu.barrier barrier_id(%barrier3A_8)
    %eq3A_9 = arith.constant 0 : i32
    %eq3A_10 = arith.cmpi eq, %arg1, %eq3A_9 : i32
    %convert_element_type3A_11 = arith.extui %eq3A_10 : i1 to i32
    %cond3A_12 = arith.constant 0 : i32
    %cond3A_13 = arith.cmpi ne, %convert_element_type3A_11, %cond3A_12 : i32
    scf.if %cond3A_13 {
      "tpu.region"() ({
        %run_scoped3A = tpu.sem_alloc : memref<!tpu.dma_semaphore, #tpu.memory_space<semaphore_mem>>
        %dma_start3A = arith.constant 0 : i32
        %dma_start3A_14 = tpu.memref_slice %arg5[%mul3A_0, %dma_start3A] : memref<10000x128xf32, #tpu.memory_space<hbm>> -> memref<5000x128xf32, #tpu.memory_space<hbm>>
        %dma_start3A_15 = arith.constant 0 : i32
        %dma_start3A_16 = arith.constant 0 : i32
        %dma_start3A_17 = tpu.memref_slice %arg6[%dma_start3A_15, %dma_start3A_16] : memref<5008x128xf32, #tpu.memory_space<vmem_shared>> -> memref<5000x128xf32, #tpu.memory_space<vmem_shared>>
        tpu.enqueue_dma source(%dma_start3A_17 : memref<5000x128xf32, #tpu.memory_space<vmem_shared>>) target(%dma_start3A_14 : memref<5000x128xf32, #tpu.memory_space<hbm>>) target_semaphore(%run_scoped3A : memref<!tpu.dma_semaphore, #tpu.memory_space<semaphore_mem>>)
        %dma_wait3A = arith.constant 0 : i32
        %dma_wait3A_18 = tpu.memref_slice %arg5[%mul3A_0, %dma_wait3A] : memref<10000x128xf32, #tpu.memory_space<hbm>> -> memref<5000x128xf32, #tpu.memory_space<hbm>>
        %dma_wait3A_19 = arith.constant 0 : i32
        %dma_wait3A_20 = arith.constant 0 : i32
        %dma_wait3A_21 = tpu.memref_slice %arg6[%dma_wait3A_19, %dma_wait3A_20] : memref<5008x128xf32, #tpu.memory_space<vmem_shared>> -> memref<5000x128xf32, #tpu.memory_space<vmem_shared>>
        tpu.wait_dma2 semaphore(%run_scoped3A : memref<!tpu.dma_semaphore, #tpu.memory_space<semaphore_mem>>) src(%dma_wait3A_21 : memref<5000x128xf32, #tpu.memory_space<vmem_shared>>) dst(%dma_wait3A_18 : memref<5000x128xf32, #tpu.memory_space<hbm>>)
        tpu.yield
      }) : () -> ()
    } else {
    }
    return
  }
}

#map = affine_map<(d0, d1) -> (0, 0)>
#map1 = affine_map<(d0, d1) -> (0)>
module attributes {stable_mosaic.version = 14 : i64} {
  func.func @_gather_body(%arg0: i32, %arg1: i32, %arg2: memref<10000x128xf32, #tpu.memory_space<hbm>>, %arg3: memref<320000xi32, #tpu.memory_space<hbm>>, %arg4: memref<320000xi32, #tpu.memory_space<hbm>>, %arg5: memref<320000x128xf32, #tpu.memory_space<hbm>>, %arg6: memref<400xi32, #tpu.memory_space<vmem>>, %arg7: memref<400xi32, #tpu.memory_space<vmem>>, %arg8: memref<400x128xf32, #tpu.memory_space<vmem>>, %arg9: memref<400x128xf32, #tpu.memory_space<vmem>>, %arg10: memref<!tpu.dma_semaphore, #tpu.memory_space<semaphore_mem>>, %arg11: memref<!tpu.dma_semaphore, #tpu.memory_space<semaphore_mem>>) attributes {dimension_semantics = [#tpu.dimension_semantics<core_parallel>, #tpu.dimension_semantics<subcore_parallel>], iteration_bounds = array<i64: 2, 16>, scalar_prefetch = 0 : i64, scratch_operands = 6 : i64, tpu.core_type = #tpu.core_type<sc_vector_subcore>, window_params = [{transform_indices = #map}, {transform_indices = #map1}, {transform_indices = #map1}, {transform_indices = #map}]} {
    %mul3A = arith.constant 2 : i32
    %mul3A_0 = arith.muli %arg1, %mul3A : i32
    %add3A = arith.addi %mul3A_0, %arg0 : i32
    %scan3A = arith.constant 0 : i32
    %scan3A_1 = arith.constant 0 : i32
    %scan3A_2 = arith.constant 25 : i32
    %scan3A_3 = arith.addi %scan3A_1, %scan3A_2 : i32
    %scan3A_4 = arith.constant 1 : i32
    scf.for %scan3A_6 = %scan3A_1 to %scan3A_3 step %scan3A_4  : i32 {
      %mul3A_7 = arith.constant 10000 : i32
      %mul3A_8 = arith.muli %add3A, %mul3A_7 : i32
      %mul3A_9 = arith.constant 400 : i32
      %mul3A_10 = arith.muli %scan3A_6, %mul3A_9 : i32
      %add3A_11 = arith.addi %mul3A_8, %mul3A_10 : i32
      "tpu.region"() ({
        %run_scoped3A = tpu.sem_alloc : memref<!tpu.dma_semaphore, #tpu.memory_space<semaphore_mem>>
        %dma_start3A_176 = tpu.memref_slice %arg3[%add3A_11] : memref<320000xi32, #tpu.memory_space<hbm>> -> memref<400xi32, #tpu.memory_space<hbm>>
        %dma_start3A_177 = tpu.memref_slice %arg3[%add3A_11] : memref<320000xi32, #tpu.memory_space<hbm>> -> memref<400xi32, #tpu.memory_space<hbm>>
        tpu.enqueue_dma source(%dma_start3A_177 : memref<400xi32, #tpu.memory_space<hbm>>) target(%arg6 : memref<400xi32, #tpu.memory_space<vmem>>) target_semaphore(%run_scoped3A : memref<!tpu.dma_semaphore, #tpu.memory_space<semaphore_mem>>)
        %dma_wait3A_178 = tpu.memref_slice %arg3[%add3A_11] : memref<320000xi32, #tpu.memory_space<hbm>> -> memref<400xi32, #tpu.memory_space<hbm>>
        %dma_wait3A_179 = tpu.memref_slice %arg3[%add3A_11] : memref<320000xi32, #tpu.memory_space<hbm>> -> memref<400xi32, #tpu.memory_space<hbm>>
        tpu.wait_dma2 semaphore(%run_scoped3A : memref<!tpu.dma_semaphore, #tpu.memory_space<semaphore_mem>>) src(%dma_wait3A_179 : memref<400xi32, #tpu.memory_space<hbm>>) dst(%arg6 : memref<400xi32, #tpu.memory_space<vmem>>)
        tpu.yield
      }) : () -> ()
      "tpu.region"() ({
        %run_scoped3A = tpu.sem_alloc : memref<!tpu.dma_semaphore, #tpu.memory_space<semaphore_mem>>
        %dma_start3A_176 = tpu.memref_slice %arg4[%add3A_11] : memref<320000xi32, #tpu.memory_space<hbm>> -> memref<400xi32, #tpu.memory_space<hbm>>
        %dma_start3A_177 = tpu.memref_slice %arg4[%add3A_11] : memref<320000xi32, #tpu.memory_space<hbm>> -> memref<400xi32, #tpu.memory_space<hbm>>
        tpu.enqueue_dma source(%dma_start3A_177 : memref<400xi32, #tpu.memory_space<hbm>>) target(%arg7 : memref<400xi32, #tpu.memory_space<vmem>>) target_semaphore(%run_scoped3A : memref<!tpu.dma_semaphore, #tpu.memory_space<semaphore_mem>>)
        %dma_wait3A_178 = tpu.memref_slice %arg4[%add3A_11] : memref<320000xi32, #tpu.memory_space<hbm>> -> memref<400xi32, #tpu.memory_space<hbm>>
        %dma_wait3A_179 = tpu.memref_slice %arg4[%add3A_11] : memref<320000xi32, #tpu.memory_space<hbm>> -> memref<400xi32, #tpu.memory_space<hbm>>
        tpu.wait_dma2 semaphore(%run_scoped3A : memref<!tpu.dma_semaphore, #tpu.memory_space<semaphore_mem>>) src(%dma_wait3A_179 : memref<400xi32, #tpu.memory_space<hbm>>) dst(%arg7 : memref<400xi32, #tpu.memory_space<vmem>>)
        tpu.yield
      }) : () -> ()
      %dma_start3A = arith.constant 0 : i32
      %dma_start3A_12 = arith.constant 0 : i32
      %dma_start3A_13 = tpu.memref_slice %arg8[%dma_start3A, %dma_start3A_12] : memref<400x128xf32, #tpu.memory_space<vmem>> -> memref<80x128xf32, #tpu.memory_space<vmem>>
      %dma_start3A_14 = arith.constant 0 : i32
      %dma_start3A_15 = tpu.memref_slice %arg6[%dma_start3A_14] : memref<400xi32, #tpu.memory_space<vmem>> -> memref<80xi32, #tpu.memory_space<vmem>>
      %dma_start3A_16 = arith.constant 0 : i32
      %dma_start3A_17 = arith.constant 0 : i32
      %dma_start3A_18 = tpu.memref_slice %arg2[%dma_start3A_16, %dma_start3A_17] : memref<10000x128xf32, #tpu.memory_space<hbm>> -> memref<10000x128xf32, #tpu.memory_space<hbm>>
      tpu.enqueue_indirect_dma source(%dma_start3A_18 : memref<10000x128xf32, #tpu.memory_space<hbm>>) target(%dma_start3A_13 : memref<80x128xf32, #tpu.memory_space<vmem>>) offsets(%dma_start3A_15 : memref<80xi32, #tpu.memory_space<vmem>>) semaphore(%arg10 : memref<!tpu.dma_semaphore, #tpu.memory_space<semaphore_mem>>)
      %dma_start3A_19 = arith.constant 80 : i32
      %dma_start3A_20 = arith.constant 0 : i32
      %dma_start3A_21 = tpu.memref_slice %arg8[%dma_start3A_19, %dma_start3A_20] : memref<400x128xf32, #tpu.memory_space<vmem>> -> memref<80x128xf32, #tpu.memory_space<vmem>>
      %dma_start3A_22 = arith.constant 80 : i32
      %dma_start3A_23 = tpu.memref_slice %arg6[%dma_start3A_22] : memref<400xi32, #tpu.memory_space<vmem>> -> memref<80xi32, #tpu.memory_space<vmem>>
      %dma_start3A_24 = arith.constant 0 : i32
      %dma_start3A_25 = arith.constant 0 : i32
      %dma_start3A_26 = tpu.memref_slice %arg2[%dma_start3A_24, %dma_start3A_25] : memref<10000x128xf32, #tpu.memory_space<hbm>> -> memref<10000x128xf32, #tpu.memory_space<hbm>>
      tpu.enqueue_indirect_dma source(%dma_start3A_26 : memref<10000x128xf32, #tpu.memory_space<hbm>>) target(%dma_start3A_21 : memref<80x128xf32, #tpu.memory_space<vmem>>) offsets(%dma_start3A_23 : memref<80xi32, #tpu.memory_space<vmem>>) semaphore(%arg10 : memref<!tpu.dma_semaphore, #tpu.memory_space<semaphore_mem>>)
      %dma_start3A_27 = arith.constant 160 : i32
      %dma_start3A_28 = arith.constant 0 : i32
      %dma_start3A_29 = tpu.memref_slice %arg8[%dma_start3A_27, %dma_start3A_28] : memref<400x128xf32, #tpu.memory_space<vmem>> -> memref<80x128xf32, #tpu.memory_space<vmem>>
      %dma_start3A_30 = arith.constant 160 : i32
      %dma_start3A_31 = tpu.memref_slice %arg6[%dma_start3A_30] : memref<400xi32, #tpu.memory_space<vmem>> -> memref<80xi32, #tpu.memory_space<vmem>>
      %dma_start3A_32 = arith.constant 0 : i32
      %dma_start3A_33 = arith.constant 0 : i32
      %dma_start3A_34 = tpu.memref_slice %arg2[%dma_start3A_32, %dma_start3A_33] : memref<10000x128xf32, #tpu.memory_space<hbm>> -> memref<10000x128xf32, #tpu.memory_space<hbm>>
      tpu.enqueue_indirect_dma source(%dma_start3A_34 : memref<10000x128xf32, #tpu.memory_space<hbm>>) target(%dma_start3A_29 : memref<80x128xf32, #tpu.memory_space<vmem>>) offsets(%dma_start3A_31 : memref<80xi32, #tpu.memory_space<vmem>>) semaphore(%arg10 : memref<!tpu.dma_semaphore, #tpu.memory_space<semaphore_mem>>)
      %dma_start3A_35 = arith.constant 240 : i32
      %dma_start3A_36 = arith.constant 0 : i32
      %dma_start3A_37 = tpu.memref_slice %arg8[%dma_start3A_35, %dma_start3A_36] : memref<400x128xf32, #tpu.memory_space<vmem>> -> memref<80x128xf32, #tpu.memory_space<vmem>>
      %dma_start3A_38 = arith.constant 240 : i32
      %dma_start3A_39 = tpu.memref_slice %arg6[%dma_start3A_38] : memref<400xi32, #tpu.memory_space<vmem>> -> memref<80xi32, #tpu.memory_space<vmem>>
      %dma_start3A_40 = arith.constant 0 : i32
      %dma_start3A_41 = arith.constant 0 : i32
      %dma_start3A_42 = tpu.memref_slice %arg2[%dma_start3A_40, %dma_start3A_41] : memref<10000x128xf32, #tpu.memory_space<hbm>> -> memref<10000x128xf32, #tpu.memory_space<hbm>>
      tpu.enqueue_indirect_dma source(%dma_start3A_42 : memref<10000x128xf32, #tpu.memory_space<hbm>>) target(%dma_start3A_37 : memref<80x128xf32, #tpu.memory_space<vmem>>) offsets(%dma_start3A_39 : memref<80xi32, #tpu.memory_space<vmem>>) semaphore(%arg10 : memref<!tpu.dma_semaphore, #tpu.memory_space<semaphore_mem>>)
      %dma_start3A_43 = arith.constant 320 : i32
      %dma_start3A_44 = arith.constant 0 : i32
      %dma_start3A_45 = tpu.memref_slice %arg8[%dma_start3A_43, %dma_start3A_44] : memref<400x128xf32, #tpu.memory_space<vmem>> -> memref<80x128xf32, #tpu.memory_space<vmem>>
      %dma_start3A_46 = arith.constant 320 : i32
      %dma_start3A_47 = tpu.memref_slice %arg6[%dma_start3A_46] : memref<400xi32, #tpu.memory_space<vmem>> -> memref<80xi32, #tpu.memory_space<vmem>>
      %dma_start3A_48 = arith.constant 0 : i32
      %dma_start3A_49 = arith.constant 0 : i32
      %dma_start3A_50 = tpu.memref_slice %arg2[%dma_start3A_48, %dma_start3A_49] : memref<10000x128xf32, #tpu.memory_space<hbm>> -> memref<10000x128xf32, #tpu.memory_space<hbm>>
      tpu.enqueue_indirect_dma source(%dma_start3A_50 : memref<10000x128xf32, #tpu.memory_space<hbm>>) target(%dma_start3A_45 : memref<80x128xf32, #tpu.memory_space<vmem>>) offsets(%dma_start3A_47 : memref<80xi32, #tpu.memory_space<vmem>>) semaphore(%arg10 : memref<!tpu.dma_semaphore, #tpu.memory_space<semaphore_mem>>)
      %dma_start3A_51 = arith.constant 0 : i32
      %dma_start3A_52 = arith.constant 0 : i32
      %dma_start3A_53 = tpu.memref_slice %arg9[%dma_start3A_51, %dma_start3A_52] : memref<400x128xf32, #tpu.memory_space<vmem>> -> memref<80x128xf32, #tpu.memory_space<vmem>>
      %dma_start3A_54 = arith.constant 0 : i32
      %dma_start3A_55 = tpu.memref_slice %arg7[%dma_start3A_54] : memref<400xi32, #tpu.memory_space<vmem>> -> memref<80xi32, #tpu.memory_space<vmem>>
      %dma_start3A_56 = arith.constant 0 : i32
      %dma_start3A_57 = arith.constant 0 : i32
      %dma_start3A_58 = tpu.memref_slice %arg2[%dma_start3A_56, %dma_start3A_57] : memref<10000x128xf32, #tpu.memory_space<hbm>> -> memref<10000x128xf32, #tpu.memory_space<hbm>>
      tpu.enqueue_indirect_dma source(%dma_start3A_58 : memref<10000x128xf32, #tpu.memory_space<hbm>>) target(%dma_start3A_53 : memref<80x128xf32, #tpu.memory_space<vmem>>) offsets(%dma_start3A_55 : memref<80xi32, #tpu.memory_space<vmem>>) semaphore(%arg11 : memref<!tpu.dma_semaphore, #tpu.memory_space<semaphore_mem>>)
      %dma_start3A_59 = arith.constant 80 : i32
      %dma_start3A_60 = arith.constant 0 : i32
      %dma_start3A_61 = tpu.memref_slice %arg9[%dma_start3A_59, %dma_start3A_60] : memref<400x128xf32, #tpu.memory_space<vmem>> -> memref<80x128xf32, #tpu.memory_space<vmem>>
      %dma_start3A_62 = arith.constant 80 : i32
      %dma_start3A_63 = tpu.memref_slice %arg7[%dma_start3A_62] : memref<400xi32, #tpu.memory_space<vmem>> -> memref<80xi32, #tpu.memory_space<vmem>>
      %dma_start3A_64 = arith.constant 0 : i32
      %dma_start3A_65 = arith.constant 0 : i32
      %dma_start3A_66 = tpu.memref_slice %arg2[%dma_start3A_64, %dma_start3A_65] : memref<10000x128xf32, #tpu.memory_space<hbm>> -> memref<10000x128xf32, #tpu.memory_space<hbm>>
      tpu.enqueue_indirect_dma source(%dma_start3A_66 : memref<10000x128xf32, #tpu.memory_space<hbm>>) target(%dma_start3A_61 : memref<80x128xf32, #tpu.memory_space<vmem>>) offsets(%dma_start3A_63 : memref<80xi32, #tpu.memory_space<vmem>>) semaphore(%arg11 : memref<!tpu.dma_semaphore, #tpu.memory_space<semaphore_mem>>)
      %dma_start3A_67 = arith.constant 160 : i32
      %dma_start3A_68 = arith.constant 0 : i32
      %dma_start3A_69 = tpu.memref_slice %arg9[%dma_start3A_67, %dma_start3A_68] : memref<400x128xf32, #tpu.memory_space<vmem>> -> memref<80x128xf32, #tpu.memory_space<vmem>>
      %dma_start3A_70 = arith.constant 160 : i32
      %dma_start3A_71 = tpu.memref_slice %arg7[%dma_start3A_70] : memref<400xi32, #tpu.memory_space<vmem>> -> memref<80xi32, #tpu.memory_space<vmem>>
      %dma_start3A_72 = arith.constant 0 : i32
      %dma_start3A_73 = arith.constant 0 : i32
      %dma_start3A_74 = tpu.memref_slice %arg2[%dma_start3A_72, %dma_start3A_73] : memref<10000x128xf32, #tpu.memory_space<hbm>> -> memref<10000x128xf32, #tpu.memory_space<hbm>>
      tpu.enqueue_indirect_dma source(%dma_start3A_74 : memref<10000x128xf32, #tpu.memory_space<hbm>>) target(%dma_start3A_69 : memref<80x128xf32, #tpu.memory_space<vmem>>) offsets(%dma_start3A_71 : memref<80xi32, #tpu.memory_space<vmem>>) semaphore(%arg11 : memref<!tpu.dma_semaphore, #tpu.memory_space<semaphore_mem>>)
      %dma_start3A_75 = arith.constant 240 : i32
      %dma_start3A_76 = arith.constant 0 : i32
      %dma_start3A_77 = tpu.memref_slice %arg9[%dma_start3A_75, %dma_start3A_76] : memref<400x128xf32, #tpu.memory_space<vmem>> -> memref<80x128xf32, #tpu.memory_space<vmem>>
      %dma_start3A_78 = arith.constant 240 : i32
      %dma_start3A_79 = tpu.memref_slice %arg7[%dma_start3A_78] : memref<400xi32, #tpu.memory_space<vmem>> -> memref<80xi32, #tpu.memory_space<vmem>>
      %dma_start3A_80 = arith.constant 0 : i32
      %dma_start3A_81 = arith.constant 0 : i32
      %dma_start3A_82 = tpu.memref_slice %arg2[%dma_start3A_80, %dma_start3A_81] : memref<10000x128xf32, #tpu.memory_space<hbm>> -> memref<10000x128xf32, #tpu.memory_space<hbm>>
      tpu.enqueue_indirect_dma source(%dma_start3A_82 : memref<10000x128xf32, #tpu.memory_space<hbm>>) target(%dma_start3A_77 : memref<80x128xf32, #tpu.memory_space<vmem>>) offsets(%dma_start3A_79 : memref<80xi32, #tpu.memory_space<vmem>>) semaphore(%arg11 : memref<!tpu.dma_semaphore, #tpu.memory_space<semaphore_mem>>)
      %dma_start3A_83 = arith.constant 320 : i32
      %dma_start3A_84 = arith.constant 0 : i32
      %dma_start3A_85 = tpu.memref_slice %arg9[%dma_start3A_83, %dma_start3A_84] : memref<400x128xf32, #tpu.memory_space<vmem>> -> memref<80x128xf32, #tpu.memory_space<vmem>>
      %dma_start3A_86 = arith.constant 320 : i32
      %dma_start3A_87 = tpu.memref_slice %arg7[%dma_start3A_86] : memref<400xi32, #tpu.memory_space<vmem>> -> memref<80xi32, #tpu.memory_space<vmem>>
      %dma_start3A_88 = arith.constant 0 : i32
      %dma_start3A_89 = arith.constant 0 : i32
      %dma_start3A_90 = tpu.memref_slice %arg2[%dma_start3A_88, %dma_start3A_89] : memref<10000x128xf32, #tpu.memory_space<hbm>> -> memref<10000x128xf32, #tpu.memory_space<hbm>>
      tpu.enqueue_indirect_dma source(%dma_start3A_90 : memref<10000x128xf32, #tpu.memory_space<hbm>>) target(%dma_start3A_85 : memref<80x128xf32, #tpu.memory_space<vmem>>) offsets(%dma_start3A_87 : memref<80xi32, #tpu.memory_space<vmem>>) semaphore(%arg11 : memref<!tpu.dma_semaphore, #tpu.memory_space<semaphore_mem>>)
      %dma_wait3A = arith.constant 0 : i32
      %dma_wait3A_91 = arith.constant 0 : i32
      %dma_wait3A_92 = tpu.memref_slice %arg8[%dma_wait3A, %dma_wait3A_91] : memref<400x128xf32, #tpu.memory_space<vmem>> -> memref<80x128xf32, #tpu.memory_space<vmem>>
      %dma_wait3A_93 = arith.constant 0 : i32
      %dma_wait3A_94 = tpu.memref_slice %arg6[%dma_wait3A_93] : memref<400xi32, #tpu.memory_space<vmem>> -> memref<80xi32, #tpu.memory_space<vmem>>
      %dma_wait3A_95 = arith.constant 0 : i32
      %dma_wait3A_96 = arith.constant 0 : i32
      %dma_wait3A_97 = tpu.memref_slice %arg2[%dma_wait3A_95, %dma_wait3A_96] : memref<10000x128xf32, #tpu.memory_space<hbm>> -> memref<10000x128xf32, #tpu.memory_space<hbm>>
      tpu.wait_indirect_dma semaphore(%arg10 : memref<!tpu.dma_semaphore, #tpu.memory_space<semaphore_mem>>) src(%dma_wait3A_97 : memref<10000x128xf32, #tpu.memory_space<hbm>>) dst(%dma_wait3A_92 : memref<80x128xf32, #tpu.memory_space<vmem>>)
      %dma_wait3A_98 = arith.constant 80 : i32
      %dma_wait3A_99 = arith.constant 0 : i32
      %dma_wait3A_100 = tpu.memref_slice %arg8[%dma_wait3A_98, %dma_wait3A_99] : memref<400x128xf32, #tpu.memory_space<vmem>> -> memref<80x128xf32, #tpu.memory_space<vmem>>
      %dma_wait3A_101 = arith.constant 80 : i32
      %dma_wait3A_102 = tpu.memref_slice %arg6[%dma_wait3A_101] : memref<400xi32, #tpu.memory_space<vmem>> -> memref<80xi32, #tpu.memory_space<vmem>>
      %dma_wait3A_103 = arith.constant 0 : i32
      %dma_wait3A_104 = arith.constant 0 : i32
      %dma_wait3A_105 = tpu.memref_slice %arg2[%dma_wait3A_103, %dma_wait3A_104] : memref<10000x128xf32, #tpu.memory_space<hbm>> -> memref<10000x128xf32, #tpu.memory_space<hbm>>
      tpu.wait_indirect_dma semaphore(%arg10 : memref<!tpu.dma_semaphore, #tpu.memory_space<semaphore_mem>>) src(%dma_wait3A_105 : memref<10000x128xf32, #tpu.memory_space<hbm>>) dst(%dma_wait3A_100 : memref<80x128xf32, #tpu.memory_space<vmem>>)
      %dma_wait3A_106 = arith.constant 160 : i32
      %dma_wait3A_107 = arith.constant 0 : i32
      %dma_wait3A_108 = tpu.memref_slice %arg8[%dma_wait3A_106, %dma_wait3A_107] : memref<400x128xf32, #tpu.memory_space<vmem>> -> memref<80x128xf32, #tpu.memory_space<vmem>>
      %dma_wait3A_109 = arith.constant 160 : i32
      %dma_wait3A_110 = tpu.memref_slice %arg6[%dma_wait3A_109] : memref<400xi32, #tpu.memory_space<vmem>> -> memref<80xi32, #tpu.memory_space<vmem>>
      %dma_wait3A_111 = arith.constant 0 : i32
      %dma_wait3A_112 = arith.constant 0 : i32
      %dma_wait3A_113 = tpu.memref_slice %arg2[%dma_wait3A_111, %dma_wait3A_112] : memref<10000x128xf32, #tpu.memory_space<hbm>> -> memref<10000x128xf32, #tpu.memory_space<hbm>>
      tpu.wait_indirect_dma semaphore(%arg10 : memref<!tpu.dma_semaphore, #tpu.memory_space<semaphore_mem>>) src(%dma_wait3A_113 : memref<10000x128xf32, #tpu.memory_space<hbm>>) dst(%dma_wait3A_108 : memref<80x128xf32, #tpu.memory_space<vmem>>)
      %dma_wait3A_114 = arith.constant 240 : i32
      %dma_wait3A_115 = arith.constant 0 : i32
      %dma_wait3A_116 = tpu.memref_slice %arg8[%dma_wait3A_114, %dma_wait3A_115] : memref<400x128xf32, #tpu.memory_space<vmem>> -> memref<80x128xf32, #tpu.memory_space<vmem>>
      %dma_wait3A_117 = arith.constant 240 : i32
      %dma_wait3A_118 = tpu.memref_slice %arg6[%dma_wait3A_117] : memref<400xi32, #tpu.memory_space<vmem>> -> memref<80xi32, #tpu.memory_space<vmem>>
      %dma_wait3A_119 = arith.constant 0 : i32
      %dma_wait3A_120 = arith.constant 0 : i32
      %dma_wait3A_121 = tpu.memref_slice %arg2[%dma_wait3A_119, %dma_wait3A_120] : memref<10000x128xf32, #tpu.memory_space<hbm>> -> memref<10000x128xf32, #tpu.memory_space<hbm>>
      tpu.wait_indirect_dma semaphore(%arg10 : memref<!tpu.dma_semaphore, #tpu.memory_space<semaphore_mem>>) src(%dma_wait3A_121 : memref<10000x128xf32, #tpu.memory_space<hbm>>) dst(%dma_wait3A_116 : memref<80x128xf32, #tpu.memory_space<vmem>>)
      %dma_wait3A_122 = arith.constant 320 : i32
      %dma_wait3A_123 = arith.constant 0 : i32
      %dma_wait3A_124 = tpu.memref_slice %arg8[%dma_wait3A_122, %dma_wait3A_123] : memref<400x128xf32, #tpu.memory_space<vmem>> -> memref<80x128xf32, #tpu.memory_space<vmem>>
      %dma_wait3A_125 = arith.constant 320 : i32
      %dma_wait3A_126 = tpu.memref_slice %arg6[%dma_wait3A_125] : memref<400xi32, #tpu.memory_space<vmem>> -> memref<80xi32, #tpu.memory_space<vmem>>
      %dma_wait3A_127 = arith.constant 0 : i32
      %dma_wait3A_128 = arith.constant 0 : i32
      %dma_wait3A_129 = tpu.memref_slice %arg2[%dma_wait3A_127, %dma_wait3A_128] : memref<10000x128xf32, #tpu.memory_space<hbm>> -> memref<10000x128xf32, #tpu.memory_space<hbm>>
      tpu.wait_indirect_dma semaphore(%arg10 : memref<!tpu.dma_semaphore, #tpu.memory_space<semaphore_mem>>) src(%dma_wait3A_129 : memref<10000x128xf32, #tpu.memory_space<hbm>>) dst(%dma_wait3A_124 : memref<80x128xf32, #tpu.memory_space<vmem>>)
      %dma_wait3A_130 = arith.constant 0 : i32
      %dma_wait3A_131 = arith.constant 0 : i32
      %dma_wait3A_132 = tpu.memref_slice %arg9[%dma_wait3A_130, %dma_wait3A_131] : memref<400x128xf32, #tpu.memory_space<vmem>> -> memref<80x128xf32, #tpu.memory_space<vmem>>
      %dma_wait3A_133 = arith.constant 0 : i32
      %dma_wait3A_134 = tpu.memref_slice %arg7[%dma_wait3A_133] : memref<400xi32, #tpu.memory_space<vmem>> -> memref<80xi32, #tpu.memory_space<vmem>>
      %dma_wait3A_135 = arith.constant 0 : i32
      %dma_wait3A_136 = arith.constant 0 : i32
      %dma_wait3A_137 = tpu.memref_slice %arg2[%dma_wait3A_135, %dma_wait3A_136] : memref<10000x128xf32, #tpu.memory_space<hbm>> -> memref<10000x128xf32, #tpu.memory_space<hbm>>
      tpu.wait_indirect_dma semaphore(%arg11 : memref<!tpu.dma_semaphore, #tpu.memory_space<semaphore_mem>>) src(%dma_wait3A_137 : memref<10000x128xf32, #tpu.memory_space<hbm>>) dst(%dma_wait3A_132 : memref<80x128xf32, #tpu.memory_space<vmem>>)
      %dma_wait3A_138 = arith.constant 80 : i32
      %dma_wait3A_139 = arith.constant 0 : i32
      %dma_wait3A_140 = tpu.memref_slice %arg9[%dma_wait3A_138, %dma_wait3A_139] : memref<400x128xf32, #tpu.memory_space<vmem>> -> memref<80x128xf32, #tpu.memory_space<vmem>>
      %dma_wait3A_141 = arith.constant 80 : i32
      %dma_wait3A_142 = tpu.memref_slice %arg7[%dma_wait3A_141] : memref<400xi32, #tpu.memory_space<vmem>> -> memref<80xi32, #tpu.memory_space<vmem>>
      %dma_wait3A_143 = arith.constant 0 : i32
      %dma_wait3A_144 = arith.constant 0 : i32
      %dma_wait3A_145 = tpu.memref_slice %arg2[%dma_wait3A_143, %dma_wait3A_144] : memref<10000x128xf32, #tpu.memory_space<hbm>> -> memref<10000x128xf32, #tpu.memory_space<hbm>>
      tpu.wait_indirect_dma semaphore(%arg11 : memref<!tpu.dma_semaphore, #tpu.memory_space<semaphore_mem>>) src(%dma_wait3A_145 : memref<10000x128xf32, #tpu.memory_space<hbm>>) dst(%dma_wait3A_140 : memref<80x128xf32, #tpu.memory_space<vmem>>)
      %dma_wait3A_146 = arith.constant 160 : i32
      %dma_wait3A_147 = arith.constant 0 : i32
      %dma_wait3A_148 = tpu.memref_slice %arg9[%dma_wait3A_146, %dma_wait3A_147] : memref<400x128xf32, #tpu.memory_space<vmem>> -> memref<80x128xf32, #tpu.memory_space<vmem>>
      %dma_wait3A_149 = arith.constant 160 : i32
      %dma_wait3A_150 = tpu.memref_slice %arg7[%dma_wait3A_149] : memref<400xi32, #tpu.memory_space<vmem>> -> memref<80xi32, #tpu.memory_space<vmem>>
      %dma_wait3A_151 = arith.constant 0 : i32
      %dma_wait3A_152 = arith.constant 0 : i32
      %dma_wait3A_153 = tpu.memref_slice %arg2[%dma_wait3A_151, %dma_wait3A_152] : memref<10000x128xf32, #tpu.memory_space<hbm>> -> memref<10000x128xf32, #tpu.memory_space<hbm>>
      tpu.wait_indirect_dma semaphore(%arg11 : memref<!tpu.dma_semaphore, #tpu.memory_space<semaphore_mem>>) src(%dma_wait3A_153 : memref<10000x128xf32, #tpu.memory_space<hbm>>) dst(%dma_wait3A_148 : memref<80x128xf32, #tpu.memory_space<vmem>>)
      %dma_wait3A_154 = arith.constant 240 : i32
      %dma_wait3A_155 = arith.constant 0 : i32
      %dma_wait3A_156 = tpu.memref_slice %arg9[%dma_wait3A_154, %dma_wait3A_155] : memref<400x128xf32, #tpu.memory_space<vmem>> -> memref<80x128xf32, #tpu.memory_space<vmem>>
      %dma_wait3A_157 = arith.constant 240 : i32
      %dma_wait3A_158 = tpu.memref_slice %arg7[%dma_wait3A_157] : memref<400xi32, #tpu.memory_space<vmem>> -> memref<80xi32, #tpu.memory_space<vmem>>
      %dma_wait3A_159 = arith.constant 0 : i32
      %dma_wait3A_160 = arith.constant 0 : i32
      %dma_wait3A_161 = tpu.memref_slice %arg2[%dma_wait3A_159, %dma_wait3A_160] : memref<10000x128xf32, #tpu.memory_space<hbm>> -> memref<10000x128xf32, #tpu.memory_space<hbm>>
      tpu.wait_indirect_dma semaphore(%arg11 : memref<!tpu.dma_semaphore, #tpu.memory_space<semaphore_mem>>) src(%dma_wait3A_161 : memref<10000x128xf32, #tpu.memory_space<hbm>>) dst(%dma_wait3A_156 : memref<80x128xf32, #tpu.memory_space<vmem>>)
      %dma_wait3A_162 = arith.constant 320 : i32
      %dma_wait3A_163 = arith.constant 0 : i32
      %dma_wait3A_164 = tpu.memref_slice %arg9[%dma_wait3A_162, %dma_wait3A_163] : memref<400x128xf32, #tpu.memory_space<vmem>> -> memref<80x128xf32, #tpu.memory_space<vmem>>
      %dma_wait3A_165 = arith.constant 320 : i32
      %dma_wait3A_166 = tpu.memref_slice %arg7[%dma_wait3A_165] : memref<400xi32, #tpu.memory_space<vmem>> -> memref<80xi32, #tpu.memory_space<vmem>>
      %dma_wait3A_167 = arith.constant 0 : i32
      %dma_wait3A_168 = arith.constant 0 : i32
      %dma_wait3A_169 = tpu.memref_slice %arg2[%dma_wait3A_167, %dma_wait3A_168] : memref<10000x128xf32, #tpu.memory_space<hbm>> -> memref<10000x128xf32, #tpu.memory_space<hbm>>
      tpu.wait_indirect_dma semaphore(%arg11 : memref<!tpu.dma_semaphore, #tpu.memory_space<semaphore_mem>>) src(%dma_wait3A_169 : memref<10000x128xf32, #tpu.memory_space<hbm>>) dst(%dma_wait3A_164 : memref<80x128xf32, #tpu.memory_space<vmem>>)
      %scan3A_170 = arith.constant 0 : i32
      %scan3A_171 = arith.constant 0 : i32
      %scan3A_172 = arith.constant 400 : i32
      %scan3A_173 = arith.addi %scan3A_171, %scan3A_172 : i32
      %scan3A_174 = arith.constant 1 : i32
      scf.for %scan3A_176 = %scan3A_171 to %scan3A_173 step %scan3A_174  : i32 {
        %get3A = arith.index_cast %scan3A_176 : i32 to index
        %get3A_177 = arith.constant 64 : index
        %get3A_178 = tpu.vector_load %arg9[%get3A, %get3A_177] {strides = array<i32>} : memref<400x128xf32, #tpu.memory_space<vmem>>, vector<1x16xf32>,
        %get3A_179 = vector.shape_cast %get3A_178 : vector<1x16xf32> to vector<16xf32>
        %swap3A = arith.index_cast %scan3A_176 : i32 to index
        %swap3A_180 = arith.constant 64 : index
        %swap3A_181 = tpu.vector_load %arg8[%swap3A, %swap3A_180] {strides = array<i32>} : memref<400x128xf32, #tpu.memory_space<vmem>>, vector<1x16xf32>,
        %swap3A_182 = vector.shape_cast %swap3A_181 : vector<1x16xf32> to vector<16xf32>
        %swap3A_183 = vector.shape_cast %get3A_179 : vector<16xf32> to vector<1x16xf32>
        tpu.vector_store %arg8[%swap3A, %swap3A_180], %swap3A_183 {strides = array<i32>} : memref<400x128xf32, #tpu.memory_space<vmem>>, vector<1x16xf32>,
        %get3A_184 = arith.index_cast %scan3A_176 : i32 to index
        %get3A_185 = arith.constant 80 : index
        %get3A_186 = tpu.vector_load %arg9[%get3A_184, %get3A_185] {strides = array<i32>} : memref<400x128xf32, #tpu.memory_space<vmem>>, vector<1x16xf32>,
        %get3A_187 = vector.shape_cast %get3A_186 : vector<1x16xf32> to vector<16xf32>
        %swap3A_188 = arith.index_cast %scan3A_176 : i32 to index
        %swap3A_189 = arith.constant 80 : index
        %swap3A_190 = tpu.vector_load %arg8[%swap3A_188, %swap3A_189] {strides = array<i32>} : memref<400x128xf32, #tpu.memory_space<vmem>>, vector<1x16xf32>,
        %swap3A_191 = vector.shape_cast %swap3A_190 : vector<1x16xf32> to vector<16xf32>
        %swap3A_192 = vector.shape_cast %get3A_187 : vector<16xf32> to vector<1x16xf32>
        tpu.vector_store %arg8[%swap3A_188, %swap3A_189], %swap3A_192 {strides = array<i32>} : memref<400x128xf32, #tpu.memory_space<vmem>>, vector<1x16xf32>,
        %get3A_193 = arith.index_cast %scan3A_176 : i32 to index
        %get3A_194 = arith.constant 96 : index
        %get3A_195 = tpu.vector_load %arg9[%get3A_193, %get3A_194] {strides = array<i32>} : memref<400x128xf32, #tpu.memory_space<vmem>>, vector<1x16xf32>,
        %get3A_196 = vector.shape_cast %get3A_195 : vector<1x16xf32> to vector<16xf32>
        %swap3A_197 = arith.index_cast %scan3A_176 : i32 to index
        %swap3A_198 = arith.constant 96 : index
        %swap3A_199 = tpu.vector_load %arg8[%swap3A_197, %swap3A_198] {strides = array<i32>} : memref<400x128xf32, #tpu.memory_space<vmem>>, vector<1x16xf32>,
        %swap3A_200 = vector.shape_cast %swap3A_199 : vector<1x16xf32> to vector<16xf32>
        %swap3A_201 = vector.shape_cast %get3A_196 : vector<16xf32> to vector<1x16xf32>
        tpu.vector_store %arg8[%swap3A_197, %swap3A_198], %swap3A_201 {strides = array<i32>} : memref<400x128xf32, #tpu.memory_space<vmem>>, vector<1x16xf32>,
        %get3A_202 = arith.index_cast %scan3A_176 : i32 to index
        %get3A_203 = arith.constant 112 : index
        %get3A_204 = tpu.vector_load %arg9[%get3A_202, %get3A_203] {strides = array<i32>} : memref<400x128xf32, #tpu.memory_space<vmem>>, vector<1x16xf32>,
        %get3A_205 = vector.shape_cast %get3A_204 : vector<1x16xf32> to vector<16xf32>
        %swap3A_206 = arith.index_cast %scan3A_176 : i32 to index
        %swap3A_207 = arith.constant 112 : index
        %swap3A_208 = tpu.vector_load %arg8[%swap3A_206, %swap3A_207] {strides = array<i32>} : memref<400x128xf32, #tpu.memory_space<vmem>>, vector<1x16xf32>,
        %swap3A_209 = vector.shape_cast %swap3A_208 : vector<1x16xf32> to vector<16xf32>
        %swap3A_210 = vector.shape_cast %get3A_205 : vector<16xf32> to vector<1x16xf32>
        tpu.vector_store %arg8[%swap3A_206, %swap3A_207], %swap3A_210 {strides = array<i32>} : memref<400x128xf32, #tpu.memory_space<vmem>>, vector<1x16xf32>,
      }
      %scan3A_175 = arith.constant 400 : i32
      "tpu.region"() ({
        %run_scoped3A = tpu.sem_alloc : memref<!tpu.dma_semaphore, #tpu.memory_space<semaphore_mem>>
        %dma_start3A_176 = arith.constant 0 : i32
        %dma_start3A_177 = tpu.memref_slice %arg5[%add3A_11, %dma_start3A_176] : memref<320000x128xf32, #tpu.memory_space<hbm>> -> memref<400x128xf32, #tpu.memory_space<hbm>>
        %dma_start3A_178 = arith.constant 0 : i32
        %dma_start3A_179 = tpu.memref_slice %arg5[%add3A_11, %dma_start3A_178] : memref<320000x128xf32, #tpu.memory_space<hbm>> -> memref<400x128xf32, #tpu.memory_space<hbm>>
        tpu.enqueue_dma source(%arg8 : memref<400x128xf32, #tpu.memory_space<vmem>>) target(%dma_start3A_179 : memref<400x128xf32, #tpu.memory_space<hbm>>) target_semaphore(%run_scoped3A : memref<!tpu.dma_semaphore, #tpu.memory_space<semaphore_mem>>)
        %dma_wait3A_180 = arith.constant 0 : i32
        %dma_wait3A_181 = tpu.memref_slice %arg5[%add3A_11, %dma_wait3A_180] : memref<320000x128xf32, #tpu.memory_space<hbm>> -> memref<400x128xf32, #tpu.memory_space<hbm>>
        %dma_wait3A_182 = arith.constant 0 : i32
        %dma_wait3A_183 = tpu.memref_slice %arg5[%add3A_11, %dma_wait3A_182] : memref<320000x128xf32, #tpu.memory_space<hbm>> -> memref<400x128xf32, #tpu.memory_space<hbm>>
        tpu.wait_dma2 semaphore(%run_scoped3A : memref<!tpu.dma_semaphore, #tpu.memory_space<semaphore_mem>>) src(%arg8 : memref<400x128xf32, #tpu.memory_space<vmem>>) dst(%dma_wait3A_183 : memref<400x128xf32, #tpu.memory_space<hbm>>)
        tpu.yield
      }) : () -> ()
    }
    %scan3A_5 = arith.constant 25 : i32
    return
  }
}

#map = affine_map<(d0, d1) -> (0, 0)>
#map1 = affine_map<(d0, d1) -> (0)>
module attributes {stable_mosaic.version = 14 : i64} {
  func.func @_scatter_body(%arg0: i32, %arg1: i32, %arg2: memref<320000x128xf32, #tpu.memory_space<hbm>>, %arg3: memref<320000xi32, #tpu.memory_space<hbm>>, %arg4: memref<5008x128xf32, #tpu.memory_space<hbm>>, %arg5: memref<10000x128xf32, #tpu.memory_space<hbm>>, %arg6: memref<5008x128xf32, #tpu.memory_space<vmem_shared>>, %arg7: memref<400xi32, #tpu.memory_space<vmem>>, %arg8: memref<400x128xf32, #tpu.memory_space<vmem>>, %arg9: memref<80xi32, #tpu.memory_space<vmem>>, %arg10: memref<80xi32, #tpu.memory_space<vmem>>, %arg11: memref<80xi32, #tpu.memory_space<vmem>>, %arg12: memref<80xi32, #tpu.memory_space<vmem>>, %arg13: memref<80xi32, #tpu.memory_space<vmem>>, %arg14: memref<!tpu.dma_semaphore, #tpu.memory_space<semaphore_mem>>) attributes {dimension_semantics = [#tpu.dimension_semantics<core_parallel>, #tpu.dimension_semantics<subcore_parallel>], iteration_bounds = array<i64: 2, 16>, scalar_prefetch = 0 : i64, scratch_operands = 9 : i64, tpu.core_type = #tpu.core_type<sc_vector_subcore>, window_params = [{transform_indices = #map}, {transform_indices = #map1}, {transform_indices = #map}, {transform_indices = #map}]} {
    %mul3A = arith.constant 5000 : i32
    %mul3A_0 = arith.muli %arg0, %mul3A : i32
    %eq3A = arith.constant 0 : i32
    %eq3A_1 = arith.cmpi eq, %arg1, %eq3A : i32
    %convert_element_type3A = arith.extui %eq3A_1 : i1 to i32
    %cond3A = arith.constant 0 : i32
    %cond3A_2 = arith.cmpi ne, %convert_element_type3A, %cond3A : i32
    scf.if %cond3A_2 {
      "tpu.region"() ({
        %run_scoped3A = tpu.sem_alloc : memref<!tpu.dma_semaphore, #tpu.memory_space<semaphore_mem>>
        tpu.enqueue_dma source(%arg4 : memref<5008x128xf32, #tpu.memory_space<hbm>>) target(%arg6 : memref<5008x128xf32, #tpu.memory_space<vmem_shared>>) target_semaphore(%run_scoped3A : memref<!tpu.dma_semaphore, #tpu.memory_space<semaphore_mem>>)
        tpu.wait_dma2 semaphore(%run_scoped3A : memref<!tpu.dma_semaphore, #tpu.memory_space<semaphore_mem>>) src(%arg4 : memref<5008x128xf32, #tpu.memory_space<hbm>>) dst(%arg6 : memref<5008x128xf32, #tpu.memory_space<vmem_shared>>)
        tpu.yield
      }) : () -> ()
    } else {
    }
    %barrier3A = arith.constant 0 : index
    tpu.barrier barrier_id(%barrier3A)
    %scan3A = arith.constant 0 : i32
    %scan3A_3 = arith.constant 0 : i32
    %scan3A_4 = arith.constant 50 : i32
    %scan3A_5 = arith.addi %scan3A_3, %scan3A_4 : i32
    %scan3A_6 = arith.constant 1 : i32
    scf.for %scan3A_14 = %scan3A_3 to %scan3A_5 step %scan3A_6  : i32 {
      %mul3A_15 = arith.constant 20000 : i32
      %mul3A_16 = arith.muli %arg1, %mul3A_15 : i32
      %mul3A_17 = arith.constant 400 : i32
      %mul3A_18 = arith.muli %scan3A_14, %mul3A_17 : i32
      %add3A = arith.addi %mul3A_16, %mul3A_18 : i32
      "tpu.region"() ({
        %run_scoped3A = tpu.sem_alloc : memref<!tpu.dma_semaphore, #tpu.memory_space<semaphore_mem>>
        %dma_start3A_543 = tpu.memref_slice %arg3[%add3A] : memref<320000xi32, #tpu.memory_space<hbm>> -> memref<400xi32, #tpu.memory_space<hbm>>
        %dma_start3A_544 = tpu.memref_slice %arg3[%add3A] : memref<320000xi32, #tpu.memory_space<hbm>> -> memref<400xi32, #tpu.memory_space<hbm>>
        tpu.enqueue_dma source(%dma_start3A_544 : memref<400xi32, #tpu.memory_space<hbm>>) target(%arg7 : memref<400xi32, #tpu.memory_space<vmem>>) target_semaphore(%run_scoped3A : memref<!tpu.dma_semaphore, #tpu.memory_space<semaphore_mem>>)
        %dma_wait3A_545 = tpu.memref_slice %arg3[%add3A] : memref<320000xi32, #tpu.memory_space<hbm>> -> memref<400xi32, #tpu.memory_space<hbm>>
        %dma_wait3A_546 = tpu.memref_slice %arg3[%add3A] : memref<320000xi32, #tpu.memory_space<hbm>> -> memref<400xi32, #tpu.memory_space<hbm>>
        tpu.wait_dma2 semaphore(%run_scoped3A : memref<!tpu.dma_semaphore, #tpu.memory_space<semaphore_mem>>) src(%dma_wait3A_546 : memref<400xi32, #tpu.memory_space<hbm>>) dst(%arg7 : memref<400xi32, #tpu.memory_space<vmem>>)
        tpu.yield
      }) : () -> ()
      "tpu.region"() ({
        %run_scoped3A = tpu.sem_alloc : memref<!tpu.dma_semaphore, #tpu.memory_space<semaphore_mem>>
        %dma_start3A_543 = arith.constant 0 : i32
        %dma_start3A_544 = tpu.memref_slice %arg2[%add3A, %dma_start3A_543] : memref<320000x128xf32, #tpu.memory_space<hbm>> -> memref<400x128xf32, #tpu.memory_space<hbm>>
        %dma_start3A_545 = arith.constant 0 : i32
        %dma_start3A_546 = tpu.memref_slice %arg2[%add3A, %dma_start3A_545] : memref<320000x128xf32, #tpu.memory_space<hbm>> -> memref<400x128xf32, #tpu.memory_space<hbm>>
        tpu.enqueue_dma source(%dma_start3A_546 : memref<400x128xf32, #tpu.memory_space<hbm>>) target(%arg8 : memref<400x128xf32, #tpu.memory_space<vmem>>) target_semaphore(%run_scoped3A : memref<!tpu.dma_semaphore, #tpu.memory_space<semaphore_mem>>)
        %dma_wait3A_547 = arith.constant 0 : i32
        %dma_wait3A_548 = tpu.memref_slice %arg2[%add3A, %dma_wait3A_547] : memref<320000x128xf32, #tpu.memory_space<hbm>> -> memref<400x128xf32, #tpu.memory_space<hbm>>
        %dma_wait3A_549 = arith.constant 0 : i32
        %dma_wait3A_550 = tpu.memref_slice %arg2[%add3A, %dma_wait3A_549] : memref<320000x128xf32, #tpu.memory_space<hbm>> -> memref<400x128xf32, #tpu.memory_space<hbm>>
        tpu.wait_dma2 semaphore(%run_scoped3A : memref<!tpu.dma_semaphore, #tpu.memory_space<semaphore_mem>>) src(%dma_wait3A_550 : memref<400x128xf32, #tpu.memory_space<hbm>>) dst(%arg8 : memref<400x128xf32, #tpu.memory_space<vmem>>)
        tpu.yield
      }) : () -> ()
      %get3A = arith.constant 0 : index
      %get3A_19 = tpu.vector_load %arg7[%get3A] {strides = array<i32>} : memref<400xi32, #tpu.memory_space<vmem>>, vector<16xi32>,
      %get3A_20 = vector.shape_cast %get3A_19 : vector<16xi32> to vector<16xi32>
      %sub3A = vector.broadcast %mul3A_0 : i32 to vector<16xi32>
      %sub3A_21 = arith.subi %get3A_20, %sub3A : vector<16xi32>
      %lt3A = arith.constant 0 : i32
      %lt3A_22 = vector.broadcast %lt3A : i32 to vector<16xi32>
      %lt3A_23 = arith.cmpi slt, %sub3A_21, %lt3A_22 : vector<16xi32>
      %ge3A = arith.constant 5000 : i32
      %ge3A_24 = vector.broadcast %ge3A : i32 to vector<16xi32>
      %ge3A_25 = arith.cmpi sge, %sub3A_21, %ge3A_24 : vector<16xi32>
      %or3A = arith.ori %lt3A_23, %ge3A_25 : vector<16xi1>
      %jit3A = arith.constant 5000 : i32
      %broadcast_in_dim3A = vector.broadcast %jit3A : i32 to vector<16xi32>
      %select_n3A = arith.select %or3A, %broadcast_in_dim3A, %sub3A_21 : vector<16xi1>, vector<16xi32>
      %swap3A = arith.constant 0 : index
      %swap3A_26 = tpu.vector_load %arg9[%swap3A] {strides = array<i32>} : memref<80xi32, #tpu.memory_space<vmem>>, vector<16xi32>,
      %swap3A_27 = vector.shape_cast %swap3A_26 : vector<16xi32> to vector<16xi32>
      %swap3A_28 = vector.shape_cast %select_n3A : vector<16xi32> to vector<16xi32>
      tpu.vector_store %arg9[%swap3A], %swap3A_28 {strides = array<i32>} : memref<80xi32, #tpu.memory_space<vmem>>, vector<16xi32>,
      %get3A_29 = arith.constant 16 : index
      %get3A_30 = tpu.vector_load %arg7[%get3A_29] {strides = array<i32>} : memref<400xi32, #tpu.memory_space<vmem>>, vector<16xi32>,
      %get3A_31 = vector.shape_cast %get3A_30 : vector<16xi32> to vector<16xi32>
      %sub3A_32 = vector.broadcast %mul3A_0 : i32 to vector<16xi32>
      %sub3A_33 = arith.subi %get3A_31, %sub3A_32 : vector<16xi32>
      %lt3A_34 = arith.constant 0 : i32
      %lt3A_35 = vector.broadcast %lt3A_34 : i32 to vector<16xi32>
      %lt3A_36 = arith.cmpi slt, %sub3A_33, %lt3A_35 : vector<16xi32>
      %ge3A_37 = arith.constant 5000 : i32
      %ge3A_38 = vector.broadcast %ge3A_37 : i32 to vector<16xi32>
      %ge3A_39 = arith.cmpi sge, %sub3A_33, %ge3A_38 : vector<16xi32>
      %or3A_40 = arith.ori %lt3A_36, %ge3A_39 : vector<16xi1>
      %jit3A_41 = arith.constant 5000 : i32
      %broadcast_in_dim3A_42 = vector.broadcast %jit3A_41 : i32 to vector<16xi32>
      %select_n3A_43 = arith.select %or3A_40, %broadcast_in_dim3A_42, %sub3A_33 : vector<16xi1>, vector<16xi32>
      %swap3A_44 = arith.constant 16 : index
      %swap3A_45 = tpu.vector_load %arg9[%swap3A_44] {strides = array<i32>} : memref<80xi32, #tpu.memory_space<vmem>>, vector<16xi32>,
      %swap3A_46 = vector.shape_cast %swap3A_45 : vector<16xi32> to vector<16xi32>
      %swap3A_47 = vector.shape_cast %select_n3A_43 : vector<16xi32> to vector<16xi32>
      tpu.vector_store %arg9[%swap3A_44], %swap3A_47 {strides = array<i32>} : memref<80xi32, #tpu.memory_space<vmem>>, vector<16xi32>,
      %get3A_48 = arith.constant 32 : index
      %get3A_49 = tpu.vector_load %arg7[%get3A_48] {strides = array<i32>} : memref<400xi32, #tpu.memory_space<vmem>>, vector<16xi32>,
      %get3A_50 = vector.shape_cast %get3A_49 : vector<16xi32> to vector<16xi32>
      %sub3A_51 = vector.broadcast %mul3A_0 : i32 to vector<16xi32>
      %sub3A_52 = arith.subi %get3A_50, %sub3A_51 : vector<16xi32>
      %lt3A_53 = arith.constant 0 : i32
      %lt3A_54 = vector.broadcast %lt3A_53 : i32 to vector<16xi32>
      %lt3A_55 = arith.cmpi slt, %sub3A_52, %lt3A_54 : vector<16xi32>
      %ge3A_56 = arith.constant 5000 : i32
      %ge3A_57 = vector.broadcast %ge3A_56 : i32 to vector<16xi32>
      %ge3A_58 = arith.cmpi sge, %sub3A_52, %ge3A_57 : vector<16xi32>
      %or3A_59 = arith.ori %lt3A_55, %ge3A_58 : vector<16xi1>
      %jit3A_60 = arith.constant 5000 : i32
      %broadcast_in_dim3A_61 = vector.broadcast %jit3A_60 : i32 to vector<16xi32>
      %select_n3A_62 = arith.select %or3A_59, %broadcast_in_dim3A_61, %sub3A_52 : vector<16xi1>, vector<16xi32>
      %swap3A_63 = arith.constant 32 : index
      %swap3A_64 = tpu.vector_load %arg9[%swap3A_63] {strides = array<i32>} : memref<80xi32, #tpu.memory_space<vmem>>, vector<16xi32>,
      %swap3A_65 = vector.shape_cast %swap3A_64 : vector<16xi32> to vector<16xi32>
      %swap3A_66 = vector.shape_cast %select_n3A_62 : vector<16xi32> to vector<16xi32>
      tpu.vector_store %arg9[%swap3A_63], %swap3A_66 {strides = array<i32>} : memref<80xi32, #tpu.memory_space<vmem>>, vector<16xi32>,
      %get3A_67 = arith.constant 48 : index
      %get3A_68 = tpu.vector_load %arg7[%get3A_67] {strides = array<i32>} : memref<400xi32, #tpu.memory_space<vmem>>, vector<16xi32>,
      %get3A_69 = vector.shape_cast %get3A_68 : vector<16xi32> to vector<16xi32>
      %sub3A_70 = vector.broadcast %mul3A_0 : i32 to vector<16xi32>
      %sub3A_71 = arith.subi %get3A_69, %sub3A_70 : vector<16xi32>
      %lt3A_72 = arith.constant 0 : i32
      %lt3A_73 = vector.broadcast %lt3A_72 : i32 to vector<16xi32>
      %lt3A_74 = arith.cmpi slt, %sub3A_71, %lt3A_73 : vector<16xi32>
      %ge3A_75 = arith.constant 5000 : i32
      %ge3A_76 = vector.broadcast %ge3A_75 : i32 to vector<16xi32>
      %ge3A_77 = arith.cmpi sge, %sub3A_71, %ge3A_76 : vector<16xi32>
      %or3A_78 = arith.ori %lt3A_74, %ge3A_77 : vector<16xi1>
      %jit3A_79 = arith.constant 5000 : i32
      %broadcast_in_dim3A_80 = vector.broadcast %jit3A_79 : i32 to vector<16xi32>
      %select_n3A_81 = arith.select %or3A_78, %broadcast_in_dim3A_80, %sub3A_71 : vector<16xi1>, vector<16xi32>
      %swap3A_82 = arith.constant 48 : index
      %swap3A_83 = tpu.vector_load %arg9[%swap3A_82] {strides = array<i32>} : memref<80xi32, #tpu.memory_space<vmem>>, vector<16xi32>,
      %swap3A_84 = vector.shape_cast %swap3A_83 : vector<16xi32> to vector<16xi32>
      %swap3A_85 = vector.shape_cast %select_n3A_81 : vector<16xi32> to vector<16xi32>
      tpu.vector_store %arg9[%swap3A_82], %swap3A_85 {strides = array<i32>} : memref<80xi32, #tpu.memory_space<vmem>>, vector<16xi32>,
      %get3A_86 = arith.constant 64 : index
      %get3A_87 = tpu.vector_load %arg7[%get3A_86] {strides = array<i32>} : memref<400xi32, #tpu.memory_space<vmem>>, vector<16xi32>,
      %get3A_88 = vector.shape_cast %get3A_87 : vector<16xi32> to vector<16xi32>
      %sub3A_89 = vector.broadcast %mul3A_0 : i32 to vector<16xi32>
      %sub3A_90 = arith.subi %get3A_88, %sub3A_89 : vector<16xi32>
      %lt3A_91 = arith.constant 0 : i32
      %lt3A_92 = vector.broadcast %lt3A_91 : i32 to vector<16xi32>
      %lt3A_93 = arith.cmpi slt, %sub3A_90, %lt3A_92 : vector<16xi32>
      %ge3A_94 = arith.constant 5000 : i32
      %ge3A_95 = vector.broadcast %ge3A_94 : i32 to vector<16xi32>
      %ge3A_96 = arith.cmpi sge, %sub3A_90, %ge3A_95 : vector<16xi32>
      %or3A_97 = arith.ori %lt3A_93, %ge3A_96 : vector<16xi1>
      %jit3A_98 = arith.constant 5000 : i32
      %broadcast_in_dim3A_99 = vector.broadcast %jit3A_98 : i32 to vector<16xi32>
      %select_n3A_100 = arith.select %or3A_97, %broadcast_in_dim3A_99, %sub3A_90 : vector<16xi1>, vector<16xi32>
      %swap3A_101 = arith.constant 64 : index
      %swap3A_102 = tpu.vector_load %arg9[%swap3A_101] {strides = array<i32>} : memref<80xi32, #tpu.memory_space<vmem>>, vector<16xi32>,
      %swap3A_103 = vector.shape_cast %swap3A_102 : vector<16xi32> to vector<16xi32>
      %swap3A_104 = vector.shape_cast %select_n3A_100 : vector<16xi32> to vector<16xi32>
      tpu.vector_store %arg9[%swap3A_101], %swap3A_104 {strides = array<i32>} : memref<80xi32, #tpu.memory_space<vmem>>, vector<16xi32>,
      %get3A_105 = arith.constant 80 : index
      %get3A_106 = tpu.vector_load %arg7[%get3A_105] {strides = array<i32>} : memref<400xi32, #tpu.memory_space<vmem>>, vector<16xi32>,
      %get3A_107 = vector.shape_cast %get3A_106 : vector<16xi32> to vector<16xi32>
      %sub3A_108 = vector.broadcast %mul3A_0 : i32 to vector<16xi32>
      %sub3A_109 = arith.subi %get3A_107, %sub3A_108 : vector<16xi32>
      %lt3A_110 = arith.constant 0 : i32
      %lt3A_111 = vector.broadcast %lt3A_110 : i32 to vector<16xi32>
      %lt3A_112 = arith.cmpi slt, %sub3A_109, %lt3A_111 : vector<16xi32>
      %ge3A_113 = arith.constant 5000 : i32
      %ge3A_114 = vector.broadcast %ge3A_113 : i32 to vector<16xi32>
      %ge3A_115 = arith.cmpi sge, %sub3A_109, %ge3A_114 : vector<16xi32>
      %or3A_116 = arith.ori %lt3A_112, %ge3A_115 : vector<16xi1>
      %jit3A_117 = arith.constant 5000 : i32
      %broadcast_in_dim3A_118 = vector.broadcast %jit3A_117 : i32 to vector<16xi32>
      %select_n3A_119 = arith.select %or3A_116, %broadcast_in_dim3A_118, %sub3A_109 : vector<16xi1>, vector<16xi32>
      %swap3A_120 = arith.constant 0 : index
      %swap3A_121 = tpu.vector_load %arg10[%swap3A_120] {strides = array<i32>} : memref<80xi32, #tpu.memory_space<vmem>>, vector<16xi32>,
      %swap3A_122 = vector.shape_cast %swap3A_121 : vector<16xi32> to vector<16xi32>
      %swap3A_123 = vector.shape_cast %select_n3A_119 : vector<16xi32> to vector<16xi32>
      tpu.vector_store %arg10[%swap3A_120], %swap3A_123 {strides = array<i32>} : memref<80xi32, #tpu.memory_space<vmem>>, vector<16xi32>,
      %get3A_124 = arith.constant 96 : index
      %get3A_125 = tpu.vector_load %arg7[%get3A_124] {strides = array<i32>} : memref<400xi32, #tpu.memory_space<vmem>>, vector<16xi32>,
      %get3A_126 = vector.shape_cast %get3A_125 : vector<16xi32> to vector<16xi32>
      %sub3A_127 = vector.broadcast %mul3A_0 : i32 to vector<16xi32>
      %sub3A_128 = arith.subi %get3A_126, %sub3A_127 : vector<16xi32>
      %lt3A_129 = arith.constant 0 : i32
      %lt3A_130 = vector.broadcast %lt3A_129 : i32 to vector<16xi32>
      %lt3A_131 = arith.cmpi slt, %sub3A_128, %lt3A_130 : vector<16xi32>
      %ge3A_132 = arith.constant 5000 : i32
      %ge3A_133 = vector.broadcast %ge3A_132 : i32 to vector<16xi32>
      %ge3A_134 = arith.cmpi sge, %sub3A_128, %ge3A_133 : vector<16xi32>
      %or3A_135 = arith.ori %lt3A_131, %ge3A_134 : vector<16xi1>
      %jit3A_136 = arith.constant 5000 : i32
      %broadcast_in_dim3A_137 = vector.broadcast %jit3A_136 : i32 to vector<16xi32>
      %select_n3A_138 = arith.select %or3A_135, %broadcast_in_dim3A_137, %sub3A_128 : vector<16xi1>, vector<16xi32>
      %swap3A_139 = arith.constant 16 : index
      %swap3A_140 = tpu.vector_load %arg10[%swap3A_139] {strides = array<i32>} : memref<80xi32, #tpu.memory_space<vmem>>, vector<16xi32>,
      %swap3A_141 = vector.shape_cast %swap3A_140 : vector<16xi32> to vector<16xi32>
      %swap3A_142 = vector.shape_cast %select_n3A_138 : vector<16xi32> to vector<16xi32>
      tpu.vector_store %arg10[%swap3A_139], %swap3A_142 {strides = array<i32>} : memref<80xi32, #tpu.memory_space<vmem>>, vector<16xi32>,
      %get3A_143 = arith.constant 112 : index
      %get3A_144 = tpu.vector_load %arg7[%get3A_143] {strides = array<i32>} : memref<400xi32, #tpu.memory_space<vmem>>, vector<16xi32>,
      %get3A_145 = vector.shape_cast %get3A_144 : vector<16xi32> to vector<16xi32>
      %sub3A_146 = vector.broadcast %mul3A_0 : i32 to vector<16xi32>
      %sub3A_147 = arith.subi %get3A_145, %sub3A_146 : vector<16xi32>
      %lt3A_148 = arith.constant 0 : i32
      %lt3A_149 = vector.broadcast %lt3A_148 : i32 to vector<16xi32>
      %lt3A_150 = arith.cmpi slt, %sub3A_147, %lt3A_149 : vector<16xi32>
      %ge3A_151 = arith.constant 5000 : i32
      %ge3A_152 = vector.broadcast %ge3A_151 : i32 to vector<16xi32>
      %ge3A_153 = arith.cmpi sge, %sub3A_147, %ge3A_152 : vector<16xi32>
      %or3A_154 = arith.ori %lt3A_150, %ge3A_153 : vector<16xi1>
      %jit3A_155 = arith.constant 5000 : i32
      %broadcast_in_dim3A_156 = vector.broadcast %jit3A_155 : i32 to vector<16xi32>
      %select_n3A_157 = arith.select %or3A_154, %broadcast_in_dim3A_156, %sub3A_147 : vector<16xi1>, vector<16xi32>
      %swap3A_158 = arith.constant 32 : index
      %swap3A_159 = tpu.vector_load %arg10[%swap3A_158] {strides = array<i32>} : memref<80xi32, #tpu.memory_space<vmem>>, vector<16xi32>,
      %swap3A_160 = vector.shape_cast %swap3A_159 : vector<16xi32> to vector<16xi32>
      %swap3A_161 = vector.shape_cast %select_n3A_157 : vector<16xi32> to vector<16xi32>
      tpu.vector_store %arg10[%swap3A_158], %swap3A_161 {strides = array<i32>} : memref<80xi32, #tpu.memory_space<vmem>>, vector<16xi32>,
      %get3A_162 = arith.constant 128 : index
      %get3A_163 = tpu.vector_load %arg7[%get3A_162] {strides = array<i32>} : memref<400xi32, #tpu.memory_space<vmem>>, vector<16xi32>,
      %get3A_164 = vector.shape_cast %get3A_163 : vector<16xi32> to vector<16xi32>
      %sub3A_165 = vector.broadcast %mul3A_0 : i32 to vector<16xi32>
      %sub3A_166 = arith.subi %get3A_164, %sub3A_165 : vector<16xi32>
      %lt3A_167 = arith.constant 0 : i32
      %lt3A_168 = vector.broadcast %lt3A_167 : i32 to vector<16xi32>
      %lt3A_169 = arith.cmpi slt, %sub3A_166, %lt3A_168 : vector<16xi32>
      %ge3A_170 = arith.constant 5000 : i32
      %ge3A_171 = vector.broadcast %ge3A_170 : i32 to vector<16xi32>
      %ge3A_172 = arith.cmpi sge, %sub3A_166, %ge3A_171 : vector<16xi32>
      %or3A_173 = arith.ori %lt3A_169, %ge3A_172 : vector<16xi1>
      %jit3A_174 = arith.constant 5000 : i32
      %broadcast_in_dim3A_175 = vector.broadcast %jit3A_174 : i32 to vector<16xi32>
      %select_n3A_176 = arith.select %or3A_173, %broadcast_in_dim3A_175, %sub3A_166 : vector<16xi1>, vector<16xi32>
      %swap3A_177 = arith.constant 48 : index
      %swap3A_178 = tpu.vector_load %arg10[%swap3A_177] {strides = array<i32>} : memref<80xi32, #tpu.memory_space<vmem>>, vector<16xi32>,
      %swap3A_179 = vector.shape_cast %swap3A_178 : vector<16xi32> to vector<16xi32>
      %swap3A_180 = vector.shape_cast %select_n3A_176 : vector<16xi32> to vector<16xi32>
      tpu.vector_store %arg10[%swap3A_177], %swap3A_180 {strides = array<i32>} : memref<80xi32, #tpu.memory_space<vmem>>, vector<16xi32>,
      %get3A_181 = arith.constant 144 : index
      %get3A_182 = tpu.vector_load %arg7[%get3A_181] {strides = array<i32>} : memref<400xi32, #tpu.memory_space<vmem>>, vector<16xi32>,
      %get3A_183 = vector.shape_cast %get3A_182 : vector<16xi32> to vector<16xi32>
      %sub3A_184 = vector.broadcast %mul3A_0 : i32 to vector<16xi32>
      %sub3A_185 = arith.subi %get3A_183, %sub3A_184 : vector<16xi32>
      %lt3A_186 = arith.constant 0 : i32
      %lt3A_187 = vector.broadcast %lt3A_186 : i32 to vector<16xi32>
      %lt3A_188 = arith.cmpi slt, %sub3A_185, %lt3A_187 : vector<16xi32>
      %ge3A_189 = arith.constant 5000 : i32
      %ge3A_190 = vector.broadcast %ge3A_189 : i32 to vector<16xi32>
      %ge3A_191 = arith.cmpi sge, %sub3A_185, %ge3A_190 : vector<16xi32>
      %or3A_192 = arith.ori %lt3A_188, %ge3A_191 : vector<16xi1>
      %jit3A_193 = arith.constant 5000 : i32
      %broadcast_in_dim3A_194 = vector.broadcast %jit3A_193 : i32 to vector<16xi32>
      %select_n3A_195 = arith.select %or3A_192, %broadcast_in_dim3A_194, %sub3A_185 : vector<16xi1>, vector<16xi32>
      %swap3A_196 = arith.constant 64 : index
      %swap3A_197 = tpu.vector_load %arg10[%swap3A_196] {strides = array<i32>} : memref<80xi32, #tpu.memory_space<vmem>>, vector<16xi32>,
      %swap3A_198 = vector.shape_cast %swap3A_197 : vector<16xi32> to vector<16xi32>
      %swap3A_199 = vector.shape_cast %select_n3A_195 : vector<16xi32> to vector<16xi32>
      tpu.vector_store %arg10[%swap3A_196], %swap3A_199 {strides = array<i32>} : memref<80xi32, #tpu.memory_space<vmem>>, vector<16xi32>,
      %get3A_200 = arith.constant 160 : index
      %get3A_201 = tpu.vector_load %arg7[%get3A_200] {strides = array<i32>} : memref<400xi32, #tpu.memory_space<vmem>>, vector<16xi32>,
      %get3A_202 = vector.shape_cast %get3A_201 : vector<16xi32> to vector<16xi32>
      %sub3A_203 = vector.broadcast %mul3A_0 : i32 to vector<16xi32>
      %sub3A_204 = arith.subi %get3A_202, %sub3A_203 : vector<16xi32>
      %lt3A_205 = arith.constant 0 : i32
      %lt3A_206 = vector.broadcast %lt3A_205 : i32 to vector<16xi32>
      %lt3A_207 = arith.cmpi slt, %sub3A_204, %lt3A_206 : vector<16xi32>
      %ge3A_208 = arith.constant 5000 : i32
      %ge3A_209 = vector.broadcast %ge3A_208 : i32 to vector<16xi32>
      %ge3A_210 = arith.cmpi sge, %sub3A_204, %ge3A_209 : vector<16xi32>
      %or3A_211 = arith.ori %lt3A_207, %ge3A_210 : vector<16xi1>
      %jit3A_212 = arith.constant 5000 : i32
      %broadcast_in_dim3A_213 = vector.broadcast %jit3A_212 : i32 to vector<16xi32>
      %select_n3A_214 = arith.select %or3A_211, %broadcast_in_dim3A_213, %sub3A_204 : vector<16xi1>, vector<16xi32>
      %swap3A_215 = arith.constant 0 : index
      %swap3A_216 = tpu.vector_load %arg11[%swap3A_215] {strides = array<i32>} : memref<80xi32, #tpu.memory_space<vmem>>, vector<16xi32>,
      %swap3A_217 = vector.shape_cast %swap3A_216 : vector<16xi32> to vector<16xi32>
      %swap3A_218 = vector.shape_cast %select_n3A_214 : vector<16xi32> to vector<16xi32>
      tpu.vector_store %arg11[%swap3A_215], %swap3A_218 {strides = array<i32>} : memref<80xi32, #tpu.memory_space<vmem>>, vector<16xi32>,
      %get3A_219 = arith.constant 176 : index
      %get3A_220 = tpu.vector_load %arg7[%get3A_219] {strides = array<i32>} : memref<400xi32, #tpu.memory_space<vmem>>, vector<16xi32>,
      %get3A_221 = vector.shape_cast %get3A_220 : vector<16xi32> to vector<16xi32>
      %sub3A_222 = vector.broadcast %mul3A_0 : i32 to vector<16xi32>
      %sub3A_223 = arith.subi %get3A_221, %sub3A_222 : vector<16xi32>
      %lt3A_224 = arith.constant 0 : i32
      %lt3A_225 = vector.broadcast %lt3A_224 : i32 to vector<16xi32>
      %lt3A_226 = arith.cmpi slt, %sub3A_223, %lt3A_225 : vector<16xi32>
      %ge3A_227 = arith.constant 5000 : i32
      %ge3A_228 = vector.broadcast %ge3A_227 : i32 to vector<16xi32>
      %ge3A_229 = arith.cmpi sge, %sub3A_223, %ge3A_228 : vector<16xi32>
      %or3A_230 = arith.ori %lt3A_226, %ge3A_229 : vector<16xi1>
      %jit3A_231 = arith.constant 5000 : i32
      %broadcast_in_dim3A_232 = vector.broadcast %jit3A_231 : i32 to vector<16xi32>
      %select_n3A_233 = arith.select %or3A_230, %broadcast_in_dim3A_232, %sub3A_223 : vector<16xi1>, vector<16xi32>
      %swap3A_234 = arith.constant 16 : index
      %swap3A_235 = tpu.vector_load %arg11[%swap3A_234] {strides = array<i32>} : memref<80xi32, #tpu.memory_space<vmem>>, vector<16xi32>,
      %swap3A_236 = vector.shape_cast %swap3A_235 : vector<16xi32> to vector<16xi32>
      %swap3A_237 = vector.shape_cast %select_n3A_233 : vector<16xi32> to vector<16xi32>
      tpu.vector_store %arg11[%swap3A_234], %swap3A_237 {strides = array<i32>} : memref<80xi32, #tpu.memory_space<vmem>>, vector<16xi32>,
      %get3A_238 = arith.constant 192 : index
      %get3A_239 = tpu.vector_load %arg7[%get3A_238] {strides = array<i32>} : memref<400xi32, #tpu.memory_space<vmem>>, vector<16xi32>,
      %get3A_240 = vector.shape_cast %get3A_239 : vector<16xi32> to vector<16xi32>
      %sub3A_241 = vector.broadcast %mul3A_0 : i32 to vector<16xi32>
      %sub3A_242 = arith.subi %get3A_240, %sub3A_241 : vector<16xi32>
      %lt3A_243 = arith.constant 0 : i32
      %lt3A_244 = vector.broadcast %lt3A_243 : i32 to vector<16xi32>
      %lt3A_245 = arith.cmpi slt, %sub3A_242, %lt3A_244 : vector<16xi32>
      %ge3A_246 = arith.constant 5000 : i32
      %ge3A_247 = vector.broadcast %ge3A_246 : i32 to vector<16xi32>
      %ge3A_248 = arith.cmpi sge, %sub3A_242, %ge3A_247 : vector<16xi32>
      %or3A_249 = arith.ori %lt3A_245, %ge3A_248 : vector<16xi1>
      %jit3A_250 = arith.constant 5000 : i32
      %broadcast_in_dim3A_251 = vector.broadcast %jit3A_250 : i32 to vector<16xi32>
      %select_n3A_252 = arith.select %or3A_249, %broadcast_in_dim3A_251, %sub3A_242 : vector<16xi1>, vector<16xi32>
      %swap3A_253 = arith.constant 32 : index
      %swap3A_254 = tpu.vector_load %arg11[%swap3A_253] {strides = array<i32>} : memref<80xi32, #tpu.memory_space<vmem>>, vector<16xi32>,
      %swap3A_255 = vector.shape_cast %swap3A_254 : vector<16xi32> to vector<16xi32>
      %swap3A_256 = vector.shape_cast %select_n3A_252 : vector<16xi32> to vector<16xi32>
      tpu.vector_store %arg11[%swap3A_253], %swap3A_256 {strides = array<i32>} : memref<80xi32, #tpu.memory_space<vmem>>, vector<16xi32>,
      %get3A_257 = arith.constant 208 : index
      %get3A_258 = tpu.vector_load %arg7[%get3A_257] {strides = array<i32>} : memref<400xi32, #tpu.memory_space<vmem>>, vector<16xi32>,
      %get3A_259 = vector.shape_cast %get3A_258 : vector<16xi32> to vector<16xi32>
      %sub3A_260 = vector.broadcast %mul3A_0 : i32 to vector<16xi32>
      %sub3A_261 = arith.subi %get3A_259, %sub3A_260 : vector<16xi32>
      %lt3A_262 = arith.constant 0 : i32
      %lt3A_263 = vector.broadcast %lt3A_262 : i32 to vector<16xi32>
      %lt3A_264 = arith.cmpi slt, %sub3A_261, %lt3A_263 : vector<16xi32>
      %ge3A_265 = arith.constant 5000 : i32
      %ge3A_266 = vector.broadcast %ge3A_265 : i32 to vector<16xi32>
      %ge3A_267 = arith.cmpi sge, %sub3A_261, %ge3A_266 : vector<16xi32>
      %or3A_268 = arith.ori %lt3A_264, %ge3A_267 : vector<16xi1>
      %jit3A_269 = arith.constant 5000 : i32
      %broadcast_in_dim3A_270 = vector.broadcast %jit3A_269 : i32 to vector<16xi32>
      %select_n3A_271 = arith.select %or3A_268, %broadcast_in_dim3A_270, %sub3A_261 : vector<16xi1>, vector<16xi32>
      %swap3A_272 = arith.constant 48 : index
      %swap3A_273 = tpu.vector_load %arg11[%swap3A_272] {strides = array<i32>} : memref<80xi32, #tpu.memory_space<vmem>>, vector<16xi32>,
      %swap3A_274 = vector.shape_cast %swap3A_273 : vector<16xi32> to vector<16xi32>
      %swap3A_275 = vector.shape_cast %select_n3A_271 : vector<16xi32> to vector<16xi32>
      tpu.vector_store %arg11[%swap3A_272], %swap3A_275 {strides = array<i32>} : memref<80xi32, #tpu.memory_space<vmem>>, vector<16xi32>,
      %get3A_276 = arith.constant 224 : index
      %get3A_277 = tpu.vector_load %arg7[%get3A_276] {strides = array<i32>} : memref<400xi32, #tpu.memory_space<vmem>>, vector<16xi32>,
      %get3A_278 = vector.shape_cast %get3A_277 : vector<16xi32> to vector<16xi32>
      %sub3A_279 = vector.broadcast %mul3A_0 : i32 to vector<16xi32>
      %sub3A_280 = arith.subi %get3A_278, %sub3A_279 : vector<16xi32>
      %lt3A_281 = arith.constant 0 : i32
      %lt3A_282 = vector.broadcast %lt3A_281 : i32 to vector<16xi32>
      %lt3A_283 = arith.cmpi slt, %sub3A_280, %lt3A_282 : vector<16xi32>
      %ge3A_284 = arith.constant 5000 : i32
      %ge3A_285 = vector.broadcast %ge3A_284 : i32 to vector<16xi32>
      %ge3A_286 = arith.cmpi sge, %sub3A_280, %ge3A_285 : vector<16xi32>
      %or3A_287 = arith.ori %lt3A_283, %ge3A_286 : vector<16xi1>
      %jit3A_288 = arith.constant 5000 : i32
      %broadcast_in_dim3A_289 = vector.broadcast %jit3A_288 : i32 to vector<16xi32>
      %select_n3A_290 = arith.select %or3A_287, %broadcast_in_dim3A_289, %sub3A_280 : vector<16xi1>, vector<16xi32>
      %swap3A_291 = arith.constant 64 : index
      %swap3A_292 = tpu.vector_load %arg11[%swap3A_291] {strides = array<i32>} : memref<80xi32, #tpu.memory_space<vmem>>, vector<16xi32>,
      %swap3A_293 = vector.shape_cast %swap3A_292 : vector<16xi32> to vector<16xi32>
      %swap3A_294 = vector.shape_cast %select_n3A_290 : vector<16xi32> to vector<16xi32>
      tpu.vector_store %arg11[%swap3A_291], %swap3A_294 {strides = array<i32>} : memref<80xi32, #tpu.memory_space<vmem>>, vector<16xi32>,
      %get3A_295 = arith.constant 240 : index
      %get3A_296 = tpu.vector_load %arg7[%get3A_295] {strides = array<i32>} : memref<400xi32, #tpu.memory_space<vmem>>, vector<16xi32>,
      %get3A_297 = vector.shape_cast %get3A_296 : vector<16xi32> to vector<16xi32>
      %sub3A_298 = vector.broadcast %mul3A_0 : i32 to vector<16xi32>
      %sub3A_299 = arith.subi %get3A_297, %sub3A_298 : vector<16xi32>
      %lt3A_300 = arith.constant 0 : i32
      %lt3A_301 = vector.broadcast %lt3A_300 : i32 to vector<16xi32>
      %lt3A_302 = arith.cmpi slt, %sub3A_299, %lt3A_301 : vector<16xi32>
      %ge3A_303 = arith.constant 5000 : i32
      %ge3A_304 = vector.broadcast %ge3A_303 : i32 to vector<16xi32>
      %ge3A_305 = arith.cmpi sge, %sub3A_299, %ge3A_304 : vector<16xi32>
      %or3A_306 = arith.ori %lt3A_302, %ge3A_305 : vector<16xi1>
      %jit3A_307 = arith.constant 5000 : i32
      %broadcast_in_dim3A_308 = vector.broadcast %jit3A_307 : i32 to vector<16xi32>
      %select_n3A_309 = arith.select %or3A_306, %broadcast_in_dim3A_308, %sub3A_299 : vector<16xi1>, vector<16xi32>
      %swap3A_310 = arith.constant 0 : index
      %swap3A_311 = tpu.vector_load %arg12[%swap3A_310] {strides = array<i32>} : memref<80xi32, #tpu.memory_space<vmem>>, vector<16xi32>,
      %swap3A_312 = vector.shape_cast %swap3A_311 : vector<16xi32> to vector<16xi32>
      %swap3A_313 = vector.shape_cast %select_n3A_309 : vector<16xi32> to vector<16xi32>
      tpu.vector_store %arg12[%swap3A_310], %swap3A_313 {strides = array<i32>} : memref<80xi32, #tpu.memory_space<vmem>>, vector<16xi32>,
      %get3A_314 = arith.constant 256 : index
      %get3A_315 = tpu.vector_load %arg7[%get3A_314] {strides = array<i32>} : memref<400xi32, #tpu.memory_space<vmem>>, vector<16xi32>,
      %get3A_316 = vector.shape_cast %get3A_315 : vector<16xi32> to vector<16xi32>
      %sub3A_317 = vector.broadcast %mul3A_0 : i32 to vector<16xi32>
      %sub3A_318 = arith.subi %get3A_316, %sub3A_317 : vector<16xi32>
      %lt3A_319 = arith.constant 0 : i32
      %lt3A_320 = vector.broadcast %lt3A_319 : i32 to vector<16xi32>
      %lt3A_321 = arith.cmpi slt, %sub3A_318, %lt3A_320 : vector<16xi32>
      %ge3A_322 = arith.constant 5000 : i32
      %ge3A_323 = vector.broadcast %ge3A_322 : i32 to vector<16xi32>
      %ge3A_324 = arith.cmpi sge, %sub3A_318, %ge3A_323 : vector<16xi32>
      %or3A_325 = arith.ori %lt3A_321, %ge3A_324 : vector<16xi1>
      %jit3A_326 = arith.constant 5000 : i32
      %broadcast_in_dim3A_327 = vector.broadcast %jit3A_326 : i32 to vector<16xi32>
      %select_n3A_328 = arith.select %or3A_325, %broadcast_in_dim3A_327, %sub3A_318 : vector<16xi1>, vector<16xi32>
      %swap3A_329 = arith.constant 16 : index
      %swap3A_330 = tpu.vector_load %arg12[%swap3A_329] {strides = array<i32>} : memref<80xi32, #tpu.memory_space<vmem>>, vector<16xi32>,
      %swap3A_331 = vector.shape_cast %swap3A_330 : vector<16xi32> to vector<16xi32>
      %swap3A_332 = vector.shape_cast %select_n3A_328 : vector<16xi32> to vector<16xi32>
      tpu.vector_store %arg12[%swap3A_329], %swap3A_332 {strides = array<i32>} : memref<80xi32, #tpu.memory_space<vmem>>, vector<16xi32>,
      %get3A_333 = arith.constant 272 : index
      %get3A_334 = tpu.vector_load %arg7[%get3A_333] {strides = array<i32>} : memref<400xi32, #tpu.memory_space<vmem>>, vector<16xi32>,
      %get3A_335 = vector.shape_cast %get3A_334 : vector<16xi32> to vector<16xi32>
      %sub3A_336 = vector.broadcast %mul3A_0 : i32 to vector<16xi32>
      %sub3A_337 = arith.subi %get3A_335, %sub3A_336 : vector<16xi32>
      %lt3A_338 = arith.constant 0 : i32
      %lt3A_339 = vector.broadcast %lt3A_338 : i32 to vector<16xi32>
      %lt3A_340 = arith.cmpi slt, %sub3A_337, %lt3A_339 : vector<16xi32>
      %ge3A_341 = arith.constant 5000 : i32
      %ge3A_342 = vector.broadcast %ge3A_341 : i32 to vector<16xi32>
      %ge3A_343 = arith.cmpi sge, %sub3A_337, %ge3A_342 : vector<16xi32>
      %or3A_344 = arith.ori %lt3A_340, %ge3A_343 : vector<16xi1>
      %jit3A_345 = arith.constant 5000 : i32
      %broadcast_in_dim3A_346 = vector.broadcast %jit3A_345 : i32 to vector<16xi32>
      %select_n3A_347 = arith.select %or3A_344, %broadcast_in_dim3A_346, %sub3A_337 : vector<16xi1>, vector<16xi32>
      %swap3A_348 = arith.constant 32 : index
      %swap3A_349 = tpu.vector_load %arg12[%swap3A_348] {strides = array<i32>} : memref<80xi32, #tpu.memory_space<vmem>>, vector<16xi32>,
      %swap3A_350 = vector.shape_cast %swap3A_349 : vector<16xi32> to vector<16xi32>
      %swap3A_351 = vector.shape_cast %select_n3A_347 : vector<16xi32> to vector<16xi32>
      tpu.vector_store %arg12[%swap3A_348], %swap3A_351 {strides = array<i32>} : memref<80xi32, #tpu.memory_space<vmem>>, vector<16xi32>,
      %get3A_352 = arith.constant 288 : index
      %get3A_353 = tpu.vector_load %arg7[%get3A_352] {strides = array<i32>} : memref<400xi32, #tpu.memory_space<vmem>>, vector<16xi32>,
      %get3A_354 = vector.shape_cast %get3A_353 : vector<16xi32> to vector<16xi32>
      %sub3A_355 = vector.broadcast %mul3A_0 : i32 to vector<16xi32>
      %sub3A_356 = arith.subi %get3A_354, %sub3A_355 : vector<16xi32>
      %lt3A_357 = arith.constant 0 : i32
      %lt3A_358 = vector.broadcast %lt3A_357 : i32 to vector<16xi32>
      %lt3A_359 = arith.cmpi slt, %sub3A_356, %lt3A_358 : vector<16xi32>
      %ge3A_360 = arith.constant 5000 : i32
      %ge3A_361 = vector.broadcast %ge3A_360 : i32 to vector<16xi32>
      %ge3A_362 = arith.cmpi sge, %sub3A_356, %ge3A_361 : vector<16xi32>
      %or3A_363 = arith.ori %lt3A_359, %ge3A_362 : vector<16xi1>
      %jit3A_364 = arith.constant 5000 : i32
      %broadcast_in_dim3A_365 = vector.broadcast %jit3A_364 : i32 to vector<16xi32>
      %select_n3A_366 = arith.select %or3A_363, %broadcast_in_dim3A_365, %sub3A_356 : vector<16xi1>, vector<16xi32>
      %swap3A_367 = arith.constant 48 : index
      %swap3A_368 = tpu.vector_load %arg12[%swap3A_367] {strides = array<i32>} : memref<80xi32, #tpu.memory_space<vmem>>, vector<16xi32>,
      %swap3A_369 = vector.shape_cast %swap3A_368 : vector<16xi32> to vector<16xi32>
      %swap3A_370 = vector.shape_cast %select_n3A_366 : vector<16xi32> to vector<16xi32>
      tpu.vector_store %arg12[%swap3A_367], %swap3A_370 {strides = array<i32>} : memref<80xi32, #tpu.memory_space<vmem>>, vector<16xi32>,
      %get3A_371 = arith.constant 304 : index
      %get3A_372 = tpu.vector_load %arg7[%get3A_371] {strides = array<i32>} : memref<400xi32, #tpu.memory_space<vmem>>, vector<16xi32>,
      %get3A_373 = vector.shape_cast %get3A_372 : vector<16xi32> to vector<16xi32>
      %sub3A_374 = vector.broadcast %mul3A_0 : i32 to vector<16xi32>
      %sub3A_375 = arith.subi %get3A_373, %sub3A_374 : vector<16xi32>
      %lt3A_376 = arith.constant 0 : i32
      %lt3A_377 = vector.broadcast %lt3A_376 : i32 to vector<16xi32>
      %lt3A_378 = arith.cmpi slt, %sub3A_375, %lt3A_377 : vector<16xi32>
      %ge3A_379 = arith.constant 5000 : i32
      %ge3A_380 = vector.broadcast %ge3A_379 : i32 to vector<16xi32>
      %ge3A_381 = arith.cmpi sge, %sub3A_375, %ge3A_380 : vector<16xi32>
      %or3A_382 = arith.ori %lt3A_378, %ge3A_381 : vector<16xi1>
      %jit3A_383 = arith.constant 5000 : i32
      %broadcast_in_dim3A_384 = vector.broadcast %jit3A_383 : i32 to vector<16xi32>
      %select_n3A_385 = arith.select %or3A_382, %broadcast_in_dim3A_384, %sub3A_375 : vector<16xi1>, vector<16xi32>
      %swap3A_386 = arith.constant 64 : index
      %swap3A_387 = tpu.vector_load %arg12[%swap3A_386] {strides = array<i32>} : memref<80xi32, #tpu.memory_space<vmem>>, vector<16xi32>,
      %swap3A_388 = vector.shape_cast %swap3A_387 : vector<16xi32> to vector<16xi32>
      %swap3A_389 = vector.shape_cast %select_n3A_385 : vector<16xi32> to vector<16xi32>
      tpu.vector_store %arg12[%swap3A_386], %swap3A_389 {strides = array<i32>} : memref<80xi32, #tpu.memory_space<vmem>>, vector<16xi32>,
      %get3A_390 = arith.constant 320 : index
      %get3A_391 = tpu.vector_load %arg7[%get3A_390] {strides = array<i32>} : memref<400xi32, #tpu.memory_space<vmem>>, vector<16xi32>,
      %get3A_392 = vector.shape_cast %get3A_391 : vector<16xi32> to vector<16xi32>
      %sub3A_393 = vector.broadcast %mul3A_0 : i32 to vector<16xi32>
      %sub3A_394 = arith.subi %get3A_392, %sub3A_393 : vector<16xi32>
      %lt3A_395 = arith.constant 0 : i32
      %lt3A_396 = vector.broadcast %lt3A_395 : i32 to vector<16xi32>
      %lt3A_397 = arith.cmpi slt, %sub3A_394, %lt3A_396 : vector<16xi32>
      %ge3A_398 = arith.constant 5000 : i32
      %ge3A_399 = vector.broadcast %ge3A_398 : i32 to vector<16xi32>
      %ge3A_400 = arith.cmpi sge, %sub3A_394, %ge3A_399 : vector<16xi32>
      %or3A_401 = arith.ori %lt3A_397, %ge3A_400 : vector<16xi1>
      %jit3A_402 = arith.constant 5000 : i32
      %broadcast_in_dim3A_403 = vector.broadcast %jit3A_402 : i32 to vector<16xi32>
      %select_n3A_404 = arith.select %or3A_401, %broadcast_in_dim3A_403, %sub3A_394 : vector<16xi1>, vector<16xi32>
      %swap3A_405 = arith.constant 0 : index
      %swap3A_406 = tpu.vector_load %arg13[%swap3A_405] {strides = array<i32>} : memref<80xi32, #tpu.memory_space<vmem>>, vector<16xi32>,
      %swap3A_407 = vector.shape_cast %swap3A_406 : vector<16xi32> to vector<16xi32>
      %swap3A_408 = vector.shape_cast %select_n3A_404 : vector<16xi32> to vector<16xi32>
      tpu.vector_store %arg13[%swap3A_405], %swap3A_408 {strides = array<i32>} : memref<80xi32, #tpu.memory_space<vmem>>, vector<16xi32>,
      %get3A_409 = arith.constant 336 : index
      %get3A_410 = tpu.vector_load %arg7[%get3A_409] {strides = array<i32>} : memref<400xi32, #tpu.memory_space<vmem>>, vector<16xi32>,
      %get3A_411 = vector.shape_cast %get3A_410 : vector<16xi32> to vector<16xi32>
      %sub3A_412 = vector.broadcast %mul3A_0 : i32 to vector<16xi32>
      %sub3A_413 = arith.subi %get3A_411, %sub3A_412 : vector<16xi32>
      %lt3A_414 = arith.constant 0 : i32
      %lt3A_415 = vector.broadcast %lt3A_414 : i32 to vector<16xi32>
      %lt3A_416 = arith.cmpi slt, %sub3A_413, %lt3A_415 : vector<16xi32>
      %ge3A_417 = arith.constant 5000 : i32
      %ge3A_418 = vector.broadcast %ge3A_417 : i32 to vector<16xi32>
      %ge3A_419 = arith.cmpi sge, %sub3A_413, %ge3A_418 : vector<16xi32>
      %or3A_420 = arith.ori %lt3A_416, %ge3A_419 : vector<16xi1>
      %jit3A_421 = arith.constant 5000 : i32
      %broadcast_in_dim3A_422 = vector.broadcast %jit3A_421 : i32 to vector<16xi32>
      %select_n3A_423 = arith.select %or3A_420, %broadcast_in_dim3A_422, %sub3A_413 : vector<16xi1>, vector<16xi32>
      %swap3A_424 = arith.constant 16 : index
      %swap3A_425 = tpu.vector_load %arg13[%swap3A_424] {strides = array<i32>} : memref<80xi32, #tpu.memory_space<vmem>>, vector<16xi32>,
      %swap3A_426 = vector.shape_cast %swap3A_425 : vector<16xi32> to vector<16xi32>
      %swap3A_427 = vector.shape_cast %select_n3A_423 : vector<16xi32> to vector<16xi32>
      tpu.vector_store %arg13[%swap3A_424], %swap3A_427 {strides = array<i32>} : memref<80xi32, #tpu.memory_space<vmem>>, vector<16xi32>,
      %get3A_428 = arith.constant 352 : index
      %get3A_429 = tpu.vector_load %arg7[%get3A_428] {strides = array<i32>} : memref<400xi32, #tpu.memory_space<vmem>>, vector<16xi32>,
      %get3A_430 = vector.shape_cast %get3A_429 : vector<16xi32> to vector<16xi32>
      %sub3A_431 = vector.broadcast %mul3A_0 : i32 to vector<16xi32>
      %sub3A_432 = arith.subi %get3A_430, %sub3A_431 : vector<16xi32>
      %lt3A_433 = arith.constant 0 : i32
      %lt3A_434 = vector.broadcast %lt3A_433 : i32 to vector<16xi32>
      %lt3A_435 = arith.cmpi slt, %sub3A_432, %lt3A_434 : vector<16xi32>
      %ge3A_436 = arith.constant 5000 : i32
      %ge3A_437 = vector.broadcast %ge3A_436 : i32 to vector<16xi32>
      %ge3A_438 = arith.cmpi sge, %sub3A_432, %ge3A_437 : vector<16xi32>
      %or3A_439 = arith.ori %lt3A_435, %ge3A_438 : vector<16xi1>
      %jit3A_440 = arith.constant 5000 : i32
      %broadcast_in_dim3A_441 = vector.broadcast %jit3A_440 : i32 to vector<16xi32>
      %select_n3A_442 = arith.select %or3A_439, %broadcast_in_dim3A_441, %sub3A_432 : vector<16xi1>, vector<16xi32>
      %swap3A_443 = arith.constant 32 : index
      %swap3A_444 = tpu.vector_load %arg13[%swap3A_443] {strides = array<i32>} : memref<80xi32, #tpu.memory_space<vmem>>, vector<16xi32>,
      %swap3A_445 = vector.shape_cast %swap3A_444 : vector<16xi32> to vector<16xi32>
      %swap3A_446 = vector.shape_cast %select_n3A_442 : vector<16xi32> to vector<16xi32>
      tpu.vector_store %arg13[%swap3A_443], %swap3A_446 {strides = array<i32>} : memref<80xi32, #tpu.memory_space<vmem>>, vector<16xi32>,
      %get3A_447 = arith.constant 368 : index
      %get3A_448 = tpu.vector_load %arg7[%get3A_447] {strides = array<i32>} : memref<400xi32, #tpu.memory_space<vmem>>, vector<16xi32>,
      %get3A_449 = vector.shape_cast %get3A_448 : vector<16xi32> to vector<16xi32>
      %sub3A_450 = vector.broadcast %mul3A_0 : i32 to vector<16xi32>
      %sub3A_451 = arith.subi %get3A_449, %sub3A_450 : vector<16xi32>
      %lt3A_452 = arith.constant 0 : i32
      %lt3A_453 = vector.broadcast %lt3A_452 : i32 to vector<16xi32>
      %lt3A_454 = arith.cmpi slt, %sub3A_451, %lt3A_453 : vector<16xi32>
      %ge3A_455 = arith.constant 5000 : i32
      %ge3A_456 = vector.broadcast %ge3A_455 : i32 to vector<16xi32>
      %ge3A_457 = arith.cmpi sge, %sub3A_451, %ge3A_456 : vector<16xi32>
      %or3A_458 = arith.ori %lt3A_454, %ge3A_457 : vector<16xi1>
      %jit3A_459 = arith.constant 5000 : i32
      %broadcast_in_dim3A_460 = vector.broadcast %jit3A_459 : i32 to vector<16xi32>
      %select_n3A_461 = arith.select %or3A_458, %broadcast_in_dim3A_460, %sub3A_451 : vector<16xi1>, vector<16xi32>
      %swap3A_462 = arith.constant 48 : index
      %swap3A_463 = tpu.vector_load %arg13[%swap3A_462] {strides = array<i32>} : memref<80xi32, #tpu.memory_space<vmem>>, vector<16xi32>,
      %swap3A_464 = vector.shape_cast %swap3A_463 : vector<16xi32> to vector<16xi32>
      %swap3A_465 = vector.shape_cast %select_n3A_461 : vector<16xi32> to vector<16xi32>
      tpu.vector_store %arg13[%swap3A_462], %swap3A_465 {strides = array<i32>} : memref<80xi32, #tpu.memory_space<vmem>>, vector<16xi32>,
      %get3A_466 = arith.constant 384 : index
      %get3A_467 = tpu.vector_load %arg7[%get3A_466] {strides = array<i32>} : memref<400xi32, #tpu.memory_space<vmem>>, vector<16xi32>,
      %get3A_468 = vector.shape_cast %get3A_467 : vector<16xi32> to vector<16xi32>
      %sub3A_469 = vector.broadcast %mul3A_0 : i32 to vector<16xi32>
      %sub3A_470 = arith.subi %get3A_468, %sub3A_469 : vector<16xi32>
      %lt3A_471 = arith.constant 0 : i32
      %lt3A_472 = vector.broadcast %lt3A_471 : i32 to vector<16xi32>
      %lt3A_473 = arith.cmpi slt, %sub3A_470, %lt3A_472 : vector<16xi32>
      %ge3A_474 = arith.constant 5000 : i32
      %ge3A_475 = vector.broadcast %ge3A_474 : i32 to vector<16xi32>
      %ge3A_476 = arith.cmpi sge, %sub3A_470, %ge3A_475 : vector<16xi32>
      %or3A_477 = arith.ori %lt3A_473, %ge3A_476 : vector<16xi1>
      %jit3A_478 = arith.constant 5000 : i32
      %broadcast_in_dim3A_479 = vector.broadcast %jit3A_478 : i32 to vector<16xi32>
      %select_n3A_480 = arith.select %or3A_477, %broadcast_in_dim3A_479, %sub3A_470 : vector<16xi1>, vector<16xi32>
      %swap3A_481 = arith.constant 64 : index
      %swap3A_482 = tpu.vector_load %arg13[%swap3A_481] {strides = array<i32>} : memref<80xi32, #tpu.memory_space<vmem>>, vector<16xi32>,
      %swap3A_483 = vector.shape_cast %swap3A_482 : vector<16xi32> to vector<16xi32>
      %swap3A_484 = vector.shape_cast %select_n3A_480 : vector<16xi32> to vector<16xi32>
      tpu.vector_store %arg13[%swap3A_481], %swap3A_484 {strides = array<i32>} : memref<80xi32, #tpu.memory_space<vmem>>, vector<16xi32>,
      %dma_start3A = arith.constant 0 : i32
      %dma_start3A_485 = arith.constant 0 : i32
      %dma_start3A_486 = tpu.memref_slice %arg8[%dma_start3A, %dma_start3A_485] : memref<400x128xf32, #tpu.memory_space<vmem>> -> memref<80x128xf32, #tpu.memory_space<vmem>>
      %dma_start3A_487 = arith.constant 0 : i32
      %dma_start3A_488 = arith.constant 0 : i32
      %dma_start3A_489 = tpu.memref_slice %arg6[%dma_start3A_487, %dma_start3A_488] : memref<5008x128xf32, #tpu.memory_space<vmem_shared>> -> memref<5008x128xf32, #tpu.memory_space<vmem_shared>>
      tpu.enqueue_indirect_dma source(%dma_start3A_486 : memref<80x128xf32, #tpu.memory_space<vmem>>) target(%dma_start3A_489 : memref<5008x128xf32, #tpu.memory_space<vmem_shared>>) offsets(%arg9 : memref<80xi32, #tpu.memory_space<vmem>>) semaphore(%arg14 : memref<!tpu.dma_semaphore, #tpu.memory_space<semaphore_mem>>) {add = true}
      %dma_start3A_490 = arith.constant 80 : i32
      %dma_start3A_491 = arith.constant 0 : i32
      %dma_start3A_492 = tpu.memref_slice %arg8[%dma_start3A_490, %dma_start3A_491] : memref<400x128xf32, #tpu.memory_space<vmem>> -> memref<80x128xf32, #tpu.memory_space<vmem>>
      %dma_start3A_493 = arith.constant 0 : i32
      %dma_start3A_494 = arith.constant 0 : i32
      %dma_start3A_495 = tpu.memref_slice %arg6[%dma_start3A_493, %dma_start3A_494] : memref<5008x128xf32, #tpu.memory_space<vmem_shared>> -> memref<5008x128xf32, #tpu.memory_space<vmem_shared>>
      tpu.enqueue_indirect_dma source(%dma_start3A_492 : memref<80x128xf32, #tpu.memory_space<vmem>>) target(%dma_start3A_495 : memref<5008x128xf32, #tpu.memory_space<vmem_shared>>) offsets(%arg10 : memref<80xi32, #tpu.memory_space<vmem>>) semaphore(%arg14 : memref<!tpu.dma_semaphore, #tpu.memory_space<semaphore_mem>>) {add = true}
      %dma_start3A_496 = arith.constant 160 : i32
      %dma_start3A_497 = arith.constant 0 : i32
      %dma_start3A_498 = tpu.memref_slice %arg8[%dma_start3A_496, %dma_start3A_497] : memref<400x128xf32, #tpu.memory_space<vmem>> -> memref<80x128xf32, #tpu.memory_space<vmem>>
      %dma_start3A_499 = arith.constant 0 : i32
      %dma_start3A_500 = arith.constant 0 : i32
      %dma_start3A_501 = tpu.memref_slice %arg6[%dma_start3A_499, %dma_start3A_500] : memref<5008x128xf32, #tpu.memory_space<vmem_shared>> -> memref<5008x128xf32, #tpu.memory_space<vmem_shared>>
      tpu.enqueue_indirect_dma source(%dma_start3A_498 : memref<80x128xf32, #tpu.memory_space<vmem>>) target(%dma_start3A_501 : memref<5008x128xf32, #tpu.memory_space<vmem_shared>>) offsets(%arg11 : memref<80xi32, #tpu.memory_space<vmem>>) semaphore(%arg14 : memref<!tpu.dma_semaphore, #tpu.memory_space<semaphore_mem>>) {add = true}
      %dma_start3A_502 = arith.constant 240 : i32
      %dma_start3A_503 = arith.constant 0 : i32
      %dma_start3A_504 = tpu.memref_slice %arg8[%dma_start3A_502, %dma_start3A_503] : memref<400x128xf32, #tpu.memory_space<vmem>> -> memref<80x128xf32, #tpu.memory_space<vmem>>
      %dma_start3A_505 = arith.constant 0 : i32
      %dma_start3A_506 = arith.constant 0 : i32
      %dma_start3A_507 = tpu.memref_slice %arg6[%dma_start3A_505, %dma_start3A_506] : memref<5008x128xf32, #tpu.memory_space<vmem_shared>> -> memref<5008x128xf32, #tpu.memory_space<vmem_shared>>
      tpu.enqueue_indirect_dma source(%dma_start3A_504 : memref<80x128xf32, #tpu.memory_space<vmem>>) target(%dma_start3A_507 : memref<5008x128xf32, #tpu.memory_space<vmem_shared>>) offsets(%arg12 : memref<80xi32, #tpu.memory_space<vmem>>) semaphore(%arg14 : memref<!tpu.dma_semaphore, #tpu.memory_space<semaphore_mem>>) {add = true}
      %dma_start3A_508 = arith.constant 320 : i32
      %dma_start3A_509 = arith.constant 0 : i32
      %dma_start3A_510 = tpu.memref_slice %arg8[%dma_start3A_508, %dma_start3A_509] : memref<400x128xf32, #tpu.memory_space<vmem>> -> memref<80x128xf32, #tpu.memory_space<vmem>>
      %dma_start3A_511 = arith.constant 0 : i32
      %dma_start3A_512 = arith.constant 0 : i32
      %dma_start3A_513 = tpu.memref_slice %arg6[%dma_start3A_511, %dma_start3A_512] : memref<5008x128xf32, #tpu.memory_space<vmem_shared>> -> memref<5008x128xf32, #tpu.memory_space<vmem_shared>>
      tpu.enqueue_indirect_dma source(%dma_start3A_510 : memref<80x128xf32, #tpu.memory_space<vmem>>) target(%dma_start3A_513 : memref<5008x128xf32, #tpu.memory_space<vmem_shared>>) offsets(%arg13 : memref<80xi32, #tpu.memory_space<vmem>>) semaphore(%arg14 : memref<!tpu.dma_semaphore, #tpu.memory_space<semaphore_mem>>) {add = true}
      %dma_wait3A = arith.constant 0 : i32
      %dma_wait3A_514 = arith.constant 0 : i32
      %dma_wait3A_515 = tpu.memref_slice %arg8[%dma_wait3A, %dma_wait3A_514] : memref<400x128xf32, #tpu.memory_space<vmem>> -> memref<80x128xf32, #tpu.memory_space<vmem>>
      %dma_wait3A_516 = arith.constant 0 : i32
      %dma_wait3A_517 = arith.constant 0 : i32
      %dma_wait3A_518 = tpu.memref_slice %arg6[%dma_wait3A_516, %dma_wait3A_517] : memref<5008x128xf32, #tpu.memory_space<vmem_shared>> -> memref<5008x128xf32, #tpu.memory_space<vmem_shared>>
      tpu.wait_indirect_dma semaphore(%arg14 : memref<!tpu.dma_semaphore, #tpu.memory_space<semaphore_mem>>) src(%dma_wait3A_515 : memref<80x128xf32, #tpu.memory_space<vmem>>) dst(%dma_wait3A_518 : memref<5008x128xf32, #tpu.memory_space<vmem_shared>>)
      %dma_wait3A_519 = arith.constant 80 : i32
      %dma_wait3A_520 = arith.constant 0 : i32
      %dma_wait3A_521 = tpu.memref_slice %arg8[%dma_wait3A_519, %dma_wait3A_520] : memref<400x128xf32, #tpu.memory_space<vmem>> -> memref<80x128xf32, #tpu.memory_space<vmem>>
      %dma_wait3A_522 = arith.constant 0 : i32
      %dma_wait3A_523 = arith.constant 0 : i32
      %dma_wait3A_524 = tpu.memref_slice %arg6[%dma_wait3A_522, %dma_wait3A_523] : memref<5008x128xf32, #tpu.memory_space<vmem_shared>> -> memref<5008x128xf32, #tpu.memory_space<vmem_shared>>
      tpu.wait_indirect_dma semaphore(%arg14 : memref<!tpu.dma_semaphore, #tpu.memory_space<semaphore_mem>>) src(%dma_wait3A_521 : memref<80x128xf32, #tpu.memory_space<vmem>>) dst(%dma_wait3A_524 : memref<5008x128xf32, #tpu.memory_space<vmem_shared>>)
      %dma_wait3A_525 = arith.constant 160 : i32
      %dma_wait3A_526 = arith.constant 0 : i32
      %dma_wait3A_527 = tpu.memref_slice %arg8[%dma_wait3A_525, %dma_wait3A_526] : memref<400x128xf32, #tpu.memory_space<vmem>> -> memref<80x128xf32, #tpu.memory_space<vmem>>
      %dma_wait3A_528 = arith.constant 0 : i32
      %dma_wait3A_529 = arith.constant 0 : i32
      %dma_wait3A_530 = tpu.memref_slice %arg6[%dma_wait3A_528, %dma_wait3A_529] : memref<5008x128xf32, #tpu.memory_space<vmem_shared>> -> memref<5008x128xf32, #tpu.memory_space<vmem_shared>>
      tpu.wait_indirect_dma semaphore(%arg14 : memref<!tpu.dma_semaphore, #tpu.memory_space<semaphore_mem>>) src(%dma_wait3A_527 : memref<80x128xf32, #tpu.memory_space<vmem>>) dst(%dma_wait3A_530 : memref<5008x128xf32, #tpu.memory_space<vmem_shared>>)
      %dma_wait3A_531 = arith.constant 240 : i32
      %dma_wait3A_532 = arith.constant 0 : i32
      %dma_wait3A_533 = tpu.memref_slice %arg8[%dma_wait3A_531, %dma_wait3A_532] : memref<400x128xf32, #tpu.memory_space<vmem>> -> memref<80x128xf32, #tpu.memory_space<vmem>>
      %dma_wait3A_534 = arith.constant 0 : i32
      %dma_wait3A_535 = arith.constant 0 : i32
      %dma_wait3A_536 = tpu.memref_slice %arg6[%dma_wait3A_534, %dma_wait3A_535] : memref<5008x128xf32, #tpu.memory_space<vmem_shared>> -> memref<5008x128xf32, #tpu.memory_space<vmem_shared>>
      tpu.wait_indirect_dma semaphore(%arg14 : memref<!tpu.dma_semaphore, #tpu.memory_space<semaphore_mem>>) src(%dma_wait3A_533 : memref<80x128xf32, #tpu.memory_space<vmem>>) dst(%dma_wait3A_536 : memref<5008x128xf32, #tpu.memory_space<vmem_shared>>)
      %dma_wait3A_537 = arith.constant 320 : i32
      %dma_wait3A_538 = arith.constant 0 : i32
      %dma_wait3A_539 = tpu.memref_slice %arg8[%dma_wait3A_537, %dma_wait3A_538] : memref<400x128xf32, #tpu.memory_space<vmem>> -> memref<80x128xf32, #tpu.memory_space<vmem>>
      %dma_wait3A_540 = arith.constant 0 : i32
      %dma_wait3A_541 = arith.constant 0 : i32
      %dma_wait3A_542 = tpu.memref_slice %arg6[%dma_wait3A_540, %dma_wait3A_541] : memref<5008x128xf32, #tpu.memory_space<vmem_shared>> -> memref<5008x128xf32, #tpu.memory_space<vmem_shared>>
      tpu.wait_indirect_dma semaphore(%arg14 : memref<!tpu.dma_semaphore, #tpu.memory_space<semaphore_mem>>) src(%dma_wait3A_539 : memref<80x128xf32, #tpu.memory_space<vmem>>) dst(%dma_wait3A_542 : memref<5008x128xf32, #tpu.memory_space<vmem_shared>>)
    }
    %scan3A_7 = arith.constant 50 : i32
    %barrier3A_8 = arith.constant 0 : index
    tpu.barrier barrier_id(%barrier3A_8)
    %eq3A_9 = arith.constant 0 : i32
    %eq3A_10 = arith.cmpi eq, %arg1, %eq3A_9 : i32
    %convert_element_type3A_11 = arith.extui %eq3A_10 : i1 to i32
    %cond3A_12 = arith.constant 0 : i32
    %cond3A_13 = arith.cmpi ne, %convert_element_type3A_11, %cond3A_12 : i32
    scf.if %cond3A_13 {
      "tpu.region"() ({
        %run_scoped3A = tpu.sem_alloc : memref<!tpu.dma_semaphore, #tpu.memory_space<semaphore_mem>>
        %dma_start3A = arith.constant 0 : i32
        %dma_start3A_14 = tpu.memref_slice %arg5[%mul3A_0, %dma_start3A] : memref<10000x128xf32, #tpu.memory_space<hbm>> -> memref<5000x128xf32, #tpu.memory_space<hbm>>
        %dma_start3A_15 = arith.constant 0 : i32
        %dma_start3A_16 = arith.constant 0 : i32
        %dma_start3A_17 = tpu.memref_slice %arg6[%dma_start3A_15, %dma_start3A_16] : memref<5008x128xf32, #tpu.memory_space<vmem_shared>> -> memref<5000x128xf32, #tpu.memory_space<vmem_shared>>
        tpu.enqueue_dma source(%dma_start3A_17 : memref<5000x128xf32, #tpu.memory_space<vmem_shared>>) target(%dma_start3A_14 : memref<5000x128xf32, #tpu.memory_space<hbm>>) target_semaphore(%run_scoped3A : memref<!tpu.dma_semaphore, #tpu.memory_space<semaphore_mem>>)
        %dma_wait3A = arith.constant 0 : i32
        %dma_wait3A_18 = tpu.memref_slice %arg5[%mul3A_0, %dma_wait3A] : memref<10000x128xf32, #tpu.memory_space<hbm>> -> memref<5000x128xf32, #tpu.memory_space<hbm>>
        %dma_wait3A_19 = arith.constant 0 : i32
        %dma_wait3A_20 = arith.constant 0 : i32
        %dma_wait3A_21 = tpu.memref_slice %arg6[%dma_wait3A_19, %dma_wait3A_20] : memref<5008x128xf32, #tpu.memory_space<vmem_shared>> -> memref<5000x128xf32, #tpu.memory_space<vmem_shared>>
        tpu.wait_dma2 semaphore(%run_scoped3A : memref<!tpu.dma_semaphore, #tpu.memory_space<semaphore_mem>>) src(%dma_wait3A_21 : memref<5000x128xf32, #tpu.memory_space<vmem_shared>>) dst(%dma_wait3A_18 : memref<5000x128xf32, #tpu.memory_space<hbm>>)
        tpu.yield
      }) : () -> ()
    } else {
    }
    return
  }
}

#map = affine_map<(d0, d1) -> (0, 0)>
#map1 = affine_map<(d0, d1) -> (0)>
module attributes {stable_mosaic.version = 14 : i64} {
  func.func @_gather_body(%arg0: i32, %arg1: i32, %arg2: memref<10000x128xf32, #tpu.memory_space<hbm>>, %arg3: memref<320000xi32, #tpu.memory_space<hbm>>, %arg4: memref<320000xi32, #tpu.memory_space<hbm>>, %arg5: memref<320000x128xf32, #tpu.memory_space<hbm>>, %arg6: memref<400xi32, #tpu.memory_space<vmem>>, %arg7: memref<400xi32, #tpu.memory_space<vmem>>, %arg8: memref<400x128xf32, #tpu.memory_space<vmem>>, %arg9: memref<400x128xf32, #tpu.memory_space<vmem>>, %arg10: memref<!tpu.dma_semaphore, #tpu.memory_space<semaphore_mem>>, %arg11: memref<!tpu.dma_semaphore, #tpu.memory_space<semaphore_mem>>) attributes {dimension_semantics = [#tpu.dimension_semantics<core_parallel>, #tpu.dimension_semantics<subcore_parallel>], iteration_bounds = array<i64: 2, 16>, scalar_prefetch = 0 : i64, scratch_operands = 6 : i64, tpu.core_type = #tpu.core_type<sc_vector_subcore>, window_params = [{transform_indices = #map}, {transform_indices = #map1}, {transform_indices = #map1}, {transform_indices = #map}]} {
    %mul3A = arith.constant 2 : i32
    %mul3A_0 = arith.muli %arg1, %mul3A : i32
    %add3A = arith.addi %mul3A_0, %arg0 : i32
    %scan3A = arith.constant 0 : i32
    %scan3A_1 = arith.constant 0 : i32
    %scan3A_2 = arith.constant 25 : i32
    %scan3A_3 = arith.addi %scan3A_1, %scan3A_2 : i32
    %scan3A_4 = arith.constant 1 : i32
    scf.for %scan3A_6 = %scan3A_1 to %scan3A_3 step %scan3A_4  : i32 {
      %mul3A_7 = arith.constant 10000 : i32
      %mul3A_8 = arith.muli %add3A, %mul3A_7 : i32
      %mul3A_9 = arith.constant 400 : i32
      %mul3A_10 = arith.muli %scan3A_6, %mul3A_9 : i32
      %add3A_11 = arith.addi %mul3A_8, %mul3A_10 : i32
      "tpu.region"() ({
        %run_scoped3A = tpu.sem_alloc : memref<!tpu.dma_semaphore, #tpu.memory_space<semaphore_mem>>
        %dma_start3A_176 = tpu.memref_slice %arg3[%add3A_11] : memref<320000xi32, #tpu.memory_space<hbm>> -> memref<400xi32, #tpu.memory_space<hbm>>
        %dma_start3A_177 = tpu.memref_slice %arg3[%add3A_11] : memref<320000xi32, #tpu.memory_space<hbm>> -> memref<400xi32, #tpu.memory_space<hbm>>
        tpu.enqueue_dma source(%dma_start3A_177 : memref<400xi32, #tpu.memory_space<hbm>>) target(%arg6 : memref<400xi32, #tpu.memory_space<vmem>>) target_semaphore(%run_scoped3A : memref<!tpu.dma_semaphore, #tpu.memory_space<semaphore_mem>>)
        %dma_wait3A_178 = tpu.memref_slice %arg3[%add3A_11] : memref<320000xi32, #tpu.memory_space<hbm>> -> memref<400xi32, #tpu.memory_space<hbm>>
        %dma_wait3A_179 = tpu.memref_slice %arg3[%add3A_11] : memref<320000xi32, #tpu.memory_space<hbm>> -> memref<400xi32, #tpu.memory_space<hbm>>
        tpu.wait_dma2 semaphore(%run_scoped3A : memref<!tpu.dma_semaphore, #tpu.memory_space<semaphore_mem>>) src(%dma_wait3A_179 : memref<400xi32, #tpu.memory_space<hbm>>) dst(%arg6 : memref<400xi32, #tpu.memory_space<vmem>>)
        tpu.yield
      }) : () -> ()
      "tpu.region"() ({
        %run_scoped3A = tpu.sem_alloc : memref<!tpu.dma_semaphore, #tpu.memory_space<semaphore_mem>>
        %dma_start3A_176 = tpu.memref_slice %arg4[%add3A_11] : memref<320000xi32, #tpu.memory_space<hbm>> -> memref<400xi32, #tpu.memory_space<hbm>>
        %dma_start3A_177 = tpu.memref_slice %arg4[%add3A_11] : memref<320000xi32, #tpu.memory_space<hbm>> -> memref<400xi32, #tpu.memory_space<hbm>>
        tpu.enqueue_dma source(%dma_start3A_177 : memref<400xi32, #tpu.memory_space<hbm>>) target(%arg7 : memref<400xi32, #tpu.memory_space<vmem>>) target_semaphore(%run_scoped3A : memref<!tpu.dma_semaphore, #tpu.memory_space<semaphore_mem>>)
        %dma_wait3A_178 = tpu.memref_slice %arg4[%add3A_11] : memref<320000xi32, #tpu.memory_space<hbm>> -> memref<400xi32, #tpu.memory_space<hbm>>
        %dma_wait3A_179 = tpu.memref_slice %arg4[%add3A_11] : memref<320000xi32, #tpu.memory_space<hbm>> -> memref<400xi32, #tpu.memory_space<hbm>>
        tpu.wait_dma2 semaphore(%run_scoped3A : memref<!tpu.dma_semaphore, #tpu.memory_space<semaphore_mem>>) src(%dma_wait3A_179 : memref<400xi32, #tpu.memory_space<hbm>>) dst(%arg7 : memref<400xi32, #tpu.memory_space<vmem>>)
        tpu.yield
      }) : () -> ()
      %dma_start3A = arith.constant 0 : i32
      %dma_start3A_12 = arith.constant 0 : i32
      %dma_start3A_13 = tpu.memref_slice %arg8[%dma_start3A, %dma_start3A_12] : memref<400x128xf32, #tpu.memory_space<vmem>> -> memref<80x128xf32, #tpu.memory_space<vmem>>
      %dma_start3A_14 = arith.constant 0 : i32
      %dma_start3A_15 = tpu.memref_slice %arg6[%dma_start3A_14] : memref<400xi32, #tpu.memory_space<vmem>> -> memref<80xi32, #tpu.memory_space<vmem>>
      %dma_start3A_16 = arith.constant 0 : i32
      %dma_start3A_17 = arith.constant 0 : i32
      %dma_start3A_18 = tpu.memref_slice %arg2[%dma_start3A_16, %dma_start3A_17] : memref<10000x128xf32, #tpu.memory_space<hbm>> -> memref<10000x128xf32, #tpu.memory_space<hbm>>
      tpu.enqueue_indirect_dma source(%dma_start3A_18 : memref<10000x128xf32, #tpu.memory_space<hbm>>) target(%dma_start3A_13 : memref<80x128xf32, #tpu.memory_space<vmem>>) offsets(%dma_start3A_15 : memref<80xi32, #tpu.memory_space<vmem>>) semaphore(%arg10 : memref<!tpu.dma_semaphore, #tpu.memory_space<semaphore_mem>>)
      %dma_start3A_19 = arith.constant 80 : i32
      %dma_start3A_20 = arith.constant 0 : i32
      %dma_start3A_21 = tpu.memref_slice %arg8[%dma_start3A_19, %dma_start3A_20] : memref<400x128xf32, #tpu.memory_space<vmem>> -> memref<80x128xf32, #tpu.memory_space<vmem>>
      %dma_start3A_22 = arith.constant 80 : i32
      %dma_start3A_23 = tpu.memref_slice %arg6[%dma_start3A_22] : memref<400xi32, #tpu.memory_space<vmem>> -> memref<80xi32, #tpu.memory_space<vmem>>
      %dma_start3A_24 = arith.constant 0 : i32
      %dma_start3A_25 = arith.constant 0 : i32
      %dma_start3A_26 = tpu.memref_slice %arg2[%dma_start3A_24, %dma_start3A_25] : memref<10000x128xf32, #tpu.memory_space<hbm>> -> memref<10000x128xf32, #tpu.memory_space<hbm>>
      tpu.enqueue_indirect_dma source(%dma_start3A_26 : memref<10000x128xf32, #tpu.memory_space<hbm>>) target(%dma_start3A_21 : memref<80x128xf32, #tpu.memory_space<vmem>>) offsets(%dma_start3A_23 : memref<80xi32, #tpu.memory_space<vmem>>) semaphore(%arg10 : memref<!tpu.dma_semaphore, #tpu.memory_space<semaphore_mem>>)
      %dma_start3A_27 = arith.constant 160 : i32
      %dma_start3A_28 = arith.constant 0 : i32
      %dma_start3A_29 = tpu.memref_slice %arg8[%dma_start3A_27, %dma_start3A_28] : memref<400x128xf32, #tpu.memory_space<vmem>> -> memref<80x128xf32, #tpu.memory_space<vmem>>
      %dma_start3A_30 = arith.constant 160 : i32
      %dma_start3A_31 = tpu.memref_slice %arg6[%dma_start3A_30] : memref<400xi32, #tpu.memory_space<vmem>> -> memref<80xi32, #tpu.memory_space<vmem>>
      %dma_start3A_32 = arith.constant 0 : i32
      %dma_start3A_33 = arith.constant 0 : i32
      %dma_start3A_34 = tpu.memref_slice %arg2[%dma_start3A_32, %dma_start3A_33] : memref<10000x128xf32, #tpu.memory_space<hbm>> -> memref<10000x128xf32, #tpu.memory_space<hbm>>
      tpu.enqueue_indirect_dma source(%dma_start3A_34 : memref<10000x128xf32, #tpu.memory_space<hbm>>) target(%dma_start3A_29 : memref<80x128xf32, #tpu.memory_space<vmem>>) offsets(%dma_start3A_31 : memref<80xi32, #tpu.memory_space<vmem>>) semaphore(%arg10 : memref<!tpu.dma_semaphore, #tpu.memory_space<semaphore_mem>>)
      %dma_start3A_35 = arith.constant 240 : i32
      %dma_start3A_36 = arith.constant 0 : i32
      %dma_start3A_37 = tpu.memref_slice %arg8[%dma_start3A_35, %dma_start3A_36] : memref<400x128xf32, #tpu.memory_space<vmem>> -> memref<80x128xf32, #tpu.memory_space<vmem>>
      %dma_start3A_38 = arith.constant 240 : i32
      %dma_start3A_39 = tpu.memref_slice %arg6[%dma_start3A_38] : memref<400xi32, #tpu.memory_space<vmem>> -> memref<80xi32, #tpu.memory_space<vmem>>
      %dma_start3A_40 = arith.constant 0 : i32
      %dma_start3A_41 = arith.constant 0 : i32
      %dma_start3A_42 = tpu.memref_slice %arg2[%dma_start3A_40, %dma_start3A_41] : memref<10000x128xf32, #tpu.memory_space<hbm>> -> memref<10000x128xf32, #tpu.memory_space<hbm>>
      tpu.enqueue_indirect_dma source(%dma_start3A_42 : memref<10000x128xf32, #tpu.memory_space<hbm>>) target(%dma_start3A_37 : memref<80x128xf32, #tpu.memory_space<vmem>>) offsets(%dma_start3A_39 : memref<80xi32, #tpu.memory_space<vmem>>) semaphore(%arg10 : memref<!tpu.dma_semaphore, #tpu.memory_space<semaphore_mem>>)
      %dma_start3A_43 = arith.constant 320 : i32
      %dma_start3A_44 = arith.constant 0 : i32
      %dma_start3A_45 = tpu.memref_slice %arg8[%dma_start3A_43, %dma_start3A_44] : memref<400x128xf32, #tpu.memory_space<vmem>> -> memref<80x128xf32, #tpu.memory_space<vmem>>
      %dma_start3A_46 = arith.constant 320 : i32
      %dma_start3A_47 = tpu.memref_slice %arg6[%dma_start3A_46] : memref<400xi32, #tpu.memory_space<vmem>> -> memref<80xi32, #tpu.memory_space<vmem>>
      %dma_start3A_48 = arith.constant 0 : i32
      %dma_start3A_49 = arith.constant 0 : i32
      %dma_start3A_50 = tpu.memref_slice %arg2[%dma_start3A_48, %dma_start3A_49] : memref<10000x128xf32, #tpu.memory_space<hbm>> -> memref<10000x128xf32, #tpu.memory_space<hbm>>
      tpu.enqueue_indirect_dma source(%dma_start3A_50 : memref<10000x128xf32, #tpu.memory_space<hbm>>) target(%dma_start3A_45 : memref<80x128xf32, #tpu.memory_space<vmem>>) offsets(%dma_start3A_47 : memref<80xi32, #tpu.memory_space<vmem>>) semaphore(%arg10 : memref<!tpu.dma_semaphore, #tpu.memory_space<semaphore_mem>>)
      %dma_start3A_51 = arith.constant 0 : i32
      %dma_start3A_52 = arith.constant 0 : i32
      %dma_start3A_53 = tpu.memref_slice %arg9[%dma_start3A_51, %dma_start3A_52] : memref<400x128xf32, #tpu.memory_space<vmem>> -> memref<80x128xf32, #tpu.memory_space<vmem>>
      %dma_start3A_54 = arith.constant 0 : i32
      %dma_start3A_55 = tpu.memref_slice %arg7[%dma_start3A_54] : memref<400xi32, #tpu.memory_space<vmem>> -> memref<80xi32, #tpu.memory_space<vmem>>
      %dma_start3A_56 = arith.constant 0 : i32
      %dma_start3A_57 = arith.constant 0 : i32
      %dma_start3A_58 = tpu.memref_slice %arg2[%dma_start3A_56, %dma_start3A_57] : memref<10000x128xf32, #tpu.memory_space<hbm>> -> memref<10000x128xf32, #tpu.memory_space<hbm>>
      tpu.enqueue_indirect_dma source(%dma_start3A_58 : memref<10000x128xf32, #tpu.memory_space<hbm>>) target(%dma_start3A_53 : memref<80x128xf32, #tpu.memory_space<vmem>>) offsets(%dma_start3A_55 : memref<80xi32, #tpu.memory_space<vmem>>) semaphore(%arg11 : memref<!tpu.dma_semaphore, #tpu.memory_space<semaphore_mem>>)
      %dma_start3A_59 = arith.constant 80 : i32
      %dma_start3A_60 = arith.constant 0 : i32
      %dma_start3A_61 = tpu.memref_slice %arg9[%dma_start3A_59, %dma_start3A_60] : memref<400x128xf32, #tpu.memory_space<vmem>> -> memref<80x128xf32, #tpu.memory_space<vmem>>
      %dma_start3A_62 = arith.constant 80 : i32
      %dma_start3A_63 = tpu.memref_slice %arg7[%dma_start3A_62] : memref<400xi32, #tpu.memory_space<vmem>> -> memref<80xi32, #tpu.memory_space<vmem>>
      %dma_start3A_64 = arith.constant 0 : i32
      %dma_start3A_65 = arith.constant 0 : i32
      %dma_start3A_66 = tpu.memref_slice %arg2[%dma_start3A_64, %dma_start3A_65] : memref<10000x128xf32, #tpu.memory_space<hbm>> -> memref<10000x128xf32, #tpu.memory_space<hbm>>
      tpu.enqueue_indirect_dma source(%dma_start3A_66 : memref<10000x128xf32, #tpu.memory_space<hbm>>) target(%dma_start3A_61 : memref<80x128xf32, #tpu.memory_space<vmem>>) offsets(%dma_start3A_63 : memref<80xi32, #tpu.memory_space<vmem>>) semaphore(%arg11 : memref<!tpu.dma_semaphore, #tpu.memory_space<semaphore_mem>>)
      %dma_start3A_67 = arith.constant 160 : i32
      %dma_start3A_68 = arith.constant 0 : i32
      %dma_start3A_69 = tpu.memref_slice %arg9[%dma_start3A_67, %dma_start3A_68] : memref<400x128xf32, #tpu.memory_space<vmem>> -> memref<80x128xf32, #tpu.memory_space<vmem>>
      %dma_start3A_70 = arith.constant 160 : i32
      %dma_start3A_71 = tpu.memref_slice %arg7[%dma_start3A_70] : memref<400xi32, #tpu.memory_space<vmem>> -> memref<80xi32, #tpu.memory_space<vmem>>
      %dma_start3A_72 = arith.constant 0 : i32
      %dma_start3A_73 = arith.constant 0 : i32
      %dma_start3A_74 = tpu.memref_slice %arg2[%dma_start3A_72, %dma_start3A_73] : memref<10000x128xf32, #tpu.memory_space<hbm>> -> memref<10000x128xf32, #tpu.memory_space<hbm>>
      tpu.enqueue_indirect_dma source(%dma_start3A_74 : memref<10000x128xf32, #tpu.memory_space<hbm>>) target(%dma_start3A_69 : memref<80x128xf32, #tpu.memory_space<vmem>>) offsets(%dma_start3A_71 : memref<80xi32, #tpu.memory_space<vmem>>) semaphore(%arg11 : memref<!tpu.dma_semaphore, #tpu.memory_space<semaphore_mem>>)
      %dma_start3A_75 = arith.constant 240 : i32
      %dma_start3A_76 = arith.constant 0 : i32
      %dma_start3A_77 = tpu.memref_slice %arg9[%dma_start3A_75, %dma_start3A_76] : memref<400x128xf32, #tpu.memory_space<vmem>> -> memref<80x128xf32, #tpu.memory_space<vmem>>
      %dma_start3A_78 = arith.constant 240 : i32
      %dma_start3A_79 = tpu.memref_slice %arg7[%dma_start3A_78] : memref<400xi32, #tpu.memory_space<vmem>> -> memref<80xi32, #tpu.memory_space<vmem>>
      %dma_start3A_80 = arith.constant 0 : i32
      %dma_start3A_81 = arith.constant 0 : i32
      %dma_start3A_82 = tpu.memref_slice %arg2[%dma_start3A_80, %dma_start3A_81] : memref<10000x128xf32, #tpu.memory_space<hbm>> -> memref<10000x128xf32, #tpu.memory_space<hbm>>
      tpu.enqueue_indirect_dma source(%dma_start3A_82 : memref<10000x128xf32, #tpu.memory_space<hbm>>) target(%dma_start3A_77 : memref<80x128xf32, #tpu.memory_space<vmem>>) offsets(%dma_start3A_79 : memref<80xi32, #tpu.memory_space<vmem>>) semaphore(%arg11 : memref<!tpu.dma_semaphore, #tpu.memory_space<semaphore_mem>>)
      %dma_start3A_83 = arith.constant 320 : i32
      %dma_start3A_84 = arith.constant 0 : i32
      %dma_start3A_85 = tpu.memref_slice %arg9[%dma_start3A_83, %dma_start3A_84] : memref<400x128xf32, #tpu.memory_space<vmem>> -> memref<80x128xf32, #tpu.memory_space<vmem>>
      %dma_start3A_86 = arith.constant 320 : i32
      %dma_start3A_87 = tpu.memref_slice %arg7[%dma_start3A_86] : memref<400xi32, #tpu.memory_space<vmem>> -> memref<80xi32, #tpu.memory_space<vmem>>
      %dma_start3A_88 = arith.constant 0 : i32
      %dma_start3A_89 = arith.constant 0 : i32
      %dma_start3A_90 = tpu.memref_slice %arg2[%dma_start3A_88, %dma_start3A_89] : memref<10000x128xf32, #tpu.memory_space<hbm>> -> memref<10000x128xf32, #tpu.memory_space<hbm>>
      tpu.enqueue_indirect_dma source(%dma_start3A_90 : memref<10000x128xf32, #tpu.memory_space<hbm>>) target(%dma_start3A_85 : memref<80x128xf32, #tpu.memory_space<vmem>>) offsets(%dma_start3A_87 : memref<80xi32, #tpu.memory_space<vmem>>) semaphore(%arg11 : memref<!tpu.dma_semaphore, #tpu.memory_space<semaphore_mem>>)
      %dma_wait3A = arith.constant 0 : i32
      %dma_wait3A_91 = arith.constant 0 : i32
      %dma_wait3A_92 = tpu.memref_slice %arg8[%dma_wait3A, %dma_wait3A_91] : memref<400x128xf32, #tpu.memory_space<vmem>> -> memref<80x128xf32, #tpu.memory_space<vmem>>
      %dma_wait3A_93 = arith.constant 0 : i32
      %dma_wait3A_94 = tpu.memref_slice %arg6[%dma_wait3A_93] : memref<400xi32, #tpu.memory_space<vmem>> -> memref<80xi32, #tpu.memory_space<vmem>>
      %dma_wait3A_95 = arith.constant 0 : i32
      %dma_wait3A_96 = arith.constant 0 : i32
      %dma_wait3A_97 = tpu.memref_slice %arg2[%dma_wait3A_95, %dma_wait3A_96] : memref<10000x128xf32, #tpu.memory_space<hbm>> -> memref<10000x128xf32, #tpu.memory_space<hbm>>
      tpu.wait_indirect_dma semaphore(%arg10 : memref<!tpu.dma_semaphore, #tpu.memory_space<semaphore_mem>>) src(%dma_wait3A_97 : memref<10000x128xf32, #tpu.memory_space<hbm>>) dst(%dma_wait3A_92 : memref<80x128xf32, #tpu.memory_space<vmem>>)
      %dma_wait3A_98 = arith.constant 80 : i32
      %dma_wait3A_99 = arith.constant 0 : i32
      %dma_wait3A_100 = tpu.memref_slice %arg8[%dma_wait3A_98, %dma_wait3A_99] : memref<400x128xf32, #tpu.memory_space<vmem>> -> memref<80x128xf32, #tpu.memory_space<vmem>>
      %dma_wait3A_101 = arith.constant 80 : i32
      %dma_wait3A_102 = tpu.memref_slice %arg6[%dma_wait3A_101] : memref<400xi32, #tpu.memory_space<vmem>> -> memref<80xi32, #tpu.memory_space<vmem>>
      %dma_wait3A_103 = arith.constant 0 : i32
      %dma_wait3A_104 = arith.constant 0 : i32
      %dma_wait3A_105 = tpu.memref_slice %arg2[%dma_wait3A_103, %dma_wait3A_104] : memref<10000x128xf32, #tpu.memory_space<hbm>> -> memref<10000x128xf32, #tpu.memory_space<hbm>>
      tpu.wait_indirect_dma semaphore(%arg10 : memref<!tpu.dma_semaphore, #tpu.memory_space<semaphore_mem>>) src(%dma_wait3A_105 : memref<10000x128xf32, #tpu.memory_space<hbm>>) dst(%dma_wait3A_100 : memref<80x128xf32, #tpu.memory_space<vmem>>)
      %dma_wait3A_106 = arith.constant 160 : i32
      %dma_wait3A_107 = arith.constant 0 : i32
      %dma_wait3A_108 = tpu.memref_slice %arg8[%dma_wait3A_106, %dma_wait3A_107] : memref<400x128xf32, #tpu.memory_space<vmem>> -> memref<80x128xf32, #tpu.memory_space<vmem>>
      %dma_wait3A_109 = arith.constant 160 : i32
      %dma_wait3A_110 = tpu.memref_slice %arg6[%dma_wait3A_109] : memref<400xi32, #tpu.memory_space<vmem>> -> memref<80xi32, #tpu.memory_space<vmem>>
      %dma_wait3A_111 = arith.constant 0 : i32
      %dma_wait3A_112 = arith.constant 0 : i32
      %dma_wait3A_113 = tpu.memref_slice %arg2[%dma_wait3A_111, %dma_wait3A_112] : memref<10000x128xf32, #tpu.memory_space<hbm>> -> memref<10000x128xf32, #tpu.memory_space<hbm>>
      tpu.wait_indirect_dma semaphore(%arg10 : memref<!tpu.dma_semaphore, #tpu.memory_space<semaphore_mem>>) src(%dma_wait3A_113 : memref<10000x128xf32, #tpu.memory_space<hbm>>) dst(%dma_wait3A_108 : memref<80x128xf32, #tpu.memory_space<vmem>>)
      %dma_wait3A_114 = arith.constant 240 : i32
      %dma_wait3A_115 = arith.constant 0 : i32
      %dma_wait3A_116 = tpu.memref_slice %arg8[%dma_wait3A_114, %dma_wait3A_115] : memref<400x128xf32, #tpu.memory_space<vmem>> -> memref<80x128xf32, #tpu.memory_space<vmem>>
      %dma_wait3A_117 = arith.constant 240 : i32
      %dma_wait3A_118 = tpu.memref_slice %arg6[%dma_wait3A_117] : memref<400xi32, #tpu.memory_space<vmem>> -> memref<80xi32, #tpu.memory_space<vmem>>
      %dma_wait3A_119 = arith.constant 0 : i32
      %dma_wait3A_120 = arith.constant 0 : i32
      %dma_wait3A_121 = tpu.memref_slice %arg2[%dma_wait3A_119, %dma_wait3A_120] : memref<10000x128xf32, #tpu.memory_space<hbm>> -> memref<10000x128xf32, #tpu.memory_space<hbm>>
      tpu.wait_indirect_dma semaphore(%arg10 : memref<!tpu.dma_semaphore, #tpu.memory_space<semaphore_mem>>) src(%dma_wait3A_121 : memref<10000x128xf32, #tpu.memory_space<hbm>>) dst(%dma_wait3A_116 : memref<80x128xf32, #tpu.memory_space<vmem>>)
      %dma_wait3A_122 = arith.constant 320 : i32
      %dma_wait3A_123 = arith.constant 0 : i32
      %dma_wait3A_124 = tpu.memref_slice %arg8[%dma_wait3A_122, %dma_wait3A_123] : memref<400x128xf32, #tpu.memory_space<vmem>> -> memref<80x128xf32, #tpu.memory_space<vmem>>
      %dma_wait3A_125 = arith.constant 320 : i32
      %dma_wait3A_126 = tpu.memref_slice %arg6[%dma_wait3A_125] : memref<400xi32, #tpu.memory_space<vmem>> -> memref<80xi32, #tpu.memory_space<vmem>>
      %dma_wait3A_127 = arith.constant 0 : i32
      %dma_wait3A_128 = arith.constant 0 : i32
      %dma_wait3A_129 = tpu.memref_slice %arg2[%dma_wait3A_127, %dma_wait3A_128] : memref<10000x128xf32, #tpu.memory_space<hbm>> -> memref<10000x128xf32, #tpu.memory_space<hbm>>
      tpu.wait_indirect_dma semaphore(%arg10 : memref<!tpu.dma_semaphore, #tpu.memory_space<semaphore_mem>>) src(%dma_wait3A_129 : memref<10000x128xf32, #tpu.memory_space<hbm>>) dst(%dma_wait3A_124 : memref<80x128xf32, #tpu.memory_space<vmem>>)
      %dma_wait3A_130 = arith.constant 0 : i32
      %dma_wait3A_131 = arith.constant 0 : i32
      %dma_wait3A_132 = tpu.memref_slice %arg9[%dma_wait3A_130, %dma_wait3A_131] : memref<400x128xf32, #tpu.memory_space<vmem>> -> memref<80x128xf32, #tpu.memory_space<vmem>>
      %dma_wait3A_133 = arith.constant 0 : i32
      %dma_wait3A_134 = tpu.memref_slice %arg7[%dma_wait3A_133] : memref<400xi32, #tpu.memory_space<vmem>> -> memref<80xi32, #tpu.memory_space<vmem>>
      %dma_wait3A_135 = arith.constant 0 : i32
      %dma_wait3A_136 = arith.constant 0 : i32
      %dma_wait3A_137 = tpu.memref_slice %arg2[%dma_wait3A_135, %dma_wait3A_136] : memref<10000x128xf32, #tpu.memory_space<hbm>> -> memref<10000x128xf32, #tpu.memory_space<hbm>>
      tpu.wait_indirect_dma semaphore(%arg11 : memref<!tpu.dma_semaphore, #tpu.memory_space<semaphore_mem>>) src(%dma_wait3A_137 : memref<10000x128xf32, #tpu.memory_space<hbm>>) dst(%dma_wait3A_132 : memref<80x128xf32, #tpu.memory_space<vmem>>)
      %dma_wait3A_138 = arith.constant 80 : i32
      %dma_wait3A_139 = arith.constant 0 : i32
      %dma_wait3A_140 = tpu.memref_slice %arg9[%dma_wait3A_138, %dma_wait3A_139] : memref<400x128xf32, #tpu.memory_space<vmem>> -> memref<80x128xf32, #tpu.memory_space<vmem>>
      %dma_wait3A_141 = arith.constant 80 : i32
      %dma_wait3A_142 = tpu.memref_slice %arg7[%dma_wait3A_141] : memref<400xi32, #tpu.memory_space<vmem>> -> memref<80xi32, #tpu.memory_space<vmem>>
      %dma_wait3A_143 = arith.constant 0 : i32
      %dma_wait3A_144 = arith.constant 0 : i32
      %dma_wait3A_145 = tpu.memref_slice %arg2[%dma_wait3A_143, %dma_wait3A_144] : memref<10000x128xf32, #tpu.memory_space<hbm>> -> memref<10000x128xf32, #tpu.memory_space<hbm>>
      tpu.wait_indirect_dma semaphore(%arg11 : memref<!tpu.dma_semaphore, #tpu.memory_space<semaphore_mem>>) src(%dma_wait3A_145 : memref<10000x128xf32, #tpu.memory_space<hbm>>) dst(%dma_wait3A_140 : memref<80x128xf32, #tpu.memory_space<vmem>>)
      %dma_wait3A_146 = arith.constant 160 : i32
      %dma_wait3A_147 = arith.constant 0 : i32
      %dma_wait3A_148 = tpu.memref_slice %arg9[%dma_wait3A_146, %dma_wait3A_147] : memref<400x128xf32, #tpu.memory_space<vmem>> -> memref<80x128xf32, #tpu.memory_space<vmem>>
      %dma_wait3A_149 = arith.constant 160 : i32
      %dma_wait3A_150 = tpu.memref_slice %arg7[%dma_wait3A_149] : memref<400xi32, #tpu.memory_space<vmem>> -> memref<80xi32, #tpu.memory_space<vmem>>
      %dma_wait3A_151 = arith.constant 0 : i32
      %dma_wait3A_152 = arith.constant 0 : i32
      %dma_wait3A_153 = tpu.memref_slice %arg2[%dma_wait3A_151, %dma_wait3A_152] : memref<10000x128xf32, #tpu.memory_space<hbm>> -> memref<10000x128xf32, #tpu.memory_space<hbm>>
      tpu.wait_indirect_dma semaphore(%arg11 : memref<!tpu.dma_semaphore, #tpu.memory_space<semaphore_mem>>) src(%dma_wait3A_153 : memref<10000x128xf32, #tpu.memory_space<hbm>>) dst(%dma_wait3A_148 : memref<80x128xf32, #tpu.memory_space<vmem>>)
      %dma_wait3A_154 = arith.constant 240 : i32
      %dma_wait3A_155 = arith.constant 0 : i32
      %dma_wait3A_156 = tpu.memref_slice %arg9[%dma_wait3A_154, %dma_wait3A_155] : memref<400x128xf32, #tpu.memory_space<vmem>> -> memref<80x128xf32, #tpu.memory_space<vmem>>
      %dma_wait3A_157 = arith.constant 240 : i32
      %dma_wait3A_158 = tpu.memref_slice %arg7[%dma_wait3A_157] : memref<400xi32, #tpu.memory_space<vmem>> -> memref<80xi32, #tpu.memory_space<vmem>>
      %dma_wait3A_159 = arith.constant 0 : i32
      %dma_wait3A_160 = arith.constant 0 : i32
      %dma_wait3A_161 = tpu.memref_slice %arg2[%dma_wait3A_159, %dma_wait3A_160] : memref<10000x128xf32, #tpu.memory_space<hbm>> -> memref<10000x128xf32, #tpu.memory_space<hbm>>
      tpu.wait_indirect_dma semaphore(%arg11 : memref<!tpu.dma_semaphore, #tpu.memory_space<semaphore_mem>>) src(%dma_wait3A_161 : memref<10000x128xf32, #tpu.memory_space<hbm>>) dst(%dma_wait3A_156 : memref<80x128xf32, #tpu.memory_space<vmem>>)
      %dma_wait3A_162 = arith.constant 320 : i32
      %dma_wait3A_163 = arith.constant 0 : i32
      %dma_wait3A_164 = tpu.memref_slice %arg9[%dma_wait3A_162, %dma_wait3A_163] : memref<400x128xf32, #tpu.memory_space<vmem>> -> memref<80x128xf32, #tpu.memory_space<vmem>>
      %dma_wait3A_165 = arith.constant 320 : i32
      %dma_wait3A_166 = tpu.memref_slice %arg7[%dma_wait3A_165] : memref<400xi32, #tpu.memory_space<vmem>> -> memref<80xi32, #tpu.memory_space<vmem>>
      %dma_wait3A_167 = arith.constant 0 : i32
      %dma_wait3A_168 = arith.constant 0 : i32
      %dma_wait3A_169 = tpu.memref_slice %arg2[%dma_wait3A_167, %dma_wait3A_168] : memref<10000x128xf32, #tpu.memory_space<hbm>> -> memref<10000x128xf32, #tpu.memory_space<hbm>>
      tpu.wait_indirect_dma semaphore(%arg11 : memref<!tpu.dma_semaphore, #tpu.memory_space<semaphore_mem>>) src(%dma_wait3A_169 : memref<10000x128xf32, #tpu.memory_space<hbm>>) dst(%dma_wait3A_164 : memref<80x128xf32, #tpu.memory_space<vmem>>)
      %scan3A_170 = arith.constant 0 : i32
      %scan3A_171 = arith.constant 0 : i32
      %scan3A_172 = arith.constant 400 : i32
      %scan3A_173 = arith.addi %scan3A_171, %scan3A_172 : i32
      %scan3A_174 = arith.constant 1 : i32
      scf.for %scan3A_176 = %scan3A_171 to %scan3A_173 step %scan3A_174  : i32 {
        %get3A = arith.index_cast %scan3A_176 : i32 to index
        %get3A_177 = arith.constant 64 : index
        %get3A_178 = tpu.vector_load %arg9[%get3A, %get3A_177] {strides = array<i32>} : memref<400x128xf32, #tpu.memory_space<vmem>>, vector<1x16xf32>,
        %get3A_179 = vector.shape_cast %get3A_178 : vector<1x16xf32> to vector<16xf32>
        %swap3A = arith.index_cast %scan3A_176 : i32 to index
        %swap3A_180 = arith.constant 64 : index
        %swap3A_181 = tpu.vector_load %arg8[%swap3A, %swap3A_180] {strides = array<i32>} : memref<400x128xf32, #tpu.memory_space<vmem>>, vector<1x16xf32>,
        %swap3A_182 = vector.shape_cast %swap3A_181 : vector<1x16xf32> to vector<16xf32>
        %swap3A_183 = vector.shape_cast %get3A_179 : vector<16xf32> to vector<1x16xf32>
        tpu.vector_store %arg8[%swap3A, %swap3A_180], %swap3A_183 {strides = array<i32>} : memref<400x128xf32, #tpu.memory_space<vmem>>, vector<1x16xf32>,
        %get3A_184 = arith.index_cast %scan3A_176 : i32 to index
        %get3A_185 = arith.constant 80 : index
        %get3A_186 = tpu.vector_load %arg9[%get3A_184, %get3A_185] {strides = array<i32>} : memref<400x128xf32, #tpu.memory_space<vmem>>, vector<1x16xf32>,
        %get3A_187 = vector.shape_cast %get3A_186 : vector<1x16xf32> to vector<16xf32>
        %swap3A_188 = arith.index_cast %scan3A_176 : i32 to index
        %swap3A_189 = arith.constant 80 : index
        %swap3A_190 = tpu.vector_load %arg8[%swap3A_188, %swap3A_189] {strides = array<i32>} : memref<400x128xf32, #tpu.memory_space<vmem>>, vector<1x16xf32>,
        %swap3A_191 = vector.shape_cast %swap3A_190 : vector<1x16xf32> to vector<16xf32>
        %swap3A_192 = vector.shape_cast %get3A_187 : vector<16xf32> to vector<1x16xf32>
        tpu.vector_store %arg8[%swap3A_188, %swap3A_189], %swap3A_192 {strides = array<i32>} : memref<400x128xf32, #tpu.memory_space<vmem>>, vector<1x16xf32>,
        %get3A_193 = arith.index_cast %scan3A_176 : i32 to index
        %get3A_194 = arith.constant 96 : index
        %get3A_195 = tpu.vector_load %arg9[%get3A_193, %get3A_194] {strides = array<i32>} : memref<400x128xf32, #tpu.memory_space<vmem>>, vector<1x16xf32>,
        %get3A_196 = vector.shape_cast %get3A_195 : vector<1x16xf32> to vector<16xf32>
        %swap3A_197 = arith.index_cast %scan3A_176 : i32 to index
        %swap3A_198 = arith.constant 96 : index
        %swap3A_199 = tpu.vector_load %arg8[%swap3A_197, %swap3A_198] {strides = array<i32>} : memref<400x128xf32, #tpu.memory_space<vmem>>, vector<1x16xf32>,
        %swap3A_200 = vector.shape_cast %swap3A_199 : vector<1x16xf32> to vector<16xf32>
        %swap3A_201 = vector.shape_cast %get3A_196 : vector<16xf32> to vector<1x16xf32>
        tpu.vector_store %arg8[%swap3A_197, %swap3A_198], %swap3A_201 {strides = array<i32>} : memref<400x128xf32, #tpu.memory_space<vmem>>, vector<1x16xf32>,
        %get3A_202 = arith.index_cast %scan3A_176 : i32 to index
        %get3A_203 = arith.constant 112 : index
        %get3A_204 = tpu.vector_load %arg9[%get3A_202, %get3A_203] {strides = array<i32>} : memref<400x128xf32, #tpu.memory_space<vmem>>, vector<1x16xf32>,
        %get3A_205 = vector.shape_cast %get3A_204 : vector<1x16xf32> to vector<16xf32>
        %swap3A_206 = arith.index_cast %scan3A_176 : i32 to index
        %swap3A_207 = arith.constant 112 : index
        %swap3A_208 = tpu.vector_load %arg8[%swap3A_206, %swap3A_207] {strides = array<i32>} : memref<400x128xf32, #tpu.memory_space<vmem>>, vector<1x16xf32>,
        %swap3A_209 = vector.shape_cast %swap3A_208 : vector<1x16xf32> to vector<16xf32>
        %swap3A_210 = vector.shape_cast %get3A_205 : vector<16xf32> to vector<1x16xf32>
        tpu.vector_store %arg8[%swap3A_206, %swap3A_207], %swap3A_210 {strides = array<i32>} : memref<400x128xf32, #tpu.memory_space<vmem>>, vector<1x16xf32>,
      }
      %scan3A_175 = arith.constant 400 : i32
      "tpu.region"() ({
        %run_scoped3A = tpu.sem_alloc : memref<!tpu.dma_semaphore, #tpu.memory_space<semaphore_mem>>
        %dma_start3A_176 = arith.constant 0 : i32
        %dma_start3A_177 = tpu.memref_slice %arg5[%add3A_11, %dma_start3A_176] : memref<320000x128xf32, #tpu.memory_space<hbm>> -> memref<400x128xf32, #tpu.memory_space<hbm>>
        %dma_start3A_178 = arith.constant 0 : i32
        %dma_start3A_179 = tpu.memref_slice %arg5[%add3A_11, %dma_start3A_178] : memref<320000x128xf32, #tpu.memory_space<hbm>> -> memref<400x128xf32, #tpu.memory_space<hbm>>
        tpu.enqueue_dma source(%arg8 : memref<400x128xf32, #tpu.memory_space<vmem>>) target(%dma_start3A_179 : memref<400x128xf32, #tpu.memory_space<hbm>>) target_semaphore(%run_scoped3A : memref<!tpu.dma_semaphore, #tpu.memory_space<semaphore_mem>>)
        %dma_wait3A_180 = arith.constant 0 : i32
        %dma_wait3A_181 = tpu.memref_slice %arg5[%add3A_11, %dma_wait3A_180] : memref<320000x128xf32, #tpu.memory_space<hbm>> -> memref<400x128xf32, #tpu.memory_space<hbm>>
        %dma_wait3A_182 = arith.constant 0 : i32
        %dma_wait3A_183 = tpu.memref_slice %arg5[%add3A_11, %dma_wait3A_182] : memref<320000x128xf32, #tpu.memory_space<hbm>> -> memref<400x128xf32, #tpu.memory_space<hbm>>
        tpu.wait_dma2 semaphore(%run_scoped3A : memref<!tpu.dma_semaphore, #tpu.memory_space<semaphore_mem>>) src(%arg8 : memref<400x128xf32, #tpu.memory_space<vmem>>) dst(%dma_wait3A_183 : memref<400x128xf32, #tpu.memory_space<hbm>>)
        tpu.yield
      }) : () -> ()
    }
    %scan3A_5 = arith.constant 25 : i32
    return
  }
}

#map = affine_map<(d0, d1) -> (0, 0)>
#map1 = affine_map<(d0, d1) -> (0)>
module attributes {stable_mosaic.version = 14 : i64} {
  func.func @_gather_body(%arg0: i32, %arg1: i32, %arg2: memref<10000x128xf32, #tpu.memory_space<hbm>>, %arg3: memref<320000xi32, #tpu.memory_space<hbm>>, %arg4: memref<320000xi32, #tpu.memory_space<hbm>>, %arg5: memref<320000x128xf32, #tpu.memory_space<hbm>>, %arg6: memref<400xi32, #tpu.memory_space<vmem>>, %arg7: memref<400xi32, #tpu.memory_space<vmem>>, %arg8: memref<400x128xf32, #tpu.memory_space<vmem>>, %arg9: memref<400x128xf32, #tpu.memory_space<vmem>>, %arg10: memref<!tpu.dma_semaphore, #tpu.memory_space<semaphore_mem>>, %arg11: memref<!tpu.dma_semaphore, #tpu.memory_space<semaphore_mem>>) attributes {dimension_semantics = [#tpu.dimension_semantics<core_parallel>, #tpu.dimension_semantics<subcore_parallel>], iteration_bounds = array<i64: 2, 16>, scalar_prefetch = 0 : i64, scratch_operands = 6 : i64, tpu.core_type = #tpu.core_type<sc_vector_subcore>, window_params = [{transform_indices = #map}, {transform_indices = #map1}, {transform_indices = #map1}, {transform_indices = #map}]} {
    %mul3A = arith.constant 2 : i32
    %mul3A_0 = arith.muli %arg1, %mul3A : i32
    %add3A = arith.addi %mul3A_0, %arg0 : i32
    %scan3A = arith.constant 0 : i32
    %scan3A_1 = arith.constant 0 : i32
    %scan3A_2 = arith.constant 25 : i32
    %scan3A_3 = arith.addi %scan3A_1, %scan3A_2 : i32
    %scan3A_4 = arith.constant 1 : i32
    scf.for %scan3A_6 = %scan3A_1 to %scan3A_3 step %scan3A_4  : i32 {
      %mul3A_7 = arith.constant 10000 : i32
      %mul3A_8 = arith.muli %add3A, %mul3A_7 : i32
      %mul3A_9 = arith.constant 400 : i32
      %mul3A_10 = arith.muli %scan3A_6, %mul3A_9 : i32
      %add3A_11 = arith.addi %mul3A_8, %mul3A_10 : i32
      "tpu.region"() ({
        %run_scoped3A = tpu.sem_alloc : memref<!tpu.dma_semaphore, #tpu.memory_space<semaphore_mem>>
        %dma_start3A_176 = tpu.memref_slice %arg3[%add3A_11] : memref<320000xi32, #tpu.memory_space<hbm>> -> memref<400xi32, #tpu.memory_space<hbm>>
        %dma_start3A_177 = tpu.memref_slice %arg3[%add3A_11] : memref<320000xi32, #tpu.memory_space<hbm>> -> memref<400xi32, #tpu.memory_space<hbm>>
        tpu.enqueue_dma source(%dma_start3A_177 : memref<400xi32, #tpu.memory_space<hbm>>) target(%arg6 : memref<400xi32, #tpu.memory_space<vmem>>) target_semaphore(%run_scoped3A : memref<!tpu.dma_semaphore, #tpu.memory_space<semaphore_mem>>)
        %dma_wait3A_178 = tpu.memref_slice %arg3[%add3A_11] : memref<320000xi32, #tpu.memory_space<hbm>> -> memref<400xi32, #tpu.memory_space<hbm>>
        %dma_wait3A_179 = tpu.memref_slice %arg3[%add3A_11] : memref<320000xi32, #tpu.memory_space<hbm>> -> memref<400xi32, #tpu.memory_space<hbm>>
        tpu.wait_dma2 semaphore(%run_scoped3A : memref<!tpu.dma_semaphore, #tpu.memory_space<semaphore_mem>>) src(%dma_wait3A_179 : memref<400xi32, #tpu.memory_space<hbm>>) dst(%arg6 : memref<400xi32, #tpu.memory_space<vmem>>)
        tpu.yield
      }) : () -> ()
      "tpu.region"() ({
        %run_scoped3A = tpu.sem_alloc : memref<!tpu.dma_semaphore, #tpu.memory_space<semaphore_mem>>
        %dma_start3A_176 = tpu.memref_slice %arg4[%add3A_11] : memref<320000xi32, #tpu.memory_space<hbm>> -> memref<400xi32, #tpu.memory_space<hbm>>
        %dma_start3A_177 = tpu.memref_slice %arg4[%add3A_11] : memref<320000xi32, #tpu.memory_space<hbm>> -> memref<400xi32, #tpu.memory_space<hbm>>
        tpu.enqueue_dma source(%dma_start3A_177 : memref<400xi32, #tpu.memory_space<hbm>>) target(%arg7 : memref<400xi32, #tpu.memory_space<vmem>>) target_semaphore(%run_scoped3A : memref<!tpu.dma_semaphore, #tpu.memory_space<semaphore_mem>>)
        %dma_wait3A_178 = tpu.memref_slice %arg4[%add3A_11] : memref<320000xi32, #tpu.memory_space<hbm>> -> memref<400xi32, #tpu.memory_space<hbm>>
        %dma_wait3A_179 = tpu.memref_slice %arg4[%add3A_11] : memref<320000xi32, #tpu.memory_space<hbm>> -> memref<400xi32, #tpu.memory_space<hbm>>
        tpu.wait_dma2 semaphore(%run_scoped3A : memref<!tpu.dma_semaphore, #tpu.memory_space<semaphore_mem>>) src(%dma_wait3A_179 : memref<400xi32, #tpu.memory_space<hbm>>) dst(%arg7 : memref<400xi32, #tpu.memory_space<vmem>>)
        tpu.yield
      }) : () -> ()
      %dma_start3A = arith.constant 0 : i32
      %dma_start3A_12 = arith.constant 0 : i32
      %dma_start3A_13 = tpu.memref_slice %arg8[%dma_start3A, %dma_start3A_12] : memref<400x128xf32, #tpu.memory_space<vmem>> -> memref<80x128xf32, #tpu.memory_space<vmem>>
      %dma_start3A_14 = arith.constant 0 : i32
      %dma_start3A_15 = tpu.memref_slice %arg6[%dma_start3A_14] : memref<400xi32, #tpu.memory_space<vmem>> -> memref<80xi32, #tpu.memory_space<vmem>>
      %dma_start3A_16 = arith.constant 0 : i32
      %dma_start3A_17 = arith.constant 0 : i32
      %dma_start3A_18 = tpu.memref_slice %arg2[%dma_start3A_16, %dma_start3A_17] : memref<10000x128xf32, #tpu.memory_space<hbm>> -> memref<10000x128xf32, #tpu.memory_space<hbm>>
      tpu.enqueue_indirect_dma source(%dma_start3A_18 : memref<10000x128xf32, #tpu.memory_space<hbm>>) target(%dma_start3A_13 : memref<80x128xf32, #tpu.memory_space<vmem>>) offsets(%dma_start3A_15 : memref<80xi32, #tpu.memory_space<vmem>>) semaphore(%arg10 : memref<!tpu.dma_semaphore, #tpu.memory_space<semaphore_mem>>)
      %dma_start3A_19 = arith.constant 80 : i32
      %dma_start3A_20 = arith.constant 0 : i32
      %dma_start3A_21 = tpu.memref_slice %arg8[%dma_start3A_19, %dma_start3A_20] : memref<400x128xf32, #tpu.memory_space<vmem>> -> memref<80x128xf32, #tpu.memory_space<vmem>>
      %dma_start3A_22 = arith.constant 80 : i32
      %dma_start3A_23 = tpu.memref_slice %arg6[%dma_start3A_22] : memref<400xi32, #tpu.memory_space<vmem>> -> memref<80xi32, #tpu.memory_space<vmem>>
      %dma_start3A_24 = arith.constant 0 : i32
      %dma_start3A_25 = arith.constant 0 : i32
      %dma_start3A_26 = tpu.memref_slice %arg2[%dma_start3A_24, %dma_start3A_25] : memref<10000x128xf32, #tpu.memory_space<hbm>> -> memref<10000x128xf32, #tpu.memory_space<hbm>>
      tpu.enqueue_indirect_dma source(%dma_start3A_26 : memref<10000x128xf32, #tpu.memory_space<hbm>>) target(%dma_start3A_21 : memref<80x128xf32, #tpu.memory_space<vmem>>) offsets(%dma_start3A_23 : memref<80xi32, #tpu.memory_space<vmem>>) semaphore(%arg10 : memref<!tpu.dma_semaphore, #tpu.memory_space<semaphore_mem>>)
      %dma_start3A_27 = arith.constant 160 : i32
      %dma_start3A_28 = arith.constant 0 : i32
      %dma_start3A_29 = tpu.memref_slice %arg8[%dma_start3A_27, %dma_start3A_28] : memref<400x128xf32, #tpu.memory_space<vmem>> -> memref<80x128xf32, #tpu.memory_space<vmem>>
      %dma_start3A_30 = arith.constant 160 : i32
      %dma_start3A_31 = tpu.memref_slice %arg6[%dma_start3A_30] : memref<400xi32, #tpu.memory_space<vmem>> -> memref<80xi32, #tpu.memory_space<vmem>>
      %dma_start3A_32 = arith.constant 0 : i32
      %dma_start3A_33 = arith.constant 0 : i32
      %dma_start3A_34 = tpu.memref_slice %arg2[%dma_start3A_32, %dma_start3A_33] : memref<10000x128xf32, #tpu.memory_space<hbm>> -> memref<10000x128xf32, #tpu.memory_space<hbm>>
      tpu.enqueue_indirect_dma source(%dma_start3A_34 : memref<10000x128xf32, #tpu.memory_space<hbm>>) target(%dma_start3A_29 : memref<80x128xf32, #tpu.memory_space<vmem>>) offsets(%dma_start3A_31 : memref<80xi32, #tpu.memory_space<vmem>>) semaphore(%arg10 : memref<!tpu.dma_semaphore, #tpu.memory_space<semaphore_mem>>)
      %dma_start3A_35 = arith.constant 240 : i32
      %dma_start3A_36 = arith.constant 0 : i32
      %dma_start3A_37 = tpu.memref_slice %arg8[%dma_start3A_35, %dma_start3A_36] : memref<400x128xf32, #tpu.memory_space<vmem>> -> memref<80x128xf32, #tpu.memory_space<vmem>>
      %dma_start3A_38 = arith.constant 240 : i32
      %dma_start3A_39 = tpu.memref_slice %arg6[%dma_start3A_38] : memref<400xi32, #tpu.memory_space<vmem>> -> memref<80xi32, #tpu.memory_space<vmem>>
      %dma_start3A_40 = arith.constant 0 : i32
      %dma_start3A_41 = arith.constant 0 : i32
      %dma_start3A_42 = tpu.memref_slice %arg2[%dma_start3A_40, %dma_start3A_41] : memref<10000x128xf32, #tpu.memory_space<hbm>> -> memref<10000x128xf32, #tpu.memory_space<hbm>>
      tpu.enqueue_indirect_dma source(%dma_start3A_42 : memref<10000x128xf32, #tpu.memory_space<hbm>>) target(%dma_start3A_37 : memref<80x128xf32, #tpu.memory_space<vmem>>) offsets(%dma_start3A_39 : memref<80xi32, #tpu.memory_space<vmem>>) semaphore(%arg10 : memref<!tpu.dma_semaphore, #tpu.memory_space<semaphore_mem>>)
      %dma_start3A_43 = arith.constant 320 : i32
      %dma_start3A_44 = arith.constant 0 : i32
      %dma_start3A_45 = tpu.memref_slice %arg8[%dma_start3A_43, %dma_start3A_44] : memref<400x128xf32, #tpu.memory_space<vmem>> -> memref<80x128xf32, #tpu.memory_space<vmem>>
      %dma_start3A_46 = arith.constant 320 : i32
      %dma_start3A_47 = tpu.memref_slice %arg6[%dma_start3A_46] : memref<400xi32, #tpu.memory_space<vmem>> -> memref<80xi32, #tpu.memory_space<vmem>>
      %dma_start3A_48 = arith.constant 0 : i32
      %dma_start3A_49 = arith.constant 0 : i32
      %dma_start3A_50 = tpu.memref_slice %arg2[%dma_start3A_48, %dma_start3A_49] : memref<10000x128xf32, #tpu.memory_space<hbm>> -> memref<10000x128xf32, #tpu.memory_space<hbm>>
      tpu.enqueue_indirect_dma source(%dma_start3A_50 : memref<10000x128xf32, #tpu.memory_space<hbm>>) target(%dma_start3A_45 : memref<80x128xf32, #tpu.memory_space<vmem>>) offsets(%dma_start3A_47 : memref<80xi32, #tpu.memory_space<vmem>>) semaphore(%arg10 : memref<!tpu.dma_semaphore, #tpu.memory_space<semaphore_mem>>)
      %dma_start3A_51 = arith.constant 0 : i32
      %dma_start3A_52 = arith.constant 0 : i32
      %dma_start3A_53 = tpu.memref_slice %arg9[%dma_start3A_51, %dma_start3A_52] : memref<400x128xf32, #tpu.memory_space<vmem>> -> memref<80x128xf32, #tpu.memory_space<vmem>>
      %dma_start3A_54 = arith.constant 0 : i32
      %dma_start3A_55 = tpu.memref_slice %arg7[%dma_start3A_54] : memref<400xi32, #tpu.memory_space<vmem>> -> memref<80xi32, #tpu.memory_space<vmem>>
      %dma_start3A_56 = arith.constant 0 : i32
      %dma_start3A_57 = arith.constant 0 : i32
      %dma_start3A_58 = tpu.memref_slice %arg2[%dma_start3A_56, %dma_start3A_57] : memref<10000x128xf32, #tpu.memory_space<hbm>> -> memref<10000x128xf32, #tpu.memory_space<hbm>>
      tpu.enqueue_indirect_dma source(%dma_start3A_58 : memref<10000x128xf32, #tpu.memory_space<hbm>>) target(%dma_start3A_53 : memref<80x128xf32, #tpu.memory_space<vmem>>) offsets(%dma_start3A_55 : memref<80xi32, #tpu.memory_space<vmem>>) semaphore(%arg11 : memref<!tpu.dma_semaphore, #tpu.memory_space<semaphore_mem>>)
      %dma_start3A_59 = arith.constant 80 : i32
      %dma_start3A_60 = arith.constant 0 : i32
      %dma_start3A_61 = tpu.memref_slice %arg9[%dma_start3A_59, %dma_start3A_60] : memref<400x128xf32, #tpu.memory_space<vmem>> -> memref<80x128xf32, #tpu.memory_space<vmem>>
      %dma_start3A_62 = arith.constant 80 : i32
      %dma_start3A_63 = tpu.memref_slice %arg7[%dma_start3A_62] : memref<400xi32, #tpu.memory_space<vmem>> -> memref<80xi32, #tpu.memory_space<vmem>>
      %dma_start3A_64 = arith.constant 0 : i32
      %dma_start3A_65 = arith.constant 0 : i32
      %dma_start3A_66 = tpu.memref_slice %arg2[%dma_start3A_64, %dma_start3A_65] : memref<10000x128xf32, #tpu.memory_space<hbm>> -> memref<10000x128xf32, #tpu.memory_space<hbm>>
      tpu.enqueue_indirect_dma source(%dma_start3A_66 : memref<10000x128xf32, #tpu.memory_space<hbm>>) target(%dma_start3A_61 : memref<80x128xf32, #tpu.memory_space<vmem>>) offsets(%dma_start3A_63 : memref<80xi32, #tpu.memory_space<vmem>>) semaphore(%arg11 : memref<!tpu.dma_semaphore, #tpu.memory_space<semaphore_mem>>)
      %dma_start3A_67 = arith.constant 160 : i32
      %dma_start3A_68 = arith.constant 0 : i32
      %dma_start3A_69 = tpu.memref_slice %arg9[%dma_start3A_67, %dma_start3A_68] : memref<400x128xf32, #tpu.memory_space<vmem>> -> memref<80x128xf32, #tpu.memory_space<vmem>>
      %dma_start3A_70 = arith.constant 160 : i32
      %dma_start3A_71 = tpu.memref_slice %arg7[%dma_start3A_70] : memref<400xi32, #tpu.memory_space<vmem>> -> memref<80xi32, #tpu.memory_space<vmem>>
      %dma_start3A_72 = arith.constant 0 : i32
      %dma_start3A_73 = arith.constant 0 : i32
      %dma_start3A_74 = tpu.memref_slice %arg2[%dma_start3A_72, %dma_start3A_73] : memref<10000x128xf32, #tpu.memory_space<hbm>> -> memref<10000x128xf32, #tpu.memory_space<hbm>>
      tpu.enqueue_indirect_dma source(%dma_start3A_74 : memref<10000x128xf32, #tpu.memory_space<hbm>>) target(%dma_start3A_69 : memref<80x128xf32, #tpu.memory_space<vmem>>) offsets(%dma_start3A_71 : memref<80xi32, #tpu.memory_space<vmem>>) semaphore(%arg11 : memref<!tpu.dma_semaphore, #tpu.memory_space<semaphore_mem>>)
      %dma_start3A_75 = arith.constant 240 : i32
      %dma_start3A_76 = arith.constant 0 : i32
      %dma_start3A_77 = tpu.memref_slice %arg9[%dma_start3A_75, %dma_start3A_76] : memref<400x128xf32, #tpu.memory_space<vmem>> -> memref<80x128xf32, #tpu.memory_space<vmem>>
      %dma_start3A_78 = arith.constant 240 : i32
      %dma_start3A_79 = tpu.memref_slice %arg7[%dma_start3A_78] : memref<400xi32, #tpu.memory_space<vmem>> -> memref<80xi32, #tpu.memory_space<vmem>>
      %dma_start3A_80 = arith.constant 0 : i32
      %dma_start3A_81 = arith.constant 0 : i32
      %dma_start3A_82 = tpu.memref_slice %arg2[%dma_start3A_80, %dma_start3A_81] : memref<10000x128xf32, #tpu.memory_space<hbm>> -> memref<10000x128xf32, #tpu.memory_space<hbm>>
      tpu.enqueue_indirect_dma source(%dma_start3A_82 : memref<10000x128xf32, #tpu.memory_space<hbm>>) target(%dma_start3A_77 : memref<80x128xf32, #tpu.memory_space<vmem>>) offsets(%dma_start3A_79 : memref<80xi32, #tpu.memory_space<vmem>>) semaphore(%arg11 : memref<!tpu.dma_semaphore, #tpu.memory_space<semaphore_mem>>)
      %dma_start3A_83 = arith.constant 320 : i32
      %dma_start3A_84 = arith.constant 0 : i32
      %dma_start3A_85 = tpu.memref_slice %arg9[%dma_start3A_83, %dma_start3A_84] : memref<400x128xf32, #tpu.memory_space<vmem>> -> memref<80x128xf32, #tpu.memory_space<vmem>>
      %dma_start3A_86 = arith.constant 320 : i32
      %dma_start3A_87 = tpu.memref_slice %arg7[%dma_start3A_86] : memref<400xi32, #tpu.memory_space<vmem>> -> memref<80xi32, #tpu.memory_space<vmem>>
      %dma_start3A_88 = arith.constant 0 : i32
      %dma_start3A_89 = arith.constant 0 : i32
      %dma_start3A_90 = tpu.memref_slice %arg2[%dma_start3A_88, %dma_start3A_89] : memref<10000x128xf32, #tpu.memory_space<hbm>> -> memref<10000x128xf32, #tpu.memory_space<hbm>>
      tpu.enqueue_indirect_dma source(%dma_start3A_90 : memref<10000x128xf32, #tpu.memory_space<hbm>>) target(%dma_start3A_85 : memref<80x128xf32, #tpu.memory_space<vmem>>) offsets(%dma_start3A_87 : memref<80xi32, #tpu.memory_space<vmem>>) semaphore(%arg11 : memref<!tpu.dma_semaphore, #tpu.memory_space<semaphore_mem>>)
      %dma_wait3A = arith.constant 0 : i32
      %dma_wait3A_91 = arith.constant 0 : i32
      %dma_wait3A_92 = tpu.memref_slice %arg8[%dma_wait3A, %dma_wait3A_91] : memref<400x128xf32, #tpu.memory_space<vmem>> -> memref<80x128xf32, #tpu.memory_space<vmem>>
      %dma_wait3A_93 = arith.constant 0 : i32
      %dma_wait3A_94 = tpu.memref_slice %arg6[%dma_wait3A_93] : memref<400xi32, #tpu.memory_space<vmem>> -> memref<80xi32, #tpu.memory_space<vmem>>
      %dma_wait3A_95 = arith.constant 0 : i32
      %dma_wait3A_96 = arith.constant 0 : i32
      %dma_wait3A_97 = tpu.memref_slice %arg2[%dma_wait3A_95, %dma_wait3A_96] : memref<10000x128xf32, #tpu.memory_space<hbm>> -> memref<10000x128xf32, #tpu.memory_space<hbm>>
      tpu.wait_indirect_dma semaphore(%arg10 : memref<!tpu.dma_semaphore, #tpu.memory_space<semaphore_mem>>) src(%dma_wait3A_97 : memref<10000x128xf32, #tpu.memory_space<hbm>>) dst(%dma_wait3A_92 : memref<80x128xf32, #tpu.memory_space<vmem>>)
      %dma_wait3A_98 = arith.constant 80 : i32
      %dma_wait3A_99 = arith.constant 0 : i32
      %dma_wait3A_100 = tpu.memref_slice %arg8[%dma_wait3A_98, %dma_wait3A_99] : memref<400x128xf32, #tpu.memory_space<vmem>> -> memref<80x128xf32, #tpu.memory_space<vmem>>
      %dma_wait3A_101 = arith.constant 80 : i32
      %dma_wait3A_102 = tpu.memref_slice %arg6[%dma_wait3A_101] : memref<400xi32, #tpu.memory_space<vmem>> -> memref<80xi32, #tpu.memory_space<vmem>>
      %dma_wait3A_103 = arith.constant 0 : i32
      %dma_wait3A_104 = arith.constant 0 : i32
      %dma_wait3A_105 = tpu.memref_slice %arg2[%dma_wait3A_103, %dma_wait3A_104] : memref<10000x128xf32, #tpu.memory_space<hbm>> -> memref<10000x128xf32, #tpu.memory_space<hbm>>
      tpu.wait_indirect_dma semaphore(%arg10 : memref<!tpu.dma_semaphore, #tpu.memory_space<semaphore_mem>>) src(%dma_wait3A_105 : memref<10000x128xf32, #tpu.memory_space<hbm>>) dst(%dma_wait3A_100 : memref<80x128xf32, #tpu.memory_space<vmem>>)
      %dma_wait3A_106 = arith.constant 160 : i32
      %dma_wait3A_107 = arith.constant 0 : i32
      %dma_wait3A_108 = tpu.memref_slice %arg8[%dma_wait3A_106, %dma_wait3A_107] : memref<400x128xf32, #tpu.memory_space<vmem>> -> memref<80x128xf32, #tpu.memory_space<vmem>>
      %dma_wait3A_109 = arith.constant 160 : i32
      %dma_wait3A_110 = tpu.memref_slice %arg6[%dma_wait3A_109] : memref<400xi32, #tpu.memory_space<vmem>> -> memref<80xi32, #tpu.memory_space<vmem>>
      %dma_wait3A_111 = arith.constant 0 : i32
      %dma_wait3A_112 = arith.constant 0 : i32
      %dma_wait3A_113 = tpu.memref_slice %arg2[%dma_wait3A_111, %dma_wait3A_112] : memref<10000x128xf32, #tpu.memory_space<hbm>> -> memref<10000x128xf32, #tpu.memory_space<hbm>>
      tpu.wait_indirect_dma semaphore(%arg10 : memref<!tpu.dma_semaphore, #tpu.memory_space<semaphore_mem>>) src(%dma_wait3A_113 : memref<10000x128xf32, #tpu.memory_space<hbm>>) dst(%dma_wait3A_108 : memref<80x128xf32, #tpu.memory_space<vmem>>)
      %dma_wait3A_114 = arith.constant 240 : i32
      %dma_wait3A_115 = arith.constant 0 : i32
      %dma_wait3A_116 = tpu.memref_slice %arg8[%dma_wait3A_114, %dma_wait3A_115] : memref<400x128xf32, #tpu.memory_space<vmem>> -> memref<80x128xf32, #tpu.memory_space<vmem>>
      %dma_wait3A_117 = arith.constant 240 : i32
      %dma_wait3A_118 = tpu.memref_slice %arg6[%dma_wait3A_117] : memref<400xi32, #tpu.memory_space<vmem>> -> memref<80xi32, #tpu.memory_space<vmem>>
      %dma_wait3A_119 = arith.constant 0 : i32
      %dma_wait3A_120 = arith.constant 0 : i32
      %dma_wait3A_121 = tpu.memref_slice %arg2[%dma_wait3A_119, %dma_wait3A_120] : memref<10000x128xf32, #tpu.memory_space<hbm>> -> memref<10000x128xf32, #tpu.memory_space<hbm>>
      tpu.wait_indirect_dma semaphore(%arg10 : memref<!tpu.dma_semaphore, #tpu.memory_space<semaphore_mem>>) src(%dma_wait3A_121 : memref<10000x128xf32, #tpu.memory_space<hbm>>) dst(%dma_wait3A_116 : memref<80x128xf32, #tpu.memory_space<vmem>>)
      %dma_wait3A_122 = arith.constant 320 : i32
      %dma_wait3A_123 = arith.constant 0 : i32
      %dma_wait3A_124 = tpu.memref_slice %arg8[%dma_wait3A_122, %dma_wait3A_123] : memref<400x128xf32, #tpu.memory_space<vmem>> -> memref<80x128xf32, #tpu.memory_space<vmem>>
      %dma_wait3A_125 = arith.constant 320 : i32
      %dma_wait3A_126 = tpu.memref_slice %arg6[%dma_wait3A_125] : memref<400xi32, #tpu.memory_space<vmem>> -> memref<80xi32, #tpu.memory_space<vmem>>
      %dma_wait3A_127 = arith.constant 0 : i32
      %dma_wait3A_128 = arith.constant 0 : i32
      %dma_wait3A_129 = tpu.memref_slice %arg2[%dma_wait3A_127, %dma_wait3A_128] : memref<10000x128xf32, #tpu.memory_space<hbm>> -> memref<10000x128xf32, #tpu.memory_space<hbm>>
      tpu.wait_indirect_dma semaphore(%arg10 : memref<!tpu.dma_semaphore, #tpu.memory_space<semaphore_mem>>) src(%dma_wait3A_129 : memref<10000x128xf32, #tpu.memory_space<hbm>>) dst(%dma_wait3A_124 : memref<80x128xf32, #tpu.memory_space<vmem>>)
      %dma_wait3A_130 = arith.constant 0 : i32
      %dma_wait3A_131 = arith.constant 0 : i32
      %dma_wait3A_132 = tpu.memref_slice %arg9[%dma_wait3A_130, %dma_wait3A_131] : memref<400x128xf32, #tpu.memory_space<vmem>> -> memref<80x128xf32, #tpu.memory_space<vmem>>
      %dma_wait3A_133 = arith.constant 0 : i32
      %dma_wait3A_134 = tpu.memref_slice %arg7[%dma_wait3A_133] : memref<400xi32, #tpu.memory_space<vmem>> -> memref<80xi32, #tpu.memory_space<vmem>>
      %dma_wait3A_135 = arith.constant 0 : i32
      %dma_wait3A_136 = arith.constant 0 : i32
      %dma_wait3A_137 = tpu.memref_slice %arg2[%dma_wait3A_135, %dma_wait3A_136] : memref<10000x128xf32, #tpu.memory_space<hbm>> -> memref<10000x128xf32, #tpu.memory_space<hbm>>
      tpu.wait_indirect_dma semaphore(%arg11 : memref<!tpu.dma_semaphore, #tpu.memory_space<semaphore_mem>>) src(%dma_wait3A_137 : memref<10000x128xf32, #tpu.memory_space<hbm>>) dst(%dma_wait3A_132 : memref<80x128xf32, #tpu.memory_space<vmem>>)
      %dma_wait3A_138 = arith.constant 80 : i32
      %dma_wait3A_139 = arith.constant 0 : i32
      %dma_wait3A_140 = tpu.memref_slice %arg9[%dma_wait3A_138, %dma_wait3A_139] : memref<400x128xf32, #tpu.memory_space<vmem>> -> memref<80x128xf32, #tpu.memory_space<vmem>>
      %dma_wait3A_141 = arith.constant 80 : i32
      %dma_wait3A_142 = tpu.memref_slice %arg7[%dma_wait3A_141] : memref<400xi32, #tpu.memory_space<vmem>> -> memref<80xi32, #tpu.memory_space<vmem>>
      %dma_wait3A_143 = arith.constant 0 : i32
      %dma_wait3A_144 = arith.constant 0 : i32
      %dma_wait3A_145 = tpu.memref_slice %arg2[%dma_wait3A_143, %dma_wait3A_144] : memref<10000x128xf32, #tpu.memory_space<hbm>> -> memref<10000x128xf32, #tpu.memory_space<hbm>>
      tpu.wait_indirect_dma semaphore(%arg11 : memref<!tpu.dma_semaphore, #tpu.memory_space<semaphore_mem>>) src(%dma_wait3A_145 : memref<10000x128xf32, #tpu.memory_space<hbm>>) dst(%dma_wait3A_140 : memref<80x128xf32, #tpu.memory_space<vmem>>)
      %dma_wait3A_146 = arith.constant 160 : i32
      %dma_wait3A_147 = arith.constant 0 : i32
      %dma_wait3A_148 = tpu.memref_slice %arg9[%dma_wait3A_146, %dma_wait3A_147] : memref<400x128xf32, #tpu.memory_space<vmem>> -> memref<80x128xf32, #tpu.memory_space<vmem>>
      %dma_wait3A_149 = arith.constant 160 : i32
      %dma_wait3A_150 = tpu.memref_slice %arg7[%dma_wait3A_149] : memref<400xi32, #tpu.memory_space<vmem>> -> memref<80xi32, #tpu.memory_space<vmem>>
      %dma_wait3A_151 = arith.constant 0 : i32
      %dma_wait3A_152 = arith.constant 0 : i32
      %dma_wait3A_153 = tpu.memref_slice %arg2[%dma_wait3A_151, %dma_wait3A_152] : memref<10000x128xf32, #tpu.memory_space<hbm>> -> memref<10000x128xf32, #tpu.memory_space<hbm>>
      tpu.wait_indirect_dma semaphore(%arg11 : memref<!tpu.dma_semaphore, #tpu.memory_space<semaphore_mem>>) src(%dma_wait3A_153 : memref<10000x128xf32, #tpu.memory_space<hbm>>) dst(%dma_wait3A_148 : memref<80x128xf32, #tpu.memory_space<vmem>>)
      %dma_wait3A_154 = arith.constant 240 : i32
      %dma_wait3A_155 = arith.constant 0 : i32
      %dma_wait3A_156 = tpu.memref_slice %arg9[%dma_wait3A_154, %dma_wait3A_155] : memref<400x128xf32, #tpu.memory_space<vmem>> -> memref<80x128xf32, #tpu.memory_space<vmem>>
      %dma_wait3A_157 = arith.constant 240 : i32
      %dma_wait3A_158 = tpu.memref_slice %arg7[%dma_wait3A_157] : memref<400xi32, #tpu.memory_space<vmem>> -> memref<80xi32, #tpu.memory_space<vmem>>
      %dma_wait3A_159 = arith.constant 0 : i32
      %dma_wait3A_160 = arith.constant 0 : i32
      %dma_wait3A_161 = tpu.memref_slice %arg2[%dma_wait3A_159, %dma_wait3A_160] : memref<10000x128xf32, #tpu.memory_space<hbm>> -> memref<10000x128xf32, #tpu.memory_space<hbm>>
      tpu.wait_indirect_dma semaphore(%arg11 : memref<!tpu.dma_semaphore, #tpu.memory_space<semaphore_mem>>) src(%dma_wait3A_161 : memref<10000x128xf32, #tpu.memory_space<hbm>>) dst(%dma_wait3A_156 : memref<80x128xf32, #tpu.memory_space<vmem>>)
      %dma_wait3A_162 = arith.constant 320 : i32
      %dma_wait3A_163 = arith.constant 0 : i32
      %dma_wait3A_164 = tpu.memref_slice %arg9[%dma_wait3A_162, %dma_wait3A_163] : memref<400x128xf32, #tpu.memory_space<vmem>> -> memref<80x128xf32, #tpu.memory_space<vmem>>
      %dma_wait3A_165 = arith.constant 320 : i32
      %dma_wait3A_166 = tpu.memref_slice %arg7[%dma_wait3A_165] : memref<400xi32, #tpu.memory_space<vmem>> -> memref<80xi32, #tpu.memory_space<vmem>>
      %dma_wait3A_167 = arith.constant 0 : i32
      %dma_wait3A_168 = arith.constant 0 : i32
      %dma_wait3A_169 = tpu.memref_slice %arg2[%dma_wait3A_167, %dma_wait3A_168] : memref<10000x128xf32, #tpu.memory_space<hbm>> -> memref<10000x128xf32, #tpu.memory_space<hbm>>
      tpu.wait_indirect_dma semaphore(%arg11 : memref<!tpu.dma_semaphore, #tpu.memory_space<semaphore_mem>>) src(%dma_wait3A_169 : memref<10000x128xf32, #tpu.memory_space<hbm>>) dst(%dma_wait3A_164 : memref<80x128xf32, #tpu.memory_space<vmem>>)
      %scan3A_170 = arith.constant 0 : i32
      %scan3A_171 = arith.constant 0 : i32
      %scan3A_172 = arith.constant 400 : i32
      %scan3A_173 = arith.addi %scan3A_171, %scan3A_172 : i32
      %scan3A_174 = arith.constant 1 : i32
      scf.for %scan3A_176 = %scan3A_171 to %scan3A_173 step %scan3A_174  : i32 {
        %get3A = arith.index_cast %scan3A_176 : i32 to index
        %get3A_177 = arith.constant 64 : index
        %get3A_178 = tpu.vector_load %arg9[%get3A, %get3A_177] {strides = array<i32>} : memref<400x128xf32, #tpu.memory_space<vmem>>, vector<1x16xf32>,
        %get3A_179 = vector.shape_cast %get3A_178 : vector<1x16xf32> to vector<16xf32>
        %swap3A = arith.index_cast %scan3A_176 : i32 to index
        %swap3A_180 = arith.constant 64 : index
        %swap3A_181 = tpu.vector_load %arg8[%swap3A, %swap3A_180] {strides = array<i32>} : memref<400x128xf32, #tpu.memory_space<vmem>>, vector<1x16xf32>,
        %swap3A_182 = vector.shape_cast %swap3A_181 : vector<1x16xf32> to vector<16xf32>
        %swap3A_183 = vector.shape_cast %get3A_179 : vector<16xf32> to vector<1x16xf32>
        tpu.vector_store %arg8[%swap3A, %swap3A_180], %swap3A_183 {strides = array<i32>} : memref<400x128xf32, #tpu.memory_space<vmem>>, vector<1x16xf32>,
        %get3A_184 = arith.index_cast %scan3A_176 : i32 to index
        %get3A_185 = arith.constant 80 : index
        %get3A_186 = tpu.vector_load %arg9[%get3A_184, %get3A_185] {strides = array<i32>} : memref<400x128xf32, #tpu.memory_space<vmem>>, vector<1x16xf32>,
        %get3A_187 = vector.shape_cast %get3A_186 : vector<1x16xf32> to vector<16xf32>
        %swap3A_188 = arith.index_cast %scan3A_176 : i32 to index
        %swap3A_189 = arith.constant 80 : index
        %swap3A_190 = tpu.vector_load %arg8[%swap3A_188, %swap3A_189] {strides = array<i32>} : memref<400x128xf32, #tpu.memory_space<vmem>>, vector<1x16xf32>,
        %swap3A_191 = vector.shape_cast %swap3A_190 : vector<1x16xf32> to vector<16xf32>
        %swap3A_192 = vector.shape_cast %get3A_187 : vector<16xf32> to vector<1x16xf32>
        tpu.vector_store %arg8[%swap3A_188, %swap3A_189], %swap3A_192 {strides = array<i32>} : memref<400x128xf32, #tpu.memory_space<vmem>>, vector<1x16xf32>,
        %get3A_193 = arith.index_cast %scan3A_176 : i32 to index
        %get3A_194 = arith.constant 96 : index
        %get3A_195 = tpu.vector_load %arg9[%get3A_193, %get3A_194] {strides = array<i32>} : memref<400x128xf32, #tpu.memory_space<vmem>>, vector<1x16xf32>,
        %get3A_196 = vector.shape_cast %get3A_195 : vector<1x16xf32> to vector<16xf32>
        %swap3A_197 = arith.index_cast %scan3A_176 : i32 to index
        %swap3A_198 = arith.constant 96 : index
        %swap3A_199 = tpu.vector_load %arg8[%swap3A_197, %swap3A_198] {strides = array<i32>} : memref<400x128xf32, #tpu.memory_space<vmem>>, vector<1x16xf32>,
        %swap3A_200 = vector.shape_cast %swap3A_199 : vector<1x16xf32> to vector<16xf32>
        %swap3A_201 = vector.shape_cast %get3A_196 : vector<16xf32> to vector<1x16xf32>
        tpu.vector_store %arg8[%swap3A_197, %swap3A_198], %swap3A_201 {strides = array<i32>} : memref<400x128xf32, #tpu.memory_space<vmem>>, vector<1x16xf32>,
        %get3A_202 = arith.index_cast %scan3A_176 : i32 to index
        %get3A_203 = arith.constant 112 : index
        %get3A_204 = tpu.vector_load %arg9[%get3A_202, %get3A_203] {strides = array<i32>} : memref<400x128xf32, #tpu.memory_space<vmem>>, vector<1x16xf32>,
        %get3A_205 = vector.shape_cast %get3A_204 : vector<1x16xf32> to vector<16xf32>
        %swap3A_206 = arith.index_cast %scan3A_176 : i32 to index
        %swap3A_207 = arith.constant 112 : index
        %swap3A_208 = tpu.vector_load %arg8[%swap3A_206, %swap3A_207] {strides = array<i32>} : memref<400x128xf32, #tpu.memory_space<vmem>>, vector<1x16xf32>,
        %swap3A_209 = vector.shape_cast %swap3A_208 : vector<1x16xf32> to vector<16xf32>
        %swap3A_210 = vector.shape_cast %get3A_205 : vector<16xf32> to vector<1x16xf32>
        tpu.vector_store %arg8[%swap3A_206, %swap3A_207], %swap3A_210 {strides = array<i32>} : memref<400x128xf32, #tpu.memory_space<vmem>>, vector<1x16xf32>,
      }
      %scan3A_175 = arith.constant 400 : i32
      "tpu.region"() ({
        %run_scoped3A = tpu.sem_alloc : memref<!tpu.dma_semaphore, #tpu.memory_space<semaphore_mem>>
        %dma_start3A_176 = arith.constant 0 : i32
        %dma_start3A_177 = tpu.memref_slice %arg5[%add3A_11, %dma_start3A_176] : memref<320000x128xf32, #tpu.memory_space<hbm>> -> memref<400x128xf32, #tpu.memory_space<hbm>>
        %dma_start3A_178 = arith.constant 0 : i32
        %dma_start3A_179 = tpu.memref_slice %arg5[%add3A_11, %dma_start3A_178] : memref<320000x128xf32, #tpu.memory_space<hbm>> -> memref<400x128xf32, #tpu.memory_space<hbm>>
        tpu.enqueue_dma source(%arg8 : memref<400x128xf32, #tpu.memory_space<vmem>>) target(%dma_start3A_179 : memref<400x128xf32, #tpu.memory_space<hbm>>) target_semaphore(%run_scoped3A : memref<!tpu.dma_semaphore, #tpu.memory_space<semaphore_mem>>)
        %dma_wait3A_180 = arith.constant 0 : i32
        %dma_wait3A_181 = tpu.memref_slice %arg5[%add3A_11, %dma_wait3A_180] : memref<320000x128xf32, #tpu.memory_space<hbm>> -> memref<400x128xf32, #tpu.memory_space<hbm>>
        %dma_wait3A_182 = arith.constant 0 : i32
        %dma_wait3A_183 = tpu.memref_slice %arg5[%add3A_11, %dma_wait3A_182] : memref<320000x128xf32, #tpu.memory_space<hbm>> -> memref<400x128xf32, #tpu.memory_space<hbm>>
        tpu.wait_dma2 semaphore(%run_scoped3A : memref<!tpu.dma_semaphore, #tpu.memory_space<semaphore_mem>>) src(%arg8 : memref<400x128xf32, #tpu.memory_space<vmem>>) dst(%dma_wait3A_183 : memref<400x128xf32, #tpu.memory_space<hbm>>)
        tpu.yield
      }) : () -> ()
    }
    %scan3A_5 = arith.constant 25 : i32
    return
  }
}

module attributes {stable_mosaic.version = 14 : i64} {
  func.func @_node_enc_body(%arg0: i32, %arg1: memref<2000x128xf32, #tpu.memory_space<vmem>>, %arg2: memref<128x64xf32, #tpu.memory_space<vmem>>, %arg3: memref<1x64xf32, #tpu.memory_space<vmem>>, %arg4: memref<64x128xf32, #tpu.memory_space<vmem>>, %arg5: memref<1x128xf32, #tpu.memory_space<vmem>>, %arg6: memref<2000x128xf32, #tpu.memory_space<vmem>>) attributes {dimension_semantics = [#tpu.dimension_semantics<arbitrary>], iteration_bounds = array<i64: 5>, scalar_prefetch = 0 : i64, scratch_operands = 0 : i64, tpu.core_type = #tpu.core_type<tc>, window_params = [{transform_indices = @transform_0, window_bounds = array<i64: 2000, 128>}, {pipeline_mode = #tpu.pipeline_mode<synchronous>, transform_indices = @transform_1, window_bounds = array<i64: 128, 64>}, {pipeline_mode = #tpu.pipeline_mode<synchronous>, transform_indices = @transform_2, window_bounds = array<i64: 1, 64>}, {pipeline_mode = #tpu.pipeline_mode<synchronous>, transform_indices = @transform_3, window_bounds = array<i64: 64, 128>}, {pipeline_mode = #tpu.pipeline_mode<synchronous>, transform_indices = @transform_4, window_bounds = array<i64: 1, 128>}, {transform_indices = @transform_5, window_bounds = array<i64: 2000, 128>}]} {
    %get3A = arith.constant 0 : index
    %get3A_0 = arith.constant 0 : index
    %get3A_1 = vector.load %arg1[%get3A, %get3A_0] : memref<2000x128xf32, #tpu.memory_space<vmem>>, vector<2000x128xf32>
    %get3A_2 = arith.constant 0 : index
    %get3A_3 = arith.constant 0 : index
    %get3A_4 = vector.load %arg2[%get3A_2, %get3A_3] : memref<128x64xf32, #tpu.memory_space<vmem>>, vector<128x64xf32>
    %dot_general3A = arith.constant dense<0.000000e+00> : vector<2000x64xf32>
    %dot_general3A_5 = tpu.matmul %get3A_1, %get3A_4, %dot_general3A {dimension_numbers = #tpu.dot_dimension_numbers<[1], [0], [0], [1], [0, 0, 1, 1], [], []>, transpose_lhs_hint = false} : vector<2000x128xf32>, vector<128x64xf32>, vector<2000x64xf32> -> vector<2000x64xf32>
    %get3A_6 = arith.constant 0 : index
    %get3A_7 = arith.constant 0 : index
    %get3A_8 = vector.load %arg3[%get3A_6, %get3A_7] : memref<1x64xf32, #tpu.memory_space<vmem>>, vector<1x64xf32>
    %add3A = vector.broadcast %get3A_8 : vector<1x64xf32> to vector<2000x64xf32>
    %add3A_9 = arith.addf %dot_general3A_5, %add3A : vector<2000x64xf32>
    %max3A = arith.constant 0.000000e+00 : f32
    %max3A_10 = vector.broadcast %max3A : f32 to vector<2000x64xf32>
    %max3A_11 = arith.maximumf %add3A_9, %max3A_10 : vector<2000x64xf32>
    %get3A_12 = arith.constant 0 : index
    %get3A_13 = arith.constant 0 : index
    %get3A_14 = vector.load %arg4[%get3A_12, %get3A_13] : memref<64x128xf32, #tpu.memory_space<vmem>>, vector<64x128xf32>
    %dot_general3A_15 = arith.constant dense<0.000000e+00> : vector<2000x128xf32>
    %dot_general3A_16 = tpu.matmul %max3A_11, %get3A_14, %dot_general3A_15 {dimension_numbers = #tpu.dot_dimension_numbers<[1], [0], [0], [1], [0, 0, 1, 1], [], []>, transpose_lhs_hint = false} : vector<2000x64xf32>, vector<64x128xf32>, vector<2000x128xf32> -> vector<2000x128xf32>
    %get3A_17 = arith.constant 0 : index
    %get3A_18 = arith.constant 0 : index
    %get3A_19 = vector.load %arg5[%get3A_17, %get3A_18] : memref<1x128xf32, #tpu.memory_space<vmem>>, vector<1x128xf32>
    %add3A_20 = vector.broadcast %get3A_19 : vector<1x128xf32> to vector<2000x128xf32>
    %add3A_21 = arith.addf %dot_general3A_16, %add3A_20 : vector<2000x128xf32>
    %swap3A = arith.constant 0 : index
    %swap3A_22 = arith.constant 0 : index
    %swap3A_23 = vector.load %arg6[%swap3A, %swap3A_22] : memref<2000x128xf32, #tpu.memory_space<vmem>>, vector<2000x128xf32>
    tpu.vector_store %arg6[%swap3A, %swap3A_22], %add3A_21 {strides = array<i32>} : memref<2000x128xf32, #tpu.memory_space<vmem>>, vector<2000x128xf32>,
    return
  }
  func.func @transform_0(%arg0: i32) -> (i32, i32) {
    %c0_i32 = arith.constant 0 : i32
    %c0_i32_0 = arith.constant 0 : i32
    return %arg0, %c0_i32 : i32, i32
  }
  func.func @transform_1(%arg0: i32) -> (i32, i32) {
    %c0_i32 = arith.constant 0 : i32
    %c0_i32_0 = arith.constant 0 : i32
    %c0_i32_1 = arith.constant 0 : i32
    return %c0_i32, %c0_i32_0 : i32, i32
  }
  func.func @transform_2(%arg0: i32) -> (i32, i32) {
    %c0_i32 = arith.constant 0 : i32
    %c0_i32_0 = arith.constant 0 : i32
    %c0_i32_1 = arith.constant 0 : i32
    return %c0_i32, %c0_i32_0 : i32, i32
  }
  func.func @transform_3(%arg0: i32) -> (i32, i32) {
    %c0_i32 = arith.constant 0 : i32
    %c0_i32_0 = arith.constant 0 : i32
    %c0_i32_1 = arith.constant 0 : i32
    return %c0_i32, %c0_i32_0 : i32, i32
  }
  func.func @transform_4(%arg0: i32) -> (i32, i32) {
    %c0_i32 = arith.constant 0 : i32
    %c0_i32_0 = arith.constant 0 : i32
    %c0_i32_1 = arith.constant 0 : i32
    return %c0_i32, %c0_i32_0 : i32, i32
  }
  func.func @transform_5(%arg0: i32) -> (i32, i32) {
    %c0_i32 = arith.constant 0 : i32
    %c0_i32_0 = arith.constant 0 : i32
    return %arg0, %c0_i32 : i32, i32
  }
}

module attributes {stable_mosaic.version = 14 : i64} {
  func.func @_edge_round1_body(%arg0: i32, %arg1: memref<16x2560xf32, #tpu.memory_space<vmem>>, %arg2: memref<2560x128xf32, #tpu.memory_space<vmem>>, %arg3: memref<16x64xf32, #tpu.memory_space<vmem>>, %arg4: memref<1x64xf32, #tpu.memory_space<vmem>>, %arg5: memref<64x64xf32, #tpu.memory_space<vmem>>, %arg6: memref<1x64xf32, #tpu.memory_space<vmem>>, %arg7: memref<192x128xf32, #tpu.memory_space<vmem>>, %arg8: memref<1x128xf32, #tpu.memory_space<vmem>>, %arg9: memref<128x128xf32, #tpu.memory_space<vmem>>, %arg10: memref<1x128xf32, #tpu.memory_space<vmem>>, %arg11: memref<2560x128xf32, #tpu.memory_space<vmem>>) attributes {dimension_semantics = [#tpu.dimension_semantics<arbitrary>], iteration_bounds = array<i64: 125>, scalar_prefetch = 0 : i64, scratch_operands = 0 : i64, tpu.core_type = #tpu.core_type<tc>, window_params = [{transform_indices = @transform_0, window_bounds = array<i64: 16, 2560>}, {transform_indices = @transform_1, window_bounds = array<i64: 2560, 128>}, {pipeline_mode = #tpu.pipeline_mode<synchronous>, transform_indices = @transform_2, window_bounds = array<i64: 16, 64>}, {pipeline_mode = #tpu.pipeline_mode<synchronous>, transform_indices = @transform_3, window_bounds = array<i64: 1, 64>}, {pipeline_mode = #tpu.pipeline_mode<synchronous>, transform_indices = @transform_4, window_bounds = array<i64: 64, 64>}, {pipeline_mode = #tpu.pipeline_mode<synchronous>, transform_indices = @transform_5, window_bounds = array<i64: 1, 64>}, {pipeline_mode = #tpu.pipeline_mode<synchronous>, transform_indices = @transform_6, window_bounds = array<i64: 192, 128>}, {pipeline_mode = #tpu.pipeline_mode<synchronous>, transform_indices = @transform_7, window_bounds = array<i64: 1, 128>}, {pipeline_mode = #tpu.pipeline_mode<synchronous>, transform_indices = @transform_8, window_bounds = array<i64: 128, 128>}, {pipeline_mode = #tpu.pipeline_mode<synchronous>, transform_indices = @transform_9, window_bounds = array<i64: 1, 128>}, {transform_indices = @transform_10, window_bounds = array<i64: 2560, 128>}]} {
    %get3A = arith.constant 0 : index
    %get3A_0 = arith.constant 0 : index
    %get3A_1 = vector.load %arg1[%get3A, %get3A_0] : memref<16x2560xf32, #tpu.memory_space<vmem>>, vector<16x2560xf32>
    %transpose3A = tpu.transpose %get3A_1, [1, 0] : vector<16x2560xf32> -> vector<2560x16xf32>
    %get3A_2 = arith.constant 0 : index
    %get3A_3 = arith.constant 0 : index
    %get3A_4 = vector.load %arg3[%get3A_2, %get3A_3] : memref<16x64xf32, #tpu.memory_space<vmem>>, vector<16x64xf32>
    %dot_general3A = arith.constant dense<0.000000e+00> : vector<2560x64xf32>
    %dot_general3A_5 = tpu.matmul %transpose3A, %get3A_4, %dot_general3A {dimension_numbers = #tpu.dot_dimension_numbers<[1], [0], [0], [1], [0, 0, 1, 1], [], []>, transpose_lhs_hint = false} : vector<2560x16xf32>, vector<16x64xf32>, vector<2560x64xf32> -> vector<2560x64xf32>
    %get3A_6 = arith.constant 0 : index
    %get3A_7 = arith.constant 0 : index
    %get3A_8 = vector.load %arg4[%get3A_6, %get3A_7] : memref<1x64xf32, #tpu.memory_space<vmem>>, vector<1x64xf32>
    %add3A = vector.broadcast %get3A_8 : vector<1x64xf32> to vector<2560x64xf32>
    %add3A_9 = arith.addf %dot_general3A_5, %add3A : vector<2560x64xf32>
    %max3A = arith.constant 0.000000e+00 : f32
    %max3A_10 = vector.broadcast %max3A : f32 to vector<2560x64xf32>
    %max3A_11 = arith.maximumf %add3A_9, %max3A_10 : vector<2560x64xf32>
    %get3A_12 = arith.constant 0 : index
    %get3A_13 = arith.constant 0 : index
    %get3A_14 = vector.load %arg5[%get3A_12, %get3A_13] : memref<64x64xf32, #tpu.memory_space<vmem>>, vector<64x64xf32>
    %dot_general3A_15 = arith.constant dense<0.000000e+00> : vector<2560x64xf32>
    %dot_general3A_16 = tpu.matmul %max3A_11, %get3A_14, %dot_general3A_15 {dimension_numbers = #tpu.dot_dimension_numbers<[1], [0], [0], [1], [0, 0, 1, 1], [], []>, transpose_lhs_hint = false} : vector<2560x64xf32>, vector<64x64xf32>, vector<2560x64xf32> -> vector<2560x64xf32>
    %get3A_17 = arith.constant 0 : index
    %get3A_18 = arith.constant 0 : index
    %get3A_19 = vector.load %arg6[%get3A_17, %get3A_18] : memref<1x64xf32, #tpu.memory_space<vmem>>, vector<1x64xf32>
    %add3A_20 = vector.broadcast %get3A_19 : vector<1x64xf32> to vector<2560x64xf32>
    %add3A_21 = arith.addf %dot_general3A_16, %add3A_20 : vector<2560x64xf32>
    %get3A_22 = arith.constant 0 : index
    %get3A_23 = arith.constant 0 : index
    %get3A_24 = vector.load %arg2[%get3A_22, %get3A_23] : memref<2560x128xf32, #tpu.memory_space<vmem>>, vector<2560x128xf32>
    %concatenate3A = tpu.concatenate %get3A_24, %add3A_21 in 1 : vector<2560x128xf32>, vector<2560x64xf32> -> vector<2560x192xf32>
    %get3A_25 = arith.constant 0 : index
    %get3A_26 = arith.constant 0 : index
    %get3A_27 = vector.load %arg7[%get3A_25, %get3A_26] : memref<192x128xf32, #tpu.memory_space<vmem>>, vector<192x128xf32>
    %dot_general3A_28 = arith.constant dense<0.000000e+00> : vector<2560x128xf32>
    %dot_general3A_29 = tpu.matmul %concatenate3A, %get3A_27, %dot_general3A_28 {dimension_numbers = #tpu.dot_dimension_numbers<[1], [0], [0], [1], [0, 0, 1, 1], [], []>, transpose_lhs_hint = false} : vector<2560x192xf32>, vector<192x128xf32>, vector<2560x128xf32> -> vector<2560x128xf32>
    %get3A_30 = arith.constant 0 : index
    %get3A_31 = arith.constant 0 : index
    %get3A_32 = vector.load %arg8[%get3A_30, %get3A_31] : memref<1x128xf32, #tpu.memory_space<vmem>>, vector<1x128xf32>
    %add3A_33 = vector.broadcast %get3A_32 : vector<1x128xf32> to vector<2560x128xf32>
    %add3A_34 = arith.addf %dot_general3A_29, %add3A_33 : vector<2560x128xf32>
    %max3A_35 = arith.constant 0.000000e+00 : f32
    %max3A_36 = vector.broadcast %max3A_35 : f32 to vector<2560x128xf32>
    %max3A_37 = arith.maximumf %add3A_34, %max3A_36 : vector<2560x128xf32>
    %get3A_38 = arith.constant 0 : index
    %get3A_39 = arith.constant 0 : index
    %get3A_40 = vector.load %arg9[%get3A_38, %get3A_39] : memref<128x128xf32, #tpu.memory_space<vmem>>, vector<128x128xf32>
    %dot_general3A_41 = arith.constant dense<0.000000e+00> : vector<2560x128xf32>
    %dot_general3A_42 = tpu.matmul %max3A_37, %get3A_40, %dot_general3A_41 {dimension_numbers = #tpu.dot_dimension_numbers<[1], [0], [0], [1], [0, 0, 1, 1], [], []>, transpose_lhs_hint = false} : vector<2560x128xf32>, vector<128x128xf32>, vector<2560x128xf32> -> vector<2560x128xf32>
    %get3A_43 = arith.constant 0 : index
    %get3A_44 = arith.constant 0 : index
    %get3A_45 = vector.load %arg10[%get3A_43, %get3A_44] : memref<1x128xf32, #tpu.memory_space<vmem>>, vector<1x128xf32>
    %add3A_46 = vector.broadcast %get3A_45 : vector<1x128xf32> to vector<2560x128xf32>
    %add3A_47 = arith.addf %dot_general3A_42, %add3A_46 : vector<2560x128xf32>
    %swap3A = arith.constant 0 : index
    %swap3A_48 = arith.constant 0 : index
    %swap3A_49 = vector.load %arg11[%swap3A, %swap3A_48] : memref<2560x128xf32, #tpu.memory_space<vmem>>, vector<2560x128xf32>
    tpu.vector_store %arg11[%swap3A, %swap3A_48], %add3A_47 {strides = array<i32>} : memref<2560x128xf32, #tpu.memory_space<vmem>>, vector<2560x128xf32>,
    return
  }
  func.func @transform_0(%arg0: i32) -> (i32, i32) {
    %c0_i32 = arith.constant 0 : i32
    %c0_i32_0 = arith.constant 0 : i32
    return %c0_i32, %arg0 : i32, i32
  }
  func.func @transform_1(%arg0: i32) -> (i32, i32) {
    %c0_i32 = arith.constant 0 : i32
    %c0_i32_0 = arith.constant 0 : i32
    return %arg0, %c0_i32 : i32, i32
  }
  func.func @transform_2(%arg0: i32) -> (i32, i32) {
    %c0_i32 = arith.constant 0 : i32
    %c0_i32_0 = arith.constant 0 : i32
    %c0_i32_1 = arith.constant 0 : i32
    return %c0_i32, %c0_i32_0 : i32, i32
  }
  func.func @transform_3(%arg0: i32) -> (i32, i32) {
    %c0_i32 = arith.constant 0 : i32
    %c0_i32_0 = arith.constant 0 : i32
    %c0_i32_1 = arith.constant 0 : i32
    return %c0_i32, %c0_i32_0 : i32, i32
  }
  func.func @transform_4(%arg0: i32) -> (i32, i32) {
    %c0_i32 = arith.constant 0 : i32
    %c0_i32_0 = arith.constant 0 : i32
    %c0_i32_1 = arith.constant 0 : i32
    return %c0_i32, %c0_i32_0 : i32, i32
  }
  func.func @transform_5(%arg0: i32) -> (i32, i32) {
    %c0_i32 = arith.constant 0 : i32
    %c0_i32_0 = arith.constant 0 : i32
    %c0_i32_1 = arith.constant 0 : i32
    return %c0_i32, %c0_i32_0 : i32, i32
  }
  func.func @transform_6(%arg0: i32) -> (i32, i32) {
    %c0_i32 = arith.constant 0 : i32
    %c0_i32_0 = arith.constant 0 : i32
    %c0_i32_1 = arith.constant 0 : i32
    return %c0_i32, %c0_i32_0 : i32, i32
  }
  func.func @transform_7(%arg0: i32) -> (i32, i32) {
    %c0_i32 = arith.constant 0 : i32
    %c0_i32_0 = arith.constant 0 : i32
    %c0_i32_1 = arith.constant 0 : i32
    return %c0_i32, %c0_i32_0 : i32, i32
  }
  func.func @transform_8(%arg0: i32) -> (i32, i32) {
    %c0_i32 = arith.constant 0 : i32
    %c0_i32_0 = arith.constant 0 : i32
    %c0_i32_1 = arith.constant 0 : i32
    return %c0_i32, %c0_i32_0 : i32, i32
  }
  func.func @transform_9(%arg0: i32) -> (i32, i32) {
    %c0_i32 = arith.constant 0 : i32
    %c0_i32_0 = arith.constant 0 : i32
    %c0_i32_1 = arith.constant 0 : i32
    return %c0_i32, %c0_i32_0 : i32, i32
  }
  func.func @transform_10(%arg0: i32) -> (i32, i32) {
    %c0_i32 = arith.constant 0 : i32
    %c0_i32_0 = arith.constant 0 : i32
    return %arg0, %c0_i32 : i32, i32
  }
}

module attributes {stable_mosaic.version = 14 : i64} {
  func.func @_node_upd_body(%arg0: i32, %arg1: memref<2000x128xf32, #tpu.memory_space<vmem>>, %arg2: memref<2000x128xf32, #tpu.memory_space<vmem>>, %arg3: memref<128x128xf32, #tpu.memory_space<vmem>>, %arg4: memref<1x128xf32, #tpu.memory_space<vmem>>, %arg5: memref<128x128xf32, #tpu.memory_space<vmem>>, %arg6: memref<1x128xf32, #tpu.memory_space<vmem>>, %arg7: memref<2000x128xf32, #tpu.memory_space<vmem>>) attributes {dimension_semantics = [#tpu.dimension_semantics<arbitrary>], iteration_bounds = array<i64: 5>, scalar_prefetch = 0 : i64, scratch_operands = 0 : i64, tpu.core_type = #tpu.core_type<tc>, window_params = [{transform_indices = @transform_0, window_bounds = array<i64: 2000, 128>}, {transform_indices = @transform_1, window_bounds = array<i64: 2000, 128>}, {pipeline_mode = #tpu.pipeline_mode<synchronous>, transform_indices = @transform_2, window_bounds = array<i64: 128, 128>}, {pipeline_mode = #tpu.pipeline_mode<synchronous>, transform_indices = @transform_3, window_bounds = array<i64: 1, 128>}, {pipeline_mode = #tpu.pipeline_mode<synchronous>, transform_indices = @transform_4, window_bounds = array<i64: 128, 128>}, {pipeline_mode = #tpu.pipeline_mode<synchronous>, transform_indices = @transform_5, window_bounds = array<i64: 1, 128>}, {transform_indices = @transform_6, window_bounds = array<i64: 2000, 128>}]} {
    %get3A = arith.constant 0 : index
    %get3A_0 = arith.constant 0 : index
    %get3A_1 = vector.load %arg1[%get3A, %get3A_0] : memref<2000x128xf32, #tpu.memory_space<vmem>>, vector<2000x64xf32>
    %get3A_2 = arith.constant 0 : index
    %get3A_3 = arith.constant 0 : index
    %get3A_4 = vector.load %arg2[%get3A_2, %get3A_3] : memref<2000x128xf32, #tpu.memory_space<vmem>>, vector<2000x64xf32>
    %concatenate3A = tpu.concatenate %get3A_1, %get3A_4 in 1 : vector<2000x64xf32>, vector<2000x64xf32> -> vector<2000x128xf32>
    %get3A_5 = arith.constant 0 : index
    %get3A_6 = arith.constant 0 : index
    %get3A_7 = vector.load %arg3[%get3A_5, %get3A_6] : memref<128x128xf32, #tpu.memory_space<vmem>>, vector<128x128xf32>
    %dot_general3A = arith.constant dense<0.000000e+00> : vector<2000x128xf32>
    %dot_general3A_8 = tpu.matmul %concatenate3A, %get3A_7, %dot_general3A {dimension_numbers = #tpu.dot_dimension_numbers<[1], [0], [0], [1], [0, 0, 1, 1], [], []>, transpose_lhs_hint = false} : vector<2000x128xf32>, vector<128x128xf32>, vector<2000x128xf32> -> vector<2000x128xf32>
    %get3A_9 = arith.constant 0 : index
    %get3A_10 = arith.constant 0 : index
    %get3A_11 = vector.load %arg4[%get3A_9, %get3A_10] : memref<1x128xf32, #tpu.memory_space<vmem>>, vector<1x128xf32>
    %add3A = vector.broadcast %get3A_11 : vector<1x128xf32> to vector<2000x128xf32>
    %add3A_12 = arith.addf %dot_general3A_8, %add3A : vector<2000x128xf32>
    %max3A = arith.constant 0.000000e+00 : f32
    %max3A_13 = vector.broadcast %max3A : f32 to vector<2000x128xf32>
    %max3A_14 = arith.maximumf %add3A_12, %max3A_13 : vector<2000x128xf32>
    %get3A_15 = arith.constant 0 : index
    %get3A_16 = arith.constant 0 : index
    %get3A_17 = vector.load %arg5[%get3A_15, %get3A_16] : memref<128x128xf32, #tpu.memory_space<vmem>>, vector<128x128xf32>
    %dot_general3A_18 = arith.constant dense<0.000000e+00> : vector<2000x128xf32>
    %dot_general3A_19 = tpu.matmul %max3A_14, %get3A_17, %dot_general3A_18 {dimension_numbers = #tpu.dot_dimension_numbers<[1], [0], [0], [1], [0, 0, 1, 1], [], []>, transpose_lhs_hint = false} : vector<2000x128xf32>, vector<128x128xf32>, vector<2000x128xf32> -> vector<2000x128xf32>
    %get3A_20 = arith.constant 0 : index
    %get3A_21 = arith.constant 0 : index
    %get3A_22 = vector.load %arg6[%get3A_20, %get3A_21] : memref<1x128xf32, #tpu.memory_space<vmem>>, vector<1x128xf32>
    %add3A_23 = vector.broadcast %get3A_22 : vector<1x128xf32> to vector<2000x128xf32>
    %add3A_24 = arith.addf %dot_general3A_19, %add3A_23 : vector<2000x128xf32>
    %swap3A = arith.constant 0 : index
    %swap3A_25 = arith.constant 0 : index
    %swap3A_26 = vector.load %arg7[%swap3A, %swap3A_25] : memref<2000x128xf32, #tpu.memory_space<vmem>>, vector<2000x128xf32>
    tpu.vector_store %arg7[%swap3A, %swap3A_25], %add3A_24 {strides = array<i32>} : memref<2000x128xf32, #tpu.memory_space<vmem>>, vector<2000x128xf32>,
    return
  }
  func.func @transform_0(%arg0: i32) -> (i32, i32) {
    %c0_i32 = arith.constant 0 : i32
    %c0_i32_0 = arith.constant 0 : i32
    return %arg0, %c0_i32 : i32, i32
  }
  func.func @transform_1(%arg0: i32) -> (i32, i32) {
    %c0_i32 = arith.constant 0 : i32
    %c0_i32_0 = arith.constant 0 : i32
    return %arg0, %c0_i32 : i32, i32
  }
  func.func @transform_2(%arg0: i32) -> (i32, i32) {
    %c0_i32 = arith.constant 0 : i32
    %c0_i32_0 = arith.constant 0 : i32
    %c0_i32_1 = arith.constant 0 : i32
    return %c0_i32, %c0_i32_0 : i32, i32
  }
  func.func @transform_3(%arg0: i32) -> (i32, i32) {
    %c0_i32 = arith.constant 0 : i32
    %c0_i32_0 = arith.constant 0 : i32
    %c0_i32_1 = arith.constant 0 : i32
    return %c0_i32, %c0_i32_0 : i32, i32
  }
  func.func @transform_4(%arg0: i32) -> (i32, i32) {
    %c0_i32 = arith.constant 0 : i32
    %c0_i32_0 = arith.constant 0 : i32
    %c0_i32_1 = arith.constant 0 : i32
    return %c0_i32, %c0_i32_0 : i32, i32
  }
  func.func @transform_5(%arg0: i32) -> (i32, i32) {
    %c0_i32 = arith.constant 0 : i32
    %c0_i32_0 = arith.constant 0 : i32
    %c0_i32_1 = arith.constant 0 : i32
    return %c0_i32, %c0_i32_0 : i32, i32
  }
  func.func @transform_6(%arg0: i32) -> (i32, i32) {
    %c0_i32 = arith.constant 0 : i32
    %c0_i32_0 = arith.constant 0 : i32
    return %arg0, %c0_i32 : i32, i32
  }
}

module attributes {stable_mosaic.version = 14 : i64} {
  func.func @_edge_upd_body(%arg0: i32, %arg1: memref<2560x128xf32, #tpu.memory_space<vmem>>, %arg2: memref<2560x128xf32, #tpu.memory_space<vmem>>, %arg3: memref<192x128xf32, #tpu.memory_space<vmem>>, %arg4: memref<1x128xf32, #tpu.memory_space<vmem>>, %arg5: memref<128x128xf32, #tpu.memory_space<vmem>>, %arg6: memref<1x128xf32, #tpu.memory_space<vmem>>, %arg7: memref<2560x128xf32, #tpu.memory_space<vmem>>) attributes {dimension_semantics = [#tpu.dimension_semantics<arbitrary>], iteration_bounds = array<i64: 125>, scalar_prefetch = 0 : i64, scratch_operands = 0 : i64, tpu.core_type = #tpu.core_type<tc>, window_params = [{transform_indices = @transform_0, window_bounds = array<i64: 2560, 128>}, {transform_indices = @transform_1, window_bounds = array<i64: 2560, 128>}, {pipeline_mode = #tpu.pipeline_mode<synchronous>, transform_indices = @transform_2, window_bounds = array<i64: 192, 128>}, {pipeline_mode = #tpu.pipeline_mode<synchronous>, transform_indices = @transform_3, window_bounds = array<i64: 1, 128>}, {pipeline_mode = #tpu.pipeline_mode<synchronous>, transform_indices = @transform_4, window_bounds = array<i64: 128, 128>}, {pipeline_mode = #tpu.pipeline_mode<synchronous>, transform_indices = @transform_5, window_bounds = array<i64: 1, 128>}, {transform_indices = @transform_6, window_bounds = array<i64: 2560, 128>}]} {
    %get3A = arith.constant 0 : index
    %get3A_0 = arith.constant 0 : index
    %get3A_1 = vector.load %arg2[%get3A, %get3A_0] : memref<2560x128xf32, #tpu.memory_space<vmem>>, vector<2560x128xf32>
    %get3A_2 = arith.constant 0 : index
    %get3A_3 = arith.constant 0 : index
    %get3A_4 = vector.load %arg1[%get3A_2, %get3A_3] : memref<2560x128xf32, #tpu.memory_space<vmem>>, vector<2560x64xf32>
    %concatenate3A = tpu.concatenate %get3A_1, %get3A_4 in 1 : vector<2560x128xf32>, vector<2560x64xf32> -> vector<2560x192xf32>
    %get3A_5 = arith.constant 0 : index
    %get3A_6 = arith.constant 0 : index
    %get3A_7 = vector.load %arg3[%get3A_5, %get3A_6] : memref<192x128xf32, #tpu.memory_space<vmem>>, vector<192x128xf32>
    %dot_general3A = arith.constant dense<0.000000e+00> : vector<2560x128xf32>
    %dot_general3A_8 = tpu.matmul %concatenate3A, %get3A_7, %dot_general3A {dimension_numbers = #tpu.dot_dimension_numbers<[1], [0], [0], [1], [0, 0, 1, 1], [], []>, transpose_lhs_hint = false} : vector<2560x192xf32>, vector<192x128xf32>, vector<2560x128xf32> -> vector<2560x128xf32>
    %get3A_9 = arith.constant 0 : index
    %get3A_10 = arith.constant 0 : index
    %get3A_11 = vector.load %arg4[%get3A_9, %get3A_10] : memref<1x128xf32, #tpu.memory_space<vmem>>, vector<1x128xf32>
    %add3A = vector.broadcast %get3A_11 : vector<1x128xf32> to vector<2560x128xf32>
    %add3A_12 = arith.addf %dot_general3A_8, %add3A : vector<2560x128xf32>
    %max3A = arith.constant 0.000000e+00 : f32
    %max3A_13 = vector.broadcast %max3A : f32 to vector<2560x128xf32>
    %max3A_14 = arith.maximumf %add3A_12, %max3A_13 : vector<2560x128xf32>
    %get3A_15 = arith.constant 0 : index
    %get3A_16 = arith.constant 0 : index
    %get3A_17 = vector.load %arg5[%get3A_15, %get3A_16] : memref<128x128xf32, #tpu.memory_space<vmem>>, vector<128x128xf32>
    %dot_general3A_18 = arith.constant dense<0.000000e+00> : vector<2560x128xf32>
    %dot_general3A_19 = tpu.matmul %max3A_14, %get3A_17, %dot_general3A_18 {dimension_numbers = #tpu.dot_dimension_numbers<[1], [0], [0], [1], [0, 0, 1, 1], [], []>, transpose_lhs_hint = false} : vector<2560x128xf32>, vector<128x128xf32>, vector<2560x128xf32> -> vector<2560x128xf32>
    %get3A_20 = arith.constant 0 : index
    %get3A_21 = arith.constant 0 : index
    %get3A_22 = vector.load %arg6[%get3A_20, %get3A_21] : memref<1x128xf32, #tpu.memory_space<vmem>>, vector<1x128xf32>
    %add3A_23 = vector.broadcast %get3A_22 : vector<1x128xf32> to vector<2560x128xf32>
    %add3A_24 = arith.addf %dot_general3A_19, %add3A_23 : vector<2560x128xf32>
    %swap3A = arith.constant 0 : index
    %swap3A_25 = arith.constant 0 : index
    %swap3A_26 = vector.load %arg7[%swap3A, %swap3A_25] : memref<2560x128xf32, #tpu.memory_space<vmem>>, vector<2560x128xf32>
    tpu.vector_store %arg7[%swap3A, %swap3A_25], %add3A_24 {strides = array<i32>} : memref<2560x128xf32, #tpu.memory_space<vmem>>, vector<2560x128xf32>,
    return
  }
  func.func @transform_0(%arg0: i32) -> (i32, i32) {
    %c0_i32 = arith.constant 0 : i32
    %c0_i32_0 = arith.constant 0 : i32
    return %arg0, %c0_i32 : i32, i32
  }
  func.func @transform_1(%arg0: i32) -> (i32, i32) {
    %c0_i32 = arith.constant 0 : i32
    %c0_i32_0 = arith.constant 0 : i32
    return %arg0, %c0_i32 : i32, i32
  }
  func.func @transform_2(%arg0: i32) -> (i32, i32) {
    %c0_i32 = arith.constant 0 : i32
    %c0_i32_0 = arith.constant 0 : i32
    %c0_i32_1 = arith.constant 0 : i32
    return %c0_i32, %c0_i32_0 : i32, i32
  }
  func.func @transform_3(%arg0: i32) -> (i32, i32) {
    %c0_i32 = arith.constant 0 : i32
    %c0_i32_0 = arith.constant 0 : i32
    %c0_i32_1 = arith.constant 0 : i32
    return %c0_i32, %c0_i32_0 : i32, i32
  }
  func.func @transform_4(%arg0: i32) -> (i32, i32) {
    %c0_i32 = arith.constant 0 : i32
    %c0_i32_0 = arith.constant 0 : i32
    %c0_i32_1 = arith.constant 0 : i32
    return %c0_i32, %c0_i32_0 : i32, i32
  }
  func.func @transform_5(%arg0: i32) -> (i32, i32) {
    %c0_i32 = arith.constant 0 : i32
    %c0_i32_0 = arith.constant 0 : i32
    %c0_i32_1 = arith.constant 0 : i32
    return %c0_i32, %c0_i32_0 : i32, i32
  }
  func.func @transform_6(%arg0: i32) -> (i32, i32) {
    %c0_i32 = arith.constant 0 : i32
    %c0_i32_0 = arith.constant 0 : i32
    return %arg0, %c0_i32 : i32, i32
  }
}

module attributes {stable_mosaic.version = 14 : i64} {
  func.func @_head_body(%arg0: i32, %arg1: memref<2560x128xf32, #tpu.memory_space<vmem>>, %arg2: memref<2560x128xf32, #tpu.memory_space<vmem>>, %arg3: memref<192x128xf32, #tpu.memory_space<vmem>>, %arg4: memref<1x128xf32, #tpu.memory_space<vmem>>, %arg5: memref<128x64xf32, #tpu.memory_space<vmem>>, %arg6: memref<1x64xf32, #tpu.memory_space<vmem>>, %arg7: memref<64x1xf32, #tpu.memory_space<vmem>>, %arg8: memref<1x1xf32, #tpu.memory_space<vmem>>, %arg9: memref<2560x1xf32, #tpu.memory_space<vmem>>) attributes {dimension_semantics = [#tpu.dimension_semantics<arbitrary>], iteration_bounds = array<i64: 125>, scalar_prefetch = 0 : i64, scratch_operands = 0 : i64, tpu.core_type = #tpu.core_type<tc>, window_params = [{transform_indices = @transform_0, window_bounds = array<i64: 2560, 128>}, {transform_indices = @transform_1, window_bounds = array<i64: 2560, 128>}, {pipeline_mode = #tpu.pipeline_mode<synchronous>, transform_indices = @transform_2, window_bounds = array<i64: 192, 128>}, {pipeline_mode = #tpu.pipeline_mode<synchronous>, transform_indices = @transform_3, window_bounds = array<i64: 1, 128>}, {pipeline_mode = #tpu.pipeline_mode<synchronous>, transform_indices = @transform_4, window_bounds = array<i64: 128, 64>}, {pipeline_mode = #tpu.pipeline_mode<synchronous>, transform_indices = @transform_5, window_bounds = array<i64: 1, 64>}, {pipeline_mode = #tpu.pipeline_mode<synchronous>, transform_indices = @transform_6, window_bounds = array<i64: 64, 1>}, {pipeline_mode = #tpu.pipeline_mode<synchronous>, transform_indices = @transform_7, window_bounds = array<i64: 1, 1>}, {transform_indices = @transform_8, window_bounds = array<i64: 2560, 1>}]} {
    %get3A = arith.constant 0 : index
    %get3A_0 = arith.constant 0 : index
    %get3A_1 = vector.load %arg2[%get3A, %get3A_0] : memref<2560x128xf32, #tpu.memory_space<vmem>>, vector<2560x128xf32>
    %get3A_2 = arith.constant 0 : index
    %get3A_3 = arith.constant 0 : index
    %get3A_4 = vector.load %arg1[%get3A_2, %get3A_3] : memref<2560x128xf32, #tpu.memory_space<vmem>>, vector<2560x64xf32>
    %concatenate3A = tpu.concatenate %get3A_1, %get3A_4 in 1 : vector<2560x128xf32>, vector<2560x64xf32> -> vector<2560x192xf32>
    %get3A_5 = arith.constant 0 : index
    %get3A_6 = arith.constant 0 : index
    %get3A_7 = vector.load %arg3[%get3A_5, %get3A_6] : memref<192x128xf32, #tpu.memory_space<vmem>>, vector<192x128xf32>
    %dot_general3A = arith.constant dense<0.000000e+00> : vector<2560x128xf32>
    %dot_general3A_8 = tpu.matmul %concatenate3A, %get3A_7, %dot_general3A {dimension_numbers = #tpu.dot_dimension_numbers<[1], [0], [0], [1], [0, 0, 1, 1], [], []>, transpose_lhs_hint = false} : vector<2560x192xf32>, vector<192x128xf32>, vector<2560x128xf32> -> vector<2560x128xf32>
    %get3A_9 = arith.constant 0 : index
    %get3A_10 = arith.constant 0 : index
    %get3A_11 = vector.load %arg4[%get3A_9, %get3A_10] : memref<1x128xf32, #tpu.memory_space<vmem>>, vector<1x128xf32>
    %add3A = vector.broadcast %get3A_11 : vector<1x128xf32> to vector<2560x128xf32>
    %add3A_12 = arith.addf %dot_general3A_8, %add3A : vector<2560x128xf32>
    %max3A = arith.constant 0.000000e+00 : f32
    %max3A_13 = vector.broadcast %max3A : f32 to vector<2560x128xf32>
    %max3A_14 = arith.maximumf %add3A_12, %max3A_13 : vector<2560x128xf32>
    %get3A_15 = arith.constant 0 : index
    %get3A_16 = arith.constant 0 : index
    %get3A_17 = vector.load %arg5[%get3A_15, %get3A_16] : memref<128x64xf32, #tpu.memory_space<vmem>>, vector<128x64xf32>
    %dot_general3A_18 = arith.constant dense<0.000000e+00> : vector<2560x64xf32>
    %dot_general3A_19 = tpu.matmul %max3A_14, %get3A_17, %dot_general3A_18 {dimension_numbers = #tpu.dot_dimension_numbers<[1], [0], [0], [1], [0, 0, 1, 1], [], []>, transpose_lhs_hint = false} : vector<2560x128xf32>, vector<128x64xf32>, vector<2560x64xf32> -> vector<2560x64xf32>
    %get3A_20 = arith.constant 0 : index
    %get3A_21 = arith.constant 0 : index
    %get3A_22 = vector.load %arg6[%get3A_20, %get3A_21] : memref<1x64xf32, #tpu.memory_space<vmem>>, vector<1x64xf32>
    %add3A_23 = vector.broadcast %get3A_22 : vector<1x64xf32> to vector<2560x64xf32>
    %add3A_24 = arith.addf %dot_general3A_19, %add3A_23 : vector<2560x64xf32>
    %max3A_25 = arith.constant 0.000000e+00 : f32
    %max3A_26 = vector.broadcast %max3A_25 : f32 to vector<2560x64xf32>
    %max3A_27 = arith.maximumf %add3A_24, %max3A_26 : vector<2560x64xf32>
    %get3A_28 = arith.constant 0 : index
    %get3A_29 = arith.constant 0 : index
    %get3A_30 = vector.load %arg7[%get3A_28, %get3A_29] : memref<64x1xf32, #tpu.memory_space<vmem>>, vector<64x1xf32>
    %dot_general3A_31 = arith.constant dense<0.000000e+00> : vector<2560x1xf32>
    %dot_general3A_32 = tpu.matmul %max3A_27, %get3A_30, %dot_general3A_31 {dimension_numbers = #tpu.dot_dimension_numbers<[1], [0], [0], [1], [0, 0, 1, 1], [], []>, transpose_lhs_hint = false} : vector<2560x64xf32>, vector<64x1xf32>, vector<2560x1xf32> -> vector<2560x1xf32>
    %get3A_33 = arith.constant 0 : index
    %get3A_34 = arith.constant 0 : index
    %get3A_35 = vector.load %arg8[%get3A_33, %get3A_34] : memref<1x1xf32, #tpu.memory_space<vmem>>, vector<1x1xf32>
    %add3A_36 = vector.broadcast %get3A_35 : vector<1x1xf32> to vector<2560x1xf32>
    %add3A_37 = arith.addf %dot_general3A_32, %add3A_36 : vector<2560x1xf32>
    %swap3A = arith.constant 0 : index
    %swap3A_38 = arith.constant 0 : index
    %swap3A_39 = vector.load %arg9[%swap3A, %swap3A_38] : memref<2560x1xf32, #tpu.memory_space<vmem>>, vector<2560x1xf32>
    tpu.vector_store %arg9[%swap3A, %swap3A_38], %add3A_37 {strides = array<i32>} : memref<2560x1xf32, #tpu.memory_space<vmem>>, vector<2560x1xf32>,
    return
  }
  func.func @transform_0(%arg0: i32) -> (i32, i32) {
    %c0_i32 = arith.constant 0 : i32
    %c0_i32_0 = arith.constant 0 : i32
    return %arg0, %c0_i32 : i32, i32
  }
  func.func @transform_1(%arg0: i32) -> (i32, i32) {
    %c0_i32 = arith.constant 0 : i32
    %c0_i32_0 = arith.constant 0 : i32
    return %arg0, %c0_i32 : i32, i32
  }
  func.func @transform_2(%arg0: i32) -> (i32, i32) {
    %c0_i32 = arith.constant 0 : i32
    %c0_i32_0 = arith.constant 0 : i32
    %c0_i32_1 = arith.constant 0 : i32
    return %c0_i32, %c0_i32_0 : i32, i32
  }
  func.func @transform_3(%arg0: i32) -> (i32, i32) {
    %c0_i32 = arith.constant 0 : i32
    %c0_i32_0 = arith.constant 0 : i32
    %c0_i32_1 = arith.constant 0 : i32
    return %c0_i32, %c0_i32_0 : i32, i32
  }
  func.func @transform_4(%arg0: i32) -> (i32, i32) {
    %c0_i32 = arith.constant 0 : i32
    %c0_i32_0 = arith.constant 0 : i32
    %c0_i32_1 = arith.constant 0 : i32
    return %c0_i32, %c0_i32_0 : i32, i32
  }
  func.func @transform_5(%arg0: i32) -> (i32, i32) {
    %c0_i32 = arith.constant 0 : i32
    %c0_i32_0 = arith.constant 0 : i32
    %c0_i32_1 = arith.constant 0 : i32
    return %c0_i32, %c0_i32_0 : i32, i32
  }
  func.func @transform_6(%arg0: i32) -> (i32, i32) {
    %c0_i32 = arith.constant 0 : i32
    %c0_i32_0 = arith.constant 0 : i32
    %c0_i32_1 = arith.constant 0 : i32
    return %c0_i32, %c0_i32_0 : i32, i32
  }
  func.func @transform_7(%arg0: i32) -> (i32, i32) {
    %c0_i32 = arith.constant 0 : i32
    %c0_i32_0 = arith.constant 0 : i32
    %c0_i32_1 = arith.constant 0 : i32
    return %c0_i32, %c0_i32_0 : i32, i32
  }
  func.func @transform_8(%arg0: i32) -> (i32, i32) {
    %c0_i32 = arith.constant 0 : i32
    %c0_i32_0 = arith.constant 0 : i32
    return %arg0, %c0_i32 : i32, i32
  }
}

</mosaic_0001>

<sc_bundles>
// kernel: kernel.17.cloned.1.call-start
scs
__scs_entry_jumppad:
0x0: {  	(pc) =	sbr.rel $0x88, $3  }
0x1: {  	(tag) =	ssettag $0x0;
	lr =	simm.s32 $0x1  }
0x2: {  	[smem:$0x3F78] =	sst lr;
	_ =	strace $0xD0000000  }
0x3: {  	_ = 	snop  }
0x4: {  	_ = 	snop  }
0x5: {  	_ = 	snop  }
0x6: {  	_ = 	snop  }
0x7: {  	_ = 	snop  }
__scs_overlays_trampoline_lowered:
0x8: {  	[smem:$0x3F87] =	sst s0  }
0x9: {  	[smem:$0x3F88] =	sst s1  }
0xa: {  	[smem:$0x3F89] =	sst s2  }
0xb: {  	[smem:$0x3F8A] =	sst s3  }
0xc: {  	[smem:$0x3F8B] =	sst s4  }
0xd: {  	[smem:$0x3F8C] =	sst s5  }
0xe: {  	[smem:$0x3F8D] =	sst s6  }
0xf: {  	[smem:$0x3F8E] =	sst s7  }
0x10: {  	[smem:$0x3F8F] =	sst s8  }
0x11: {  	[smem:$0x3F90] =	sst s9;
	s0 =	simm.s32 @!p0 $0x0  }
0x12: {  	s1 =	sld [smem:$0x3F76];
	s0 =	simm.s32 @p0 $0x1  }
0x13: {  	[smem:$0x3F91] =	sst s0;
	s0 =	simm.s32 @!p1 $0x0  }
0x14: {  	s2 =	sld [smem:$0x3F75];
	s0 =	simm.s32 @p1 $0x1  }
0x15: {  	[smem:$0x3F92] =	sst s0;
	s0 =	simm.s32 @!p2 $0x0  }
0x16: {  	s3 =	sld [smem:$0x3FDB];
	s0 =	simm.s32 @p2 $0x1  }
0x17: {  	s4 =	simm.s32 $0x1BF5;
	[smem:$0x3F94] =	sst s0  }
0x18: {  	s0 =	sld [smem:$0x3F77];
	_ =	swait.ge [sflag:s4], $0x0  }
0x19: {  	s7 =	sld [smem:$0x3F78]  }
0x1a: {  	s8 =	sadd.s32 $0xFFFFE003, lr  }
0x1b: {  	s9 =	sadd.s32 $0xFFFFFEF7, lr;
	s5 =	simm.s32 $0xFFFFFFFF;
	p2 =	slt.u32 s8, $0xFFFFF086  }
0x1c: {  	p1 =	slt.u32 s9, $0xF7A;
	s5 =	simm.s32 @!p2 $0x0  }
0x1d: {  	s5 =	simm.s32 @p1 $0x1;
	p0 =	seq.s32 s7, s2  }
0x1e: {  	s7 =	smul.u32 @!p0 $0xF7A, s2;
	p2 =	seq.s32 @!p0 s5, $0x0  }
0x1f: {  	s9 =	smul.u32 $0xF7A, s1;
	s8 =	simm.s32 @!p0 $0x1BF5;
	p2 =	por !p2, p0  }
0x20: {  	[sflag:s8] =	ssyncset.s32 @!p0 $0xFFFFF086;
	s6 =	sadd.s32 @!p0 s3, s7;
	s7 =	simm.s32 @!p0 $0x108  }
0x21: {  	s3 =	sadd.s32 s3, s9;
	s6 =	sadd.s32 @!p0 $0x88, s6;
	s7 =	simm.s32 @p2 $0x1082  }
0x22: {  	[simem:s7], [sflag:s8] =	dma.local @!p0 [hbm:s6], $0xF7A  }
0x23: {  	s9 =	sor.u32 $0xD0000000, s2;
	s6 =	simm.s32 $0x108;
	_ =	swait.ge @!p0 [sflag:s8], $0x0  }
0x24: {  	s3 =	sadd.s32 $0x88, s3;
	s6 =	simm.s32 @!p1 $0x1082;
	[sflag:s4] =	ssyncset.s32 $0xFFFFF086  }
0x25: {  	[simem:s6], [sflag:s4] =	dma.local [hbm:s3], $0xF7A  }
0x26: {  	[smem:$0x3F78] =	sst s1;
	(tag) =	ssettag s2;
	_ =	strace s9  }
0x27: {  	s1 =	sld [smem:$0x3F88]  }
0x28: {  	s2 =	sld [smem:$0x3F89]  }
0x29: {  	s4 =	sld [smem:$0x3F8B]  }
0x2a: {  	p0 =	seq.s32 s5, $0x0;
	s5 =	sld [smem:$0x3F8C]  }
0x2b: {  	s6 =	sld [smem:$0x3F8D]  }
0x2c: {  	s7 =	sld [smem:$0x3F8E]  }
0x2d: {  	s3 =	simm.s32 $0x108;
	s8 =	sld [smem:$0x3F8F]  }
0x2e: {  	s3 =	simm.s32 @!p0 $0x1082;
	s9 =	sld [smem:$0x3F90]  }
0x2f: {  	lr =	sadd.s32 s0, s3;
	s0 =	sld [smem:$0x3F87]  }
0x30: {  	s3 =	sld [smem:$0x3F8A]  }
0x31: {  	[smem:$0x3F93] =	sst s10  }
0x32: {  	s10 =	sld [smem:$0x3F91];
	_ =	sdelay $0x3  }
0x33: {  	p0 =	seq.s32 s10, $0x1;
	s10 =	sld [smem:$0x3F93];
	_ =	sdelay $0x3  }
0x34: {  	[smem:$0x3F93] =	sst s10  }
0x35: {  	s10 =	sld [smem:$0x3F92];
	_ =	sdelay $0x3  }
0x36: {  	p1 =	seq.s32 s10, $0x1;
	s10 =	sld [smem:$0x3F93];
	_ =	sdelay $0x3  }
0x37: {  	[smem:$0x3F93] =	sst s10  }
0x38: {  	s10 =	sld [smem:$0x3F94]  }
0x39: {  	_ = 	snop;
	(pc) =	sbr.ind lr, $3  }
0x3a: {  	_ = 	snop  }
0x3b: {  	_ = 	snop  }
0x3c: {  	p2 =	seq.s32 s10, $0x1;
	s10 =	sld [smem:$0x3F93]  }
0x3d: {  	_ =	shalt  }
0x3e: {  	_ =	shalt  }
0x3f: {  	_ =	shalt  }
0x40: {  	_ =	shalt  }
0x41: {  	_ =	shalt  }
0x42: {  	_ =	shalt  }
0x43: {  	_ =	shalt  }
0x44: {  	_ =	shalt  }
0x45: {  	_ =	shalt  }
0x46: {  	_ =	shalt  }
0x47: {  	_ =	shalt  }
0x48: {  	_ =	shalt  }
0x49: {  	_ =	shalt  }
0x4a: {  	_ =	shalt  }
0x4b: {  	_ =	shalt  }
0x4c: {  	_ =	shalt  }
0x4d: {  	_ =	shalt  }
0x4e: {  	_ =	shalt  }
0x4f: {  	_ =	shalt  }
0x50: {  	_ =	shalt  }
0x51: {  	_ =	shalt  }
0x52: {  	_ =	shalt  }
0x53: {  	_ =	shalt  }
0x54: {  	_ =	shalt  }
0x55: {  	_ =	shalt  }
0x56: {  	_ =	shalt  }
0x57: {  	_ =	shalt  }
0x58: {  	_ =	shalt  }
0x59: {  	_ =	shalt  }
0x5a: {  	_ =	shalt  }
0x5b: {  	_ =	shalt  }
0x5c: {  	_ =	shalt  }
0x5d: {  	_ =	shalt  }
0x5e: {  	_ =	shalt  }
0x5f: {  	_ =	shalt  }
0x60: {  	_ =	shalt  }
0x61: {  	_ =	shalt  }
0x62: {  	_ =	shalt  }
0x63: {  	_ =	shalt  }
0x64: {  	_ =	shalt  }
0x65: {  	_ =	shalt  }
0x66: {  	_ =	shalt  }
0x67: {  	_ =	shalt  }
0x68: {  	_ =	shalt  }
0x69: {  	_ =	shalt  }
0x6a: {  	_ =	shalt  }
0x6b: {  	_ =	shalt  }
0x6c: {  	_ =	shalt  }
0x6d: {  	_ =	shalt  }
0x6e: {  	_ =	shalt  }
0x6f: {  	_ =	shalt  }
0x70: {  	_ =	shalt  }
0x71: {  	_ =	shalt  }
0x72: {  	_ =	shalt  }
0x73: {  	_ =	shalt  }
0x74: {  	_ =	shalt  }
0x75: {  	_ =	shalt  }
0x76: {  	_ =	shalt  }
0x77: {  	_ =	shalt  }
0x78: {  	_ =	shalt  }
0x79: {  	_ =	shalt  }
0x7a: {  	_ =	shalt  }
0x7b: {  	_ =	shalt  }
0x7c: {  	_ =	shalt  }
0x7d: {  	_ =	shalt  }
0x7e: {  	_ =	shalt  }
0x7f: {  	_ =	shalt  }
0x80: {  	_ =	shalt  }
0x81: {  	_ =	shalt  }
0x82: {  	_ =	shalt  }
0x83: {  	_ =	shalt  }
0x84: {  	_ =	shalt  }
0x85: {  	_ =	shalt  }
0x86: {  	_ =	shalt  }
0x87: {  	_ =	shalt  }
.Lfunc_end0:
.L_simem_size_0:
called_computation_lowered:
.L_overlay_start_0:
0x88: {  	s2 =	sld [smem:$0x3FD9]  }
0x89: {  	s3 =	sld [smem:$0x3FFE];
	_ =	sdelay $0x1  }
0x8a: {  	s1 =	srdreg.scid  }
0x8b: {  	s0 =	sand.u32 $0x1, s1  }
0x8c: {  	s17 =	sshll.u32 s0, $0xA;
	s2 =	sadd.s32 s3, s2  }
0x8d: {  	s2 =	sadd.s32 s2, s17  }
0x8e: {  	[smem:$0x3F9F] =	sst s2  }
0x8f: {  	_ = 	snop  }
0x90: {  	s2 =	sld [smem:$0x3FD0];
	(tm) =	ssettm $0x1  }
0x91: {  	s18 =	sld [smem:$0x3FFB];
	_ =	sdelay $0x3  }
0x92: {  	_ =	strace s18  }
0x93: {  	s3 =	sld [smem:$0x3FFC];
	_ =	sdelay $0x3  }
0x94: {  	_ =	strace s3  }
0x95: {  	s3 =	sld [smem:$0x3FFD];
	_ =	sdelay $0x3  }
0x96: {  	_ =	strace s3  }
0x97: {  	_ =	strace $0x8FFFFFFF  }
0x98: {  	s19 =	sld [smem:$0x3FDB];
	_ =	sdelay $0x1  }
0x99: {  	s4 =	simm.s32 $_scs_section_size  }
0x9a: {  	s5 =	simm.s32 $_size__tile_overlayer_lowered;
	s6 =	simm.s32 $_tile_overlayer_lowered  }
0x9b: {  	s22 =	simm.s32 $0x1BFF;
	s21 =	sshll.u32 s6, $0x1;
	s3 =	sadd.s32 s4, s19  }
0x9c: {  	s7 =	simm.s32 $0x0;
	s20 =	sshll.u32 s5, $0x1;
	s5 =	sadd.s32 s21, s3  }
0x9d: {  	[timem:s7], [sflag:s22] =	dma.local [hbm:s5], s20  }
0x9e: {  	_ =	swait.ge [sflag:s22], s20  }
0x9f: {  	s4 =	ssub.s32 $0x0, s20;
	[sflag:s22] =	ssyncset.done $0x0  }
0xa0: {  	[sflag:s22] =	ssyncadd.s32 s4;
	_ =	sdelay $0x1  }
0xa1: {  	s23 =	simm.s32 $0x1B8B  }
0xa2: {  	_ =	swait.ge [sflag:s23], $0x1  }
0xa3: {  	[sflag:s23] =	ssyncset.done $0x0  }
0xa4: {  	s25 =	simm.s32 $0x1B8E;
	s24 =	sld [smem:$0x3FFE];
	[sflag:s23] =	ssyncadd.s32 $0xFFFFFFFF  }
0xa5: {  	s26 =	simm.s32 $execute0_lowered;
	[smem:$0x3FD2] =	sst s25  }
0xa6: {  	s5 =	sshll.u32 s26, $0x1;
	_ =	strace $0x80000046;
	[dreg:$0x1] =	wrdreg $0xFFFFFFFF  }
0xa7: {  	s28 =	simm.s32 $_size_execute0_lowered;
	s3 =	sadd.s32 s3, s5;
	[dreg:$0x0] =	wrdreg $0x0  }
0xa8: {  	s5 =	sshll.u32 s28, $0x1;
	[dreg:$0x2] =	wrdreg s3  }
0xa9: {  	[dreg:$0x3] =	wrdreg s5  }
0xaa: {  	[dreg:$0x4] =	wrdreg $0xC0  }
0xab: {  	_ =	task [dreg:s7], $0x5FFFF  }
0xac: {  	[dreg:$0x1] =	wrdreg $0xFFFFFFFF  }
0xad: {  	[dreg:$0x0] =	wrdreg $0x60  }
0xae: {  	[dreg:$0x2] =	wrdreg s24  }
0xaf: {  	[dreg:$0x3] =	wrdreg s2  }
0xb0: {  	[dreg:$0x4] =	wrdreg $0x9  }
0xb1: {  	_ =	task.clear_ibuf [dreg:s7], $0x5FFFF;
	_ =	strace $0x90000046  }
0xb2: {  	s29 =	simm.s32 $0x9;
	_ =	strace $0x80000048  }
0xb3: {  	_ =	swait.ge [sflag:s29], $0x1  }
0xb4: {  	[sflag:s29] =	ssyncadd.s32 $0xFFFFFFFF  }
0xb5: {  	_ =	strace $0x90000048  }
0xb6: {  	_ =	sfence  }
0xb7: {  	s30 =	sld [smem:$0x0];
	_ =	sdelay $0x2  }
0xb8: {  	s31 =	sshll.u32 s1, $0xD;
	s1 =	sshrl.u32 s1, $0x2  }
0xb9: {  	s3 =	sand.u32 $0x4000, s31;
	s1 =	sadd.s32 s1, s30  }
0xba: {  	s0 =	sor.u32 s3, s0;
	s1 =	sshll.u32 s1, $0x11  }
0xbb: {  	s0 =	sor.u32 s1, s0  }
0xbc: {  	s0 =	sadd.s32 $0x8F2B, s0  }
0xbd: {  	[sflag:s0] =	ssyncadd.remote.s32 $0x1  }
0xbe: {  	_ =	sfence.sel $0xFFFF  }
0xbf: {  	[dreg:$0x0] =	wrdreg $0xFFFFFFFF;
	(pc) =	sbr.abs _section_cstart, $3  }
0xc0: {  	[dreg:$0x1] =	wrdreg $0xFFFFFFFF  }
0xc1: {  	_ =	task.clear_ibuf [dreg:s7], $0x2FFFF;
	_ =	strace $0x9FFFFFFF  }
0xc2: {  	(tm) =	ssettm $0x7FFFFFFF  }
0xc3: {  	_ =	shalt  }
tec
execute0_lowered:
.L_overlay_start_1:
0x0: {  	(tag) =	ssettag $0x1  }
0x1: {  	s0 =	rddreg [dreg:$0x0];
	s1 =	simm.s32 $0x0  }
0x2: {  	s25 =	srdreg.scid;
	s3 =	stileid.u32;
	s9 =	simm.s32 $0x3  }
0x3: {  	s10 =	simm.s32 $0x200;
	s11 =	simm.s32 $0x50;
	s12 =	simm.s32 $0x400  }
0x4: {  	s13 =	simm.s32 $0x2C00;
	s14 =	simm.s32 $0xA0;
	s15 =	simm.s32 $0x5400  }
0x5: {  	s16 =	simm.s32 $0xF0;
	s17 =	simm.s32 $0x7C00;
	s18 =	simm.s32 $0x140  }
0x6: {  	s19 =	simm.s32 $0xA400;
	s20 =	simm.s32 $0xCC00;
	s21 =	simm.s32 $0x250  }
0x7: {  	s22 =	simm.s32 $0xF400;
	s23 =	simm.s32 $0x2A0;
	s24 =	simm.s32 $0x11C00  }
0x8: {  	s28 =	simm.s32 $0x340;
	s29 =	simm.s32 $0x16C00;
	s30 =	simm.s32 $0x1  }
0x9: {  	s31 =	simm.s32 $0x2;
	[smem:$0x7FF] =	sst s1;
	s1 =	sand.u32 $0x1, s25  }
0xa: {  	s4 =	sadd.s32 $0x10E00, s0;
	s6 =	sshll.u32 s3, $0x1;
	s2 =	ssub.s32 $0x2, s1  }
0xb: {  	s5 =	sadd.s32 $0x7000, s0;
	s25 =	simm.s32 $0x2F0;
	s7 =	sshrl.u32 s2, $0x1  }
0xc: {  	_ =	strace $0x80000047;
	s1 =	sor.u32 s1, s6;
	s26 =	ssub.s32 s2, s7  }
0xd: {  	s6 =	sadd.s32 $0x38000, s0;
	s7 =	smul.u32 $0x2710, s1;
	s0 =	smax.u32 s26, $0x1  }
0xe: {  	s1 =	simm.s32 $0x0;
	s26 =	simm.s32 $0x14400;
	[dreg:$0x3] =	wrdreg s0  }
.LBB2_1:
0xf: {  	[dreg:$0x4] =	wrdreg s1;
	s2 =	simm.s32 $0x0  }
.LBB2_2:
0x10: {  	s0 =	smul.u32 $0x190, s2;
	_ =	sdelay $0x1  }
0x11: {  	s8 =	sadd.s32 s7, s0  }
0x12: {  	s0 =	sshrl.u32 s8, $0x3  }
0x13: {  	s3 =	simm.s32 $0x0;
	s1 =	sadd.s32 s5, s0  }
0x14: {  	[tilespmem:s3], [sflag:$0x3] =	stream.linear.gather [hbm4b:s1+s3], $0x190, $0x38;
	[tilespmem:$0x19400] =	vst v63  }
0x15: {  	_ =	swait.ge [sflag:s9], $0x190  }
0x16: {  	[sflag:s9] =	ssyncset.done $0x0  }
0x17: {  	[sflag:s9] =	ssyncadd.s32 $0xFFFFFE70  }
0x18: {  	s1 =	rddreg [dreg:$0x1]  }
0x19: {  	s0 =	sadd.s32 s1, s0  }
0x1a: {  	[tilespmem:s10], [sflag:$0x3] =	stream.linear.gather [hbm4b:s0+s3], $0x190, $0x38;
	[tilespmem:$0x19400] =	vst v63  }
0x1b: {  	_ =	swait.ge [sflag:s9], $0x190  }
0x1c: {  	[sflag:s9] =	ssyncset.done $0x0  }
0x1d: {  	[sflag:s9] =	ssyncadd.s32 $0xFFFFFE70  }
0x1e: {  	[tilespmem:s12], [sflag:$0x1] =	stream.indirect.gather [hbm4b:s4+s11], $0x80, s3, s11, $0xb8;
	[tilespmem:$0x19400] =	vst v63  }
0x1f: {  	_ = 	snop  }
0x20: {  	[tilespmem:s13], [sflag:$0x1] =	stream.indirect.gather [hbm4b:s4+s11], $0x80, s11, s11, $0xb8;
	[tilespmem:$0x19400] =	vst v63  }
0x21: {  	_ = 	snop  }
0x22: {  	[tilespmem:s15], [sflag:$0x1] =	stream.indirect.gather [hbm4b:s4+s11], $0x80, s14, s11, $0xb8;
	[tilespmem:$0x19400] =	vst v63  }
0x23: {  	_ = 	snop  }
0x24: {  	[tilespmem:s17], [sflag:$0x1] =	stream.indirect.gather [hbm4b:s4+s11], $0x80, s16, s11, $0xb8;
	[tilespmem:$0x19400] =	vst v63  }
0x25: {  	_ = 	snop  }
0x26: {  	[tilespmem:s19], [sflag:$0x1] =	stream.indirect.gather [hbm4b:s4+s11], $0x80, s18, s11, $0xb8;
	[tilespmem:$0x19400] =	vst v63  }
0x27: {  	_ = 	snop  }
0x28: {  	[tilespmem:s20], [sflag:$0x2] =	stream.indirect.gather [hbm4b:s4+s11], $0x80, s10, s11, $0xb8;
	[tilespmem:$0x19400] =	vst v63  }
0x29: {  	_ = 	snop  }
0x2a: {  	[tilespmem:s22], [sflag:$0x2] =	stream.indirect.gather [hbm4b:s4+s11], $0x80, s21, s11, $0xb8;
	[tilespmem:$0x19400] =	vst v63  }
0x2b: {  	_ = 	snop  }
0x2c: {  	[tilespmem:s24], [sflag:$0x2] =	stream.indirect.gather [hbm4b:s4+s11], $0x80, s23, s11, $0xb8;
	[tilespmem:$0x19400] =	vst v63  }
0x2d: {  	_ = 	snop  }
0x2e: {  	[tilespmem:s26], [sflag:$0x2] =	stream.indirect.gather [hbm4b:s4+s11], $0x80, s25, s11, $0xb8;
	[tilespmem:$0x19400] =	vst v63  }
0x2f: {  	_ = 	snop  }
0x30: {  	[tilespmem:s29], [sflag:$0x2] =	stream.indirect.gather [hbm4b:s4+s11], $0x80, s28, s11, $0xb8;
	[tilespmem:$0x19400] =	vst v63  }
0x31: {  	_ =	swait.ge [sflag:s30], $0x2800  }
0x32: {  	[sflag:s30] =	ssyncset.done $0x0  }
0x33: {  	[sflag:s30] =	ssyncadd.s32 $0xFFFFD800  }
0x34: {  	_ =	swait.ge [sflag:s30], $0x2800  }
0x35: {  	[sflag:s30] =	ssyncset.done $0x0  }
0x36: {  	[sflag:s30] =	ssyncadd.s32 $0xFFFFD800  }
0x37: {  	_ =	swait.ge [sflag:s30], $0x2800  }
0x38: {  	[sflag:s30] =	ssyncset.done $0x0  }
0x39: {  	[sflag:s30] =	ssyncadd.s32 $0xFFFFD800  }
0x3a: {  	_ =	swait.ge [sflag:s30], $0x2800  }
0x3b: {  	[sflag:s30] =	ssyncset.done $0x0  }
0x3c: {  	[sflag:s30] =	ssyncadd.s32 $0xFFFFD800  }
0x3d: {  	_ =	swait.ge [sflag:s30], $0x2800  }
0x3e: {  	[sflag:s30] =	ssyncset.done $0x0  }
0x3f: {  	[sflag:s30] =	ssyncadd.s32 $0xFFFFD800  }
0x40: {  	_ =	swait.ge [sflag:s31], $0x2800  }
0x41: {  	[sflag:s31] =	ssyncset.done $0x0  }
0x42: {  	[sflag:s31] =	ssyncadd.s32 $0xFFFFD800  }
0x43: {  	_ =	swait.ge [sflag:s31], $0x2800  }
0x44: {  	[sflag:s31] =	ssyncset.done $0x0  }
0x45: {  	[sflag:s31] =	ssyncadd.s32 $0xFFFFD800  }
0x46: {  	_ =	swait.ge [sflag:s31], $0x2800  }
0x47: {  	[sflag:s31] =	ssyncset.done $0x0  }
0x48: {  	[sflag:s31] =	ssyncadd.s32 $0xFFFFD800  }
0x49: {  	_ =	swait.ge [sflag:s31], $0x2800  }
0x4a: {  	[sflag:s31] =	ssyncset.done $0x0  }
0x4b: {  	[sflag:s31] =	ssyncadd.s32 $0xFFFFD800  }
0x4c: {  	_ =	swait.ge [sflag:s31], $0x2800  }
0x4d: {  	[sflag:s31] =	ssyncset.done $0x0  }
0x4e: {  	s0 =	simm.s32 $0x0;
	[sflag:s31] =	ssyncadd.s32 $0xFFFFD800  }
0x4f: {  	v0 =	vld [tilespmem:s0+$0xCC70]  }
0x50: {  	v1 =	vld [tilespmem:s0+$0xCC40]  }
0x51: {  	v2 =	vld [tilespmem:s0+$0xCC50]  }
0x52: {  	s1 =	simm.s32 $0x200;
	v3 =	vld [tilespmem:s0+$0xCC60]  }
.LBB2_3:
0x53: {  	p0 =	sne.s32 s1, $0x31E00  }
.Ltmp0:
0x54: {  	s3 =	sshra.s32 s1, $0x2;
	s1 =	sadd.s32 $0x200, s1;
	[tilespmem:s0+$0x470] =	vst v0;
	(pc) =	sbr.rel @p0 .LBB2_3-.Ltmp0, $4  }
0x55: {  	v0 =	vld [tilespmem:s3+$0xCC70];
	[tilespmem:s0+$0x440] =	vst v1  }
0x56: {  	v1 =	vld [tilespmem:s3+$0xCC40];
	[tilespmem:s0+$0x450] =	vst v2  }
0x57: {  	v2 =	vld [tilespmem:s3+$0xCC50];
	[tilespmem:s0+$0x460] =	vst v3;
	s0 =	smov.u32 s3  }
0x58: {  	v3 =	vld [tilespmem:s0+$0xCC60]  }
0x59: {  	_ = 	snop  }
0x5a: {  	[tilespmem:s0+$0x470] =	vst v0  }
0x5b: {  	s2 =	sadd.s32 $0x1, s2;
	[tilespmem:s0+$0x440] =	vst v1  }
0x5c: {  	s1 =	sshll.u32 s8, $0x4;
	p0 =	sne.s32 s2, $0x19;
	[tilespmem:s0+$0x450] =	vst v2  }
.Ltmp1:
0x5d: {  	s8 =	simm.s32 $0x0;
	s3 =	sadd.s32 s6, s1;
	[tilespmem:s0+$0x460] =	vst v3;
	(pc) =	sbr.rel @p0 .LBB2_2-.Ltmp1, $4  }
0x5e: {  	[hbm4b:s3+s8] =	stream.linear.scatter [tilespmem:s12], [sflag:$0x3], $0xC800, $0x38;
	[tilespmem:$0x19400] =	vst v63  }
0x5f: {  	_ =	swait.ge [sflag:s9], $0xC800  }
0x60: {  	[sflag:s9] =	ssyncset.done $0x0  }
0x61: {  	[sflag:s9] =	ssyncadd.s32 $0xFFFF3800  }
0x62: {  	s1 =	rddreg [dreg:$0x4]  }
0x63: {  	s0 =	rddreg [dreg:$0x3];
	s1 =	sadd.s32 $0x1, s1  }
0x64: {  	p0 =	sne.s32 s1, s0  }
.Ltmp2:
0x65: {  	_ = 	snop;
	(pc) =	sbr.rel @p0 .LBB2_1-.Ltmp2, $1  }
0x66: {  	_ =	sdelay $0x3  }
0x67: {  	_ =	sfence.sel $0x180000  }
0x68: {  	[bflag:$0x0] =	sbarrier.arrive $0xFFFF  }
0x69: {  	_ =	strace $0x90000047  }
0x6a: {  	s0 =	stileid.u32;
	[bflag:$0x2] =	sbarrier.arrive $0xFFFF  }
0x6b: {  	p0 =	sne.s32 s0, $0x0;
	s0 =	rddreg [dreg:$0x2]  }
0x6c: {  	s0 =	sadd.s32 @!p0 $0x100000, s0  }
0x6d: {  	[sflag:s0] =	ssyncadd.tile.s32 @!p0 $0x1;
	_ =	shalt  }
.Lfunc_end2:
_tile_overlayer_lowered:
.L_overlay_start_2:
0x6e: {  	(tag) =	ssettag $0x2  }
0x6f: {  	s0 =	rddreg [dreg:$0x0];
	s2 =	stileid.u32  }
0x70: {  	s1 =	rddreg [dreg:$0x1];
	p0 =	sne.s32 s2, $0x0  }
0x71: {  	s3 =	rddreg [dreg:$0x2];
	[bflag:$0x3] =	sbarrier.arrive $0xFFFF;
	s2 =	simm.s32 @!p0 $0x1C03  }
0x72: {  	[timem:s3], [sflag:s2] =	dma.local @!p0 [hbm:s0], s1  }
0x73: {  	s0 =	simm.s32 @!p0 $0x3  }
0x74: {  	_ =	swait.ge @!p0 [sflag:s0], s1  }
0x75: {  	s1 =	ssub.s32 @!p0 $0x0, s1;
	[sflag:s0] =	ssyncset.done @!p0 $0x0  }
0x76: {  	[sflag:s0] =	ssyncadd.s32 @!p0 s1  }
0x77: {  	[bflag:$0x3] =	sbarrier.arrive $0xFFFF  }
0x78: {  	_ =	shalt  }

// kernel: kernel.20.cloned.1.call-start
scs
__scs_entry_jumppad:
0x0: {  	(pc) =	sbr.rel $0x88, $3  }
0x1: {  	(tag) =	ssettag $0x0;
	lr =	simm.s32 $0x1  }
0x2: {  	[smem:$0x3F78] =	sst lr;
	_ =	strace $0xD0000000  }
0x3: {  	_ = 	snop  }
0x4: {  	_ = 	snop  }
0x5: {  	_ = 	snop  }
0x6: {  	_ = 	snop  }
0x7: {  	_ = 	snop  }
__scs_overlays_trampoline_lowered:
0x8: {  	[smem:$0x3F87] =	sst s0  }
0x9: {  	[smem:$0x3F88] =	sst s1  }
0xa: {  	[smem:$0x3F89] =	sst s2  }
0xb: {  	[smem:$0x3F8A] =	sst s3  }
0xc: {  	[smem:$0x3F8B] =	sst s4  }
0xd: {  	[smem:$0x3F8C] =	sst s5  }
0xe: {  	[smem:$0x3F8D] =	sst s6  }
0xf: {  	[smem:$0x3F8E] =	sst s7  }
0x10: {  	[smem:$0x3F8F] =	sst s8  }
0x11: {  	[smem:$0x3F90] =	sst s9;
	s0 =	simm.s32 @!p0 $0x0  }
0x12: {  	s1 =	sld [smem:$0x3F76];
	s0 =	simm.s32 @p0 $0x1  }
0x13: {  	[smem:$0x3F91] =	sst s0;
	s0 =	simm.s32 @!p1 $0x0  }
0x14: {  	s2 =	sld [smem:$0x3F75];
	s0 =	simm.s32 @p1 $0x1  }
0x15: {  	[smem:$0x3F92] =	sst s0;
	s0 =	simm.s32 @!p2 $0x0  }
0x16: {  	s3 =	sld [smem:$0x3FDB];
	s0 =	simm.s32 @p2 $0x1  }
0x17: {  	s4 =	simm.s32 $0x1BF5;
	[smem:$0x3F94] =	sst s0  }
0x18: {  	s0 =	sld [smem:$0x3F77];
	_ =	swait.ge [sflag:s4], $0x0  }
0x19: {  	s7 =	sld [smem:$0x3F78]  }
0x1a: {  	s8 =	sadd.s32 $0xFFFFE003, lr  }
0x1b: {  	s9 =	sadd.s32 $0xFFFFFEF7, lr;
	s5 =	simm.s32 $0xFFFFFFFF;
	p2 =	slt.u32 s8, $0xFFFFF086  }
0x1c: {  	p1 =	slt.u32 s9, $0xF7A;
	s5 =	simm.s32 @!p2 $0x0  }
0x1d: {  	s5 =	simm.s32 @p1 $0x1;
	p0 =	seq.s32 s7, s2  }
0x1e: {  	s7 =	smul.u32 @!p0 $0xF7A, s2;
	p2 =	seq.s32 @!p0 s5, $0x0  }
0x1f: {  	s9 =	smul.u32 $0xF7A, s1;
	s8 =	simm.s32 @!p0 $0x1BF5;
	p2 =	por !p2, p0  }
0x20: {  	[sflag:s8] =	ssyncset.s32 @!p0 $0xFFFFF086;
	s6 =	sadd.s32 @!p0 s3, s7;
	s7 =	simm.s32 @!p0 $0x108  }
0x21: {  	s3 =	sadd.s32 s3, s9;
	s6 =	sadd.s32 @!p0 $0x88, s6;
	s7 =	simm.s32 @p2 $0x1082  }
0x22: {  	[simem:s7], [sflag:s8] =	dma.local @!p0 [hbm:s6], $0xF7A  }
0x23: {  	s9 =	sor.u32 $0xD0000000, s2;
	s6 =	simm.s32 $0x108;
	_ =	swait.ge @!p0 [sflag:s8], $0x0  }
0x24: {  	s3 =	sadd.s32 $0x88, s3;
	s6 =	simm.s32 @!p1 $0x1082;
	[sflag:s4] =	ssyncset.s32 $0xFFFFF086  }
0x25: {  	[simem:s6], [sflag:s4] =	dma.local [hbm:s3], $0xF7A  }
0x26: {  	[smem:$0x3F78] =	sst s1;
	(tag) =	ssettag s2;
	_ =	strace s9  }
0x27: {  	s1 =	sld [smem:$0x3F88]  }
0x28: {  	s2 =	sld [smem:$0x3F89]  }
0x29: {  	s4 =	sld [smem:$0x3F8B]  }
0x2a: {  	p0 =	seq.s32 s5, $0x0;
	s5 =	sld [smem:$0x3F8C]  }
0x2b: {  	s6 =	sld [smem:$0x3F8D]  }
0x2c: {  	s7 =	sld [smem:$0x3F8E]  }
0x2d: {  	s3 =	simm.s32 $0x108;
	s8 =	sld [smem:$0x3F8F]  }
0x2e: {  	s3 =	simm.s32 @!p0 $0x1082;
	s9 =	sld [smem:$0x3F90]  }
0x2f: {  	lr =	sadd.s32 s0, s3;
	s0 =	sld [smem:$0x3F87]  }
0x30: {  	s3 =	sld [smem:$0x3F8A]  }
0x31: {  	[smem:$0x3F93] =	sst s10  }
0x32: {  	s10 =	sld [smem:$0x3F91];
	_ =	sdelay $0x3  }
0x33: {  	p0 =	seq.s32 s10, $0x1;
	s10 =	sld [smem:$0x3F93];
	_ =	sdelay $0x3  }
0x34: {  	[smem:$0x3F93] =	sst s10  }
0x35: {  	s10 =	sld [smem:$0x3F92];
	_ =	sdelay $0x3  }
0x36: {  	p1 =	seq.s32 s10, $0x1;
	s10 =	sld [smem:$0x3F93];
	_ =	sdelay $0x3  }
0x37: {  	[smem:$0x3F93] =	sst s10  }
0x38: {  	s10 =	sld [smem:$0x3F94]  }
0x39: {  	_ = 	snop;
	(pc) =	sbr.ind lr, $3  }
0x3a: {  	_ = 	snop  }
0x3b: {  	_ = 	snop  }
0x3c: {  	p2 =	seq.s32 s10, $0x1;
	s10 =	sld [smem:$0x3F93]  }
0x3d: {  	_ =	shalt  }
0x3e: {  	_ =	shalt  }
0x3f: {  	_ =	shalt  }
0x40: {  	_ =	shalt  }
0x41: {  	_ =	shalt  }
0x42: {  	_ =	shalt  }
0x43: {  	_ =	shalt  }
0x44: {  	_ =	shalt  }
0x45: {  	_ =	shalt  }
0x46: {  	_ =	shalt  }
0x47: {  	_ =	shalt  }
0x48: {  	_ =	shalt  }
0x49: {  	_ =	shalt  }
0x4a: {  	_ =	shalt  }
0x4b: {  	_ =	shalt  }
0x4c: {  	_ =	shalt  }
0x4d: {  	_ =	shalt  }
0x4e: {  	_ =	shalt  }
0x4f: {  	_ =	shalt  }
0x50: {  	_ =	shalt  }
0x51: {  	_ =	shalt  }
0x52: {  	_ =	shalt  }
0x53: {  	_ =	shalt  }
0x54: {  	_ =	shalt  }
0x55: {  	_ =	shalt  }
0x56: {  	_ =	shalt  }
0x57: {  	_ =	shalt  }
0x58: {  	_ =	shalt  }
0x59: {  	_ =	shalt  }
0x5a: {  	_ =	shalt  }
0x5b: {  	_ =	shalt  }
0x5c: {  	_ =	shalt  }
0x5d: {  	_ =	shalt  }
0x5e: {  	_ =	shalt  }
0x5f: {  	_ =	shalt  }
0x60: {  	_ =	shalt  }
0x61: {  	_ =	shalt  }
0x62: {  	_ =	shalt  }
0x63: {  	_ =	shalt  }
0x64: {  	_ =	shalt  }
0x65: {  	_ =	shalt  }
0x66: {  	_ =	shalt  }
0x67: {  	_ =	shalt  }
0x68: {  	_ =	shalt  }
0x69: {  	_ =	shalt  }
0x6a: {  	_ =	shalt  }
0x6b: {  	_ =	shalt  }
0x6c: {  	_ =	shalt  }
0x6d: {  	_ =	shalt  }
0x6e: {  	_ =	shalt  }
0x6f: {  	_ =	shalt  }
0x70: {  	_ =	shalt  }
0x71: {  	_ =	shalt  }
0x72: {  	_ =	shalt  }
0x73: {  	_ =	shalt  }
0x74: {  	_ =	shalt  }
0x75: {  	_ =	shalt  }
0x76: {  	_ =	shalt  }
0x77: {  	_ =	shalt  }
0x78: {  	_ =	shalt  }
0x79: {  	_ =	shalt  }
0x7a: {  	_ =	shalt  }
0x7b: {  	_ =	shalt  }
0x7c: {  	_ =	shalt  }
0x7d: {  	_ =	shalt  }
0x7e: {  	_ =	shalt  }
0x7f: {  	_ =	shalt  }
0x80: {  	_ =	shalt  }
0x81: {  	_ =	shalt  }
0x82: {  	_ =	shalt  }
0x83: {  	_ =	shalt  }
0x84: {  	_ =	shalt  }
0x85: {  	_ =	shalt  }
0x86: {  	_ =	shalt  }
0x87: {  	_ =	shalt  }
.Lfunc_end0:
.L_simem_size_0:
called_computation.1_lowered:
.L_overlay_start_0:
0x88: {  	s2 =	sld [smem:$0x3FD9]  }
0x89: {  	s3 =	sld [smem:$0x3FFE];
	_ =	sdelay $0x1  }
0x8a: {  	s1 =	srdreg.scid  }
0x8b: {  	s0 =	sand.u32 $0x1, s1  }
0x8c: {  	s17 =	sshll.u32 s0, $0xA;
	s2 =	sadd.s32 s3, s2  }
0x8d: {  	s2 =	sadd.s32 s2, s17  }
0x8e: {  	[smem:$0x3F9F] =	sst s2  }
0x8f: {  	_ = 	snop  }
0x90: {  	s2 =	sld [smem:$0x3FD0];
	(tm) =	ssettm $0x1  }
0x91: {  	s18 =	sld [smem:$0x3FFB];
	_ =	sdelay $0x3  }
0x92: {  	_ =	strace s18  }
0x93: {  	s3 =	sld [smem:$0x3FFC];
	_ =	sdelay $0x3  }
0x94: {  	_ =	strace s3  }
0x95: {  	s3 =	sld [smem:$0x3FFD];
	_ =	sdelay $0x3  }
0x96: {  	_ =	strace s3  }
0x97: {  	_ =	strace $0x8FFFFFFF  }
0x98: {  	s19 =	sld [smem:$0x3FDB];
	_ =	sdelay $0x1  }
0x99: {  	s4 =	simm.s32 $_scs_section_size  }
0x9a: {  	s5 =	simm.s32 $_size__tile_overlayer_lowered;
	s6 =	simm.s32 $_tile_overlayer_lowered  }
0x9b: {  	s22 =	simm.s32 $0x1BFF;
	s21 =	sshll.u32 s6, $0x1;
	s3 =	sadd.s32 s4, s19  }
0x9c: {  	s7 =	simm.s32 $0x0;
	s20 =	sshll.u32 s5, $0x1;
	s5 =	sadd.s32 s21, s3  }
0x9d: {  	[timem:s7], [sflag:s22] =	dma.local [hbm:s5], s20  }
0x9e: {  	_ =	swait.ge [sflag:s22], s20  }
0x9f: {  	s4 =	ssub.s32 $0x0, s20;
	[sflag:s22] =	ssyncset.done $0x0  }
0xa0: {  	[sflag:s22] =	ssyncadd.s32 s4;
	_ =	sdelay $0x1  }
0xa1: {  	s23 =	simm.s32 $0x1B8B  }
0xa2: {  	_ =	swait.ge [sflag:s23], $0x1  }
0xa3: {  	[sflag:s23] =	ssyncset.done $0x0  }
0xa4: {  	s25 =	simm.s32 $0x1B8E;
	s24 =	sld [smem:$0x3FFE];
	[sflag:s23] =	ssyncadd.s32 $0xFFFFFFFF  }
0xa5: {  	s26 =	simm.s32 $execute0_lowered;
	[smem:$0x3FD2] =	sst s25  }
0xa6: {  	s5 =	sshll.u32 s26, $0x1;
	_ =	strace $0x80000049;
	[dreg:$0x1] =	wrdreg $0xFFFFFFFF  }
0xa7: {  	s28 =	simm.s32 $_size_execute0_lowered;
	s3 =	sadd.s32 s3, s5;
	[dreg:$0x0] =	wrdreg $0x0  }
0xa8: {  	s5 =	sshll.u32 s28, $0x1;
	[dreg:$0x2] =	wrdreg s3  }
0xa9: {  	[dreg:$0x3] =	wrdreg s5  }
0xaa: {  	[dreg:$0x4] =	wrdreg $0xC0  }
0xab: {  	_ =	task [dreg:s7], $0x5FFFF  }
0xac: {  	[dreg:$0x1] =	wrdreg $0xFFFFFFFF  }
0xad: {  	[dreg:$0x0] =	wrdreg $0x60  }
0xae: {  	[dreg:$0x2] =	wrdreg s24  }
0xaf: {  	[dreg:$0x3] =	wrdreg s2  }
0xb0: {  	[dreg:$0x4] =	wrdreg $0x0  }
0xb1: {  	[dreg:$0x5] =	wrdreg $0x9  }
0xb2: {  	_ =	task.clear_ibuf [dreg:s7], $0x6FFFF;
	_ =	strace $0x90000049  }
0xb3: {  	s29 =	simm.s32 $0x9;
	_ =	strace $0x8000004B  }
0xb4: {  	_ =	swait.ge [sflag:s29], $0x1  }
0xb5: {  	[sflag:s29] =	ssyncadd.s32 $0xFFFFFFFF  }
0xb6: {  	_ =	strace $0x9000004B  }
0xb7: {  	_ =	sfence  }
0xb8: {  	s30 =	sld [smem:$0x0];
	_ =	sdelay $0x2  }
0xb9: {  	s31 =	sshll.u32 s1, $0xD;
	s1 =	sshrl.u32 s1, $0x2  }
0xba: {  	s3 =	sand.u32 $0x4000, s31;
	s1 =	sadd.s32 s1, s30  }
0xbb: {  	s0 =	sor.u32 s3, s0;
	s1 =	sshll.u32 s1, $0x11  }
0xbc: {  	s0 =	sor.u32 s1, s0  }
0xbd: {  	s0 =	sadd.s32 $0x8F2B, s0  }
0xbe: {  	[sflag:s0] =	ssyncadd.remote.s32 $0x1  }
0xbf: {  	_ =	sfence.sel $0xFFFF  }
0xc0: {  	[dreg:$0x0] =	wrdreg $0xFFFFFFFF;
	(pc) =	sbr.abs _section_cstart, $3  }
0xc1: {  	[dreg:$0x1] =	wrdreg $0xFFFFFFFF  }
0xc2: {  	_ =	task.clear_ibuf [dreg:s7], $0x2FFFF;
	_ =	strace $0x9FFFFFFF  }
0xc3: {  	(tm) =	ssettm $0x7FFFFFFF  }
tec
execute0_lowered:
.L_overlay_start_1:
0x0: {  	(tag) =	ssettag $0x1  }
0x1: {  	s4 =	rddreg [dreg:$0x0]  }
0x2: {  	s7 =	rddreg [dreg:$0x1]  }
0x3: {  	s1 =	rddreg [dreg:$0x2]  }
0x4: {  	s0 =	rddreg [dreg:$0x3];
	s2 =	simm.s32 $0x0  }
0x5: {  	s6 =	stileid.u32;
	s5 =	srdreg.scid;
	s12 =	simm.s32 $0x50  }
0x6: {  	s13 =	simm.s32 $0x16680;
	s14 =	simm.s32 $0x16700;
	s15 =	simm.s32 $0xC680  }
0x7: {  	s16 =	simm.s32 $0x16780;
	s17 =	simm.s32 $0xEE80;
	s18 =	simm.s32 $0x16800  }
0x8: {  	s19 =	simm.s32 $0x11680;
	s20 =	simm.s32 $0x16880;
	s22 =	simm.s32 $0x1  }
0x9: {  	s23 =	simm.s32 $0x0;
	[smem:$0x7FF] =	sst s2;
	s3 =	smul.u32 $0x4E200, s6  }
0xa: {  	s5 =	sand.u32 $0x1, s5;
	s31 =	smul.u32 $0x9C4, s6;
	p0 =	sne.s32 s6, $0x0  }
0xb: {  	_ =	strace $0x8000004A;
	s9 =	smul.u32 $0x13880, s5;
	s10 =	ssub.s32 $0x2, s5  }
0xc: {  	s21 =	smul.u32 $0x1388, s5;
	s8 =	sadd.s32 s3, s4;
	s3 =	sadd.s32 $0x38000, s4  }
0xd: {  	s11 =	sshrl.u32 s10, $0x1;
	s7 =	sadd.s32 s31, s7;
	s4 =	sadd.s32 s9, s4  }
0xe: {  	s30 =	ssub.s32 s10, s11;
	s6 =	sadd.s32 $0x51A000, s8;
	s8 =	sshrl.u32 @!p0 s1, $0x3  }
0xf: {  	s9 =	simm.s32 $0x9C80;
	s10 =	simm.s32 $0x2;
	s11 =	simm.s32 $0x9E80  }
0x10: {  	v0 =	vmov s21;
	s21 =	simm.s32 $0x13E80;
	s4 =	sadd.s32 $0x4BA00, s4;
	s5 =	smax.u32 s30, $0x1  }
.LBB2_1:
0x11: {  	s24 =	simm.s32 @!p0 $0x1C02  }
0x12: {  	[spmem:s8], [sflag:s24] =	dma.local @!p0 [hbm:s3], $0x13900  }
0x13: {  	s24 =	simm.s32 @!p0 $0x2  }
0x14: {  	_ =	swait.ge @!p0 [sflag:s24], $0x13900  }
0x15: {  	[sflag:s24] =	ssyncset.done @!p0 $0x0  }
0x16: {  	[sflag:s24] =	ssyncadd.s32 @!p0 $0xFFFEC700  }
0x17: {  	s31 =	sadd.s32 $0x0, s7;
	[bflag:$0x0] =	sbarrier.arrive $0xFFFF  }
0x18: {  	[tilespmem:s9], [sflag:$0x2] =	stream.linear.gather [hbm4b:s31+s2], $0x190, $0x38;
	[tilespmem:$0x16900] =	vst v63  }
0x19: {  	_ =	swait.ge [sflag:s10], $0x190  }
0x1a: {  	[sflag:s10] =	ssyncset.done $0x0  }
0x1b: {  	[sflag:s10] =	ssyncadd.s32 $0xFFFFFE70  }
0x1c: {  	[tilespmem:s11], [sflag:$0x2] =	stream.linear.gather [hbm4b:s6+s2], $0xC800, $0x38;
	[tilespmem:$0x16900] =	vst v63  }
0x1d: {  	_ =	swait.ge [sflag:s10], $0xC800  }
0x1e: {  	[sflag:s10] =	ssyncset.done $0x0  }
0x1f: {  	[sflag:s10] =	ssyncadd.s32 $0xFFFF3800  }
0x20: {  	v1 =	vld [tilespmem:$0x9E00]  }
0x21: {  	v2 =	vld [tilespmem:$0x9D30]  }
0x22: {  	v3 =	vld [tilespmem:$0x9DE0]  }
0x23: {  	v4 =	vld [tilespmem:$0x9DD0]  }
0x24: {  	v5 =	vld [tilespmem:$0x9DC0]  }
0x25: {  	v6 =	vld [tilespmem:$0x9DA0]  }
0x26: {  	v7 =	vld [tilespmem:$0x9D90];
	v1 =	vsub.s32 v1, v0  }
0x27: {  	v8 =	vld [tilespmem:$0x9D80];
	v2 =	vsub.s32 v2, v0;
	v1 =	vmin.u32 v1, $0x1388  }
0x28: {  	v54 =	vld [tilespmem:$0x9D20];
	v3 =	vsub.s32 v3, v0;
	v2 =	vmin.u32 v2, $0x1388;
	[tilespmem:$0x168C0] =	vst v1  }
0x29: {  	v5 =	vsub.s32 v5, v0;
	v3 =	vmin.u32 v3, $0x1388;
	[tilespmem:$0x16790] =	vst v2  }
0x2a: {  	v6 =	vsub.s32 v6, v0;
	v5 =	vmin.u32 v5, $0x1388;
	v1 =	vld [tilespmem:$0x9D60];
	[tilespmem:$0x168A0] =	vst v3  }
0x2b: {  	v51 =	vld [tilespmem:$0x9D70];
	v7 =	vsub.s32 v7, v0;
	v6 =	vmin.u32 v6, $0x1388;
	[tilespmem:$0x16880] =	vst v5  }
0x2c: {  	v55 =	vld [tilespmem:$0x9D10];
	v7 =	vmin.u32 v7, $0x1388;
	v2 =	vsub.s32 v4, v0;
	[tilespmem:$0x16830] =	vst v6  }
0x2d: {  	v52 =	vsub.s32 v8, v0;
	v8 =	vsub.s32 v54, v0;
	v3 =	vld [tilespmem:$0x9D50];
	[tilespmem:$0x16820] =	vst v7;
	v2 =	vmin.u32 v2, $0x1388  }
0x2e: {  	v8 =	vmin.u32 v8, $0x1388;
	[tilespmem:$0x16890] =	vst v2;
	v2 =	vld [tilespmem:$0x9D40]  }
0x2f: {  	v53 =	vld [tilespmem:$0x9DF0];
	v5 =	vmin.u32 v52, $0x1388;
	[tilespmem:$0x16780] =	vst v8;
	v1 =	vsub.s32 v1, v0  }
0x30: {  	v58 =	vld [tilespmem:$0x9CD0];
	v4 =	vsub.s32 v51, v0;
	[tilespmem:$0x16810] =	vst v5;
	v1 =	vmin.u32 v1, $0x1388  }
0x31: {  	v56 =	vld [tilespmem:$0x9D00];
	v7 =	vsub.s32 v55, v0;
	[tilespmem:$0x167C0] =	vst v1;
	v1 =	vmin.u32 v4, $0x1388  }
0x32: {  	v7 =	vmin.u32 v7, $0x1388;
	v3 =	vsub.s32 v3, v0;
	[tilespmem:$0x16800] =	vst v1;
	v1 =	vld [tilespmem:$0x9CE0]  }
0x33: {  	v57 =	vld [tilespmem:$0x9CF0];
	[tilespmem:$0x16740] =	vst v7;
	v3 =	vmin.u32 v3, $0x1388;
	v2 =	vsub.s32 v2, v0  }
0x34: {  	v59 =	vld [tilespmem:$0x9CA0];
	[tilespmem:$0x167B0] =	vst v3;
	v3 =	vsub.s32 v53, v0;
	v2 =	vmin.u32 v2, $0x1388  }
0x35: {  	v6 =	vsub.s32 v58, v0;
	[tilespmem:$0x167A0] =	vst v2;
	v2 =	vmin.u32 v3, $0x1388;
	v3 =	vld [tilespmem:$0x9CC0]  }
0x36: {  	v5 =	vsub.s32 v56, v0;
	v62 =	vmin.u32 v6, $0x1388;
	[tilespmem:$0x168B0] =	vst v2;
	v2 =	vld [tilespmem:$0x9CB0]  }
0x37: {  	v60 =	vld [tilespmem:$0x9C90];
	v5 =	vmin.u32 v5, $0x1388;
	[tilespmem:$0x16700] =	vst v62;
	v1 =	vsub.s32 v1, v0  }
0x38: {  	v61 =	vld [tilespmem:$0x9C80];
	[tilespmem:$0x16730] =	vst v5;
	v4 =	vsub.s32 v57, v0;
	v1 =	vmin.u32 v1, $0x1388  }
0x39: {  	v63 =	vsub.s32 v59, v0;
	v4 =	vmin.u32 v4, $0x1388;
	[tilespmem:$0x16710] =	vst v1;
	v1 =	vld [tilespmem:$0x9DB0]  }
0x3a: {  	[tilespmem:$0x16720] =	vst v4;
	v4 =	vmin.u32 v63, $0x1388;
	v3 =	vsub.s32 v3, v0  }
0x3b: {  	[tilespmem:$0x166A0] =	vst v4;
	v2 =	vsub.s32 v2, v0;
	v3 =	vmin.u32 v3, $0x1388  }
0x3c: {  	v2 =	vmin.u32 v2, $0x1388;
	[tilespmem:$0x166C0] =	vst v3;
	v3 =	vsub.s32 v60, v0  }
0x3d: {  	[tilespmem:$0x166B0] =	vst v2;
	v2 =	vsub.s32 v61, v0;
	v3 =	vmin.u32 v3, $0x1388  }
0x3e: {  	v2 =	vmin.u32 v2, $0x1388;
	[tilespmem:$0x16690] =	vst v3;
	v1 =	vsub.s32 v1, v0  }
0x3f: {  	s25 =	smov.u32 s6;
	s24 =	simm.s32 $0x32;
	[tilespmem:$0x16680] =	vst v2;
	v1 =	vmin.u32 v1, $0x1388  }
.LBB2_2:
0x40: {  	p1 =	sne.s32 s24, $0x992  }
0x41: {  	[tilespmem:$0x16840] =	vst v1;
	s25 =	sadd.s32 $0x1900, s25;
	s26 =	smov.u32 s24;
	s24 =	sadd.s32 $0x32, s24  }
0x42: {  	[spmem:s1] =	stream.indirect.scatter.add.f32 [tilespmem:s11], [sflag:$0x1], $0x80, s13, s12, $0xb8;
	[tilespmem:$0x16900] =	vst v63  }
0x43: {  	_ = 	snop  }
0x44: {  	[spmem:s1] =	stream.indirect.scatter.add.f32 [tilespmem:s15], [sflag:$0x1], $0x80, s14, s12, $0xb8;
	[tilespmem:$0x16900] =	vst v63  }
0x45: {  	_ = 	snop  }
0x46: {  	[spmem:s1] =	stream.indirect.scatter.add.f32 [tilespmem:s17], [sflag:$0x1], $0x80, s16, s12, $0xb8;
	[tilespmem:$0x16900] =	vst v63  }
0x47: {  	_ = 	snop  }
0x48: {  	[spmem:s1] =	stream.indirect.scatter.add.f32 [tilespmem:s19], [sflag:$0x1], $0x80, s18, s12, $0xb8;
	[tilespmem:$0x16900] =	vst v63  }
0x49: {  	_ = 	snop  }
0x4a: {  	[spmem:s1] =	stream.indirect.scatter.add.f32 [tilespmem:s21], [sflag:$0x1], $0x80, s20, s12, $0xb8;
	[tilespmem:$0x16900] =	vst v63  }
0x4b: {  	_ =	swait.ge [sflag:s22], $0x2800  }
0x4c: {  	[sflag:s22] =	ssyncset.done $0x0  }
0x4d: {  	[sflag:s22] =	ssyncadd.s32 $0xFFFFD800  }
0x4e: {  	_ =	swait.ge [sflag:s22], $0x2800  }
0x4f: {  	[sflag:s22] =	ssyncset.done $0x0  }
0x50: {  	[sflag:s22] =	ssyncadd.s32 $0xFFFFD800  }
0x51: {  	_ =	swait.ge [sflag:s22], $0x2800  }
0x52: {  	[sflag:s22] =	ssyncset.done $0x0  }
0x53: {  	[sflag:s22] =	ssyncadd.s32 $0xFFFFD800  }
0x54: {  	_ =	swait.ge [sflag:s22], $0x2800  }
0x55: {  	[sflag:s22] =	ssyncset.done $0x0  }
0x56: {  	[sflag:s22] =	ssyncadd.s32 $0xFFFFD800  }
0x57: {  	_ =	swait.ge [sflag:s22], $0x2800  }
0x58: {  	[sflag:s22] =	ssyncset.done $0x0  }
0x59: {  	s26 =	sadd.s32 s26, s7;
	[sflag:s22] =	ssyncadd.s32 $0xFFFFD800  }
0x5a: {  	[tilespmem:s9], [sflag:$0x2] =	stream.linear.gather [hbm4b:s26+s2], $0x190, $0x38;
	[tilespmem:$0x16900] =	vst v63  }
0x5b: {  	_ =	swait.ge [sflag:s10], $0x190  }
0x5c: {  	[sflag:s10] =	ssyncset.done $0x0  }
0x5d: {  	[sflag:s10] =	ssyncadd.s32 $0xFFFFFE70  }
0x5e: {  	[tilespmem:s11], [sflag:$0x2] =	stream.linear.gather [hbm4b:s25+s2], $0xC800, $0x38;
	[tilespmem:$0x16900] =	vst v63  }
0x5f: {  	_ =	swait.ge [sflag:s10], $0xC800  }
0x60: {  	[sflag:s10] =	ssyncset.done $0x0  }
0x61: {  	[sflag:s10] =	ssyncadd.s32 $0xFFFF3800  }
0x62: {  	v1 =	vld [tilespmem:$0x9E00]  }
0x63: {  	v2 =	vld [tilespmem:$0x9D30]  }
0x64: {  	v3 =	vld [tilespmem:$0x9DE0]  }
0x65: {  	v4 =	vld [tilespmem:$0x9DD0]  }
0x66: {  	v5 =	vld [tilespmem:$0x9DC0]  }
0x67: {  	v6 =	vld [tilespmem:$0x9DA0];
	v1 =	vsub.s32 v1, v0  }
0x68: {  	v2 =	vsub.s32 v2, v0;
	v7 =	vld [tilespmem:$0x9D90];
	v1 =	vmin.u32 v1, $0x1388  }
0x69: {  	v2 =	vmin.u32 v2, $0x1388;
	v8 =	vld [tilespmem:$0x9D80];
	v3 =	vsub.s32 v3, v0;
	[tilespmem:$0x168C0] =	vst v1  }
0x6a: {  	[tilespmem:$0x16790] =	vst v2;
	v1 =	vld [tilespmem:$0x9D60];
	v2 =	vsub.s32 v4, v0;
	v3 =	vmin.u32 v3, $0x1388  }
0x6b: {  	v4 =	vld [tilespmem:$0x9D70];
	v5 =	vsub.s32 v5, v0;
	v2 =	vmin.u32 v2, $0x1388;
	[tilespmem:$0x168A0] =	vst v3  }
0x6c: {  	v3 =	vld [tilespmem:$0x9D50];
	v6 =	vsub.s32 v6, v0;
	v5 =	vmin.u32 v5, $0x1388;
	[tilespmem:$0x16890] =	vst v2  }
0x6d: {  	v2 =	vld [tilespmem:$0x9D40];
	v7 =	vsub.s32 v7, v0;
	v6 =	vmin.u32 v6, $0x1388;
	[tilespmem:$0x16880] =	vst v5  }
0x6e: {  	v5 =	vsub.s32 v8, v0;
	v7 =	vmin.u32 v7, $0x1388;
	[tilespmem:$0x16830] =	vst v6;
	v6 =	vld [tilespmem:$0x9DF0]  }
0x6f: {  	v8 =	vld [tilespmem:$0x9D20];
	v1 =	vsub.s32 v1, v0;
	v5 =	vmin.u32 v5, $0x1388;
	[tilespmem:$0x16820] =	vst v7  }
0x70: {  	v7 =	vld [tilespmem:$0x9D10];
	v1 =	vmin.u32 v1, $0x1388;
	v4 =	vsub.s32 v4, v0;
	[tilespmem:$0x16810] =	vst v5  }
0x71: {  	v5 =	vld [tilespmem:$0x9D00];
	v3 =	vsub.s32 v3, v0;
	[tilespmem:$0x167C0] =	vst v1;
	v1 =	vmin.u32 v4, $0x1388  }
0x72: {  	v4 =	vld [tilespmem:$0x9CF0];
	v2 =	vsub.s32 v2, v0;
	v3 =	vmin.u32 v3, $0x1388;
	[tilespmem:$0x16800] =	vst v1  }
0x73: {  	v1 =	vld [tilespmem:$0x9CE0];
	v2 =	vmin.u32 v2, $0x1388;
	[tilespmem:$0x167B0] =	vst v3;
	v3 =	vsub.s32 v6, v0  }
0x74: {  	v6 =	vld [tilespmem:$0x9CD0];
	v8 =	vsub.s32 v8, v0;
	[tilespmem:$0x167A0] =	vst v2;
	v2 =	vmin.u32 v3, $0x1388  }
0x75: {  	v3 =	vld [tilespmem:$0x9CC0];
	v7 =	vsub.s32 v7, v0;
	v8 =	vmin.u32 v8, $0x1388;
	[tilespmem:$0x168B0] =	vst v2  }
0x76: {  	v2 =	vld [tilespmem:$0x9CB0];
	v5 =	vsub.s32 v5, v0;
	v7 =	vmin.u32 v7, $0x1388;
	[tilespmem:$0x16780] =	vst v8  }
0x77: {  	v8 =	vld [tilespmem:$0x9CA0];
	v4 =	vsub.s32 v4, v0;
	v5 =	vmin.u32 v5, $0x1388;
	[tilespmem:$0x16740] =	vst v7  }
0x78: {  	v7 =	vld [tilespmem:$0x9C90];
	v1 =	vsub.s32 v1, v0;
	v4 =	vmin.u32 v4, $0x1388;
	[tilespmem:$0x16730] =	vst v5  }
0x79: {  	v5 =	vld [tilespmem:$0x9C80];
	v6 =	vsub.s32 v6, v0;
	v1 =	vmin.u32 v1, $0x1388;
	[tilespmem:$0x16720] =	vst v4  }
0x7a: {  	v3 =	vsub.s32 v3, v0;
	v4 =	vmin.u32 v6, $0x1388;
	[tilespmem:$0x16710] =	vst v1;
	v1 =	vld [tilespmem:$0x9DB0]  }
0x7b: {  	v2 =	vsub.s32 v2, v0;
	v3 =	vmin.u32 v3, $0x1388;
	[tilespmem:$0x16700] =	vst v4  }
.Ltmp0:
0x7c: {  	v4 =	vsub.s32 v8, v0;
	v2 =	vmin.u32 v2, $0x1388;
	[tilespmem:$0x166C0] =	vst v3;
	(pc) =	sbr.rel @p1 .LBB2_2-.Ltmp0, $4  }
0x7d: {  	v3 =	vsub.s32 v7, v0;
	v4 =	vmin.u32 v4, $0x1388;
	[tilespmem:$0x166B0] =	vst v2  }
0x7e: {  	v2 =	vsub.s32 v5, v0;
	v3 =	vmin.u32 v3, $0x1388;
	[tilespmem:$0x166A0] =	vst v4  }
0x7f: {  	v2 =	vmin.u32 v2, $0x1388;
	[tilespmem:$0x16690] =	vst v3;
	v1 =	vsub.s32 v1, v0  }
0x80: {  	[tilespmem:$0x16680] =	vst v2;
	v1 =	vmin.u32 v1, $0x1388  }
0x81: {  	[tilespmem:$0x16840] =	vst v1  }
0x82: {  	[spmem:s1] =	stream.indirect.scatter.add.f32 [tilespmem:s11], [sflag:$0x1], $0x80, s13, s12, $0xb8;
	[tilespmem:$0x16900] =	vst v63  }
0x83: {  	_ = 	snop  }
0x84: {  	[spmem:s1] =	stream.indirect.scatter.add.f32 [tilespmem:s15], [sflag:$0x1], $0x80, s14, s12, $0xb8;
	[tilespmem:$0x16900] =	vst v63  }
0x85: {  	_ = 	snop  }
0x86: {  	[spmem:s1] =	stream.indirect.scatter.add.f32 [tilespmem:s17], [sflag:$0x1], $0x80, s16, s12, $0xb8;
	[tilespmem:$0x16900] =	vst v63  }
0x87: {  	_ = 	snop  }
0x88: {  	[spmem:s1] =	stream.indirect.scatter.add.f32 [tilespmem:s19], [sflag:$0x1], $0x80, s18, s12, $0xb8;
	[tilespmem:$0x16900] =	vst v63  }
0x89: {  	_ = 	snop  }
0x8a: {  	[spmem:s1] =	stream.indirect.scatter.add.f32 [tilespmem:s21], [sflag:$0x1], $0x80, s20, s12, $0xb8;
	[tilespmem:$0x16900] =	vst v63  }
0x8b: {  	_ =	swait.ge [sflag:s22], $0x2800  }
0x8c: {  	[sflag:s22] =	ssyncset.done $0x0  }
0x8d: {  	[sflag:s22] =	ssyncadd.s32 $0xFFFFD800  }
0x8e: {  	_ =	swait.ge [sflag:s22], $0x2800  }
0x8f: {  	[sflag:s22] =	ssyncset.done $0x0  }
0x90: {  	[sflag:s22] =	ssyncadd.s32 $0xFFFFD800  }
0x91: {  	_ =	swait.ge [sflag:s22], $0x2800  }
0x92: {  	[sflag:s22] =	ssyncset.done $0x0  }
0x93: {  	[sflag:s22] =	ssyncadd.s32 $0xFFFFD800  }
0x94: {  	_ =	swait.ge [sflag:s22], $0x2800  }
0x95: {  	[sflag:s22] =	ssyncset.done $0x0  }
0x96: {  	[sflag:s22] =	ssyncadd.s32 $0xFFFFD800  }
0x97: {  	_ =	swait.ge [sflag:s22], $0x2800  }
0x98: {  	[sflag:s22] =	ssyncset.done $0x0  }
0x99: {  	s23 =	sadd.s32 $0x1, s23;
	[sflag:s22] =	ssyncadd.s32 $0xFFFFD800  }
0x9a: {  	s24 =	simm.s32 @!p0 $0x1C02;
	p1 =	sne.s32 s23, s5;
	[bflag:$0x0] =	sbarrier.arrive $0xFFFF  }
0x9b: {  	[hbm:s4], [sflag:s24] =	dma.local @!p0 [spmem:s8], $0x13880  }
.Ltmp1:
0x9c: {  	_ = 	snop;
	(pc) =	sbr.rel @p1 .LBB2_1-.Ltmp1, $4  }
0x9d: {  	s24 =	simm.s32 @!p0 $0x2  }
0x9e: {  	_ =	swait.ge @!p0 [sflag:s24], $0x13880  }
0x9f: {  	[sflag:s24] =	ssyncset.done @!p0 $0x0  }
0xa0: {  	[sflag:s24] =	ssyncadd.s32 @!p0 $0xFFFEC780  }
0xa1: {  	_ =	sfence.sel $0x180000  }
0xa2: {  	[bflag:$0x0] =	sbarrier.arrive $0xFFFF  }
0xa3: {  	_ =	strace $0x9000004A  }
0xa4: {  	s0 =	sadd.s32 @!p0 $0x100000, s0;
	[bflag:$0x2] =	sbarrier.arrive $0xFFFF  }
0xa5: {  	[sflag:s0] =	ssyncadd.tile.s32 @!p0 $0x1;
	_ =	shalt  }
.Lfunc_end2:
_tile_overlayer_lowered:
.L_overlay_start_2:
0xa6: {  	(tag) =	ssettag $0x2  }
0xa7: {  	s0 =	rddreg [dreg:$0x0];
	s2 =	stileid.u32  }
0xa8: {  	s1 =	rddreg [dreg:$0x1];
	p0 =	sne.s32 s2, $0x0  }
0xa9: {  	s3 =	rddreg [dreg:$0x2];
	[bflag:$0x3] =	sbarrier.arrive $0xFFFF;
	s2 =	simm.s32 @!p0 $0x1C02  }
0xaa: {  	[timem:s3], [sflag:s2] =	dma.local @!p0 [hbm:s0], s1  }
0xab: {  	s0 =	simm.s32 @!p0 $0x2  }
0xac: {  	_ =	swait.ge @!p0 [sflag:s0], s1  }
0xad: {  	s1 =	ssub.s32 @!p0 $0x0, s1;
	[sflag:s0] =	ssyncset.done @!p0 $0x0  }
0xae: {  	[sflag:s0] =	ssyncadd.s32 @!p0 s1  }
0xaf: {  	[bflag:$0x3] =	sbarrier.arrive $0xFFFF  }
0xb0: {  	_ =	shalt  }

// kernel: kernel.23.cloned.1.call-start
scs
__scs_entry_jumppad:
0x0: {  	(pc) =	sbr.rel $0x88, $3  }
0x1: {  	(tag) =	ssettag $0x0;
	lr =	simm.s32 $0x1  }
0x2: {  	[smem:$0x3F78] =	sst lr;
	_ =	strace $0xD0000000  }
0x3: {  	_ = 	snop  }
0x4: {  	_ = 	snop  }
0x5: {  	_ = 	snop  }
0x6: {  	_ = 	snop  }
0x7: {  	_ = 	snop  }
__scs_overlays_trampoline_lowered:
0x8: {  	[smem:$0x3F87] =	sst s0  }
0x9: {  	[smem:$0x3F88] =	sst s1  }
0xa: {  	[smem:$0x3F89] =	sst s2  }
0xb: {  	[smem:$0x3F8A] =	sst s3  }
0xc: {  	[smem:$0x3F8B] =	sst s4  }
0xd: {  	[smem:$0x3F8C] =	sst s5  }
0xe: {  	[smem:$0x3F8D] =	sst s6  }
0xf: {  	[smem:$0x3F8E] =	sst s7  }
0x10: {  	[smem:$0x3F8F] =	sst s8  }
0x11: {  	[smem:$0x3F90] =	sst s9;
	s0 =	simm.s32 @!p0 $0x0  }
0x12: {  	s1 =	sld [smem:$0x3F76];
	s0 =	simm.s32 @p0 $0x1  }
0x13: {  	[smem:$0x3F91] =	sst s0;
	s0 =	simm.s32 @!p1 $0x0  }
0x14: {  	s2 =	sld [smem:$0x3F75];
	s0 =	simm.s32 @p1 $0x1  }
0x15: {  	[smem:$0x3F92] =	sst s0;
	s0 =	simm.s32 @!p2 $0x0  }
0x16: {  	s3 =	sld [smem:$0x3FDB];
	s0 =	simm.s32 @p2 $0x1  }
0x17: {  	s4 =	simm.s32 $0x1BF5;
	[smem:$0x3F94] =	sst s0  }
0x18: {  	s0 =	sld [smem:$0x3F77];
	_ =	swait.ge [sflag:s4], $0x0  }
0x19: {  	s7 =	sld [smem:$0x3F78]  }
0x1a: {  	s8 =	sadd.s32 $0xFFFFE003, lr  }
0x1b: {  	s9 =	sadd.s32 $0xFFFFFEF7, lr;
	s5 =	simm.s32 $0xFFFFFFFF;
	p2 =	slt.u32 s8, $0xFFFFF086  }
0x1c: {  	p1 =	slt.u32 s9, $0xF7A;
	s5 =	simm.s32 @!p2 $0x0  }
0x1d: {  	s5 =	simm.s32 @p1 $0x1;
	p0 =	seq.s32 s7, s2  }
0x1e: {  	s7 =	smul.u32 @!p0 $0xF7A, s2;
	p2 =	seq.s32 @!p0 s5, $0x0  }
0x1f: {  	s9 =	smul.u32 $0xF7A, s1;
	s8 =	simm.s32 @!p0 $0x1BF5;
	p2 =	por !p2, p0  }
0x20: {  	[sflag:s8] =	ssyncset.s32 @!p0 $0xFFFFF086;
	s6 =	sadd.s32 @!p0 s3, s7;
	s7 =	simm.s32 @!p0 $0x108  }
0x21: {  	s3 =	sadd.s32 s3, s9;
	s6 =	sadd.s32 @!p0 $0x88, s6;
	s7 =	simm.s32 @p2 $0x1082  }
0x22: {  	[simem:s7], [sflag:s8] =	dma.local @!p0 [hbm:s6], $0xF7A  }
0x23: {  	s9 =	sor.u32 $0xD0000000, s2;
	s6 =	simm.s32 $0x108;
	_ =	swait.ge @!p0 [sflag:s8], $0x0  }
0x24: {  	s3 =	sadd.s32 $0x88, s3;
	s6 =	simm.s32 @!p1 $0x1082;
	[sflag:s4] =	ssyncset.s32 $0xFFFFF086  }
0x25: {  	[simem:s6], [sflag:s4] =	dma.local [hbm:s3], $0xF7A  }
0x26: {  	[smem:$0x3F78] =	sst s1;
	(tag) =	ssettag s2;
	_ =	strace s9  }
0x27: {  	s1 =	sld [smem:$0x3F88]  }
0x28: {  	s2 =	sld [smem:$0x3F89]  }
0x29: {  	s4 =	sld [smem:$0x3F8B]  }
0x2a: {  	p0 =	seq.s32 s5, $0x0;
	s5 =	sld [smem:$0x3F8C]  }
0x2b: {  	s6 =	sld [smem:$0x3F8D]  }
0x2c: {  	s7 =	sld [smem:$0x3F8E]  }
0x2d: {  	s3 =	simm.s32 $0x108;
	s8 =	sld [smem:$0x3F8F]  }
0x2e: {  	s3 =	simm.s32 @!p0 $0x1082;
	s9 =	sld [smem:$0x3F90]  }
0x2f: {  	lr =	sadd.s32 s0, s3;
	s0 =	sld [smem:$0x3F87]  }
0x30: {  	s3 =	sld [smem:$0x3F8A]  }
0x31: {  	[smem:$0x3F93] =	sst s10  }
0x32: {  	s10 =	sld [smem:$0x3F91];
	_ =	sdelay $0x3  }
0x33: {  	p0 =	seq.s32 s10, $0x1;
	s10 =	sld [smem:$0x3F93];
	_ =	sdelay $0x3  }
0x34: {  	[smem:$0x3F93] =	sst s10  }
0x35: {  	s10 =	sld [smem:$0x3F92];
	_ =	sdelay $0x3  }
0x36: {  	p1 =	seq.s32 s10, $0x1;
	s10 =	sld [smem:$0x3F93];
	_ =	sdelay $0x3  }
0x37: {  	[smem:$0x3F93] =	sst s10  }
0x38: {  	s10 =	sld [smem:$0x3F94]  }
0x39: {  	_ = 	snop;
	(pc) =	sbr.ind lr, $3  }
0x3a: {  	_ = 	snop  }
0x3b: {  	_ = 	snop  }
0x3c: {  	p2 =	seq.s32 s10, $0x1;
	s10 =	sld [smem:$0x3F93]  }
0x3d: {  	_ =	shalt  }
0x3e: {  	_ =	shalt  }
0x3f: {  	_ =	shalt  }
0x40: {  	_ =	shalt  }
0x41: {  	_ =	shalt  }
0x42: {  	_ =	shalt  }
0x43: {  	_ =	shalt  }
0x44: {  	_ =	shalt  }
0x45: {  	_ =	shalt  }
0x46: {  	_ =	shalt  }
0x47: {  	_ =	shalt  }
0x48: {  	_ =	shalt  }
0x49: {  	_ =	shalt  }
0x4a: {  	_ =	shalt  }
0x4b: {  	_ =	shalt  }
0x4c: {  	_ =	shalt  }
0x4d: {  	_ =	shalt  }
0x4e: {  	_ =	shalt  }
0x4f: {  	_ =	shalt  }
0x50: {  	_ =	shalt  }
0x51: {  	_ =	shalt  }
0x52: {  	_ =	shalt  }
0x53: {  	_ =	shalt  }
0x54: {  	_ =	shalt  }
0x55: {  	_ =	shalt  }
0x56: {  	_ =	shalt  }
0x57: {  	_ =	shalt  }
0x58: {  	_ =	shalt  }
0x59: {  	_ =	shalt  }
0x5a: {  	_ =	shalt  }
0x5b: {  	_ =	shalt  }
0x5c: {  	_ =	shalt  }
0x5d: {  	_ =	shalt  }
0x5e: {  	_ =	shalt  }
0x5f: {  	_ =	shalt  }
0x60: {  	_ =	shalt  }
0x61: {  	_ =	shalt  }
0x62: {  	_ =	shalt  }
0x63: {  	_ =	shalt  }
0x64: {  	_ =	shalt  }
0x65: {  	_ =	shalt  }
0x66: {  	_ =	shalt  }
0x67: {  	_ =	shalt  }
0x68: {  	_ =	shalt  }
0x69: {  	_ =	shalt  }
0x6a: {  	_ =	shalt  }
0x6b: {  	_ =	shalt  }
0x6c: {  	_ =	shalt  }
0x6d: {  	_ =	shalt  }
0x6e: {  	_ =	shalt  }
0x6f: {  	_ =	shalt  }
0x70: {  	_ =	shalt  }
0x71: {  	_ =	shalt  }
0x72: {  	_ =	shalt  }
0x73: {  	_ =	shalt  }
0x74: {  	_ =	shalt  }
0x75: {  	_ =	shalt  }
0x76: {  	_ =	shalt  }
0x77: {  	_ =	shalt  }
0x78: {  	_ =	shalt  }
0x79: {  	_ =	shalt  }
0x7a: {  	_ =	shalt  }
0x7b: {  	_ =	shalt  }
0x7c: {  	_ =	shalt  }
0x7d: {  	_ =	shalt  }
0x7e: {  	_ =	shalt  }
0x7f: {  	_ =	shalt  }
0x80: {  	_ =	shalt  }
0x81: {  	_ =	shalt  }
0x82: {  	_ =	shalt  }
0x83: {  	_ =	shalt  }
0x84: {  	_ =	shalt  }
0x85: {  	_ =	shalt  }
0x86: {  	_ =	shalt  }
0x87: {  	_ =	shalt  }
.Lfunc_end0:
.L_simem_size_0:
called_computation.2_lowered:
.L_overlay_start_0:
0x88: {  	s2 =	sld [smem:$0x3FD9]  }
0x89: {  	s3 =	sld [smem:$0x3FFE];
	_ =	sdelay $0x1  }
0x8a: {  	s1 =	srdreg.scid  }
0x8b: {  	s0 =	sand.u32 $0x1, s1  }
0x8c: {  	s17 =	sshll.u32 s0, $0xA;
	s2 =	sadd.s32 s3, s2  }
0x8d: {  	s2 =	sadd.s32 s2, s17  }
0x8e: {  	[smem:$0x3F9F] =	sst s2  }
0x8f: {  	_ = 	snop  }
0x90: {  	s2 =	sld [smem:$0x3FD0];
	(tm) =	ssettm $0x1  }
0x91: {  	s18 =	sld [smem:$0x3FFB];
	_ =	sdelay $0x3  }
0x92: {  	_ =	strace s18  }
0x93: {  	s3 =	sld [smem:$0x3FFC];
	_ =	sdelay $0x3  }
0x94: {  	_ =	strace s3  }
0x95: {  	s3 =	sld [smem:$0x3FFD];
	_ =	sdelay $0x3  }
0x96: {  	_ =	strace s3  }
0x97: {  	_ =	strace $0x8FFFFFFF  }
0x98: {  	s19 =	sld [smem:$0x3FDB];
	_ =	sdelay $0x1  }
0x99: {  	s4 =	simm.s32 $_scs_section_size  }
0x9a: {  	s5 =	simm.s32 $_size__tile_overlayer_lowered;
	s6 =	simm.s32 $_tile_overlayer_lowered  }
0x9b: {  	s22 =	simm.s32 $0x1BFF;
	s21 =	sshll.u32 s6, $0x1;
	s3 =	sadd.s32 s4, s19  }
0x9c: {  	s7 =	simm.s32 $0x0;
	s20 =	sshll.u32 s5, $0x1;
	s5 =	sadd.s32 s21, s3  }
0x9d: {  	[timem:s7], [sflag:s22] =	dma.local [hbm:s5], s20  }
0x9e: {  	_ =	swait.ge [sflag:s22], s20  }
0x9f: {  	s4 =	ssub.s32 $0x0, s20;
	[sflag:s22] =	ssyncset.done $0x0  }
0xa0: {  	[sflag:s22] =	ssyncadd.s32 s4;
	_ =	sdelay $0x1  }
0xa1: {  	s23 =	simm.s32 $0x1B8B  }
0xa2: {  	_ =	swait.ge [sflag:s23], $0x1  }
0xa3: {  	[sflag:s23] =	ssyncset.done $0x0  }
0xa4: {  	s25 =	simm.s32 $0x1B8E;
	s24 =	sld [smem:$0x3FFE];
	[sflag:s23] =	ssyncadd.s32 $0xFFFFFFFF  }
0xa5: {  	s26 =	simm.s32 $execute0_lowered;
	[smem:$0x3FD2] =	sst s25  }
0xa6: {  	s5 =	sshll.u32 s26, $0x1;
	_ =	strace $0x8000004C;
	[dreg:$0x1] =	wrdreg $0xFFFFFFFF  }
0xa7: {  	s28 =	simm.s32 $_size_execute0_lowered;
	s3 =	sadd.s32 s3, s5;
	[dreg:$0x0] =	wrdreg $0x0  }
0xa8: {  	s5 =	sshll.u32 s28, $0x1;
	[dreg:$0x2] =	wrdreg s3  }
0xa9: {  	[dreg:$0x3] =	wrdreg s5  }
0xaa: {  	[dreg:$0x4] =	wrdreg $0xC0  }
0xab: {  	_ =	task [dreg:s7], $0x5FFFF  }
0xac: {  	[dreg:$0x1] =	wrdreg $0xFFFFFFFF  }
0xad: {  	[dreg:$0x0] =	wrdreg $0x60  }
0xae: {  	[dreg:$0x2] =	wrdreg s24  }
0xaf: {  	[dreg:$0x3] =	wrdreg s2  }
0xb0: {  	[dreg:$0x4] =	wrdreg $0x9  }
0xb1: {  	_ =	task.clear_ibuf [dreg:s7], $0x5FFFF;
	_ =	strace $0x9000004C  }
0xb2: {  	s29 =	simm.s32 $0x9;
	_ =	strace $0x8000004E  }
0xb3: {  	_ =	swait.ge [sflag:s29], $0x1  }
0xb4: {  	[sflag:s29] =	ssyncadd.s32 $0xFFFFFFFF  }
0xb5: {  	_ =	strace $0x9000004E  }
0xb6: {  	_ =	sfence  }
0xb7: {  	s30 =	sld [smem:$0x0];
	_ =	sdelay $0x2  }
0xb8: {  	s31 =	sshll.u32 s1, $0xD;
	s1 =	sshrl.u32 s1, $0x2  }
0xb9: {  	s3 =	sand.u32 $0x4000, s31;
	s1 =	sadd.s32 s1, s30  }
0xba: {  	s0 =	sor.u32 s3, s0;
	s1 =	sshll.u32 s1, $0x11  }
0xbb: {  	s0 =	sor.u32 s1, s0  }
0xbc: {  	s0 =	sadd.s32 $0x8F2B, s0  }
0xbd: {  	[sflag:s0] =	ssyncadd.remote.s32 $0x1  }
0xbe: {  	_ =	sfence.sel $0xFFFF  }
0xbf: {  	[dreg:$0x0] =	wrdreg $0xFFFFFFFF;
	(pc) =	sbr.abs _section_cstart, $3  }
0xc0: {  	[dreg:$0x1] =	wrdreg $0xFFFFFFFF  }
0xc1: {  	_ =	task.clear_ibuf [dreg:s7], $0x2FFFF;
	_ =	strace $0x9FFFFFFF  }
0xc2: {  	(tm) =	ssettm $0x7FFFFFFF  }
0xc3: {  	_ =	shalt  }
tec
execute0_lowered:
.L_overlay_start_1:
0x0: {  	(tag) =	ssettag $0x1  }
0x1: {  	s0 =	rddreg [dreg:$0x0];
	s1 =	simm.s32 $0x0  }
0x2: {  	s25 =	srdreg.scid;
	s3 =	stileid.u32;
	s9 =	simm.s32 $0x3  }
0x3: {  	s10 =	simm.s32 $0x200;
	s11 =	simm.s32 $0x50;
	s12 =	simm.s32 $0x400  }
0x4: {  	s13 =	simm.s32 $0x2C00;
	s14 =	simm.s32 $0xA0;
	s15 =	simm.s32 $0x5400  }
0x5: {  	s16 =	simm.s32 $0xF0;
	s17 =	simm.s32 $0x7C00;
	s18 =	simm.s32 $0x140  }
0x6: {  	s19 =	simm.s32 $0xA400;
	s20 =	simm.s32 $0xCC00;
	s21 =	simm.s32 $0x250  }
0x7: {  	s22 =	simm.s32 $0xF400;
	s23 =	simm.s32 $0x2A0;
	s24 =	simm.s32 $0x11C00  }
0x8: {  	s28 =	simm.s32 $0x340;
	s29 =	simm.s32 $0x16C00;
	s30 =	simm.s32 $0x1  }
0x9: {  	s31 =	simm.s32 $0x2;
	[smem:$0x7FF] =	sst s1;
	s1 =	sand.u32 $0x1, s25  }
0xa: {  	s4 =	sadd.s32 $0x10E00, s0;
	s6 =	sshll.u32 s3, $0x1;
	s2 =	ssub.s32 $0x2, s1  }
0xb: {  	s5 =	sadd.s32 $0x7000, s0;
	s25 =	simm.s32 $0x2F0;
	s7 =	sshrl.u32 s2, $0x1  }
0xc: {  	_ =	strace $0x8000004D;
	s1 =	sor.u32 s1, s6;
	s26 =	ssub.s32 s2, s7  }
0xd: {  	s6 =	sadd.s32 $0x9FC000, s0;
	s7 =	smul.u32 $0x2710, s1;
	s0 =	smax.u32 s26, $0x1  }
0xe: {  	s1 =	simm.s32 $0x0;
	s26 =	simm.s32 $0x14400;
	[dreg:$0x3] =	wrdreg s0  }
.LBB2_1:
0xf: {  	[dreg:$0x4] =	wrdreg s1;
	s2 =	simm.s32 $0x0  }
.LBB2_2:
0x10: {  	s0 =	smul.u32 $0x190, s2;
	_ =	sdelay $0x1  }
0x11: {  	s8 =	sadd.s32 s7, s0  }
0x12: {  	s0 =	sshrl.u32 s8, $0x3  }
0x13: {  	s3 =	simm.s32 $0x0;
	s1 =	sadd.s32 s5, s0  }
0x14: {  	[tilespmem:s3], [sflag:$0x3] =	stream.linear.gather [hbm4b:s1+s3], $0x190, $0x38;
	[tilespmem:$0x19400] =	vst v63  }
0x15: {  	_ =	swait.ge [sflag:s9], $0x190  }
0x16: {  	[sflag:s9] =	ssyncset.done $0x0  }
0x17: {  	[sflag:s9] =	ssyncadd.s32 $0xFFFFFE70  }
0x18: {  	s1 =	rddreg [dreg:$0x1]  }
0x19: {  	s0 =	sadd.s32 s1, s0  }
0x1a: {  	[tilespmem:s10], [sflag:$0x3] =	stream.linear.gather [hbm4b:s0+s3], $0x190, $0x38;
	[tilespmem:$0x19400] =	vst v63  }
0x1b: {  	_ =	swait.ge [sflag:s9], $0x190  }
0x1c: {  	[sflag:s9] =	ssyncset.done $0x0  }
0x1d: {  	[sflag:s9] =	ssyncadd.s32 $0xFFFFFE70  }
0x1e: {  	[tilespmem:s12], [sflag:$0x1] =	stream.indirect.gather [hbm4b:s4+s11], $0x80, s3, s11, $0xb8;
	[tilespmem:$0x19400] =	vst v63  }
0x1f: {  	_ = 	snop  }
0x20: {  	[tilespmem:s13], [sflag:$0x1] =	stream.indirect.gather [hbm4b:s4+s11], $0x80, s11, s11, $0xb8;
	[tilespmem:$0x19400] =	vst v63  }
0x21: {  	_ = 	snop  }
0x22: {  	[tilespmem:s15], [sflag:$0x1] =	stream.indirect.gather [hbm4b:s4+s11], $0x80, s14, s11, $0xb8;
	[tilespmem:$0x19400] =	vst v63  }
0x23: {  	_ = 	snop  }
0x24: {  	[tilespmem:s17], [sflag:$0x1] =	stream.indirect.gather [hbm4b:s4+s11], $0x80, s16, s11, $0xb8;
	[tilespmem:$0x19400] =	vst v63  }
0x25: {  	_ = 	snop  }
0x26: {  	[tilespmem:s19], [sflag:$0x1] =	stream.indirect.gather [hbm4b:s4+s11], $0x80, s18, s11, $0xb8;
	[tilespmem:$0x19400] =	vst v63  }
0x27: {  	_ = 	snop  }
0x28: {  	[tilespmem:s20], [sflag:$0x2] =	stream.indirect.gather [hbm4b:s4+s11], $0x80, s10, s11, $0xb8;
	[tilespmem:$0x19400] =	vst v63  }
0x29: {  	_ = 	snop  }
0x2a: {  	[tilespmem:s22], [sflag:$0x2] =	stream.indirect.gather [hbm4b:s4+s11], $0x80, s21, s11, $0xb8;
	[tilespmem:$0x19400] =	vst v63  }
0x2b: {  	_ = 	snop  }
0x2c: {  	[tilespmem:s24], [sflag:$0x2] =	stream.indirect.gather [hbm4b:s4+s11], $0x80, s23, s11, $0xb8;
	[tilespmem:$0x19400] =	vst v63  }
0x2d: {  	_ = 	snop  }
0x2e: {  	[tilespmem:s26], [sflag:$0x2] =	stream.indirect.gather [hbm4b:s4+s11], $0x80, s25, s11, $0xb8;
	[tilespmem:$0x19400] =	vst v63  }
0x2f: {  	_ = 	snop  }
0x30: {  	[tilespmem:s29], [sflag:$0x2] =	stream.indirect.gather [hbm4b:s4+s11], $0x80, s28, s11, $0xb8;
	[tilespmem:$0x19400] =	vst v63  }
0x31: {  	_ =	swait.ge [sflag:s30], $0x2800  }
0x32: {  	[sflag:s30] =	ssyncset.done $0x0  }
0x33: {  	[sflag:s30] =	ssyncadd.s32 $0xFFFFD800  }
0x34: {  	_ =	swait.ge [sflag:s30], $0x2800  }
0x35: {  	[sflag:s30] =	ssyncset.done $0x0  }
0x36: {  	[sflag:s30] =	ssyncadd.s32 $0xFFFFD800  }
0x37: {  	_ =	swait.ge [sflag:s30], $0x2800  }
0x38: {  	[sflag:s30] =	ssyncset.done $0x0  }
0x39: {  	[sflag:s30] =	ssyncadd.s32 $0xFFFFD800  }
0x3a: {  	_ =	swait.ge [sflag:s30], $0x2800  }
0x3b: {  	[sflag:s30] =	ssyncset.done $0x0  }
0x3c: {  	[sflag:s30] =	ssyncadd.s32 $0xFFFFD800  }
0x3d: {  	_ =	swait.ge [sflag:s30], $0x2800  }
0x3e: {  	[sflag:s30] =	ssyncset.done $0x0  }
0x3f: {  	[sflag:s30] =	ssyncadd.s32 $0xFFFFD800  }
0x40: {  	_ =	swait.ge [sflag:s31], $0x2800  }
0x41: {  	[sflag:s31] =	ssyncset.done $0x0  }
0x42: {  	[sflag:s31] =	ssyncadd.s32 $0xFFFFD800  }
0x43: {  	_ =	swait.ge [sflag:s31], $0x2800  }
0x44: {  	[sflag:s31] =	ssyncset.done $0x0  }
0x45: {  	[sflag:s31] =	ssyncadd.s32 $0xFFFFD800  }
0x46: {  	_ =	swait.ge [sflag:s31], $0x2800  }
0x47: {  	[sflag:s31] =	ssyncset.done $0x0  }
0x48: {  	[sflag:s31] =	ssyncadd.s32 $0xFFFFD800  }
0x49: {  	_ =	swait.ge [sflag:s31], $0x2800  }
0x4a: {  	[sflag:s31] =	ssyncset.done $0x0  }
0x4b: {  	[sflag:s31] =	ssyncadd.s32 $0xFFFFD800  }
0x4c: {  	_ =	swait.ge [sflag:s31], $0x2800  }
0x4d: {  	[sflag:s31] =	ssyncset.done $0x0  }
0x4e: {  	s0 =	simm.s32 $0x0;
	[sflag:s31] =	ssyncadd.s32 $0xFFFFD800  }
0x4f: {  	v0 =	vld [tilespmem:s0+$0xCC70]  }
0x50: {  	v1 =	vld [tilespmem:s0+$0xCC40]  }
0x51: {  	v2 =	vld [tilespmem:s0+$0xCC50]  }
0x52: {  	s1 =	simm.s32 $0x200;
	v3 =	vld [tilespmem:s0+$0xCC60]  }
.LBB2_3:
0x53: {  	p0 =	sne.s32 s1, $0x31E00  }
.Ltmp0:
0x54: {  	s3 =	sshra.s32 s1, $0x2;
	s1 =	sadd.s32 $0x200, s1;
	[tilespmem:s0+$0x470] =	vst v0;
	(pc) =	sbr.rel @p0 .LBB2_3-.Ltmp0, $4  }
0x55: {  	v0 =	vld [tilespmem:s3+$0xCC70];
	[tilespmem:s0+$0x440] =	vst v1  }
0x56: {  	v1 =	vld [tilespmem:s3+$0xCC40];
	[tilespmem:s0+$0x450] =	vst v2  }
0x57: {  	v2 =	vld [tilespmem:s3+$0xCC50];
	[tilespmem:s0+$0x460] =	vst v3;
	s0 =	smov.u32 s3  }
0x58: {  	v3 =	vld [tilespmem:s0+$0xCC60]  }
0x59: {  	_ = 	snop  }
0x5a: {  	[tilespmem:s0+$0x470] =	vst v0  }
0x5b: {  	s2 =	sadd.s32 $0x1, s2;
	[tilespmem:s0+$0x440] =	vst v1  }
0x5c: {  	s1 =	sshll.u32 s8, $0x4;
	p0 =	sne.s32 s2, $0x19;
	[tilespmem:s0+$0x450] =	vst v2  }
.Ltmp1:
0x5d: {  	s8 =	simm.s32 $0x0;
	s3 =	sadd.s32 s6, s1;
	[tilespmem:s0+$0x460] =	vst v3;
	(pc) =	sbr.rel @p0 .LBB2_2-.Ltmp1, $4  }
0x5e: {  	[hbm4b:s3+s8] =	stream.linear.scatter [tilespmem:s12], [sflag:$0x3], $0xC800, $0x38;
	[tilespmem:$0x19400] =	vst v63  }
0x5f: {  	_ =	swait.ge [sflag:s9], $0xC800  }
0x60: {  	[sflag:s9] =	ssyncset.done $0x0  }
0x61: {  	[sflag:s9] =	ssyncadd.s32 $0xFFFF3800  }
0x62: {  	s1 =	rddreg [dreg:$0x4]  }
0x63: {  	s0 =	rddreg [dreg:$0x3];
	s1 =	sadd.s32 $0x1, s1  }
0x64: {  	p0 =	sne.s32 s1, s0  }
.Ltmp2:
0x65: {  	_ = 	snop;
	(pc) =	sbr.rel @p0 .LBB2_1-.Ltmp2, $1  }
0x66: {  	_ =	sdelay $0x3  }
0x67: {  	_ =	sfence.sel $0x180000  }
0x68: {  	[bflag:$0x0] =	sbarrier.arrive $0xFFFF  }
0x69: {  	_ =	strace $0x9000004D  }
0x6a: {  	s0 =	stileid.u32;
	[bflag:$0x2] =	sbarrier.arrive $0xFFFF  }
0x6b: {  	p0 =	sne.s32 s0, $0x0;
	s0 =	rddreg [dreg:$0x2]  }
0x6c: {  	s0 =	sadd.s32 @!p0 $0x100000, s0  }
0x6d: {  	[sflag:s0] =	ssyncadd.tile.s32 @!p0 $0x1;
	_ =	shalt  }
.Lfunc_end2:
_tile_overlayer_lowered:
.L_overlay_start_2:
0x6e: {  	(tag) =	ssettag $0x2  }
0x6f: {  	s0 =	rddreg [dreg:$0x0];
	s2 =	stileid.u32  }
0x70: {  	s1 =	rddreg [dreg:$0x1];
	p0 =	sne.s32 s2, $0x0  }
0x71: {  	s3 =	rddreg [dreg:$0x2];
	[bflag:$0x3] =	sbarrier.arrive $0xFFFF;
	s2 =	simm.s32 @!p0 $0x1C03  }
0x72: {  	[timem:s3], [sflag:s2] =	dma.local @!p0 [hbm:s0], s1  }
0x73: {  	s0 =	simm.s32 @!p0 $0x3  }
0x74: {  	_ =	swait.ge @!p0 [sflag:s0], s1  }
0x75: {  	s1 =	ssub.s32 @!p0 $0x0, s1;
	[sflag:s0] =	ssyncset.done @!p0 $0x0  }
0x76: {  	[sflag:s0] =	ssyncadd.s32 @!p0 s1  }
0x77: {  	[bflag:$0x3] =	sbarrier.arrive $0xFFFF  }
0x78: {  	_ =	shalt  }

// kernel: kernel.26.cloned.1.call-start
scs
__scs_entry_jumppad:
0x0: {  	(pc) =	sbr.rel $0x88, $3  }
0x1: {  	(tag) =	ssettag $0x0;
	lr =	simm.s32 $0x1  }
0x2: {  	[smem:$0x3F78] =	sst lr;
	_ =	strace $0xD0000000  }
0x3: {  	_ = 	snop  }
0x4: {  	_ = 	snop  }
0x5: {  	_ = 	snop  }
0x6: {  	_ = 	snop  }
0x7: {  	_ = 	snop  }
__scs_overlays_trampoline_lowered:
0x8: {  	[smem:$0x3F87] =	sst s0  }
0x9: {  	[smem:$0x3F88] =	sst s1  }
0xa: {  	[smem:$0x3F89] =	sst s2  }
0xb: {  	[smem:$0x3F8A] =	sst s3  }
0xc: {  	[smem:$0x3F8B] =	sst s4  }
0xd: {  	[smem:$0x3F8C] =	sst s5  }
0xe: {  	[smem:$0x3F8D] =	sst s6  }
0xf: {  	[smem:$0x3F8E] =	sst s7  }
0x10: {  	[smem:$0x3F8F] =	sst s8  }
0x11: {  	[smem:$0x3F90] =	sst s9;
	s0 =	simm.s32 @!p0 $0x0  }
0x12: {  	s1 =	sld [smem:$0x3F76];
	s0 =	simm.s32 @p0 $0x1  }
0x13: {  	[smem:$0x3F91] =	sst s0;
	s0 =	simm.s32 @!p1 $0x0  }
0x14: {  	s2 =	sld [smem:$0x3F75];
	s0 =	simm.s32 @p1 $0x1  }
0x15: {  	[smem:$0x3F92] =	sst s0;
	s0 =	simm.s32 @!p2 $0x0  }
0x16: {  	s3 =	sld [smem:$0x3FDB];
	s0 =	simm.s32 @p2 $0x1  }
0x17: {  	s4 =	simm.s32 $0x1BF5;
	[smem:$0x3F94] =	sst s0  }
0x18: {  	s0 =	sld [smem:$0x3F77];
	_ =	swait.ge [sflag:s4], $0x0  }
0x19: {  	s7 =	sld [smem:$0x3F78]  }
0x1a: {  	s8 =	sadd.s32 $0xFFFFE003, lr  }
0x1b: {  	s9 =	sadd.s32 $0xFFFFFEF7, lr;
	s5 =	simm.s32 $0xFFFFFFFF;
	p2 =	slt.u32 s8, $0xFFFFF086  }
0x1c: {  	p1 =	slt.u32 s9, $0xF7A;
	s5 =	simm.s32 @!p2 $0x0  }
0x1d: {  	s5 =	simm.s32 @p1 $0x1;
	p0 =	seq.s32 s7, s2  }
0x1e: {  	s7 =	smul.u32 @!p0 $0xF7A, s2;
	p2 =	seq.s32 @!p0 s5, $0x0  }
0x1f: {  	s9 =	smul.u32 $0xF7A, s1;
	s8 =	simm.s32 @!p0 $0x1BF5;
	p2 =	por !p2, p0  }
0x20: {  	[sflag:s8] =	ssyncset.s32 @!p0 $0xFFFFF086;
	s6 =	sadd.s32 @!p0 s3, s7;
	s7 =	simm.s32 @!p0 $0x108  }
0x21: {  	s3 =	sadd.s32 s3, s9;
	s6 =	sadd.s32 @!p0 $0x88, s6;
	s7 =	simm.s32 @p2 $0x1082  }
0x22: {  	[simem:s7], [sflag:s8] =	dma.local @!p0 [hbm:s6], $0xF7A  }
0x23: {  	s9 =	sor.u32 $0xD0000000, s2;
	s6 =	simm.s32 $0x108;
	_ =	swait.ge @!p0 [sflag:s8], $0x0  }
0x24: {  	s3 =	sadd.s32 $0x88, s3;
	s6 =	simm.s32 @!p1 $0x1082;
	[sflag:s4] =	ssyncset.s32 $0xFFFFF086  }
0x25: {  	[simem:s6], [sflag:s4] =	dma.local [hbm:s3], $0xF7A  }
0x26: {  	[smem:$0x3F78] =	sst s1;
	(tag) =	ssettag s2;
	_ =	strace s9  }
0x27: {  	s1 =	sld [smem:$0x3F88]  }
0x28: {  	s2 =	sld [smem:$0x3F89]  }
0x29: {  	s4 =	sld [smem:$0x3F8B]  }
0x2a: {  	p0 =	seq.s32 s5, $0x0;
	s5 =	sld [smem:$0x3F8C]  }
0x2b: {  	s6 =	sld [smem:$0x3F8D]  }
0x2c: {  	s7 =	sld [smem:$0x3F8E]  }
0x2d: {  	s3 =	simm.s32 $0x108;
	s8 =	sld [smem:$0x3F8F]  }
0x2e: {  	s3 =	simm.s32 @!p0 $0x1082;
	s9 =	sld [smem:$0x3F90]  }
0x2f: {  	lr =	sadd.s32 s0, s3;
	s0 =	sld [smem:$0x3F87]  }
0x30: {  	s3 =	sld [smem:$0x3F8A]  }
0x31: {  	[smem:$0x3F93] =	sst s10  }
0x32: {  	s10 =	sld [smem:$0x3F91];
	_ =	sdelay $0x3  }
0x33: {  	p0 =	seq.s32 s10, $0x1;
	s10 =	sld [smem:$0x3F93];
	_ =	sdelay $0x3  }
0x34: {  	[smem:$0x3F93] =	sst s10  }
0x35: {  	s10 =	sld [smem:$0x3F92];
	_ =	sdelay $0x3  }
0x36: {  	p1 =	seq.s32 s10, $0x1;
	s10 =	sld [smem:$0x3F93];
	_ =	sdelay $0x3  }
0x37: {  	[smem:$0x3F93] =	sst s10  }
0x38: {  	s10 =	sld [smem:$0x3F94]  }
0x39: {  	_ = 	snop;
	(pc) =	sbr.ind lr, $3  }
0x3a: {  	_ = 	snop  }
0x3b: {  	_ = 	snop  }
0x3c: {  	p2 =	seq.s32 s10, $0x1;
	s10 =	sld [smem:$0x3F93]  }
0x3d: {  	_ =	shalt  }
0x3e: {  	_ =	shalt  }
0x3f: {  	_ =	shalt  }
0x40: {  	_ =	shalt  }
0x41: {  	_ =	shalt  }
0x42: {  	_ =	shalt  }
0x43: {  	_ =	shalt  }
0x44: {  	_ =	shalt  }
0x45: {  	_ =	shalt  }
0x46: {  	_ =	shalt  }
0x47: {  	_ =	shalt  }
0x48: {  	_ =	shalt  }
0x49: {  	_ =	shalt  }
0x4a: {  	_ =	shalt  }
0x4b: {  	_ =	shalt  }
0x4c: {  	_ =	shalt  }
0x4d: {  	_ =	shalt  }
0x4e: {  	_ =	shalt  }
0x4f: {  	_ =	shalt  }
0x50: {  	_ =	shalt  }
0x51: {  	_ =	shalt  }
0x52: {  	_ =	shalt  }
0x53: {  	_ =	shalt  }
0x54: {  	_ =	shalt  }
0x55: {  	_ =	shalt  }
0x56: {  	_ =	shalt  }
0x57: {  	_ =	shalt  }
0x58: {  	_ =	shalt  }
0x59: {  	_ =	shalt  }
0x5a: {  	_ =	shalt  }
0x5b: {  	_ =	shalt  }
0x5c: {  	_ =	shalt  }
0x5d: {  	_ =	shalt  }
0x5e: {  	_ =	shalt  }
0x5f: {  	_ =	shalt  }
0x60: {  	_ =	shalt  }
0x61: {  	_ =	shalt  }
0x62: {  	_ =	shalt  }
0x63: {  	_ =	shalt  }
0x64: {  	_ =	shalt  }
0x65: {  	_ =	shalt  }
0x66: {  	_ =	shalt  }
0x67: {  	_ =	shalt  }
0x68: {  	_ =	shalt  }
0x69: {  	_ =	shalt  }
0x6a: {  	_ =	shalt  }
0x6b: {  	_ =	shalt  }
0x6c: {  	_ =	shalt  }
0x6d: {  	_ =	shalt  }
0x6e: {  	_ =	shalt  }
0x6f: {  	_ =	shalt  }
0x70: {  	_ =	shalt  }
0x71: {  	_ =	shalt  }
0x72: {  	_ =	shalt  }
0x73: {  	_ =	shalt  }
0x74: {  	_ =	shalt  }
0x75: {  	_ =	shalt  }
0x76: {  	_ =	shalt  }
0x77: {  	_ =	shalt  }
0x78: {  	_ =	shalt  }
0x79: {  	_ =	shalt  }
0x7a: {  	_ =	shalt  }
0x7b: {  	_ =	shalt  }
0x7c: {  	_ =	shalt  }
0x7d: {  	_ =	shalt  }
0x7e: {  	_ =	shalt  }
0x7f: {  	_ =	shalt  }
0x80: {  	_ =	shalt  }
0x81: {  	_ =	shalt  }
0x82: {  	_ =	shalt  }
0x83: {  	_ =	shalt  }
0x84: {  	_ =	shalt  }
0x85: {  	_ =	shalt  }
0x86: {  	_ =	shalt  }
0x87: {  	_ =	shalt  }
.Lfunc_end0:
.L_simem_size_0:
called_computation.3_lowered:
.L_overlay_start_0:
0x88: {  	s2 =	sld [smem:$0x3FD9]  }
0x89: {  	s3 =	sld [smem:$0x3FFE];
	_ =	sdelay $0x1  }
0x8a: {  	s1 =	srdreg.scid  }
0x8b: {  	s0 =	sand.u32 $0x1, s1  }
0x8c: {  	s17 =	sshll.u32 s0, $0xA;
	s2 =	sadd.s32 s3, s2  }
0x8d: {  	s2 =	sadd.s32 s2, s17  }
0x8e: {  	[smem:$0x3F9F] =	sst s2  }
0x8f: {  	_ = 	snop  }
0x90: {  	s2 =	sld [smem:$0x3FD0];
	(tm) =	ssettm $0x1  }
0x91: {  	s18 =	sld [smem:$0x3FFB];
	_ =	sdelay $0x3  }
0x92: {  	_ =	strace s18  }
0x93: {  	s3 =	sld [smem:$0x3FFC];
	_ =	sdelay $0x3  }
0x94: {  	_ =	strace s3  }
0x95: {  	s3 =	sld [smem:$0x3FFD];
	_ =	sdelay $0x3  }
0x96: {  	_ =	strace s3  }
0x97: {  	_ =	strace $0x8FFFFFFF  }
0x98: {  	s19 =	sld [smem:$0x3FDB];
	_ =	sdelay $0x1  }
0x99: {  	s4 =	simm.s32 $_scs_section_size  }
0x9a: {  	s5 =	simm.s32 $_size__tile_overlayer_lowered;
	s6 =	simm.s32 $_tile_overlayer_lowered  }
0x9b: {  	s22 =	simm.s32 $0x1BFF;
	s21 =	sshll.u32 s6, $0x1;
	s3 =	sadd.s32 s4, s19  }
0x9c: {  	s7 =	simm.s32 $0x0;
	s20 =	sshll.u32 s5, $0x1;
	s5 =	sadd.s32 s21, s3  }
0x9d: {  	[timem:s7], [sflag:s22] =	dma.local [hbm:s5], s20  }
0x9e: {  	_ =	swait.ge [sflag:s22], s20  }
0x9f: {  	s4 =	ssub.s32 $0x0, s20;
	[sflag:s22] =	ssyncset.done $0x0  }
0xa0: {  	[sflag:s22] =	ssyncadd.s32 s4;
	_ =	sdelay $0x1  }
0xa1: {  	s23 =	simm.s32 $0x1B8B  }
0xa2: {  	_ =	swait.ge [sflag:s23], $0x1  }
0xa3: {  	[sflag:s23] =	ssyncset.done $0x0  }
0xa4: {  	s25 =	simm.s32 $0x1B8E;
	s24 =	sld [smem:$0x3FFE];
	[sflag:s23] =	ssyncadd.s32 $0xFFFFFFFF  }
0xa5: {  	s26 =	simm.s32 $execute0_lowered;
	[smem:$0x3FD2] =	sst s25  }
0xa6: {  	s5 =	sshll.u32 s26, $0x1;
	_ =	strace $0x8000004F;
	[dreg:$0x1] =	wrdreg $0xFFFFFFFF  }
0xa7: {  	s28 =	simm.s32 $_size_execute0_lowered;
	s3 =	sadd.s32 s3, s5;
	[dreg:$0x0] =	wrdreg $0x0  }
0xa8: {  	s5 =	sshll.u32 s28, $0x1;
	[dreg:$0x2] =	wrdreg s3  }
0xa9: {  	[dreg:$0x3] =	wrdreg s5  }
0xaa: {  	[dreg:$0x4] =	wrdreg $0xC0  }
0xab: {  	_ =	task [dreg:s7], $0x5FFFF  }
0xac: {  	[dreg:$0x1] =	wrdreg $0xFFFFFFFF  }
0xad: {  	[dreg:$0x0] =	wrdreg $0x60  }
0xae: {  	[dreg:$0x2] =	wrdreg s24  }
0xaf: {  	[dreg:$0x3] =	wrdreg s2  }
0xb0: {  	[dreg:$0x4] =	wrdreg $0x0  }
0xb1: {  	[dreg:$0x5] =	wrdreg $0x9  }
0xb2: {  	_ =	task.clear_ibuf [dreg:s7], $0x6FFFF;
	_ =	strace $0x9000004F  }
0xb3: {  	s29 =	simm.s32 $0x9;
	_ =	strace $0x80000051  }
0xb4: {  	_ =	swait.ge [sflag:s29], $0x1  }
0xb5: {  	[sflag:s29] =	ssyncadd.s32 $0xFFFFFFFF  }
0xb6: {  	_ =	strace $0x90000051  }
0xb7: {  	_ =	sfence  }
0xb8: {  	s30 =	sld [smem:$0x0];
	_ =	sdelay $0x2  }
0xb9: {  	s31 =	sshll.u32 s1, $0xD;
	s1 =	sshrl.u32 s1, $0x2  }
0xba: {  	s3 =	sand.u32 $0x4000, s31;
	s1 =	sadd.s32 s1, s30  }
0xbb: {  	s0 =	sor.u32 s3, s0;
	s1 =	sshll.u32 s1, $0x11  }
0xbc: {  	s0 =	sor.u32 s1, s0  }
0xbd: {  	s0 =	sadd.s32 $0x8F2B, s0  }
0xbe: {  	[sflag:s0] =	ssyncadd.remote.s32 $0x1  }
0xbf: {  	_ =	sfence.sel $0xFFFF  }
0xc0: {  	[dreg:$0x0] =	wrdreg $0xFFFFFFFF;
	(pc) =	sbr.abs _section_cstart, $3  }
0xc1: {  	[dreg:$0x1] =	wrdreg $0xFFFFFFFF  }
0xc2: {  	_ =	task.clear_ibuf [dreg:s7], $0x2FFFF;
	_ =	strace $0x9FFFFFFF  }
0xc3: {  	(tm) =	ssettm $0x7FFFFFFF  }
tec
execute0_lowered:
.L_overlay_start_1:
0x0: {  	(tag) =	ssettag $0x1  }
0x1: {  	s4 =	rddreg [dreg:$0x0]  }
0x2: {  	s7 =	rddreg [dreg:$0x1]  }
0x3: {  	s1 =	rddreg [dreg:$0x2]  }
0x4: {  	s0 =	rddreg [dreg:$0x3];
	s2 =	simm.s32 $0x0  }
0x5: {  	s6 =	stileid.u32;
	s5 =	srdreg.scid;
	s12 =	simm.s32 $0x50  }
0x6: {  	s13 =	simm.s32 $0x16680;
	s14 =	simm.s32 $0x16700;
	s15 =	simm.s32 $0xC680  }
0x7: {  	s16 =	simm.s32 $0x16780;
	s17 =	simm.s32 $0xEE80;
	s18 =	simm.s32 $0x16800  }
0x8: {  	s19 =	simm.s32 $0x11680;
	s20 =	simm.s32 $0x16880;
	s22 =	simm.s32 $0x1  }
0x9: {  	s23 =	simm.s32 $0x0;
	[smem:$0x7FF] =	sst s2;
	s3 =	smul.u32 $0x4E200, s6  }
0xa: {  	s5 =	sand.u32 $0x1, s5;
	s31 =	smul.u32 $0x9C4, s6;
	p0 =	sne.s32 s6, $0x0  }
0xb: {  	_ =	strace $0x80000050;
	s9 =	smul.u32 $0x13880, s5;
	s10 =	ssub.s32 $0x2, s5  }
0xc: {  	s21 =	smul.u32 $0x1388, s5;
	s8 =	sadd.s32 s3, s4;
	s3 =	sadd.s32 $0x38000, s4  }
0xd: {  	s11 =	sshrl.u32 s10, $0x1;
	s7 =	sadd.s32 s31, s7;
	s4 =	sadd.s32 s9, s4  }
0xe: {  	s30 =	ssub.s32 s10, s11;
	s6 =	sadd.s32 $0xEDE000, s8;
	s8 =	sshrl.u32 @!p0 s1, $0x3  }
0xf: {  	s9 =	simm.s32 $0x9C80;
	s10 =	simm.s32 $0x2;
	s11 =	simm.s32 $0x9E80  }
0x10: {  	v0 =	vmov s21;
	s21 =	simm.s32 $0x13E80;
	s4 =	sadd.s32 $0x4BA00, s4;
	s5 =	smax.u32 s30, $0x1  }
.LBB2_1:
0x11: {  	s24 =	simm.s32 @!p0 $0x1C02  }
0x12: {  	[spmem:s8], [sflag:s24] =	dma.local @!p0 [hbm:s3], $0x13900  }
0x13: {  	s24 =	simm.s32 @!p0 $0x2  }
0x14: {  	_ =	swait.ge @!p0 [sflag:s24], $0x13900  }
0x15: {  	[sflag:s24] =	ssyncset.done @!p0 $0x0  }
0x16: {  	[sflag:s24] =	ssyncadd.s32 @!p0 $0xFFFEC700  }
0x17: {  	s31 =	sadd.s32 $0x0, s7;
	[bflag:$0x0] =	sbarrier.arrive $0xFFFF  }
0x18: {  	[tilespmem:s9], [sflag:$0x2] =	stream.linear.gather [hbm4b:s31+s2], $0x190, $0x38;
	[tilespmem:$0x16900] =	vst v63  }
0x19: {  	_ =	swait.ge [sflag:s10], $0x190  }
0x1a: {  	[sflag:s10] =	ssyncset.done $0x0  }
0x1b: {  	[sflag:s10] =	ssyncadd.s32 $0xFFFFFE70  }
0x1c: {  	[tilespmem:s11], [sflag:$0x2] =	stream.linear.gather [hbm4b:s6+s2], $0xC800, $0x38;
	[tilespmem:$0x16900] =	vst v63  }
0x1d: {  	_ =	swait.ge [sflag:s10], $0xC800  }
0x1e: {  	[sflag:s10] =	ssyncset.done $0x0  }
0x1f: {  	[sflag:s10] =	ssyncadd.s32 $0xFFFF3800  }
0x20: {  	v1 =	vld [tilespmem:$0x9E00]  }
0x21: {  	v2 =	vld [tilespmem:$0x9D30]  }
0x22: {  	v3 =	vld [tilespmem:$0x9DE0]  }
0x23: {  	v4 =	vld [tilespmem:$0x9DD0]  }
0x24: {  	v5 =	vld [tilespmem:$0x9DC0]  }
0x25: {  	v6 =	vld [tilespmem:$0x9DA0]  }
0x26: {  	v7 =	vld [tilespmem:$0x9D90];
	v1 =	vsub.s32 v1, v0  }
0x27: {  	v8 =	vld [tilespmem:$0x9D80];
	v2 =	vsub.s32 v2, v0;
	v1 =	vmin.u32 v1, $0x1388  }
0x28: {  	v54 =	vld [tilespmem:$0x9D20];
	v3 =	vsub.s32 v3, v0;
	v2 =	vmin.u32 v2, $0x1388;
	[tilespmem:$0x168C0] =	vst v1  }
0x29: {  	v5 =	vsub.s32 v5, v0;
	v3 =	vmin.u32 v3, $0x1388;
	[tilespmem:$0x16790] =	vst v2  }
0x2a: {  	v6 =	vsub.s32 v6, v0;
	v5 =	vmin.u32 v5, $0x1388;
	v1 =	vld [tilespmem:$0x9D60];
	[tilespmem:$0x168A0] =	vst v3  }
0x2b: {  	v51 =	vld [tilespmem:$0x9D70];
	v7 =	vsub.s32 v7, v0;
	v6 =	vmin.u32 v6, $0x1388;
	[tilespmem:$0x16880] =	vst v5  }
0x2c: {  	v55 =	vld [tilespmem:$0x9D10];
	v7 =	vmin.u32 v7, $0x1388;
	v2 =	vsub.s32 v4, v0;
	[tilespmem:$0x16830] =	vst v6  }
0x2d: {  	v52 =	vsub.s32 v8, v0;
	v8 =	vsub.s32 v54, v0;
	v3 =	vld [tilespmem:$0x9D50];
	[tilespmem:$0x16820] =	vst v7;
	v2 =	vmin.u32 v2, $0x1388  }
0x2e: {  	v8 =	vmin.u32 v8, $0x1388;
	[tilespmem:$0x16890] =	vst v2;
	v2 =	vld [tilespmem:$0x9D40]  }
0x2f: {  	v53 =	vld [tilespmem:$0x9DF0];
	v5 =	vmin.u32 v52, $0x1388;
	[tilespmem:$0x16780] =	vst v8;
	v1 =	vsub.s32 v1, v0  }
0x30: {  	v58 =	vld [tilespmem:$0x9CD0];
	v4 =	vsub.s32 v51, v0;
	[tilespmem:$0x16810] =	vst v5;
	v1 =	vmin.u32 v1, $0x1388  }
0x31: {  	v56 =	vld [tilespmem:$0x9D00];
	v7 =	vsub.s32 v55, v0;
	[tilespmem:$0x167C0] =	vst v1;
	v1 =	vmin.u32 v4, $0x1388  }
0x32: {  	v7 =	vmin.u32 v7, $0x1388;
	v3 =	vsub.s32 v3, v0;
	[tilespmem:$0x16800] =	vst v1;
	v1 =	vld [tilespmem:$0x9CE0]  }
0x33: {  	v57 =	vld [tilespmem:$0x9CF0];
	[tilespmem:$0x16740] =	vst v7;
	v3 =	vmin.u32 v3, $0x1388;
	v2 =	vsub.s32 v2, v0  }
0x34: {  	v59 =	vld [tilespmem:$0x9CA0];
	[tilespmem:$0x167B0] =	vst v3;
	v3 =	vsub.s32 v53, v0;
	v2 =	vmin.u32 v2, $0x1388  }
0x35: {  	v6 =	vsub.s32 v58, v0;
	[tilespmem:$0x167A0] =	vst v2;
	v2 =	vmin.u32 v3, $0x1388;
	v3 =	vld [tilespmem:$0x9CC0]  }
0x36: {  	v5 =	vsub.s32 v56, v0;
	v62 =	vmin.u32 v6, $0x1388;
	[tilespmem:$0x168B0] =	vst v2;
	v2 =	vld [tilespmem:$0x9CB0]  }
0x37: {  	v60 =	vld [tilespmem:$0x9C90];
	v5 =	vmin.u32 v5, $0x1388;
	[tilespmem:$0x16700] =	vst v62;
	v1 =	vsub.s32 v1, v0  }
0x38: {  	v61 =	vld [tilespmem:$0x9C80];
	[tilespmem:$0x16730] =	vst v5;
	v4 =	vsub.s32 v57, v0;
	v1 =	vmin.u32 v1, $0x1388  }
0x39: {  	v63 =	vsub.s32 v59, v0;
	v4 =	vmin.u32 v4, $0x1388;
	[tilespmem:$0x16710] =	vst v1;
	v1 =	vld [tilespmem:$0x9DB0]  }
0x3a: {  	[tilespmem:$0x16720] =	vst v4;
	v4 =	vmin.u32 v63, $0x1388;
	v3 =	vsub.s32 v3, v0  }
0x3b: {  	[tilespmem:$0x166A0] =	vst v4;
	v2 =	vsub.s32 v2, v0;
	v3 =	vmin.u32 v3, $0x1388  }
0x3c: {  	v2 =	vmin.u32 v2, $0x1388;
	[tilespmem:$0x166C0] =	vst v3;
	v3 =	vsub.s32 v60, v0  }
0x3d: {  	[tilespmem:$0x166B0] =	vst v2;
	v2 =	vsub.s32 v61, v0;
	v3 =	vmin.u32 v3, $0x1388  }
0x3e: {  	v2 =	vmin.u32 v2, $0x1388;
	[tilespmem:$0x16690] =	vst v3;
	v1 =	vsub.s32 v1, v0  }
0x3f: {  	s25 =	smov.u32 s6;
	s24 =	simm.s32 $0x32;
	[tilespmem:$0x16680] =	vst v2;
	v1 =	vmin.u32 v1, $0x1388  }
.LBB2_2:
0x40: {  	p1 =	sne.s32 s24, $0x992  }
0x41: {  	[tilespmem:$0x16840] =	vst v1;
	s25 =	sadd.s32 $0x1900, s25;
	s26 =	smov.u32 s24;
	s24 =	sadd.s32 $0x32, s24  }
0x42: {  	[spmem:s1] =	stream.indirect.scatter.add.f32 [tilespmem:s11], [sflag:$0x1], $0x80, s13, s12, $0xb8;
	[tilespmem:$0x16900] =	vst v63  }
0x43: {  	_ = 	snop  }
0x44: {  	[spmem:s1] =	stream.indirect.scatter.add.f32 [tilespmem:s15], [sflag:$0x1], $0x80, s14, s12, $0xb8;
	[tilespmem:$0x16900] =	vst v63  }
0x45: {  	_ = 	snop  }
0x46: {  	[spmem:s1] =	stream.indirect.scatter.add.f32 [tilespmem:s17], [sflag:$0x1], $0x80, s16, s12, $0xb8;
	[tilespmem:$0x16900] =	vst v63  }
0x47: {  	_ = 	snop  }
0x48: {  	[spmem:s1] =	stream.indirect.scatter.add.f32 [tilespmem:s19], [sflag:$0x1], $0x80, s18, s12, $0xb8;
	[tilespmem:$0x16900] =	vst v63  }
0x49: {  	_ = 	snop  }
0x4a: {  	[spmem:s1] =	stream.indirect.scatter.add.f32 [tilespmem:s21], [sflag:$0x1], $0x80, s20, s12, $0xb8;
	[tilespmem:$0x16900] =	vst v63  }
0x4b: {  	_ =	swait.ge [sflag:s22], $0x2800  }
0x4c: {  	[sflag:s22] =	ssyncset.done $0x0  }
0x4d: {  	[sflag:s22] =	ssyncadd.s32 $0xFFFFD800  }
0x4e: {  	_ =	swait.ge [sflag:s22], $0x2800  }
0x4f: {  	[sflag:s22] =	ssyncset.done $0x0  }
0x50: {  	[sflag:s22] =	ssyncadd.s32 $0xFFFFD800  }
0x51: {  	_ =	swait.ge [sflag:s22], $0x2800  }
0x52: {  	[sflag:s22] =	ssyncset.done $0x0  }
0x53: {  	[sflag:s22] =	ssyncadd.s32 $0xFFFFD800  }
0x54: {  	_ =	swait.ge [sflag:s22], $0x2800  }
0x55: {  	[sflag:s22] =	ssyncset.done $0x0  }
0x56: {  	[sflag:s22] =	ssyncadd.s32 $0xFFFFD800  }
0x57: {  	_ =	swait.ge [sflag:s22], $0x2800  }
0x58: {  	[sflag:s22] =	ssyncset.done $0x0  }
0x59: {  	s26 =	sadd.s32 s26, s7;
	[sflag:s22] =	ssyncadd.s32 $0xFFFFD800  }
0x5a: {  	[tilespmem:s9], [sflag:$0x2] =	stream.linear.gather [hbm4b:s26+s2], $0x190, $0x38;
	[tilespmem:$0x16900] =	vst v63  }
0x5b: {  	_ =	swait.ge [sflag:s10], $0x190  }
0x5c: {  	[sflag:s10] =	ssyncset.done $0x0  }
0x5d: {  	[sflag:s10] =	ssyncadd.s32 $0xFFFFFE70  }
0x5e: {  	[tilespmem:s11], [sflag:$0x2] =	stream.linear.gather [hbm4b:s25+s2], $0xC800, $0x38;
	[tilespmem:$0x16900] =	vst v63  }
0x5f: {  	_ =	swait.ge [sflag:s10], $0xC800  }
0x60: {  	[sflag:s10] =	ssyncset.done $0x0  }
0x61: {  	[sflag:s10] =	ssyncadd.s32 $0xFFFF3800  }
0x62: {  	v1 =	vld [tilespmem:$0x9E00]  }
0x63: {  	v2 =	vld [tilespmem:$0x9D30]  }
0x64: {  	v3 =	vld [tilespmem:$0x9DE0]  }
0x65: {  	v4 =	vld [tilespmem:$0x9DD0]  }
0x66: {  	v5 =	vld [tilespmem:$0x9DC0]  }
0x67: {  	v6 =	vld [tilespmem:$0x9DA0];
	v1 =	vsub.s32 v1, v0  }
0x68: {  	v2 =	vsub.s32 v2, v0;
	v7 =	vld [tilespmem:$0x9D90];
	v1 =	vmin.u32 v1, $0x1388  }
0x69: {  	v2 =	vmin.u32 v2, $0x1388;
	v8 =	vld [tilespmem:$0x9D80];
	v3 =	vsub.s32 v3, v0;
	[tilespmem:$0x168C0] =	vst v1  }
0x6a: {  	[tilespmem:$0x16790] =	vst v2;
	v1 =	vld [tilespmem:$0x9D60];
	v2 =	vsub.s32 v4, v0;
	v3 =	vmin.u32 v3, $0x1388  }
0x6b: {  	v4 =	vld [tilespmem:$0x9D70];
	v5 =	vsub.s32 v5, v0;
	v2 =	vmin.u32 v2, $0x1388;
	[tilespmem:$0x168A0] =	vst v3  }
0x6c: {  	v3 =	vld [tilespmem:$0x9D50];
	v6 =	vsub.s32 v6, v0;
	v5 =	vmin.u32 v5, $0x1388;
	[tilespmem:$0x16890] =	vst v2  }
0x6d: {  	v2 =	vld [tilespmem:$0x9D40];
	v7 =	vsub.s32 v7, v0;
	v6 =	vmin.u32 v6, $0x1388;
	[tilespmem:$0x16880] =	vst v5  }
0x6e: {  	v5 =	vsub.s32 v8, v0;
	v7 =	vmin.u32 v7, $0x1388;
	[tilespmem:$0x16830] =	vst v6;
	v6 =	vld [tilespmem:$0x9DF0]  }
0x6f: {  	v8 =	vld [tilespmem:$0x9D20];
	v1 =	vsub.s32 v1, v0;
	v5 =	vmin.u32 v5, $0x1388;
	[tilespmem:$0x16820] =	vst v7  }
0x70: {  	v7 =	vld [tilespmem:$0x9D10];
	v1 =	vmin.u32 v1, $0x1388;
	v4 =	vsub.s32 v4, v0;
	[tilespmem:$0x16810] =	vst v5  }
0x71: {  	v5 =	vld [tilespmem:$0x9D00];
	v3 =	vsub.s32 v3, v0;
	[tilespmem:$0x167C0] =	vst v1;
	v1 =	vmin.u32 v4, $0x1388  }
0x72: {  	v4 =	vld [tilespmem:$0x9CF0];
	v2 =	vsub.s32 v2, v0;
	v3 =	vmin.u32 v3, $0x1388;
	[tilespmem:$0x16800] =	vst v1  }
0x73: {  	v1 =	vld [tilespmem:$0x9CE0];
	v2 =	vmin.u32 v2, $0x1388;
	[tilespmem:$0x167B0] =	vst v3;
	v3 =	vsub.s32 v6, v0  }
0x74: {  	v6 =	vld [tilespmem:$0x9CD0];
	v8 =	vsub.s32 v8, v0;
	[tilespmem:$0x167A0] =	vst v2;
	v2 =	vmin.u32 v3, $0x1388  }
0x75: {  	v3 =	vld [tilespmem:$0x9CC0];
	v7 =	vsub.s32 v7, v0;
	v8 =	vmin.u32 v8, $0x1388;
	[tilespmem:$0x168B0] =	vst v2  }
0x76: {  	v2 =	vld [tilespmem:$0x9CB0];
	v5 =	vsub.s32 v5, v0;
	v7 =	vmin.u32 v7, $0x1388;
	[tilespmem:$0x16780] =	vst v8  }
0x77: {  	v8 =	vld [tilespmem:$0x9CA0];
	v4 =	vsub.s32 v4, v0;
	v5 =	vmin.u32 v5, $0x1388;
	[tilespmem:$0x16740] =	vst v7  }
0x78: {  	v7 =	vld [tilespmem:$0x9C90];
	v1 =	vsub.s32 v1, v0;
	v4 =	vmin.u32 v4, $0x1388;
	[tilespmem:$0x16730] =	vst v5  }
0x79: {  	v5 =	vld [tilespmem:$0x9C80];
	v6 =	vsub.s32 v6, v0;
	v1 =	vmin.u32 v1, $0x1388;
	[tilespmem:$0x16720] =	vst v4  }
0x7a: {  	v3 =	vsub.s32 v3, v0;
	v4 =	vmin.u32 v6, $0x1388;
	[tilespmem:$0x16710] =	vst v1;
	v1 =	vld [tilespmem:$0x9DB0]  }
0x7b: {  	v2 =	vsub.s32 v2, v0;
	v3 =	vmin.u32 v3, $0x1388;
	[tilespmem:$0x16700] =	vst v4  }
.Ltmp0:
0x7c: {  	v4 =	vsub.s32 v8, v0;
	v2 =	vmin.u32 v2, $0x1388;
	[tilespmem:$0x166C0] =	vst v3;
	(pc) =	sbr.rel @p1 .LBB2_2-.Ltmp0, $4  }
0x7d: {  	v3 =	vsub.s32 v7, v0;
	v4 =	vmin.u32 v4, $0x1388;
	[tilespmem:$0x166B0] =	vst v2  }
0x7e: {  	v2 =	vsub.s32 v5, v0;
	v3 =	vmin.u32 v3, $0x1388;
	[tilespmem:$0x166A0] =	vst v4  }
0x7f: {  	v2 =	vmin.u32 v2, $0x1388;
	[tilespmem:$0x16690] =	vst v3;
	v1 =	vsub.s32 v1, v0  }
0x80: {  	[tilespmem:$0x16680] =	vst v2;
	v1 =	vmin.u32 v1, $0x1388  }
0x81: {  	[tilespmem:$0x16840] =	vst v1  }
0x82: {  	[spmem:s1] =	stream.indirect.scatter.add.f32 [tilespmem:s11], [sflag:$0x1], $0x80, s13, s12, $0xb8;
	[tilespmem:$0x16900] =	vst v63  }
0x83: {  	_ = 	snop  }
0x84: {  	[spmem:s1] =	stream.indirect.scatter.add.f32 [tilespmem:s15], [sflag:$0x1], $0x80, s14, s12, $0xb8;
	[tilespmem:$0x16900] =	vst v63  }
0x85: {  	_ = 	snop  }
0x86: {  	[spmem:s1] =	stream.indirect.scatter.add.f32 [tilespmem:s17], [sflag:$0x1], $0x80, s16, s12, $0xb8;
	[tilespmem:$0x16900] =	vst v63  }
0x87: {  	_ = 	snop  }
0x88: {  	[spmem:s1] =	stream.indirect.scatter.add.f32 [tilespmem:s19], [sflag:$0x1], $0x80, s18, s12, $0xb8;
	[tilespmem:$0x16900] =	vst v63  }
0x89: {  	_ = 	snop  }
0x8a: {  	[spmem:s1] =	stream.indirect.scatter.add.f32 [tilespmem:s21], [sflag:$0x1], $0x80, s20, s12, $0xb8;
	[tilespmem:$0x16900] =	vst v63  }
0x8b: {  	_ =	swait.ge [sflag:s22], $0x2800  }
0x8c: {  	[sflag:s22] =	ssyncset.done $0x0  }
0x8d: {  	[sflag:s22] =	ssyncadd.s32 $0xFFFFD800  }
0x8e: {  	_ =	swait.ge [sflag:s22], $0x2800  }
0x8f: {  	[sflag:s22] =	ssyncset.done $0x0  }
0x90: {  	[sflag:s22] =	ssyncadd.s32 $0xFFFFD800  }
0x91: {  	_ =	swait.ge [sflag:s22], $0x2800  }
0x92: {  	[sflag:s22] =	ssyncset.done $0x0  }
0x93: {  	[sflag:s22] =	ssyncadd.s32 $0xFFFFD800  }
0x94: {  	_ =	swait.ge [sflag:s22], $0x2800  }
0x95: {  	[sflag:s22] =	ssyncset.done $0x0  }
0x96: {  	[sflag:s22] =	ssyncadd.s32 $0xFFFFD800  }
0x97: {  	_ =	swait.ge [sflag:s22], $0x2800  }
0x98: {  	[sflag:s22] =	ssyncset.done $0x0  }
0x99: {  	s23 =	sadd.s32 $0x1, s23;
	[sflag:s22] =	ssyncadd.s32 $0xFFFFD800  }
0x9a: {  	s24 =	simm.s32 @!p0 $0x1C02;
	p1 =	sne.s32 s23, s5;
	[bflag:$0x0] =	sbarrier.arrive $0xFFFF  }
0x9b: {  	[hbm:s4], [sflag:s24] =	dma.local @!p0 [spmem:s8], $0x13880  }
.Ltmp1:
0x9c: {  	_ = 	snop;
	(pc) =	sbr.rel @p1 .LBB2_1-.Ltmp1, $4  }
0x9d: {  	s24 =	simm.s32 @!p0 $0x2  }
0x9e: {  	_ =	swait.ge @!p0 [sflag:s24], $0x13880  }
0x9f: {  	[sflag:s24] =	ssyncset.done @!p0 $0x0  }
0xa0: {  	[sflag:s24] =	ssyncadd.s32 @!p0 $0xFFFEC780  }
0xa1: {  	_ =	sfence.sel $0x180000  }
0xa2: {  	[bflag:$0x0] =	sbarrier.arrive $0xFFFF  }
0xa3: {  	_ =	strace $0x90000050  }
0xa4: {  	s0 =	sadd.s32 @!p0 $0x100000, s0;
	[bflag:$0x2] =	sbarrier.arrive $0xFFFF  }
0xa5: {  	[sflag:s0] =	ssyncadd.tile.s32 @!p0 $0x1;
	_ =	shalt  }
.Lfunc_end2:
_tile_overlayer_lowered:
.L_overlay_start_2:
0xa6: {  	(tag) =	ssettag $0x2  }
0xa7: {  	s0 =	rddreg [dreg:$0x0];
	s2 =	stileid.u32  }
0xa8: {  	s1 =	rddreg [dreg:$0x1];
	p0 =	sne.s32 s2, $0x0  }
0xa9: {  	s3 =	rddreg [dreg:$0x2];
	[bflag:$0x3] =	sbarrier.arrive $0xFFFF;
	s2 =	simm.s32 @!p0 $0x1C02  }
0xaa: {  	[timem:s3], [sflag:s2] =	dma.local @!p0 [hbm:s0], s1  }
0xab: {  	s0 =	simm.s32 @!p0 $0x2  }
0xac: {  	_ =	swait.ge @!p0 [sflag:s0], s1  }
0xad: {  	s1 =	ssub.s32 @!p0 $0x0, s1;
	[sflag:s0] =	ssyncset.done @!p0 $0x0  }
0xae: {  	[sflag:s0] =	ssyncadd.s32 @!p0 s1  }
0xaf: {  	[bflag:$0x3] =	sbarrier.arrive $0xFFFF  }
0xb0: {  	_ =	shalt  }

// kernel: kernel.29.cloned.1.call-start
scs
__scs_entry_jumppad:
0x0: {  	(pc) =	sbr.rel $0x88, $3  }
0x1: {  	(tag) =	ssettag $0x0;
	lr =	simm.s32 $0x1  }
0x2: {  	[smem:$0x3F78] =	sst lr;
	_ =	strace $0xD0000000  }
0x3: {  	_ = 	snop  }
0x4: {  	_ = 	snop  }
0x5: {  	_ = 	snop  }
0x6: {  	_ = 	snop  }
0x7: {  	_ = 	snop  }
__scs_overlays_trampoline_lowered:
0x8: {  	[smem:$0x3F87] =	sst s0  }
0x9: {  	[smem:$0x3F88] =	sst s1  }
0xa: {  	[smem:$0x3F89] =	sst s2  }
0xb: {  	[smem:$0x3F8A] =	sst s3  }
0xc: {  	[smem:$0x3F8B] =	sst s4  }
0xd: {  	[smem:$0x3F8C] =	sst s5  }
0xe: {  	[smem:$0x3F8D] =	sst s6  }
0xf: {  	[smem:$0x3F8E] =	sst s7  }
0x10: {  	[smem:$0x3F8F] =	sst s8  }
0x11: {  	[smem:$0x3F90] =	sst s9;
	s0 =	simm.s32 @!p0 $0x0  }
0x12: {  	s1 =	sld [smem:$0x3F76];
	s0 =	simm.s32 @p0 $0x1  }
0x13: {  	[smem:$0x3F91] =	sst s0;
	s0 =	simm.s32 @!p1 $0x0  }
0x14: {  	s2 =	sld [smem:$0x3F75];
	s0 =	simm.s32 @p1 $0x1  }
0x15: {  	[smem:$0x3F92] =	sst s0;
	s0 =	simm.s32 @!p2 $0x0  }
0x16: {  	s3 =	sld [smem:$0x3FDB];
	s0 =	simm.s32 @p2 $0x1  }
0x17: {  	s4 =	simm.s32 $0x1BF5;
	[smem:$0x3F94] =	sst s0  }
0x18: {  	s0 =	sld [smem:$0x3F77];
	_ =	swait.ge [sflag:s4], $0x0  }
0x19: {  	s7 =	sld [smem:$0x3F78]  }
0x1a: {  	s8 =	sadd.s32 $0xFFFFE003, lr  }
0x1b: {  	s9 =	sadd.s32 $0xFFFFFEF7, lr;
	s5 =	simm.s32 $0xFFFFFFFF;
	p2 =	slt.u32 s8, $0xFFFFF086  }
0x1c: {  	p1 =	slt.u32 s9, $0xF7A;
	s5 =	simm.s32 @!p2 $0x0  }
0x1d: {  	s5 =	simm.s32 @p1 $0x1;
	p0 =	seq.s32 s7, s2  }
0x1e: {  	s7 =	smul.u32 @!p0 $0xF7A, s2;
	p2 =	seq.s32 @!p0 s5, $0x0  }
0x1f: {  	s9 =	smul.u32 $0xF7A, s1;
	s8 =	simm.s32 @!p0 $0x1BF5;
	p2 =	por !p2, p0  }
0x20: {  	[sflag:s8] =	ssyncset.s32 @!p0 $0xFFFFF086;
	s6 =	sadd.s32 @!p0 s3, s7;
	s7 =	simm.s32 @!p0 $0x108  }
0x21: {  	s3 =	sadd.s32 s3, s9;
	s6 =	sadd.s32 @!p0 $0x88, s6;
	s7 =	simm.s32 @p2 $0x1082  }
0x22: {  	[simem:s7], [sflag:s8] =	dma.local @!p0 [hbm:s6], $0xF7A  }
0x23: {  	s9 =	sor.u32 $0xD0000000, s2;
	s6 =	simm.s32 $0x108;
	_ =	swait.ge @!p0 [sflag:s8], $0x0  }
0x24: {  	s3 =	sadd.s32 $0x88, s3;
	s6 =	simm.s32 @!p1 $0x1082;
	[sflag:s4] =	ssyncset.s32 $0xFFFFF086  }
0x25: {  	[simem:s6], [sflag:s4] =	dma.local [hbm:s3], $0xF7A  }
0x26: {  	[smem:$0x3F78] =	sst s1;
	(tag) =	ssettag s2;
	_ =	strace s9  }
0x27: {  	s1 =	sld [smem:$0x3F88]  }
0x28: {  	s2 =	sld [smem:$0x3F89]  }
0x29: {  	s4 =	sld [smem:$0x3F8B]  }
0x2a: {  	p0 =	seq.s32 s5, $0x0;
	s5 =	sld [smem:$0x3F8C]  }
0x2b: {  	s6 =	sld [smem:$0x3F8D]  }
0x2c: {  	s7 =	sld [smem:$0x3F8E]  }
0x2d: {  	s3 =	simm.s32 $0x108;
	s8 =	sld [smem:$0x3F8F]  }
0x2e: {  	s3 =	simm.s32 @!p0 $0x1082;
	s9 =	sld [smem:$0x3F90]  }
0x2f: {  	lr =	sadd.s32 s0, s3;
	s0 =	sld [smem:$0x3F87]  }
0x30: {  	s3 =	sld [smem:$0x3F8A]  }
0x31: {  	[smem:$0x3F93] =	sst s10  }
0x32: {  	s10 =	sld [smem:$0x3F91];
	_ =	sdelay $0x3  }
0x33: {  	p0 =	seq.s32 s10, $0x1;
	s10 =	sld [smem:$0x3F93];
	_ =	sdelay $0x3  }
0x34: {  	[smem:$0x3F93] =	sst s10  }
0x35: {  	s10 =	sld [smem:$0x3F92];
	_ =	sdelay $0x3  }
0x36: {  	p1 =	seq.s32 s10, $0x1;
	s10 =	sld [smem:$0x3F93];
	_ =	sdelay $0x3  }
0x37: {  	[smem:$0x3F93] =	sst s10  }
0x38: {  	s10 =	sld [smem:$0x3F94]  }
0x39: {  	_ = 	snop;
	(pc) =	sbr.ind lr, $3  }
0x3a: {  	_ = 	snop  }
0x3b: {  	_ = 	snop  }
0x3c: {  	p2 =	seq.s32 s10, $0x1;
	s10 =	sld [smem:$0x3F93]  }
0x3d: {  	_ =	shalt  }
0x3e: {  	_ =	shalt  }
0x3f: {  	_ =	shalt  }
0x40: {  	_ =	shalt  }
0x41: {  	_ =	shalt  }
0x42: {  	_ =	shalt  }
0x43: {  	_ =	shalt  }
0x44: {  	_ =	shalt  }
0x45: {  	_ =	shalt  }
0x46: {  	_ =	shalt  }
0x47: {  	_ =	shalt  }
0x48: {  	_ =	shalt  }
0x49: {  	_ =	shalt  }
0x4a: {  	_ =	shalt  }
0x4b: {  	_ =	shalt  }
0x4c: {  	_ =	shalt  }
0x4d: {  	_ =	shalt  }
0x4e: {  	_ =	shalt  }
0x4f: {  	_ =	shalt  }
0x50: {  	_ =	shalt  }
0x51: {  	_ =	shalt  }
0x52: {  	_ =	shalt  }
0x53: {  	_ =	shalt  }
0x54: {  	_ =	shalt  }
0x55: {  	_ =	shalt  }
0x56: {  	_ =	shalt  }
0x57: {  	_ =	shalt  }
0x58: {  	_ =	shalt  }
0x59: {  	_ =	shalt  }
0x5a: {  	_ =	shalt  }
0x5b: {  	_ =	shalt  }
0x5c: {  	_ =	shalt  }
0x5d: {  	_ =	shalt  }
0x5e: {  	_ =	shalt  }
0x5f: {  	_ =	shalt  }
0x60: {  	_ =	shalt  }
0x61: {  	_ =	shalt  }
0x62: {  	_ =	shalt  }
0x63: {  	_ =	shalt  }
0x64: {  	_ =	shalt  }
0x65: {  	_ =	shalt  }
0x66: {  	_ =	shalt  }
0x67: {  	_ =	shalt  }
0x68: {  	_ =	shalt  }
0x69: {  	_ =	shalt  }
0x6a: {  	_ =	shalt  }
0x6b: {  	_ =	shalt  }
0x6c: {  	_ =	shalt  }
0x6d: {  	_ =	shalt  }
0x6e: {  	_ =	shalt  }
0x6f: {  	_ =	shalt  }
0x70: {  	_ =	shalt  }
0x71: {  	_ =	shalt  }
0x72: {  	_ =	shalt  }
0x73: {  	_ =	shalt  }
0x74: {  	_ =	shalt  }
0x75: {  	_ =	shalt  }
0x76: {  	_ =	shalt  }
0x77: {  	_ =	shalt  }
0x78: {  	_ =	shalt  }
0x79: {  	_ =	shalt  }
0x7a: {  	_ =	shalt  }
0x7b: {  	_ =	shalt  }
0x7c: {  	_ =	shalt  }
0x7d: {  	_ =	shalt  }
0x7e: {  	_ =	shalt  }
0x7f: {  	_ =	shalt  }
0x80: {  	_ =	shalt  }
0x81: {  	_ =	shalt  }
0x82: {  	_ =	shalt  }
0x83: {  	_ =	shalt  }
0x84: {  	_ =	shalt  }
0x85: {  	_ =	shalt  }
0x86: {  	_ =	shalt  }
0x87: {  	_ =	shalt  }
.Lfunc_end0:
.L_simem_size_0:
called_computation.4_lowered:
.L_overlay_start_0:
0x88: {  	s2 =	sld [smem:$0x3FD9]  }
0x89: {  	s3 =	sld [smem:$0x3FFE];
	_ =	sdelay $0x1  }
0x8a: {  	s1 =	srdreg.scid  }
0x8b: {  	s0 =	sand.u32 $0x1, s1  }
0x8c: {  	s17 =	sshll.u32 s0, $0xA;
	s2 =	sadd.s32 s3, s2  }
0x8d: {  	s2 =	sadd.s32 s2, s17  }
0x8e: {  	[smem:$0x3F9F] =	sst s2  }
0x8f: {  	_ = 	snop  }
0x90: {  	s2 =	sld [smem:$0x3FD0];
	(tm) =	ssettm $0x1  }
0x91: {  	s18 =	sld [smem:$0x3FFB];
	_ =	sdelay $0x3  }
0x92: {  	_ =	strace s18  }
0x93: {  	s3 =	sld [smem:$0x3FFC];
	_ =	sdelay $0x3  }
0x94: {  	_ =	strace s3  }
0x95: {  	s3 =	sld [smem:$0x3FFD];
	_ =	sdelay $0x3  }
0x96: {  	_ =	strace s3  }
0x97: {  	_ =	strace $0x8FFFFFFF  }
0x98: {  	s19 =	sld [smem:$0x3FDB];
	_ =	sdelay $0x1  }
0x99: {  	s4 =	simm.s32 $_scs_section_size  }
0x9a: {  	s5 =	simm.s32 $_size__tile_overlayer_lowered;
	s6 =	simm.s32 $_tile_overlayer_lowered  }
0x9b: {  	s22 =	simm.s32 $0x1BFF;
	s21 =	sshll.u32 s6, $0x1;
	s3 =	sadd.s32 s4, s19  }
0x9c: {  	s7 =	simm.s32 $0x0;
	s20 =	sshll.u32 s5, $0x1;
	s5 =	sadd.s32 s21, s3  }
0x9d: {  	[timem:s7], [sflag:s22] =	dma.local [hbm:s5], s20  }
0x9e: {  	_ =	swait.ge [sflag:s22], s20  }
0x9f: {  	s4 =	ssub.s32 $0x0, s20;
	[sflag:s22] =	ssyncset.done $0x0  }
0xa0: {  	[sflag:s22] =	ssyncadd.s32 s4;
	_ =	sdelay $0x1  }
0xa1: {  	s23 =	simm.s32 $0x1B8B  }
0xa2: {  	_ =	swait.ge [sflag:s23], $0x1  }
0xa3: {  	[sflag:s23] =	ssyncset.done $0x0  }
0xa4: {  	s25 =	simm.s32 $0x1B8E;
	s24 =	sld [smem:$0x3FFE];
	[sflag:s23] =	ssyncadd.s32 $0xFFFFFFFF  }
0xa5: {  	s26 =	simm.s32 $execute0_lowered;
	[smem:$0x3FD2] =	sst s25  }
0xa6: {  	s5 =	sshll.u32 s26, $0x1;
	_ =	strace $0x80000052;
	[dreg:$0x1] =	wrdreg $0xFFFFFFFF  }
0xa7: {  	s28 =	simm.s32 $_size_execute0_lowered;
	s3 =	sadd.s32 s3, s5;
	[dreg:$0x0] =	wrdreg $0x0  }
0xa8: {  	s5 =	sshll.u32 s28, $0x1;
	[dreg:$0x2] =	wrdreg s3  }
0xa9: {  	[dreg:$0x3] =	wrdreg s5  }
0xaa: {  	[dreg:$0x4] =	wrdreg $0xC0  }
0xab: {  	_ =	task [dreg:s7], $0x5FFFF  }
0xac: {  	[dreg:$0x1] =	wrdreg $0xFFFFFFFF  }
0xad: {  	[dreg:$0x0] =	wrdreg $0x60  }
0xae: {  	[dreg:$0x2] =	wrdreg s24  }
0xaf: {  	[dreg:$0x3] =	wrdreg s2  }
0xb0: {  	[dreg:$0x4] =	wrdreg $0x9  }
0xb1: {  	_ =	task.clear_ibuf [dreg:s7], $0x5FFFF;
	_ =	strace $0x90000052  }
0xb2: {  	s29 =	simm.s32 $0x9;
	_ =	strace $0x80000054  }
0xb3: {  	_ =	swait.ge [sflag:s29], $0x1  }
0xb4: {  	[sflag:s29] =	ssyncadd.s32 $0xFFFFFFFF  }
0xb5: {  	_ =	strace $0x90000054  }
0xb6: {  	_ =	sfence  }
0xb7: {  	s30 =	sld [smem:$0x0];
	_ =	sdelay $0x2  }
0xb8: {  	s31 =	sshll.u32 s1, $0xD;
	s1 =	sshrl.u32 s1, $0x2  }
0xb9: {  	s3 =	sand.u32 $0x4000, s31;
	s1 =	sadd.s32 s1, s30  }
0xba: {  	s0 =	sor.u32 s3, s0;
	s1 =	sshll.u32 s1, $0x11  }
0xbb: {  	s0 =	sor.u32 s1, s0  }
0xbc: {  	s0 =	sadd.s32 $0x8F2B, s0  }
0xbd: {  	[sflag:s0] =	ssyncadd.remote.s32 $0x1  }
0xbe: {  	_ =	sfence.sel $0xFFFF  }
0xbf: {  	[dreg:$0x0] =	wrdreg $0xFFFFFFFF;
	(pc) =	sbr.abs _section_cstart, $3  }
0xc0: {  	[dreg:$0x1] =	wrdreg $0xFFFFFFFF  }
0xc1: {  	_ =	task.clear_ibuf [dreg:s7], $0x2FFFF;
	_ =	strace $0x9FFFFFFF  }
0xc2: {  	(tm) =	ssettm $0x7FFFFFFF  }
0xc3: {  	_ =	shalt  }
tec
execute0_lowered:
.L_overlay_start_1:
0x0: {  	(tag) =	ssettag $0x1  }
0x1: {  	s0 =	rddreg [dreg:$0x0];
	s1 =	simm.s32 $0x0  }
0x2: {  	s25 =	srdreg.scid;
	s3 =	stileid.u32;
	s9 =	simm.s32 $0x3  }
0x3: {  	s10 =	simm.s32 $0x200;
	s11 =	simm.s32 $0x50;
	s12 =	simm.s32 $0x400  }
0x4: {  	s13 =	simm.s32 $0x2C00;
	s14 =	simm.s32 $0xA0;
	s15 =	simm.s32 $0x5400  }
0x5: {  	s16 =	simm.s32 $0xF0;
	s17 =	simm.s32 $0x7C00;
	s18 =	simm.s32 $0x140  }
0x6: {  	s19 =	simm.s32 $0xA400;
	s20 =	simm.s32 $0xCC00;
	s21 =	simm.s32 $0x250  }
0x7: {  	s22 =	simm.s32 $0xF400;
	s23 =	simm.s32 $0x2A0;
	s24 =	simm.s32 $0x11C00  }
0x8: {  	s28 =	simm.s32 $0x340;
	s29 =	simm.s32 $0x16C00;
	s30 =	simm.s32 $0x1  }
0x9: {  	s31 =	simm.s32 $0x2;
	[smem:$0x7FF] =	sst s1;
	s1 =	sand.u32 $0x1, s25  }
0xa: {  	s4 =	sadd.s32 $0x10E00, s0;
	s6 =	sshll.u32 s3, $0x1;
	s2 =	ssub.s32 $0x2, s1  }
0xb: {  	s5 =	sadd.s32 $0x7000, s0;
	s25 =	simm.s32 $0x2F0;
	s7 =	sshrl.u32 s2, $0x1  }
0xc: {  	_ =	strace $0x80000053;
	s1 =	sor.u32 s1, s6;
	s26 =	ssub.s32 s2, s7  }
0xd: {  	s6 =	sadd.s32 $0x4BA00, s0;
	s7 =	smul.u32 $0x2710, s1;
	s0 =	smax.u32 s26, $0x1  }
0xe: {  	s1 =	simm.s32 $0x0;
	s26 =	simm.s32 $0x14400;
	[dreg:$0x3] =	wrdreg s0  }
.LBB2_1:
0xf: {  	[dreg:$0x4] =	wrdreg s1;
	s2 =	simm.s32 $0x0  }
.LBB2_2:
0x10: {  	s0 =	smul.u32 $0x190, s2;
	_ =	sdelay $0x1  }
0x11: {  	s8 =	sadd.s32 s7, s0  }
0x12: {  	s0 =	sshrl.u32 s8, $0x3  }
0x13: {  	s3 =	simm.s32 $0x0;
	s1 =	sadd.s32 s5, s0  }
0x14: {  	[tilespmem:s3], [sflag:$0x3] =	stream.linear.gather [hbm4b:s1+s3], $0x190, $0x38;
	[tilespmem:$0x19400] =	vst v63  }
0x15: {  	_ =	swait.ge [sflag:s9], $0x190  }
0x16: {  	[sflag:s9] =	ssyncset.done $0x0  }
0x17: {  	[sflag:s9] =	ssyncadd.s32 $0xFFFFFE70  }
0x18: {  	s1 =	rddreg [dreg:$0x1]  }
0x19: {  	s0 =	sadd.s32 s1, s0  }
0x1a: {  	[tilespmem:s10], [sflag:$0x3] =	stream.linear.gather [hbm4b:s0+s3], $0x190, $0x38;
	[tilespmem:$0x19400] =	vst v63  }
0x1b: {  	_ =	swait.ge [sflag:s9], $0x190  }
0x1c: {  	[sflag:s9] =	ssyncset.done $0x0  }
0x1d: {  	[sflag:s9] =	ssyncadd.s32 $0xFFFFFE70  }
0x1e: {  	[tilespmem:s12], [sflag:$0x1] =	stream.indirect.gather [hbm4b:s4+s11], $0x80, s3, s11, $0xb8;
	[tilespmem:$0x19400] =	vst v63  }
0x1f: {  	_ = 	snop  }
0x20: {  	[tilespmem:s13], [sflag:$0x1] =	stream.indirect.gather [hbm4b:s4+s11], $0x80, s11, s11, $0xb8;
	[tilespmem:$0x19400] =	vst v63  }
0x21: {  	_ = 	snop  }
0x22: {  	[tilespmem:s15], [sflag:$0x1] =	stream.indirect.gather [hbm4b:s4+s11], $0x80, s14, s11, $0xb8;
	[tilespmem:$0x19400] =	vst v63  }
0x23: {  	_ = 	snop  }
0x24: {  	[tilespmem:s17], [sflag:$0x1] =	stream.indirect.gather [hbm4b:s4+s11], $0x80, s16, s11, $0xb8;
	[tilespmem:$0x19400] =	vst v63  }
0x25: {  	_ = 	snop  }
0x26: {  	[tilespmem:s19], [sflag:$0x1] =	stream.indirect.gather [hbm4b:s4+s11], $0x80, s18, s11, $0xb8;
	[tilespmem:$0x19400] =	vst v63  }
0x27: {  	_ = 	snop  }
0x28: {  	[tilespmem:s20], [sflag:$0x2] =	stream.indirect.gather [hbm4b:s4+s11], $0x80, s10, s11, $0xb8;
	[tilespmem:$0x19400] =	vst v63  }
0x29: {  	_ = 	snop  }
0x2a: {  	[tilespmem:s22], [sflag:$0x2] =	stream.indirect.gather [hbm4b:s4+s11], $0x80, s21, s11, $0xb8;
	[tilespmem:$0x19400] =	vst v63  }
0x2b: {  	_ = 	snop  }
0x2c: {  	[tilespmem:s24], [sflag:$0x2] =	stream.indirect.gather [hbm4b:s4+s11], $0x80, s23, s11, $0xb8;
	[tilespmem:$0x19400] =	vst v63  }
0x2d: {  	_ = 	snop  }
0x2e: {  	[tilespmem:s26], [sflag:$0x2] =	stream.indirect.gather [hbm4b:s4+s11], $0x80, s25, s11, $0xb8;
	[tilespmem:$0x19400] =	vst v63  }
0x2f: {  	_ = 	snop  }
0x30: {  	[tilespmem:s29], [sflag:$0x2] =	stream.indirect.gather [hbm4b:s4+s11], $0x80, s28, s11, $0xb8;
	[tilespmem:$0x19400] =	vst v63  }
0x31: {  	_ =	swait.ge [sflag:s30], $0x2800  }
0x32: {  	[sflag:s30] =	ssyncset.done $0x0  }
0x33: {  	[sflag:s30] =	ssyncadd.s32 $0xFFFFD800  }
0x34: {  	_ =	swait.ge [sflag:s30], $0x2800  }
0x35: {  	[sflag:s30] =	ssyncset.done $0x0  }
0x36: {  	[sflag:s30] =	ssyncadd.s32 $0xFFFFD800  }
0x37: {  	_ =	swait.ge [sflag:s30], $0x2800  }
0x38: {  	[sflag:s30] =	ssyncset.done $0x0  }
0x39: {  	[sflag:s30] =	ssyncadd.s32 $0xFFFFD800  }
0x3a: {  	_ =	swait.ge [sflag:s30], $0x2800  }
0x3b: {  	[sflag:s30] =	ssyncset.done $0x0  }
0x3c: {  	[sflag:s30] =	ssyncadd.s32 $0xFFFFD800  }
0x3d: {  	_ =	swait.ge [sflag:s30], $0x2800  }
0x3e: {  	[sflag:s30] =	ssyncset.done $0x0  }
0x3f: {  	[sflag:s30] =	ssyncadd.s32 $0xFFFFD800  }
0x40: {  	_ =	swait.ge [sflag:s31], $0x2800  }
0x41: {  	[sflag:s31] =	ssyncset.done $0x0  }
0x42: {  	[sflag:s31] =	ssyncadd.s32 $0xFFFFD800  }
0x43: {  	_ =	swait.ge [sflag:s31], $0x2800  }
0x44: {  	[sflag:s31] =	ssyncset.done $0x0  }
0x45: {  	[sflag:s31] =	ssyncadd.s32 $0xFFFFD800  }
0x46: {  	_ =	swait.ge [sflag:s31], $0x2800  }
0x47: {  	[sflag:s31] =	ssyncset.done $0x0  }
0x48: {  	[sflag:s31] =	ssyncadd.s32 $0xFFFFD800  }
0x49: {  	_ =	swait.ge [sflag:s31], $0x2800  }
0x4a: {  	[sflag:s31] =	ssyncset.done $0x0  }
0x4b: {  	[sflag:s31] =	ssyncadd.s32 $0xFFFFD800  }
0x4c: {  	_ =	swait.ge [sflag:s31], $0x2800  }
0x4d: {  	[sflag:s31] =	ssyncset.done $0x0  }
0x4e: {  	s0 =	simm.s32 $0x0;
	[sflag:s31] =	ssyncadd.s32 $0xFFFFD800  }
0x4f: {  	v0 =	vld [tilespmem:s0+$0xCC70]  }
0x50: {  	v1 =	vld [tilespmem:s0+$0xCC40]  }
0x51: {  	v2 =	vld [tilespmem:s0+$0xCC50]  }
0x52: {  	s1 =	simm.s32 $0x200;
	v3 =	vld [tilespmem:s0+$0xCC60]  }
.LBB2_3:
0x53: {  	p0 =	sne.s32 s1, $0x31E00  }
.Ltmp0:
0x54: {  	s3 =	sshra.s32 s1, $0x2;
	s1 =	sadd.s32 $0x200, s1;
	[tilespmem:s0+$0x470] =	vst v0;
	(pc) =	sbr.rel @p0 .LBB2_3-.Ltmp0, $4  }
0x55: {  	v0 =	vld [tilespmem:s3+$0xCC70];
	[tilespmem:s0+$0x440] =	vst v1  }
0x56: {  	v1 =	vld [tilespmem:s3+$0xCC40];
	[tilespmem:s0+$0x450] =	vst v2  }
0x57: {  	v2 =	vld [tilespmem:s3+$0xCC50];
	[tilespmem:s0+$0x460] =	vst v3;
	s0 =	smov.u32 s3  }
0x58: {  	v3 =	vld [tilespmem:s0+$0xCC60]  }
0x59: {  	_ = 	snop  }
0x5a: {  	[tilespmem:s0+$0x470] =	vst v0  }
0x5b: {  	s2 =	sadd.s32 $0x1, s2;
	[tilespmem:s0+$0x440] =	vst v1  }
0x5c: {  	s1 =	sshll.u32 s8, $0x4;
	p0 =	sne.s32 s2, $0x19;
	[tilespmem:s0+$0x450] =	vst v2  }
.Ltmp1:
0x5d: {  	s8 =	simm.s32 $0x0;
	s3 =	sadd.s32 s6, s1;
	[tilespmem:s0+$0x460] =	vst v3;
	(pc) =	sbr.rel @p0 .LBB2_2-.Ltmp1, $4  }
0x5e: {  	[hbm4b:s3+s8] =	stream.linear.scatter [tilespmem:s12], [sflag:$0x3], $0xC800, $0x38;
	[tilespmem:$0x19400] =	vst v63  }
0x5f: {  	_ =	swait.ge [sflag:s9], $0xC800  }
0x60: {  	[sflag:s9] =	ssyncset.done $0x0  }
0x61: {  	[sflag:s9] =	ssyncadd.s32 $0xFFFF3800  }
0x62: {  	s1 =	rddreg [dreg:$0x4]  }
0x63: {  	s0 =	rddreg [dreg:$0x3];
	s1 =	sadd.s32 $0x1, s1  }
0x64: {  	p0 =	sne.s32 s1, s0  }
.Ltmp2:
0x65: {  	_ = 	snop;
	(pc) =	sbr.rel @p0 .LBB2_1-.Ltmp2, $1  }
0x66: {  	_ =	sdelay $0x3  }
0x67: {  	_ =	sfence.sel $0x180000  }
0x68: {  	[bflag:$0x0] =	sbarrier.arrive $0xFFFF  }
0x69: {  	_ =	strace $0x90000053  }
0x6a: {  	s0 =	stileid.u32;
	[bflag:$0x2] =	sbarrier.arrive $0xFFFF  }
0x6b: {  	p0 =	sne.s32 s0, $0x0;
	s0 =	rddreg [dreg:$0x2]  }
0x6c: {  	s0 =	sadd.s32 @!p0 $0x100000, s0  }
0x6d: {  	[sflag:s0] =	ssyncadd.tile.s32 @!p0 $0x1;
	_ =	shalt  }
.Lfunc_end2:
_tile_overlayer_lowered:
.L_overlay_start_2:
0x6e: {  	(tag) =	ssettag $0x2  }
0x6f: {  	s0 =	rddreg [dreg:$0x0];
	s2 =	stileid.u32  }
0x70: {  	s1 =	rddreg [dreg:$0x1];
	p0 =	sne.s32 s2, $0x0  }
0x71: {  	s3 =	rddreg [dreg:$0x2];
	[bflag:$0x3] =	sbarrier.arrive $0xFFFF;
	s2 =	simm.s32 @!p0 $0x1C03  }
0x72: {  	[timem:s3], [sflag:s2] =	dma.local @!p0 [hbm:s0], s1  }
0x73: {  	s0 =	simm.s32 @!p0 $0x3  }
0x74: {  	_ =	swait.ge @!p0 [sflag:s0], s1  }
0x75: {  	s1 =	ssub.s32 @!p0 $0x0, s1;
	[sflag:s0] =	ssyncset.done @!p0 $0x0  }
0x76: {  	[sflag:s0] =	ssyncadd.s32 @!p0 s1  }
0x77: {  	[bflag:$0x3] =	sbarrier.arrive $0xFFFF  }
0x78: {  	_ =	shalt  }

// kernel: kernel.32.cloned.1.call-start
scs
__scs_entry_jumppad:
0x0: {  	(pc) =	sbr.rel $0x88, $3  }
0x1: {  	(tag) =	ssettag $0x0;
	lr =	simm.s32 $0x1  }
0x2: {  	[smem:$0x3F78] =	sst lr;
	_ =	strace $0xD0000000  }
0x3: {  	_ = 	snop  }
0x4: {  	_ = 	snop  }
0x5: {  	_ = 	snop  }
0x6: {  	_ = 	snop  }
0x7: {  	_ = 	snop  }
__scs_overlays_trampoline_lowered:
0x8: {  	[smem:$0x3F87] =	sst s0  }
0x9: {  	[smem:$0x3F88] =	sst s1  }
0xa: {  	[smem:$0x3F89] =	sst s2  }
0xb: {  	[smem:$0x3F8A] =	sst s3  }
0xc: {  	[smem:$0x3F8B] =	sst s4  }
0xd: {  	[smem:$0x3F8C] =	sst s5  }
0xe: {  	[smem:$0x3F8D] =	sst s6  }
0xf: {  	[smem:$0x3F8E] =	sst s7  }
0x10: {  	[smem:$0x3F8F] =	sst s8  }
0x11: {  	[smem:$0x3F90] =	sst s9;
	s0 =	simm.s32 @!p0 $0x0  }
0x12: {  	s1 =	sld [smem:$0x3F76];
	s0 =	simm.s32 @p0 $0x1  }
0x13: {  	[smem:$0x3F91] =	sst s0;
	s0 =	simm.s32 @!p1 $0x0  }
0x14: {  	s2 =	sld [smem:$0x3F75];
	s0 =	simm.s32 @p1 $0x1  }
0x15: {  	[smem:$0x3F92] =	sst s0;
	s0 =	simm.s32 @!p2 $0x0  }
0x16: {  	s3 =	sld [smem:$0x3FDB];
	s0 =	simm.s32 @p2 $0x1  }
0x17: {  	s4 =	simm.s32 $0x1BF5;
	[smem:$0x3F94] =	sst s0  }
0x18: {  	s0 =	sld [smem:$0x3F77];
	_ =	swait.ge [sflag:s4], $0x0  }
0x19: {  	s7 =	sld [smem:$0x3F78]  }
0x1a: {  	s8 =	sadd.s32 $0xFFFFE003, lr  }
0x1b: {  	s9 =	sadd.s32 $0xFFFFFEF7, lr;
	s5 =	simm.s32 $0xFFFFFFFF;
	p2 =	slt.u32 s8, $0xFFFFF086  }
0x1c: {  	p1 =	slt.u32 s9, $0xF7A;
	s5 =	simm.s32 @!p2 $0x0  }
0x1d: {  	s5 =	simm.s32 @p1 $0x1;
	p0 =	seq.s32 s7, s2  }
0x1e: {  	s7 =	smul.u32 @!p0 $0xF7A, s2;
	p2 =	seq.s32 @!p0 s5, $0x0  }
0x1f: {  	s9 =	smul.u32 $0xF7A, s1;
	s8 =	simm.s32 @!p0 $0x1BF5;
	p2 =	por !p2, p0  }
0x20: {  	[sflag:s8] =	ssyncset.s32 @!p0 $0xFFFFF086;
	s6 =	sadd.s32 @!p0 s3, s7;
	s7 =	simm.s32 @!p0 $0x108  }
0x21: {  	s3 =	sadd.s32 s3, s9;
	s6 =	sadd.s32 @!p0 $0x88, s6;
	s7 =	simm.s32 @p2 $0x1082  }
0x22: {  	[simem:s7], [sflag:s8] =	dma.local @!p0 [hbm:s6], $0xF7A  }
0x23: {  	s9 =	sor.u32 $0xD0000000, s2;
	s6 =	simm.s32 $0x108;
	_ =	swait.ge @!p0 [sflag:s8], $0x0  }
0x24: {  	s3 =	sadd.s32 $0x88, s3;
	s6 =	simm.s32 @!p1 $0x1082;
	[sflag:s4] =	ssyncset.s32 $0xFFFFF086  }
0x25: {  	[simem:s6], [sflag:s4] =	dma.local [hbm:s3], $0xF7A  }
0x26: {  	[smem:$0x3F78] =	sst s1;
	(tag) =	ssettag s2;
	_ =	strace s9  }
0x27: {  	s1 =	sld [smem:$0x3F88]  }
0x28: {  	s2 =	sld [smem:$0x3F89]  }
0x29: {  	s4 =	sld [smem:$0x3F8B]  }
0x2a: {  	p0 =	seq.s32 s5, $0x0;
	s5 =	sld [smem:$0x3F8C]  }
0x2b: {  	s6 =	sld [smem:$0x3F8D]  }
0x2c: {  	s7 =	sld [smem:$0x3F8E]  }
0x2d: {  	s3 =	simm.s32 $0x108;
	s8 =	sld [smem:$0x3F8F]  }
0x2e: {  	s3 =	simm.s32 @!p0 $0x1082;
	s9 =	sld [smem:$0x3F90]  }
0x2f: {  	lr =	sadd.s32 s0, s3;
	s0 =	sld [smem:$0x3F87]  }
0x30: {  	s3 =	sld [smem:$0x3F8A]  }
0x31: {  	[smem:$0x3F93] =	sst s10  }
0x32: {  	s10 =	sld [smem:$0x3F91];
	_ =	sdelay $0x3  }
0x33: {  	p0 =	seq.s32 s10, $0x1;
	s10 =	sld [smem:$0x3F93];
	_ =	sdelay $0x3  }
0x34: {  	[smem:$0x3F93] =	sst s10  }
0x35: {  	s10 =	sld [smem:$0x3F92];
	_ =	sdelay $0x3  }
0x36: {  	p1 =	seq.s32 s10, $0x1;
	s10 =	sld [smem:$0x3F93];
	_ =	sdelay $0x3  }
0x37: {  	[smem:$0x3F93] =	sst s10  }
0x38: {  	s10 =	sld [smem:$0x3F94]  }
0x39: {  	_ = 	snop;
	(pc) =	sbr.ind lr, $3  }
0x3a: {  	_ = 	snop  }
0x3b: {  	_ = 	snop  }
0x3c: {  	p2 =	seq.s32 s10, $0x1;
	s10 =	sld [smem:$0x3F93]  }
0x3d: {  	_ =	shalt  }
0x3e: {  	_ =	shalt  }
0x3f: {  	_ =	shalt  }
0x40: {  	_ =	shalt  }
0x41: {  	_ =	shalt  }
0x42: {  	_ =	shalt  }
0x43: {  	_ =	shalt  }
0x44: {  	_ =	shalt  }
0x45: {  	_ =	shalt  }
0x46: {  	_ =	shalt  }
0x47: {  	_ =	shalt  }
0x48: {  	_ =	shalt  }
0x49: {  	_ =	shalt  }
0x4a: {  	_ =	shalt  }
0x4b: {  	_ =	shalt  }
0x4c: {  	_ =	shalt  }
0x4d: {  	_ =	shalt  }
0x4e: {  	_ =	shalt  }
0x4f: {  	_ =	shalt  }
0x50: {  	_ =	shalt  }
0x51: {  	_ =	shalt  }
0x52: {  	_ =	shalt  }
0x53: {  	_ =	shalt  }
0x54: {  	_ =	shalt  }
0x55: {  	_ =	shalt  }
0x56: {  	_ =	shalt  }
0x57: {  	_ =	shalt  }
0x58: {  	_ =	shalt  }
0x59: {  	_ =	shalt  }
0x5a: {  	_ =	shalt  }
0x5b: {  	_ =	shalt  }
0x5c: {  	_ =	shalt  }
0x5d: {  	_ =	shalt  }
0x5e: {  	_ =	shalt  }
0x5f: {  	_ =	shalt  }
0x60: {  	_ =	shalt  }
0x61: {  	_ =	shalt  }
0x62: {  	_ =	shalt  }
0x63: {  	_ =	shalt  }
0x64: {  	_ =	shalt  }
0x65: {  	_ =	shalt  }
0x66: {  	_ =	shalt  }
0x67: {  	_ =	shalt  }
0x68: {  	_ =	shalt  }
0x69: {  	_ =	shalt  }
0x6a: {  	_ =	shalt  }
0x6b: {  	_ =	shalt  }
0x6c: {  	_ =	shalt  }
0x6d: {  	_ =	shalt  }
0x6e: {  	_ =	shalt  }
0x6f: {  	_ =	shalt  }
0x70: {  	_ =	shalt  }
0x71: {  	_ =	shalt  }
0x72: {  	_ =	shalt  }
0x73: {  	_ =	shalt  }
0x74: {  	_ =	shalt  }
0x75: {  	_ =	shalt  }
0x76: {  	_ =	shalt  }
0x77: {  	_ =	shalt  }
0x78: {  	_ =	shalt  }
0x79: {  	_ =	shalt  }
0x7a: {  	_ =	shalt  }
0x7b: {  	_ =	shalt  }
0x7c: {  	_ =	shalt  }
0x7d: {  	_ =	shalt  }
0x7e: {  	_ =	shalt  }
0x7f: {  	_ =	shalt  }
0x80: {  	_ =	shalt  }
0x81: {  	_ =	shalt  }
0x82: {  	_ =	shalt  }
0x83: {  	_ =	shalt  }
0x84: {  	_ =	shalt  }
0x85: {  	_ =	shalt  }
0x86: {  	_ =	shalt  }
0x87: {  	_ =	shalt  }
.Lfunc_end0:
.L_simem_size_0:
called_computation.5_lowered:
.L_overlay_start_0:
0x88: {  	s2 =	sld [smem:$0x3FD9]  }
0x89: {  	s3 =	sld [smem:$0x3FFE];
	_ =	sdelay $0x1  }
0x8a: {  	s1 =	srdreg.scid  }
0x8b: {  	s0 =	sand.u32 $0x1, s1  }
0x8c: {  	s17 =	sshll.u32 s0, $0xA;
	s2 =	sadd.s32 s3, s2  }
0x8d: {  	s2 =	sadd.s32 s2, s17  }
0x8e: {  	[smem:$0x3F9F] =	sst s2  }
0x8f: {  	_ = 	snop  }
0x90: {  	s2 =	sld [smem:$0x3FD0];
	(tm) =	ssettm $0x1  }
0x91: {  	s18 =	sld [smem:$0x3FFB];
	_ =	sdelay $0x3  }
0x92: {  	_ =	strace s18  }
0x93: {  	s3 =	sld [smem:$0x3FFC];
	_ =	sdelay $0x3  }
0x94: {  	_ =	strace s3  }
0x95: {  	s3 =	sld [smem:$0x3FFD];
	_ =	sdelay $0x3  }
0x96: {  	_ =	strace s3  }
0x97: {  	_ =	strace $0x8FFFFFFF  }
0x98: {  	s19 =	sld [smem:$0x3FDB];
	_ =	sdelay $0x1  }
0x99: {  	s4 =	simm.s32 $_scs_section_size  }
0x9a: {  	s5 =	simm.s32 $_size__tile_overlayer_lowered;
	s6 =	simm.s32 $_tile_overlayer_lowered  }
0x9b: {  	s22 =	simm.s32 $0x1BFF;
	s21 =	sshll.u32 s6, $0x1;
	s3 =	sadd.s32 s4, s19  }
0x9c: {  	s7 =	simm.s32 $0x0;
	s20 =	sshll.u32 s5, $0x1;
	s5 =	sadd.s32 s21, s3  }
0x9d: {  	[timem:s7], [sflag:s22] =	dma.local [hbm:s5], s20  }
0x9e: {  	_ =	swait.ge [sflag:s22], s20  }
0x9f: {  	s4 =	ssub.s32 $0x0, s20;
	[sflag:s22] =	ssyncset.done $0x0  }
0xa0: {  	[sflag:s22] =	ssyncadd.s32 s4;
	_ =	sdelay $0x1  }
0xa1: {  	s23 =	simm.s32 $0x1B8B  }
0xa2: {  	_ =	swait.ge [sflag:s23], $0x1  }
0xa3: {  	[sflag:s23] =	ssyncset.done $0x0  }
0xa4: {  	s25 =	simm.s32 $0x1B8E;
	s24 =	sld [smem:$0x3FFE];
	[sflag:s23] =	ssyncadd.s32 $0xFFFFFFFF  }
0xa5: {  	s26 =	simm.s32 $execute0_lowered;
	[smem:$0x3FD2] =	sst s25  }
0xa6: {  	s5 =	sshll.u32 s26, $0x1;
	_ =	strace $0x80000055;
	[dreg:$0x1] =	wrdreg $0xFFFFFFFF  }
0xa7: {  	s28 =	simm.s32 $_size_execute0_lowered;
	s3 =	sadd.s32 s3, s5;
	[dreg:$0x0] =	wrdreg $0x0  }
0xa8: {  	s5 =	sshll.u32 s28, $0x1;
	[dreg:$0x2] =	wrdreg s3  }
0xa9: {  	[dreg:$0x3] =	wrdreg s5  }
0xaa: {  	[dreg:$0x4] =	wrdreg $0xC0  }
0xab: {  	_ =	task [dreg:s7], $0x5FFFF  }
0xac: {  	[dreg:$0x1] =	wrdreg $0xFFFFFFFF  }
0xad: {  	[dreg:$0x0] =	wrdreg $0x60  }
0xae: {  	[dreg:$0x2] =	wrdreg s24  }
0xaf: {  	[dreg:$0x3] =	wrdreg s2  }
0xb0: {  	[dreg:$0x4] =	wrdreg $0x0  }
0xb1: {  	[dreg:$0x5] =	wrdreg $0x9  }
0xb2: {  	_ =	task.clear_ibuf [dreg:s7], $0x6FFFF;
	_ =	strace $0x90000055  }
0xb3: {  	s29 =	simm.s32 $0x9;
	_ =	strace $0x80000057  }
0xb4: {  	_ =	swait.ge [sflag:s29], $0x1  }
0xb5: {  	[sflag:s29] =	ssyncadd.s32 $0xFFFFFFFF  }
0xb6: {  	_ =	strace $0x90000057  }
0xb7: {  	_ =	sfence  }
0xb8: {  	s30 =	sld [smem:$0x0];
	_ =	sdelay $0x2  }
0xb9: {  	s31 =	sshll.u32 s1, $0xD;
	s1 =	sshrl.u32 s1, $0x2  }
0xba: {  	s3 =	sand.u32 $0x4000, s31;
	s1 =	sadd.s32 s1, s30  }
0xbb: {  	s0 =	sor.u32 s3, s0;
	s1 =	sshll.u32 s1, $0x11  }
0xbc: {  	s0 =	sor.u32 s1, s0  }
0xbd: {  	s0 =	sadd.s32 $0x8F2B, s0  }
0xbe: {  	[sflag:s0] =	ssyncadd.remote.s32 $0x1  }
0xbf: {  	_ =	sfence.sel $0xFFFF  }
0xc0: {  	[dreg:$0x0] =	wrdreg $0xFFFFFFFF;
	(pc) =	sbr.abs _section_cstart, $3  }
0xc1: {  	[dreg:$0x1] =	wrdreg $0xFFFFFFFF  }
0xc2: {  	_ =	task.clear_ibuf [dreg:s7], $0x2FFFF;
	_ =	strace $0x9FFFFFFF  }
0xc3: {  	(tm) =	ssettm $0x7FFFFFFF  }
tec
execute0_lowered:
.L_overlay_start_1:
0x0: {  	(tag) =	ssettag $0x1  }
0x1: {  	s4 =	rddreg [dreg:$0x0]  }
0x2: {  	s7 =	rddreg [dreg:$0x1]  }
0x3: {  	s1 =	rddreg [dreg:$0x2]  }
0x4: {  	s0 =	rddreg [dreg:$0x3];
	s2 =	simm.s32 $0x0  }
0x5: {  	s6 =	stileid.u32;
	s5 =	srdreg.scid;
	s12 =	simm.s32 $0x50  }
0x6: {  	s13 =	simm.s32 $0x16680;
	s14 =	simm.s32 $0x16700;
	s15 =	simm.s32 $0xC680  }
0x7: {  	s16 =	simm.s32 $0x16780;
	s17 =	simm.s32 $0xEE80;
	s18 =	simm.s32 $0x16800  }
0x8: {  	s19 =	simm.s32 $0x11680;
	s20 =	simm.s32 $0x16880;
	s22 =	simm.s32 $0x1  }
0x9: {  	s23 =	simm.s32 $0x0;
	[smem:$0x7FF] =	sst s2;
	s3 =	smul.u32 $0x4E200, s6  }
0xa: {  	s5 =	sand.u32 $0x1, s5;
	s31 =	smul.u32 $0x9C4, s6;
	p0 =	sne.s32 s6, $0x0  }
0xb: {  	_ =	strace $0x80000056;
	s9 =	smul.u32 $0x13880, s5;
	s10 =	ssub.s32 $0x2, s5  }
0xc: {  	s21 =	smul.u32 $0x1388, s5;
	s8 =	sadd.s32 s3, s4;
	s3 =	sadd.s32 $0x38000, s4  }
0xd: {  	s11 =	sshrl.u32 s10, $0x1;
	s7 =	sadd.s32 s31, s7;
	s4 =	sadd.s32 s9, s4  }
0xe: {  	s30 =	ssub.s32 s10, s11;
	s6 =	sadd.s32 $0x52DA00, s8;
	s8 =	sshrl.u32 @!p0 s1, $0x3  }
0xf: {  	s9 =	simm.s32 $0x9C80;
	s10 =	simm.s32 $0x2;
	s11 =	simm.s32 $0x9E80  }
0x10: {  	v0 =	vmov s21;
	s21 =	simm.s32 $0x13E80;
	s4 =	sadd.s32 $0x4BA00, s4;
	s5 =	smax.u32 s30, $0x1  }
.LBB2_1:
0x11: {  	s24 =	simm.s32 @!p0 $0x1C02  }
0x12: {  	[spmem:s8], [sflag:s24] =	dma.local @!p0 [hbm:s3], $0x13900  }
0x13: {  	s24 =	simm.s32 @!p0 $0x2  }
0x14: {  	_ =	swait.ge @!p0 [sflag:s24], $0x13900  }
0x15: {  	[sflag:s24] =	ssyncset.done @!p0 $0x0  }
0x16: {  	[sflag:s24] =	ssyncadd.s32 @!p0 $0xFFFEC700  }
0x17: {  	s31 =	sadd.s32 $0x0, s7;
	[bflag:$0x0] =	sbarrier.arrive $0xFFFF  }
0x18: {  	[tilespmem:s9], [sflag:$0x2] =	stream.linear.gather [hbm4b:s31+s2], $0x190, $0x38;
	[tilespmem:$0x16900] =	vst v63  }
0x19: {  	_ =	swait.ge [sflag:s10], $0x190  }
0x1a: {  	[sflag:s10] =	ssyncset.done $0x0  }
0x1b: {  	[sflag:s10] =	ssyncadd.s32 $0xFFFFFE70  }
0x1c: {  	[tilespmem:s11], [sflag:$0x2] =	stream.linear.gather [hbm4b:s6+s2], $0xC800, $0x38;
	[tilespmem:$0x16900] =	vst v63  }
0x1d: {  	_ =	swait.ge [sflag:s10], $0xC800  }
0x1e: {  	[sflag:s10] =	ssyncset.done $0x0  }
0x1f: {  	[sflag:s10] =	ssyncadd.s32 $0xFFFF3800  }
0x20: {  	v1 =	vld [tilespmem:$0x9E00]  }
0x21: {  	v2 =	vld [tilespmem:$0x9D30]  }
0x22: {  	v3 =	vld [tilespmem:$0x9DE0]  }
0x23: {  	v4 =	vld [tilespmem:$0x9DD0]  }
0x24: {  	v5 =	vld [tilespmem:$0x9DC0]  }
0x25: {  	v6 =	vld [tilespmem:$0x9DA0]  }
0x26: {  	v7 =	vld [tilespmem:$0x9D90];
	v1 =	vsub.s32 v1, v0  }
0x27: {  	v8 =	vld [tilespmem:$0x9D80];
	v2 =	vsub.s32 v2, v0;
	v1 =	vmin.u32 v1, $0x1388  }
0x28: {  	v54 =	vld [tilespmem:$0x9D20];
	v3 =	vsub.s32 v3, v0;
	v2 =	vmin.u32 v2, $0x1388;
	[tilespmem:$0x168C0] =	vst v1  }
0x29: {  	v5 =	vsub.s32 v5, v0;
	v3 =	vmin.u32 v3, $0x1388;
	[tilespmem:$0x16790] =	vst v2  }
0x2a: {  	v6 =	vsub.s32 v6, v0;
	v5 =	vmin.u32 v5, $0x1388;
	v1 =	vld [tilespmem:$0x9D60];
	[tilespmem:$0x168A0] =	vst v3  }
0x2b: {  	v51 =	vld [tilespmem:$0x9D70];
	v7 =	vsub.s32 v7, v0;
	v6 =	vmin.u32 v6, $0x1388;
	[tilespmem:$0x16880] =	vst v5  }
0x2c: {  	v55 =	vld [tilespmem:$0x9D10];
	v7 =	vmin.u32 v7, $0x1388;
	v2 =	vsub.s32 v4, v0;
	[tilespmem:$0x16830] =	vst v6  }
0x2d: {  	v52 =	vsub.s32 v8, v0;
	v8 =	vsub.s32 v54, v0;
	v3 =	vld [tilespmem:$0x9D50];
	[tilespmem:$0x16820] =	vst v7;
	v2 =	vmin.u32 v2, $0x1388  }
0x2e: {  	v8 =	vmin.u32 v8, $0x1388;
	[tilespmem:$0x16890] =	vst v2;
	v2 =	vld [tilespmem:$0x9D40]  }
0x2f: {  	v53 =	vld [tilespmem:$0x9DF0];
	v5 =	vmin.u32 v52, $0x1388;
	[tilespmem:$0x16780] =	vst v8;
	v1 =	vsub.s32 v1, v0  }
0x30: {  	v58 =	vld [tilespmem:$0x9CD0];
	v4 =	vsub.s32 v51, v0;
	[tilespmem:$0x16810] =	vst v5;
	v1 =	vmin.u32 v1, $0x1388  }
0x31: {  	v56 =	vld [tilespmem:$0x9D00];
	v7 =	vsub.s32 v55, v0;
	[tilespmem:$0x167C0] =	vst v1;
	v1 =	vmin.u32 v4, $0x1388  }
0x32: {  	v7 =	vmin.u32 v7, $0x1388;
	v3 =	vsub.s32 v3, v0;
	[tilespmem:$0x16800] =	vst v1;
	v1 =	vld [tilespmem:$0x9CE0]  }
0x33: {  	v57 =	vld [tilespmem:$0x9CF0];
	[tilespmem:$0x16740] =	vst v7;
	v3 =	vmin.u32 v3, $0x1388;
	v2 =	vsub.s32 v2, v0  }
0x34: {  	v59 =	vld [tilespmem:$0x9CA0];
	[tilespmem:$0x167B0] =	vst v3;
	v3 =	vsub.s32 v53, v0;
	v2 =	vmin.u32 v2, $0x1388  }
0x35: {  	v6 =	vsub.s32 v58, v0;
	[tilespmem:$0x167A0] =	vst v2;
	v2 =	vmin.u32 v3, $0x1388;
	v3 =	vld [tilespmem:$0x9CC0]  }
0x36: {  	v5 =	vsub.s32 v56, v0;
	v62 =	vmin.u32 v6, $0x1388;
	[tilespmem:$0x168B0] =	vst v2;
	v2 =	vld [tilespmem:$0x9CB0]  }
0x37: {  	v60 =	vld [tilespmem:$0x9C90];
	v5 =	vmin.u32 v5, $0x1388;
	[tilespmem:$0x16700] =	vst v62;
	v1 =	vsub.s32 v1, v0  }
0x38: {  	v61 =	vld [tilespmem:$0x9C80];
	[tilespmem:$0x16730] =	vst v5;
	v4 =	vsub.s32 v57, v0;
	v1 =	vmin.u32 v1, $0x1388  }
0x39: {  	v63 =	vsub.s32 v59, v0;
	v4 =	vmin.u32 v4, $0x1388;
	[tilespmem:$0x16710] =	vst v1;
	v1 =	vld [tilespmem:$0x9DB0]  }
0x3a: {  	[tilespmem:$0x16720] =	vst v4;
	v4 =	vmin.u32 v63, $0x1388;
	v3 =	vsub.s32 v3, v0  }
0x3b: {  	[tilespmem:$0x166A0] =	vst v4;
	v2 =	vsub.s32 v2, v0;
	v3 =	vmin.u32 v3, $0x1388  }
0x3c: {  	v2 =	vmin.u32 v2, $0x1388;
	[tilespmem:$0x166C0] =	vst v3;
	v3 =	vsub.s32 v60, v0  }
0x3d: {  	[tilespmem:$0x166B0] =	vst v2;
	v2 =	vsub.s32 v61, v0;
	v3 =	vmin.u32 v3, $0x1388  }
0x3e: {  	v2 =	vmin.u32 v2, $0x1388;
	[tilespmem:$0x16690] =	vst v3;
	v1 =	vsub.s32 v1, v0  }
0x3f: {  	s25 =	smov.u32 s6;
	s24 =	simm.s32 $0x32;
	[tilespmem:$0x16680] =	vst v2;
	v1 =	vmin.u32 v1, $0x1388  }
.LBB2_2:
0x40: {  	p1 =	sne.s32 s24, $0x992  }
0x41: {  	[tilespmem:$0x16840] =	vst v1;
	s25 =	sadd.s32 $0x1900, s25;
	s26 =	smov.u32 s24;
	s24 =	sadd.s32 $0x32, s24  }
0x42: {  	[spmem:s1] =	stream.indirect.scatter.add.f32 [tilespmem:s11], [sflag:$0x1], $0x80, s13, s12, $0xb8;
	[tilespmem:$0x16900] =	vst v63  }
0x43: {  	_ = 	snop  }
0x44: {  	[spmem:s1] =	stream.indirect.scatter.add.f32 [tilespmem:s15], [sflag:$0x1], $0x80, s14, s12, $0xb8;
	[tilespmem:$0x16900] =	vst v63  }
0x45: {  	_ = 	snop  }
0x46: {  	[spmem:s1] =	stream.indirect.scatter.add.f32 [tilespmem:s17], [sflag:$0x1], $0x80, s16, s12, $0xb8;
	[tilespmem:$0x16900] =	vst v63  }
0x47: {  	_ = 	snop  }
0x48: {  	[spmem:s1] =	stream.indirect.scatter.add.f32 [tilespmem:s19], [sflag:$0x1], $0x80, s18, s12, $0xb8;
	[tilespmem:$0x16900] =	vst v63  }
0x49: {  	_ = 	snop  }
0x4a: {  	[spmem:s1] =	stream.indirect.scatter.add.f32 [tilespmem:s21], [sflag:$0x1], $0x80, s20, s12, $0xb8;
	[tilespmem:$0x16900] =	vst v63  }
0x4b: {  	_ =	swait.ge [sflag:s22], $0x2800  }
0x4c: {  	[sflag:s22] =	ssyncset.done $0x0  }
0x4d: {  	[sflag:s22] =	ssyncadd.s32 $0xFFFFD800  }
0x4e: {  	_ =	swait.ge [sflag:s22], $0x2800  }
0x4f: {  	[sflag:s22] =	ssyncset.done $0x0  }
0x50: {  	[sflag:s22] =	ssyncadd.s32 $0xFFFFD800  }
0x51: {  	_ =	swait.ge [sflag:s22], $0x2800  }
0x52: {  	[sflag:s22] =	ssyncset.done $0x0  }
0x53: {  	[sflag:s22] =	ssyncadd.s32 $0xFFFFD800  }
0x54: {  	_ =	swait.ge [sflag:s22], $0x2800  }
0x55: {  	[sflag:s22] =	ssyncset.done $0x0  }
0x56: {  	[sflag:s22] =	ssyncadd.s32 $0xFFFFD800  }
0x57: {  	_ =	swait.ge [sflag:s22], $0x2800  }
0x58: {  	[sflag:s22] =	ssyncset.done $0x0  }
0x59: {  	s26 =	sadd.s32 s26, s7;
	[sflag:s22] =	ssyncadd.s32 $0xFFFFD800  }
0x5a: {  	[tilespmem:s9], [sflag:$0x2] =	stream.linear.gather [hbm4b:s26+s2], $0x190, $0x38;
	[tilespmem:$0x16900] =	vst v63  }
0x5b: {  	_ =	swait.ge [sflag:s10], $0x190  }
0x5c: {  	[sflag:s10] =	ssyncset.done $0x0  }
0x5d: {  	[sflag:s10] =	ssyncadd.s32 $0xFFFFFE70  }
0x5e: {  	[tilespmem:s11], [sflag:$0x2] =	stream.linear.gather [hbm4b:s25+s2], $0xC800, $0x38;
	[tilespmem:$0x16900] =	vst v63  }
0x5f: {  	_ =	swait.ge [sflag:s10], $0xC800  }
0x60: {  	[sflag:s10] =	ssyncset.done $0x0  }
0x61: {  	[sflag:s10] =	ssyncadd.s32 $0xFFFF3800  }
0x62: {  	v1 =	vld [tilespmem:$0x9E00]  }
0x63: {  	v2 =	vld [tilespmem:$0x9D30]  }
0x64: {  	v3 =	vld [tilespmem:$0x9DE0]  }
0x65: {  	v4 =	vld [tilespmem:$0x9DD0]  }
0x66: {  	v5 =	vld [tilespmem:$0x9DC0]  }
0x67: {  	v6 =	vld [tilespmem:$0x9DA0];
	v1 =	vsub.s32 v1, v0  }
0x68: {  	v2 =	vsub.s32 v2, v0;
	v7 =	vld [tilespmem:$0x9D90];
	v1 =	vmin.u32 v1, $0x1388  }
0x69: {  	v2 =	vmin.u32 v2, $0x1388;
	v8 =	vld [tilespmem:$0x9D80];
	v3 =	vsub.s32 v3, v0;
	[tilespmem:$0x168C0] =	vst v1  }
0x6a: {  	[tilespmem:$0x16790] =	vst v2;
	v1 =	vld [tilespmem:$0x9D60];
	v2 =	vsub.s32 v4, v0;
	v3 =	vmin.u32 v3, $0x1388  }
0x6b: {  	v4 =	vld [tilespmem:$0x9D70];
	v5 =	vsub.s32 v5, v0;
	v2 =	vmin.u32 v2, $0x1388;
	[tilespmem:$0x168A0] =	vst v3  }
0x6c: {  	v3 =	vld [tilespmem:$0x9D50];
	v6 =	vsub.s32 v6, v0;
	v5 =	vmin.u32 v5, $0x1388;
	[tilespmem:$0x16890] =	vst v2  }
0x6d: {  	v2 =	vld [tilespmem:$0x9D40];
	v7 =	vsub.s32 v7, v0;
	v6 =	vmin.u32 v6, $0x1388;
	[tilespmem:$0x16880] =	vst v5  }
0x6e: {  	v5 =	vsub.s32 v8, v0;
	v7 =	vmin.u32 v7, $0x1388;
	[tilespmem:$0x16830] =	vst v6;
	v6 =	vld [tilespmem:$0x9DF0]  }
0x6f: {  	v8 =	vld [tilespmem:$0x9D20];
	v1 =	vsub.s32 v1, v0;
	v5 =	vmin.u32 v5, $0x1388;
	[tilespmem:$0x16820] =	vst v7  }
0x70: {  	v7 =	vld [tilespmem:$0x9D10];
	v1 =	vmin.u32 v1, $0x1388;
	v4 =	vsub.s32 v4, v0;
	[tilespmem:$0x16810] =	vst v5  }
0x71: {  	v5 =	vld [tilespmem:$0x9D00];
	v3 =	vsub.s32 v3, v0;
	[tilespmem:$0x167C0] =	vst v1;
	v1 =	vmin.u32 v4, $0x1388  }
0x72: {  	v4 =	vld [tilespmem:$0x9CF0];
	v2 =	vsub.s32 v2, v0;
	v3 =	vmin.u32 v3, $0x1388;
	[tilespmem:$0x16800] =	vst v1  }
0x73: {  	v1 =	vld [tilespmem:$0x9CE0];
	v2 =	vmin.u32 v2, $0x1388;
	[tilespmem:$0x167B0] =	vst v3;
	v3 =	vsub.s32 v6, v0  }
0x74: {  	v6 =	vld [tilespmem:$0x9CD0];
	v8 =	vsub.s32 v8, v0;
	[tilespmem:$0x167A0] =	vst v2;
	v2 =	vmin.u32 v3, $0x1388  }
0x75: {  	v3 =	vld [tilespmem:$0x9CC0];
	v7 =	vsub.s32 v7, v0;
	v8 =	vmin.u32 v8, $0x1388;
	[tilespmem:$0x168B0] =	vst v2  }
0x76: {  	v2 =	vld [tilespmem:$0x9CB0];
	v5 =	vsub.s32 v5, v0;
	v7 =	vmin.u32 v7, $0x1388;
	[tilespmem:$0x16780] =	vst v8  }
0x77: {  	v8 =	vld [tilespmem:$0x9CA0];
	v4 =	vsub.s32 v4, v0;
	v5 =	vmin.u32 v5, $0x1388;
	[tilespmem:$0x16740] =	vst v7  }
0x78: {  	v7 =	vld [tilespmem:$0x9C90];
	v1 =	vsub.s32 v1, v0;
	v4 =	vmin.u32 v4, $0x1388;
	[tilespmem:$0x16730] =	vst v5  }
0x79: {  	v5 =	vld [tilespmem:$0x9C80];
	v6 =	vsub.s32 v6, v0;
	v1 =	vmin.u32 v1, $0x1388;
	[tilespmem:$0x16720] =	vst v4  }
0x7a: {  	v3 =	vsub.s32 v3, v0;
	v4 =	vmin.u32 v6, $0x1388;
	[tilespmem:$0x16710] =	vst v1;
	v1 =	vld [tilespmem:$0x9DB0]  }
0x7b: {  	v2 =	vsub.s32 v2, v0;
	v3 =	vmin.u32 v3, $0x1388;
	[tilespmem:$0x16700] =	vst v4  }
.Ltmp0:
0x7c: {  	v4 =	vsub.s32 v8, v0;
	v2 =	vmin.u32 v2, $0x1388;
	[tilespmem:$0x166C0] =	vst v3;
	(pc) =	sbr.rel @p1 .LBB2_2-.Ltmp0, $4  }
0x7d: {  	v3 =	vsub.s32 v7, v0;
	v4 =	vmin.u32 v4, $0x1388;
	[tilespmem:$0x166B0] =	vst v2  }
0x7e: {  	v2 =	vsub.s32 v5, v0;
	v3 =	vmin.u32 v3, $0x1388;
	[tilespmem:$0x166A0] =	vst v4  }
0x7f: {  	v2 =	vmin.u32 v2, $0x1388;
	[tilespmem:$0x16690] =	vst v3;
	v1 =	vsub.s32 v1, v0  }
0x80: {  	[tilespmem:$0x16680] =	vst v2;
	v1 =	vmin.u32 v1, $0x1388  }
0x81: {  	[tilespmem:$0x16840] =	vst v1  }
0x82: {  	[spmem:s1] =	stream.indirect.scatter.add.f32 [tilespmem:s11], [sflag:$0x1], $0x80, s13, s12, $0xb8;
	[tilespmem:$0x16900] =	vst v63  }
0x83: {  	_ = 	snop  }
0x84: {  	[spmem:s1] =	stream.indirect.scatter.add.f32 [tilespmem:s15], [sflag:$0x1], $0x80, s14, s12, $0xb8;
	[tilespmem:$0x16900] =	vst v63  }
0x85: {  	_ = 	snop  }
0x86: {  	[spmem:s1] =	stream.indirect.scatter.add.f32 [tilespmem:s17], [sflag:$0x1], $0x80, s16, s12, $0xb8;
	[tilespmem:$0x16900] =	vst v63  }
0x87: {  	_ = 	snop  }
0x88: {  	[spmem:s1] =	stream.indirect.scatter.add.f32 [tilespmem:s19], [sflag:$0x1], $0x80, s18, s12, $0xb8;
	[tilespmem:$0x16900] =	vst v63  }
0x89: {  	_ = 	snop  }
0x8a: {  	[spmem:s1] =	stream.indirect.scatter.add.f32 [tilespmem:s21], [sflag:$0x1], $0x80, s20, s12, $0xb8;
	[tilespmem:$0x16900] =	vst v63  }
0x8b: {  	_ =	swait.ge [sflag:s22], $0x2800  }
0x8c: {  	[sflag:s22] =	ssyncset.done $0x0  }
0x8d: {  	[sflag:s22] =	ssyncadd.s32 $0xFFFFD800  }
0x8e: {  	_ =	swait.ge [sflag:s22], $0x2800  }
0x8f: {  	[sflag:s22] =	ssyncset.done $0x0  }
0x90: {  	[sflag:s22] =	ssyncadd.s32 $0xFFFFD800  }
0x91: {  	_ =	swait.ge [sflag:s22], $0x2800  }
0x92: {  	[sflag:s22] =	ssyncset.done $0x0  }
0x93: {  	[sflag:s22] =	ssyncadd.s32 $0xFFFFD800  }
0x94: {  	_ =	swait.ge [sflag:s22], $0x2800  }
0x95: {  	[sflag:s22] =	ssyncset.done $0x0  }
0x96: {  	[sflag:s22] =	ssyncadd.s32 $0xFFFFD800  }
0x97: {  	_ =	swait.ge [sflag:s22], $0x2800  }
0x98: {  	[sflag:s22] =	ssyncset.done $0x0  }
0x99: {  	s23 =	sadd.s32 $0x1, s23;
	[sflag:s22] =	ssyncadd.s32 $0xFFFFD800  }
0x9a: {  	s24 =	simm.s32 @!p0 $0x1C02;
	p1 =	sne.s32 s23, s5;
	[bflag:$0x0] =	sbarrier.arrive $0xFFFF  }
0x9b: {  	[hbm:s4], [sflag:s24] =	dma.local @!p0 [spmem:s8], $0x13880  }
.Ltmp1:
0x9c: {  	_ = 	snop;
	(pc) =	sbr.rel @p1 .LBB2_1-.Ltmp1, $4  }
0x9d: {  	s24 =	simm.s32 @!p0 $0x2  }
0x9e: {  	_ =	swait.ge @!p0 [sflag:s24], $0x13880  }
0x9f: {  	[sflag:s24] =	ssyncset.done @!p0 $0x0  }
0xa0: {  	[sflag:s24] =	ssyncadd.s32 @!p0 $0xFFFEC780  }
0xa1: {  	_ =	sfence.sel $0x180000  }
0xa2: {  	[bflag:$0x0] =	sbarrier.arrive $0xFFFF  }
0xa3: {  	_ =	strace $0x90000056  }
0xa4: {  	s0 =	sadd.s32 @!p0 $0x100000, s0;
	[bflag:$0x2] =	sbarrier.arrive $0xFFFF  }
0xa5: {  	[sflag:s0] =	ssyncadd.tile.s32 @!p0 $0x1;
	_ =	shalt  }
.Lfunc_end2:
_tile_overlayer_lowered:
.L_overlay_start_2:
0xa6: {  	(tag) =	ssettag $0x2  }
0xa7: {  	s0 =	rddreg [dreg:$0x0];
	s2 =	stileid.u32  }
0xa8: {  	s1 =	rddreg [dreg:$0x1];
	p0 =	sne.s32 s2, $0x0  }
0xa9: {  	s3 =	rddreg [dreg:$0x2];
	[bflag:$0x3] =	sbarrier.arrive $0xFFFF;
	s2 =	simm.s32 @!p0 $0x1C02  }
0xaa: {  	[timem:s3], [sflag:s2] =	dma.local @!p0 [hbm:s0], s1  }
0xab: {  	s0 =	simm.s32 @!p0 $0x2  }
0xac: {  	_ =	swait.ge @!p0 [sflag:s0], s1  }
0xad: {  	s1 =	ssub.s32 @!p0 $0x0, s1;
	[sflag:s0] =	ssyncset.done @!p0 $0x0  }
0xae: {  	[sflag:s0] =	ssyncadd.s32 @!p0 s1  }
0xaf: {  	[bflag:$0x3] =	sbarrier.arrive $0xFFFF  }
0xb0: {  	_ =	shalt  }

// kernel: kernel.35.cloned.1.call-start
scs
__scs_entry_jumppad:
0x0: {  	(pc) =	sbr.rel $0x88, $3  }
0x1: {  	(tag) =	ssettag $0x0;
	lr =	simm.s32 $0x1  }
0x2: {  	[smem:$0x3F78] =	sst lr;
	_ =	strace $0xD0000000  }
0x3: {  	_ = 	snop  }
0x4: {  	_ = 	snop  }
0x5: {  	_ = 	snop  }
0x6: {  	_ = 	snop  }
0x7: {  	_ = 	snop  }
__scs_overlays_trampoline_lowered:
0x8: {  	[smem:$0x3F87] =	sst s0  }
0x9: {  	[smem:$0x3F88] =	sst s1  }
0xa: {  	[smem:$0x3F89] =	sst s2  }
0xb: {  	[smem:$0x3F8A] =	sst s3  }
0xc: {  	[smem:$0x3F8B] =	sst s4  }
0xd: {  	[smem:$0x3F8C] =	sst s5  }
0xe: {  	[smem:$0x3F8D] =	sst s6  }
0xf: {  	[smem:$0x3F8E] =	sst s7  }
0x10: {  	[smem:$0x3F8F] =	sst s8  }
0x11: {  	[smem:$0x3F90] =	sst s9;
	s0 =	simm.s32 @!p0 $0x0  }
0x12: {  	s1 =	sld [smem:$0x3F76];
	s0 =	simm.s32 @p0 $0x1  }
0x13: {  	[smem:$0x3F91] =	sst s0;
	s0 =	simm.s32 @!p1 $0x0  }
0x14: {  	s2 =	sld [smem:$0x3F75];
	s0 =	simm.s32 @p1 $0x1  }
0x15: {  	[smem:$0x3F92] =	sst s0;
	s0 =	simm.s32 @!p2 $0x0  }
0x16: {  	s3 =	sld [smem:$0x3FDB];
	s0 =	simm.s32 @p2 $0x1  }
0x17: {  	s4 =	simm.s32 $0x1BF5;
	[smem:$0x3F94] =	sst s0  }
0x18: {  	s0 =	sld [smem:$0x3F77];
	_ =	swait.ge [sflag:s4], $0x0  }
0x19: {  	s7 =	sld [smem:$0x3F78]  }
0x1a: {  	s8 =	sadd.s32 $0xFFFFE003, lr  }
0x1b: {  	s9 =	sadd.s32 $0xFFFFFEF7, lr;
	s5 =	simm.s32 $0xFFFFFFFF;
	p2 =	slt.u32 s8, $0xFFFFF086  }
0x1c: {  	p1 =	slt.u32 s9, $0xF7A;
	s5 =	simm.s32 @!p2 $0x0  }
0x1d: {  	s5 =	simm.s32 @p1 $0x1;
	p0 =	seq.s32 s7, s2  }
0x1e: {  	s7 =	smul.u32 @!p0 $0xF7A, s2;
	p2 =	seq.s32 @!p0 s5, $0x0  }
0x1f: {  	s9 =	smul.u32 $0xF7A, s1;
	s8 =	simm.s32 @!p0 $0x1BF5;
	p2 =	por !p2, p0  }
0x20: {  	[sflag:s8] =	ssyncset.s32 @!p0 $0xFFFFF086;
	s6 =	sadd.s32 @!p0 s3, s7;
	s7 =	simm.s32 @!p0 $0x108  }
0x21: {  	s3 =	sadd.s32 s3, s9;
	s6 =	sadd.s32 @!p0 $0x88, s6;
	s7 =	simm.s32 @p2 $0x1082  }
0x22: {  	[simem:s7], [sflag:s8] =	dma.local @!p0 [hbm:s6], $0xF7A  }
0x23: {  	s9 =	sor.u32 $0xD0000000, s2;
	s6 =	simm.s32 $0x108;
	_ =	swait.ge @!p0 [sflag:s8], $0x0  }
0x24: {  	s3 =	sadd.s32 $0x88, s3;
	s6 =	simm.s32 @!p1 $0x1082;
	[sflag:s4] =	ssyncset.s32 $0xFFFFF086  }
0x25: {  	[simem:s6], [sflag:s4] =	dma.local [hbm:s3], $0xF7A  }
0x26: {  	[smem:$0x3F78] =	sst s1;
	(tag) =	ssettag s2;
	_ =	strace s9  }
0x27: {  	s1 =	sld [smem:$0x3F88]  }
0x28: {  	s2 =	sld [smem:$0x3F89]  }
0x29: {  	s4 =	sld [smem:$0x3F8B]  }
0x2a: {  	p0 =	seq.s32 s5, $0x0;
	s5 =	sld [smem:$0x3F8C]  }
0x2b: {  	s6 =	sld [smem:$0x3F8D]  }
0x2c: {  	s7 =	sld [smem:$0x3F8E]  }
0x2d: {  	s3 =	simm.s32 $0x108;
	s8 =	sld [smem:$0x3F8F]  }
0x2e: {  	s3 =	simm.s32 @!p0 $0x1082;
	s9 =	sld [smem:$0x3F90]  }
0x2f: {  	lr =	sadd.s32 s0, s3;
	s0 =	sld [smem:$0x3F87]  }
0x30: {  	s3 =	sld [smem:$0x3F8A]  }
0x31: {  	[smem:$0x3F93] =	sst s10  }
0x32: {  	s10 =	sld [smem:$0x3F91];
	_ =	sdelay $0x3  }
0x33: {  	p0 =	seq.s32 s10, $0x1;
	s10 =	sld [smem:$0x3F93];
	_ =	sdelay $0x3  }
0x34: {  	[smem:$0x3F93] =	sst s10  }
0x35: {  	s10 =	sld [smem:$0x3F92];
	_ =	sdelay $0x3  }
0x36: {  	p1 =	seq.s32 s10, $0x1;
	s10 =	sld [smem:$0x3F93];
	_ =	sdelay $0x3  }
0x37: {  	[smem:$0x3F93] =	sst s10  }
0x38: {  	s10 =	sld [smem:$0x3F94]  }
0x39: {  	_ = 	snop;
	(pc) =	sbr.ind lr, $3  }
0x3a: {  	_ = 	snop  }
0x3b: {  	_ = 	snop  }
0x3c: {  	p2 =	seq.s32 s10, $0x1;
	s10 =	sld [smem:$0x3F93]  }
0x3d: {  	_ =	shalt  }
0x3e: {  	_ =	shalt  }
0x3f: {  	_ =	shalt  }
0x40: {  	_ =	shalt  }
0x41: {  	_ =	shalt  }
0x42: {  	_ =	shalt  }
0x43: {  	_ =	shalt  }
0x44: {  	_ =	shalt  }
0x45: {  	_ =	shalt  }
0x46: {  	_ =	shalt  }
0x47: {  	_ =	shalt  }
0x48: {  	_ =	shalt  }
0x49: {  	_ =	shalt  }
0x4a: {  	_ =	shalt  }
0x4b: {  	_ =	shalt  }
0x4c: {  	_ =	shalt  }
0x4d: {  	_ =	shalt  }
0x4e: {  	_ =	shalt  }
0x4f: {  	_ =	shalt  }
0x50: {  	_ =	shalt  }
0x51: {  	_ =	shalt  }
0x52: {  	_ =	shalt  }
0x53: {  	_ =	shalt  }
0x54: {  	_ =	shalt  }
0x55: {  	_ =	shalt  }
0x56: {  	_ =	shalt  }
0x57: {  	_ =	shalt  }
0x58: {  	_ =	shalt  }
0x59: {  	_ =	shalt  }
0x5a: {  	_ =	shalt  }
0x5b: {  	_ =	shalt  }
0x5c: {  	_ =	shalt  }
0x5d: {  	_ =	shalt  }
0x5e: {  	_ =	shalt  }
0x5f: {  	_ =	shalt  }
0x60: {  	_ =	shalt  }
0x61: {  	_ =	shalt  }
0x62: {  	_ =	shalt  }
0x63: {  	_ =	shalt  }
0x64: {  	_ =	shalt  }
0x65: {  	_ =	shalt  }
0x66: {  	_ =	shalt  }
0x67: {  	_ =	shalt  }
0x68: {  	_ =	shalt  }
0x69: {  	_ =	shalt  }
0x6a: {  	_ =	shalt  }
0x6b: {  	_ =	shalt  }
0x6c: {  	_ =	shalt  }
0x6d: {  	_ =	shalt  }
0x6e: {  	_ =	shalt  }
0x6f: {  	_ =	shalt  }
0x70: {  	_ =	shalt  }
0x71: {  	_ =	shalt  }
0x72: {  	_ =	shalt  }
0x73: {  	_ =	shalt  }
0x74: {  	_ =	shalt  }
0x75: {  	_ =	shalt  }
0x76: {  	_ =	shalt  }
0x77: {  	_ =	shalt  }
0x78: {  	_ =	shalt  }
0x79: {  	_ =	shalt  }
0x7a: {  	_ =	shalt  }
0x7b: {  	_ =	shalt  }
0x7c: {  	_ =	shalt  }
0x7d: {  	_ =	shalt  }
0x7e: {  	_ =	shalt  }
0x7f: {  	_ =	shalt  }
0x80: {  	_ =	shalt  }
0x81: {  	_ =	shalt  }
0x82: {  	_ =	shalt  }
0x83: {  	_ =	shalt  }
0x84: {  	_ =	shalt  }
0x85: {  	_ =	shalt  }
0x86: {  	_ =	shalt  }
0x87: {  	_ =	shalt  }
.Lfunc_end0:
.L_simem_size_0:
called_computation.6_lowered:
.L_overlay_start_0:
0x88: {  	s2 =	sld [smem:$0x3FD9]  }
0x89: {  	s3 =	sld [smem:$0x3FFE];
	_ =	sdelay $0x1  }
0x8a: {  	s1 =	srdreg.scid  }
0x8b: {  	s0 =	sand.u32 $0x1, s1  }
0x8c: {  	s17 =	sshll.u32 s0, $0xA;
	s2 =	sadd.s32 s3, s2  }
0x8d: {  	s2 =	sadd.s32 s2, s17  }
0x8e: {  	[smem:$0x3F9F] =	sst s2  }
0x8f: {  	_ = 	snop  }
0x90: {  	s2 =	sld [smem:$0x3FD0];
	(tm) =	ssettm $0x1  }
0x91: {  	s18 =	sld [smem:$0x3FFB];
	_ =	sdelay $0x3  }
0x92: {  	_ =	strace s18  }
0x93: {  	s3 =	sld [smem:$0x3FFC];
	_ =	sdelay $0x3  }
0x94: {  	_ =	strace s3  }
0x95: {  	s3 =	sld [smem:$0x3FFD];
	_ =	sdelay $0x3  }
0x96: {  	_ =	strace s3  }
0x97: {  	_ =	strace $0x8FFFFFFF  }
0x98: {  	s19 =	sld [smem:$0x3FDB];
	_ =	sdelay $0x1  }
0x99: {  	s4 =	simm.s32 $_scs_section_size  }
0x9a: {  	s5 =	simm.s32 $_size__tile_overlayer_lowered;
	s6 =	simm.s32 $_tile_overlayer_lowered  }
0x9b: {  	s22 =	simm.s32 $0x1BFF;
	s21 =	sshll.u32 s6, $0x1;
	s3 =	sadd.s32 s4, s19  }
0x9c: {  	s7 =	simm.s32 $0x0;
	s20 =	sshll.u32 s5, $0x1;
	s5 =	sadd.s32 s21, s3  }
0x9d: {  	[timem:s7], [sflag:s22] =	dma.local [hbm:s5], s20  }
0x9e: {  	_ =	swait.ge [sflag:s22], s20  }
0x9f: {  	s4 =	ssub.s32 $0x0, s20;
	[sflag:s22] =	ssyncset.done $0x0  }
0xa0: {  	[sflag:s22] =	ssyncadd.s32 s4;
	_ =	sdelay $0x1  }
0xa1: {  	s23 =	simm.s32 $0x1B8B  }
0xa2: {  	_ =	swait.ge [sflag:s23], $0x1  }
0xa3: {  	[sflag:s23] =	ssyncset.done $0x0  }
0xa4: {  	s25 =	simm.s32 $0x1B8E;
	s24 =	sld [smem:$0x3FFE];
	[sflag:s23] =	ssyncadd.s32 $0xFFFFFFFF  }
0xa5: {  	s26 =	simm.s32 $execute0_lowered;
	[smem:$0x3FD2] =	sst s25  }
0xa6: {  	s5 =	sshll.u32 s26, $0x1;
	_ =	strace $0x80000058;
	[dreg:$0x1] =	wrdreg $0xFFFFFFFF  }
0xa7: {  	s28 =	simm.s32 $_size_execute0_lowered;
	s3 =	sadd.s32 s3, s5;
	[dreg:$0x0] =	wrdreg $0x0  }
0xa8: {  	s5 =	sshll.u32 s28, $0x1;
	[dreg:$0x2] =	wrdreg s3  }
0xa9: {  	[dreg:$0x3] =	wrdreg s5  }
0xaa: {  	[dreg:$0x4] =	wrdreg $0xC0  }
0xab: {  	_ =	task [dreg:s7], $0x5FFFF  }
0xac: {  	[dreg:$0x1] =	wrdreg $0xFFFFFFFF  }
0xad: {  	[dreg:$0x0] =	wrdreg $0x60  }
0xae: {  	[dreg:$0x2] =	wrdreg s24  }
0xaf: {  	[dreg:$0x3] =	wrdreg s2  }
0xb0: {  	[dreg:$0x4] =	wrdreg $0x9  }
0xb1: {  	_ =	task.clear_ibuf [dreg:s7], $0x5FFFF;
	_ =	strace $0x90000058  }
0xb2: {  	s29 =	simm.s32 $0x9;
	_ =	strace $0x8000005A  }
0xb3: {  	_ =	swait.ge [sflag:s29], $0x1  }
0xb4: {  	[sflag:s29] =	ssyncadd.s32 $0xFFFFFFFF  }
0xb5: {  	_ =	strace $0x9000005A  }
0xb6: {  	_ =	sfence  }
0xb7: {  	s30 =	sld [smem:$0x0];
	_ =	sdelay $0x2  }
0xb8: {  	s31 =	sshll.u32 s1, $0xD;
	s1 =	sshrl.u32 s1, $0x2  }
0xb9: {  	s3 =	sand.u32 $0x4000, s31;
	s1 =	sadd.s32 s1, s30  }
0xba: {  	s0 =	sor.u32 s3, s0;
	s1 =	sshll.u32 s1, $0x11  }
0xbb: {  	s0 =	sor.u32 s1, s0  }
0xbc: {  	s0 =	sadd.s32 $0x8F2B, s0  }
0xbd: {  	[sflag:s0] =	ssyncadd.remote.s32 $0x1  }
0xbe: {  	_ =	sfence.sel $0xFFFF  }
0xbf: {  	[dreg:$0x0] =	wrdreg $0xFFFFFFFF;
	(pc) =	sbr.abs _section_cstart, $3  }
0xc0: {  	[dreg:$0x1] =	wrdreg $0xFFFFFFFF  }
0xc1: {  	_ =	task.clear_ibuf [dreg:s7], $0x2FFFF;
	_ =	strace $0x9FFFFFFF  }
0xc2: {  	(tm) =	ssettm $0x7FFFFFFF  }
0xc3: {  	_ =	shalt  }
tec
execute0_lowered:
.L_overlay_start_1:
0x0: {  	(tag) =	ssettag $0x1  }
0x1: {  	s0 =	rddreg [dreg:$0x0];
	s1 =	simm.s32 $0x0  }
0x2: {  	s25 =	srdreg.scid;
	s3 =	stileid.u32;
	s9 =	simm.s32 $0x3  }
0x3: {  	s10 =	simm.s32 $0x200;
	s11 =	simm.s32 $0x50;
	s12 =	simm.s32 $0x400  }
0x4: {  	s13 =	simm.s32 $0x2C00;
	s14 =	simm.s32 $0xA0;
	s15 =	simm.s32 $0x5400  }
0x5: {  	s16 =	simm.s32 $0xF0;
	s17 =	simm.s32 $0x7C00;
	s18 =	simm.s32 $0x140  }
0x6: {  	s19 =	simm.s32 $0xA400;
	s20 =	simm.s32 $0xCC00;
	s21 =	simm.s32 $0x250  }
0x7: {  	s22 =	simm.s32 $0xF400;
	s23 =	simm.s32 $0x2A0;
	s24 =	simm.s32 $0x11C00  }
0x8: {  	s28 =	simm.s32 $0x340;
	s29 =	simm.s32 $0x16C00;
	s30 =	simm.s32 $0x1  }
0x9: {  	s31 =	simm.s32 $0x2;
	[smem:$0x7FF] =	sst s1;
	s1 =	sand.u32 $0x1, s25  }
0xa: {  	s4 =	sadd.s32 $0x10E00, s0;
	s6 =	sshll.u32 s3, $0x1;
	s2 =	ssub.s32 $0x2, s1  }
0xb: {  	s5 =	sadd.s32 $0x7000, s0;
	s25 =	simm.s32 $0x2F0;
	s7 =	sshrl.u32 s2, $0x1  }
0xc: {  	_ =	strace $0x80000059;
	s1 =	sor.u32 s1, s6;
	s26 =	ssub.s32 s2, s7  }
0xd: {  	s6 =	sadd.s32 $0x38000, s0;
	s7 =	smul.u32 $0x2710, s1;
	s0 =	smax.u32 s26, $0x1  }
0xe: {  	s1 =	simm.s32 $0x0;
	s26 =	simm.s32 $0x14400;
	[dreg:$0x3] =	wrdreg s0  }
.LBB2_1:
0xf: {  	[dreg:$0x4] =	wrdreg s1;
	s2 =	simm.s32 $0x0  }
.LBB2_2:
0x10: {  	s0 =	smul.u32 $0x190, s2;
	_ =	sdelay $0x1  }
0x11: {  	s8 =	sadd.s32 s7, s0  }
0x12: {  	s0 =	sshrl.u32 s8, $0x3  }
0x13: {  	s3 =	simm.s32 $0x0;
	s1 =	sadd.s32 s5, s0  }
0x14: {  	[tilespmem:s3], [sflag:$0x3] =	stream.linear.gather [hbm4b:s1+s3], $0x190, $0x38;
	[tilespmem:$0x19400] =	vst v63  }
0x15: {  	_ =	swait.ge [sflag:s9], $0x190  }
0x16: {  	[sflag:s9] =	ssyncset.done $0x0  }
0x17: {  	[sflag:s9] =	ssyncadd.s32 $0xFFFFFE70  }
0x18: {  	s1 =	rddreg [dreg:$0x1]  }
0x19: {  	s0 =	sadd.s32 s1, s0  }
0x1a: {  	[tilespmem:s10], [sflag:$0x3] =	stream.linear.gather [hbm4b:s0+s3], $0x190, $0x38;
	[tilespmem:$0x19400] =	vst v63  }
0x1b: {  	_ =	swait.ge [sflag:s9], $0x190  }
0x1c: {  	[sflag:s9] =	ssyncset.done $0x0  }
0x1d: {  	[sflag:s9] =	ssyncadd.s32 $0xFFFFFE70  }
0x1e: {  	[tilespmem:s12], [sflag:$0x1] =	stream.indirect.gather [hbm4b:s4+s11], $0x80, s3, s11, $0xb8;
	[tilespmem:$0x19400] =	vst v63  }
0x1f: {  	_ = 	snop  }
0x20: {  	[tilespmem:s13], [sflag:$0x1] =	stream.indirect.gather [hbm4b:s4+s11], $0x80, s11, s11, $0xb8;
	[tilespmem:$0x19400] =	vst v63  }
0x21: {  	_ = 	snop  }
0x22: {  	[tilespmem:s15], [sflag:$0x1] =	stream.indirect.gather [hbm4b:s4+s11], $0x80, s14, s11, $0xb8;
	[tilespmem:$0x19400] =	vst v63  }
0x23: {  	_ = 	snop  }
0x24: {  	[tilespmem:s17], [sflag:$0x1] =	stream.indirect.gather [hbm4b:s4+s11], $0x80, s16, s11, $0xb8;
	[tilespmem:$0x19400] =	vst v63  }
0x25: {  	_ = 	snop  }
0x26: {  	[tilespmem:s19], [sflag:$0x1] =	stream.indirect.gather [hbm4b:s4+s11], $0x80, s18, s11, $0xb8;
	[tilespmem:$0x19400] =	vst v63  }
0x27: {  	_ = 	snop  }
0x28: {  	[tilespmem:s20], [sflag:$0x2] =	stream.indirect.gather [hbm4b:s4+s11], $0x80, s10, s11, $0xb8;
	[tilespmem:$0x19400] =	vst v63  }
0x29: {  	_ = 	snop  }
0x2a: {  	[tilespmem:s22], [sflag:$0x2] =	stream.indirect.gather [hbm4b:s4+s11], $0x80, s21, s11, $0xb8;
	[tilespmem:$0x19400] =	vst v63  }
0x2b: {  	_ = 	snop  }
0x2c: {  	[tilespmem:s24], [sflag:$0x2] =	stream.indirect.gather [hbm4b:s4+s11], $0x80, s23, s11, $0xb8;
	[tilespmem:$0x19400] =	vst v63  }
0x2d: {  	_ = 	snop  }
0x2e: {  	[tilespmem:s26], [sflag:$0x2] =	stream.indirect.gather [hbm4b:s4+s11], $0x80, s25, s11, $0xb8;
	[tilespmem:$0x19400] =	vst v63  }
0x2f: {  	_ = 	snop  }
0x30: {  	[tilespmem:s29], [sflag:$0x2] =	stream.indirect.gather [hbm4b:s4+s11], $0x80, s28, s11, $0xb8;
	[tilespmem:$0x19400] =	vst v63  }
0x31: {  	_ =	swait.ge [sflag:s30], $0x2800  }
0x32: {  	[sflag:s30] =	ssyncset.done $0x0  }
0x33: {  	[sflag:s30] =	ssyncadd.s32 $0xFFFFD800  }
0x34: {  	_ =	swait.ge [sflag:s30], $0x2800  }
0x35: {  	[sflag:s30] =	ssyncset.done $0x0  }
0x36: {  	[sflag:s30] =	ssyncadd.s32 $0xFFFFD800  }
0x37: {  	_ =	swait.ge [sflag:s30], $0x2800  }
0x38: {  	[sflag:s30] =	ssyncset.done $0x0  }
0x39: {  	[sflag:s30] =	ssyncadd.s32 $0xFFFFD800  }
0x3a: {  	_ =	swait.ge [sflag:s30], $0x2800  }
0x3b: {  	[sflag:s30] =	ssyncset.done $0x0  }
0x3c: {  	[sflag:s30] =	ssyncadd.s32 $0xFFFFD800  }
0x3d: {  	_ =	swait.ge [sflag:s30], $0x2800  }
0x3e: {  	[sflag:s30] =	ssyncset.done $0x0  }
0x3f: {  	[sflag:s30] =	ssyncadd.s32 $0xFFFFD800  }
0x40: {  	_ =	swait.ge [sflag:s31], $0x2800  }
0x41: {  	[sflag:s31] =	ssyncset.done $0x0  }
0x42: {  	[sflag:s31] =	ssyncadd.s32 $0xFFFFD800  }
0x43: {  	_ =	swait.ge [sflag:s31], $0x2800  }
0x44: {  	[sflag:s31] =	ssyncset.done $0x0  }
0x45: {  	[sflag:s31] =	ssyncadd.s32 $0xFFFFD800  }
0x46: {  	_ =	swait.ge [sflag:s31], $0x2800  }
0x47: {  	[sflag:s31] =	ssyncset.done $0x0  }
0x48: {  	[sflag:s31] =	ssyncadd.s32 $0xFFFFD800  }
0x49: {  	_ =	swait.ge [sflag:s31], $0x2800  }
0x4a: {  	[sflag:s31] =	ssyncset.done $0x0  }
0x4b: {  	[sflag:s31] =	ssyncadd.s32 $0xFFFFD800  }
0x4c: {  	_ =	swait.ge [sflag:s31], $0x2800  }
0x4d: {  	[sflag:s31] =	ssyncset.done $0x0  }
0x4e: {  	s0 =	simm.s32 $0x0;
	[sflag:s31] =	ssyncadd.s32 $0xFFFFD800  }
0x4f: {  	v0 =	vld [tilespmem:s0+$0xCC70]  }
0x50: {  	v1 =	vld [tilespmem:s0+$0xCC40]  }
0x51: {  	v2 =	vld [tilespmem:s0+$0xCC50]  }
0x52: {  	s1 =	simm.s32 $0x200;
	v3 =	vld [tilespmem:s0+$0xCC60]  }
.LBB2_3:
0x53: {  	p0 =	sne.s32 s1, $0x31E00  }
.Ltmp0:
0x54: {  	s3 =	sshra.s32 s1, $0x2;
	s1 =	sadd.s32 $0x200, s1;
	[tilespmem:s0+$0x470] =	vst v0;
	(pc) =	sbr.rel @p0 .LBB2_3-.Ltmp0, $4  }
0x55: {  	v0 =	vld [tilespmem:s3+$0xCC70];
	[tilespmem:s0+$0x440] =	vst v1  }
0x56: {  	v1 =	vld [tilespmem:s3+$0xCC40];
	[tilespmem:s0+$0x450] =	vst v2  }
0x57: {  	v2 =	vld [tilespmem:s3+$0xCC50];
	[tilespmem:s0+$0x460] =	vst v3;
	s0 =	smov.u32 s3  }
0x58: {  	v3 =	vld [tilespmem:s0+$0xCC60]  }
0x59: {  	_ = 	snop  }
0x5a: {  	[tilespmem:s0+$0x470] =	vst v0  }
0x5b: {  	s2 =	sadd.s32 $0x1, s2;
	[tilespmem:s0+$0x440] =	vst v1  }
0x5c: {  	s1 =	sshll.u32 s8, $0x4;
	p0 =	sne.s32 s2, $0x19;
	[tilespmem:s0+$0x450] =	vst v2  }
.Ltmp1:
0x5d: {  	s8 =	simm.s32 $0x0;
	s3 =	sadd.s32 s6, s1;
	[tilespmem:s0+$0x460] =	vst v3;
	(pc) =	sbr.rel @p0 .LBB2_2-.Ltmp1, $4  }
0x5e: {  	[hbm4b:s3+s8] =	stream.linear.scatter [tilespmem:s12], [sflag:$0x3], $0xC800, $0x38;
	[tilespmem:$0x19400] =	vst v63  }
0x5f: {  	_ =	swait.ge [sflag:s9], $0xC800  }
0x60: {  	[sflag:s9] =	ssyncset.done $0x0  }
0x61: {  	[sflag:s9] =	ssyncadd.s32 $0xFFFF3800  }
0x62: {  	s1 =	rddreg [dreg:$0x4]  }
0x63: {  	s0 =	rddreg [dreg:$0x3];
	s1 =	sadd.s32 $0x1, s1  }
0x64: {  	p0 =	sne.s32 s1, s0  }
.Ltmp2:
0x65: {  	_ = 	snop;
	(pc) =	sbr.rel @p0 .LBB2_1-.Ltmp2, $1  }
0x66: {  	_ =	sdelay $0x3  }
0x67: {  	_ =	sfence.sel $0x180000  }
0x68: {  	[bflag:$0x0] =	sbarrier.arrive $0xFFFF  }
0x69: {  	_ =	strace $0x90000059  }
0x6a: {  	s0 =	stileid.u32;
	[bflag:$0x2] =	sbarrier.arrive $0xFFFF  }
0x6b: {  	p0 =	sne.s32 s0, $0x0;
	s0 =	rddreg [dreg:$0x2]  }
0x6c: {  	s0 =	sadd.s32 @!p0 $0x100000, s0  }
0x6d: {  	[sflag:s0] =	ssyncadd.tile.s32 @!p0 $0x1;
	_ =	shalt  }
.Lfunc_end2:
_tile_overlayer_lowered:
.L_overlay_start_2:
0x6e: {  	(tag) =	ssettag $0x2  }
0x6f: {  	s0 =	rddreg [dreg:$0x0];
	s2 =	stileid.u32  }
0x70: {  	s1 =	rddreg [dreg:$0x1];
	p0 =	sne.s32 s2, $0x0  }
0x71: {  	s3 =	rddreg [dreg:$0x2];
	[bflag:$0x3] =	sbarrier.arrive $0xFFFF;
	s2 =	simm.s32 @!p0 $0x1C03  }
0x72: {  	[timem:s3], [sflag:s2] =	dma.local @!p0 [hbm:s0], s1  }
0x73: {  	s0 =	simm.s32 @!p0 $0x3  }
0x74: {  	_ =	swait.ge @!p0 [sflag:s0], s1  }
0x75: {  	s1 =	ssub.s32 @!p0 $0x0, s1;
	[sflag:s0] =	ssyncset.done @!p0 $0x0  }
0x76: {  	[sflag:s0] =	ssyncadd.s32 @!p0 s1  }
0x77: {  	[bflag:$0x3] =	sbarrier.arrive $0xFFFF  }
0x78: {  	_ =	shalt  }

</sc_bundles>
